<compile_context>
chip_gen: v7x
topology: tpu7x:2x2x1
jax: 0.10.2.dev20260603
libtpu: 0.0.44.dev20260713+nightly
codegen_flags: <defaults>
</compile_context>

<pallas_src>
import functools

import jax
import jax.numpy as jnp
from jax import lax
from jax.experimental import pallas as pl
from jax.experimental.pallas import tpu as pltpu
from jax.experimental.pallas import tpu_sc as plsc

N = 50000
E = 800000
G = 512
H = 64

NC = 2
NS = 16
NW = NC * NS
CH = 128
CPW = 200
EPAD = NW * CPW * CH
NCHUNK = EPAD // CH
NPAD = 50048
RPT = NPAD // NS
GPAD = 520
NB = 3128
NBLK = NPAD // NB
NDEPTH = 4
GRP = 40
PRE = 2

_f32 = jnp.float32


def _mesh():
    return plsc.VectorSubcoreMesh(core_axis_name="c", subcore_axis_name="s")


def _edge_phase(val_hbm, srcp, dstp, sidx, didx, rbufs, sems, acc,
                base0, ngroups):

    gsems, ssems = sems
    ndepth = len(rbufs)
    pre = ndepth // 2

    @pl.loop(0, ngroups)
    def _groups(g):
        base = base0 + g * GRP
        pltpu.sync_copy(srcp.at[pl.ds(base, GRP)], sidx)
        pltpu.sync_copy(dstp.at[pl.ds(base, GRP)], didx)
        for b in range(pre):
            pltpu.async_copy(val_hbm.at[sidx.at[b]], rbufs[b], gsems[b])

        @pl.loop(0, GRP, step=ndepth)
        def _chunks(k):
            for b in range(ndepth):
                j = k + b
                pltpu.make_async_copy(
                    val_hbm.at[pl.ds(0, CH)], rbufs[b], gsems[b]
                ).wait()
                pltpu.async_copy(rbufs[b], acc.at[didx.at[j]], ssems[b],
                                 add=True)
                b2 = (b + pre) % ndepth

                @pl.when(j >= pre)
                def _():
                    pltpu.make_async_copy(
                        rbufs[b2], acc.at[pl.ds(0, CH)], ssems[b2]
                    ).wait()

                @pl.when(j + pre < GRP)
                def _():
                    pltpu.async_copy(val_hbm.at[sidx.at[j + pre]],
                                     rbufs[b2], gsems[b2])

        for j in range(GRP - pre, GRP):
            b = j % ndepth
            pltpu.make_async_copy(
                rbufs[b], acc.at[pl.ds(0, CH)], ssems[b]
            ).wait()


def _agg16_body(xe, srcp, dstp, z16, p0, p1,
                acc, sidx, didx, rb0, rb1, rb2, rb3, rb4, rb5, rb6, rb7,
                gs0, gs1, gs2, gs3, gs4, gs5, gs6, gs7,
                ss0, ss1, ss2, ss3, ss4, ss5, ss6, ss7):
    c = lax.axis_index("c")
    s = lax.axis_index("s")
    w = s * NC + c
    r0 = s * RPT
    pltpu.sync_copy(z16.at[pl.ds(r0, RPT)], acc.at[pl.ds(r0, RPT)])
    plsc.subcore_barrier()

    _edge_phase(xe, srcp, dstp, sidx, didx,
                (rb0, rb1, rb2, rb3, rb4, rb5, rb6, rb7),
                ((gs0, gs1, gs2, gs3, gs4, gs5, gs6, gs7),
                 (ss0, ss1, ss2, ss3, ss4, ss5, ss6, ss7)),
                acc, w * CPW, CPW // GRP)
    plsc.subcore_barrier()

    @pl.when(c == 0)
    def _():
        pltpu.sync_copy(acc.at[pl.ds(r0, RPT)], p0.at[pl.ds(r0, RPT)])

    @pl.when(c == 1)
    def _():
        pltpu.sync_copy(acc.at[pl.ds(r0, RPT)], p1.at[pl.ds(r0, RPT)])


def _agg32_body(ha, hb, srcp, dstp, z32, sa, sb,
                acc, sidx, didx, rb0, rb1, rb2, rb3,
                gs0, gs1, gs2, gs3, ss0, ss1, ss2, ss3):
    c = lax.axis_index("c")
    s = lax.axis_index("s")
    r0 = s * RPT
    pltpu.sync_copy(z32.at[pl.ds(r0, RPT)], acc.at[pl.ds(r0, RPT)])
    plsc.subcore_barrier()

    rbufs = (rb0, rb1, rb2, rb3)
    sems = ((gs0, gs1, gs2, gs3), (ss0, ss1, ss2, ss3))
    base0 = s * (2 * CPW)
    ngroups = 2 * CPW // GRP

    @pl.when(c == 0)
    def _():
        _edge_phase(ha, srcp, dstp, sidx, didx, rbufs, sems, acc,
                    base0, ngroups)

    @pl.when(c == 1)
    def _():
        _edge_phase(hb, srcp, dstp, sidx, didx, rbufs, sems, acc,
                    base0, ngroups)

    plsc.subcore_barrier()

    @pl.when(c == 0)
    def _():
        pltpu.sync_copy(acc.at[pl.ds(r0, RPT)], sa.at[pl.ds(r0, RPT)])

    @pl.when(c == 1)
    def _():
        pltpu.sync_copy(acc.at[pl.ds(r0, RPT)], sb.at[pl.ds(r0, RPT)])


def _pool_body(h3, batchp, ones16, zg64, zg16, ps0, pc0, ps1, pc1,
               acc, cacc, bidx, vb, onesv):
    c = lax.axis_index("c")
    s = lax.axis_index("s")
    w = s * NC + c

    @pl.when(s == 0)
    def _():
        pltpu.sync_copy(zg64, acc)
        pltpu.sync_copy(zg16, cacc)

    pltpu.sync_copy(ones16, onesv)
    plsc.subcore_barrier()

    nrows = NPAD // CH
    nj = (nrows - w + NW - 1) // NW

    @pl.loop(0, nj)
    def _rows(k):
        j = w + k * NW
        pltpu.sync_copy(batchp.at[j], bidx)
        pltpu.sync_copy(h3.at[pl.ds(j * CH, CH)], vb)
        pltpu.sync_copy(vb, acc.at[bidx.at[0]], add=True)
        pltpu.sync_copy(onesv, cacc.at[bidx.at[0]], add=True)

    plsc.subcore_barrier()

    @pl.when(jnp.logical_and(s == 0, c == 0))
    def _():
        pltpu.sync_copy(acc, ps0)
        pltpu.sync_copy(cacc, pc0)

    @pl.when(jnp.logical_and(s == 0, c == 1))
    def _():
        pltpu.sync_copy(acc, ps1)
        pltpu.sync_copy(cacc, pc1)


def _make_agg16():
    return pl.kernel(
        _agg16_body,
        out_type=(
            jax.ShapeDtypeStruct((NPAD, 16), _f32),
            jax.ShapeDtypeStruct((NPAD, 16), _f32),
        ),
        mesh=_mesh(),
        compiler_params=pltpu.CompilerParams(use_tc_tiling_on_sc=False),
        scratch_types=(
            pltpu.VMEM_SHARED((NPAD, 16), _f32),
            pltpu.VMEM((GRP, CH), jnp.int32),
            pltpu.VMEM((GRP, CH), jnp.int32),
        ) + tuple(pltpu.VMEM((CH, 16), _f32) for _ in range(8))
        + tuple(pltpu.SemaphoreType.DMA for _ in range(16)),
    )


def _make_agg32():
    return pl.kernel(
        _agg32_body,
        out_type=(
            jax.ShapeDtypeStruct((NPAD, 32), _f32),
            jax.ShapeDtypeStruct((NPAD, 32), _f32),
        ),
        mesh=_mesh(),
        compiler_params=pltpu.CompilerParams(use_tc_tiling_on_sc=False),
        scratch_types=(
            pltpu.VMEM_SHARED((NPAD, 32), _f32),
            pltpu.VMEM((GRP, CH), jnp.int32),
            pltpu.VMEM((GRP, CH), jnp.int32),
            pltpu.VMEM((CH, 32), _f32),
            pltpu.VMEM((CH, 32), _f32),
            pltpu.VMEM((CH, 32), _f32),
            pltpu.VMEM((CH, 32), _f32),
            pltpu.SemaphoreType.DMA,
            pltpu.SemaphoreType.DMA,
            pltpu.SemaphoreType.DMA,
            pltpu.SemaphoreType.DMA,
            pltpu.SemaphoreType.DMA,
            pltpu.SemaphoreType.DMA,
            pltpu.SemaphoreType.DMA,
            pltpu.SemaphoreType.DMA,
        ),
    )


def _make_pool():
    return pl.kernel(
        _pool_body,
        out_type=(
            jax.ShapeDtypeStruct((GPAD, 64), _f32),
            jax.ShapeDtypeStruct((GPAD, 16), _f32),
            jax.ShapeDtypeStruct((GPAD, 64), _f32),
            jax.ShapeDtypeStruct((GPAD, 16), _f32),
        ),
        mesh=_mesh(),
        compiler_params=pltpu.CompilerParams(use_tc_tiling_on_sc=False),
        scratch_types=(
            pltpu.VMEM_SHARED((GPAD, 64), _f32),
            pltpu.VMEM_SHARED((GPAD, 16), _f32),
            pltpu.VMEM((1, CH), jnp.int32),
            pltpu.VMEM((CH, 64), _f32),
            pltpu.VMEM((CH, 16), _f32),
        ),
    )




def _dense1_body(p0, p1, x, wl, wr, b, ha, hb):
    a = p0[...] + p1[...]
    rec = 1.0 / jnp.maximum(a[:, 4:5], 1.0)
    mean4 = a[:, 0:4] * rec
    h = (jnp.dot(mean4, wl[...], preferred_element_type=_f32)
         + jnp.dot(x[...], wr[...], preferred_element_type=_f32) + b[...])
    h = jnp.maximum(h, 0.0)
    ha[...] = h[:, 0:32]
    hb[...] = h[:, 32:64]


def _dense23_body(sa, sb, p0, p1, ha, hb, wla, wlb, wra, wrb, b,
                  *outs, relu, split):
    cnt = p0[:, 4:5] + p1[:, 4:5]
    rec = 1.0 / jnp.maximum(cnt, 1.0)
    h = (jnp.dot(sa[...] * rec, wla[...], preferred_element_type=_f32)
         + jnp.dot(sb[...] * rec, wlb[...], preferred_element_type=_f32)
         + jnp.dot(ha[...], wra[...], preferred_element_type=_f32)
         + jnp.dot(hb[...], wrb[...], preferred_element_type=_f32)
         + b[...])
    if relu:
        h = jnp.maximum(h, 0.0)
    if split:
        outs[0][...] = h[:, 0:32]
        outs[1][...] = h[:, 32:64]
    else:
        outs[0][...] = h


def _head_body(ps0, ps1, pc0, pc1, goal, impw, impb, l1wa, l1wg, l1b,
               bn1g, bn1b, l2w, l2b, bn2g, bn2b, l3w, l3b, bn3g, bn3b,
               loutw, loutb, im_out, label_out):
    ps = ps0[...] + ps1[...]
    pc = pc0[:, 0:1] + pc1[:, 0:1]
    pooled = ps[0:G] / jnp.maximum(pc[0:G], 1.0)
    imp = jnp.dot(pooled, impw[...], preferred_element_type=_f32) + impb[...]
    nrm = jnp.sqrt(jnp.sum(imp * imp, axis=1, keepdims=True))
    im = imp / jnp.maximum(nrm, 1e-12)
    im_out[...] = im

    def bn(t, g, b):
        m = jnp.mean(t, axis=0, keepdims=True)
        d = t - m
        v = jnp.mean(d * d, axis=0, keepdims=True)
        return g * d / jnp.sqrt(v + 1e-5) + b

    t = (jnp.dot(jnp.abs(im), l1wa[...], preferred_element_type=_f32)
         + jnp.dot(goal[...], l1wg[...], preferred_element_type=_f32)
         + l1b[...])
    t = jnp.maximum(bn(t, bn1g[...], bn1b[...]), 0.0)
    t = jnp.dot(t, l2w[...], preferred_element_type=_f32) + l2b[...]
    t = jnp.maximum(bn(t, bn2g[...], bn2b[...]), 0.0)
    t = jnp.dot(t, l3w[...], preferred_element_type=_f32) + l3b[...]
    t = jnp.maximum(bn(t, bn3g[...], bn3b[...]), 0.0)
    label_out[...] = (jnp.dot(t, loutw[...], preferred_element_type=_f32)
                      + loutb[...])


def _row_spec(cols):
    return pl.BlockSpec((NB, cols), lambda i: (i, 0))


def _full_spec(shape):
    nd = len(shape)
    return pl.BlockSpec(shape, lambda i: (0,) * nd)


def _dense1(p0, p1, x, wl, wr, b):
    return pl.pallas_call(
        _dense1_body,
        grid=(NBLK,),
        in_specs=[
            _row_spec(16), _row_spec(16), _row_spec(4),
            _full_spec((4, 64)), _full_spec((4, 64)), _full_spec((1, 64)),
        ],
        out_specs=[_row_spec(32), _row_spec(32)],
        out_shape=[
            jax.ShapeDtypeStruct((N, 32), _f32),
            jax.ShapeDtypeStruct((N, 32), _f32),
        ],
    )(p0, p1, x, wl, wr, b)


def _dense23(sa, sb, p0, p1, ha, hb, wla, wlb, wra, wrb, b, relu, split):
    if split:
        out_specs = [_row_spec(32), _row_spec(32)]
        out_shape = [jax.ShapeDtypeStruct((N, 32), _f32),
                     jax.ShapeDtypeStruct((N, 32), _f32)]
    else:
        out_specs = [_row_spec(64)]
        out_shape = [jax.ShapeDtypeStruct((NPAD, 64), _f32)]
    return pl.pallas_call(
        functools.partial(_dense23_body, relu=relu, split=split),
        grid=(NBLK,),
        in_specs=[
            _row_spec(32), _row_spec(32), _row_spec(16), _row_spec(16),
            _row_spec(32), _row_spec(32),
            _full_spec((32, 64)), _full_spec((32, 64)),
            _full_spec((32, 64)), _full_spec((32, 64)), _full_spec((1, 64)),
        ],
        out_specs=out_specs,
        out_shape=out_shape,
    )(sa, sb, p0, p1, ha, hb, wla, wlb, wra, wrb, b)


def _head(ps0, ps1, pc0, pc1, goal, impw, impb, l1wa, l1wg, l1b,
          bn1g, bn1b, l2w, l2b, bn2g, bn2b, l3w, l3b, bn3g, bn3b,
          loutw, loutb):
    args = (ps0, ps1, pc0, pc1, goal, impw, impb, l1wa, l1wg, l1b,
            bn1g, bn1b, l2w, l2b, bn2g, bn2b, l3w, l3b, bn3g, bn3b,
            loutw, loutb)
    return pl.pallas_call(
        _head_body,
        grid=(1,),
        in_specs=[_full_spec(a.shape) for a in args],
        out_specs=[_full_spec((G, 6)), _full_spec((G, 5))],
        out_shape=[jax.ShapeDtypeStruct((G, 6), _f32),
                   jax.ShapeDtypeStruct((G, 5), _f32)],
    )(*args)


def kernel(x, edge_index, batch, goal, conv1_Wl, conv1_Wr, conv1_b,
           conv2_Wl, conv2_Wr, conv2_b, conv3_Wl, conv3_Wr, conv3_b,
           imp_W, imp_b, l1_W, l1_b, bn1_g, bn1_b, l2_W, l2_b, bn2_g,
           bn2_b, l3_W, l3_b, bn3_g, bn3_b, lout_W, lout_b):
    src = edge_index[0]
    dst = edge_index[1]
    perm = jnp.arange(NCHUNK, dtype=jnp.int32).reshape(CPW, NW).T.reshape(-1)
    npade = EPAD - E
    srcp = jnp.concatenate(
        [src, jnp.arange(npade, dtype=jnp.int32)]).reshape(NCHUNK, CH)[perm]
    dstp = jnp.concatenate(
        [dst, N + jnp.arange(npade, dtype=jnp.int32) % (NPAD - N)]
    ).reshape(NCHUNK, CH)[perm]
    batchp = jnp.concatenate(
        [batch.astype(jnp.int32),
         jnp.full((NPAD - N,), G, jnp.int32)]).reshape(NPAD // CH, 1, CH)

    xe = jnp.concatenate(
        [x, jnp.ones((N, 1), _f32), jnp.zeros((N, 11), _f32)], axis=1)
    z16 = jnp.zeros((NPAD, 16), _f32)
    z32 = jnp.zeros((NPAD, 32), _f32)
    zg64 = jnp.zeros((GPAD, 64), _f32)
    zg16 = jnp.zeros((GPAD, 16), _f32)
    ones16 = jnp.zeros((CH, 16), _f32).at[:, 0].set(1.0)

    p0, p1 = _make_agg16()(xe, srcp, dstp, z16)
    h1a, h1b = _dense1(p0, p1, x, conv1_Wl, conv1_Wr,
                       conv1_b.reshape(1, 64))

    s2a, s2b = _make_agg32()(h1a, h1b, srcp, dstp, z32)
    h2a, h2b = _dense23(s2a, s2b, p0, p1, h1a, h1b,
                        conv2_Wl[0:32], conv2_Wl[32:64],
                        conv2_Wr[0:32], conv2_Wr[32:64],
                        conv2_b.reshape(1, 64), relu=True, split=True)

    s3a, s3b = _make_agg32()(h2a, h2b, srcp, dstp, z32)
    (h3,) = _dense23(s3a, s3b, p0, p1, h2a, h2b,
                     conv3_Wl[0:32], conv3_Wl[32:64],
                     conv3_Wr[0:32], conv3_Wr[32:64],
                     conv3_b.reshape(1, 64), relu=False, split=False)

    ps0, pc0, ps1, pc1 = _make_pool()(h3, batchp, ones16, zg64, zg16)

    im, label = _head(
        ps0, ps1, pc0, pc1, goal, imp_W, imp_b.reshape(1, 6),
        l1_W[0:6], l1_W[6:9], l1_b.reshape(1, 512),
        bn1_g.reshape(1, 512), bn1_b.reshape(1, 512),
        l2_W, l2_b.reshape(1, 128), bn2_g.reshape(1, 128),
        bn2_b.reshape(1, 128), l3_W, l3_b.reshape(1, 64),
        bn3_g.reshape(1, 64), bn3_b.reshape(1, 64),
        lout_W, lout_b.reshape(1, 5))
    return (im, label)

# --- scband reference (transcript-rebuilt; emitter-appended) ---
"""Pipeline reference for scband-gnn-2594160247010 (READ-ONLY COPY).

The authoritative reference and input builder live on the scoring server;
editing this copy changes nothing except your own understanding.
"""

import jax, jax.numpy as jnp
import numpy as np

N = 50000
E = 800000
G = 512
H = 64

def setup_inputs(seed: int = 0):
    key = jax.random.key(seed)
    ks = jax.random.split(key, 32)
    def nrm(k, shape, s=0.1):
        return jax.random.normal(k, shape, jnp.float32) * s
    inp = {}
    inp["x"] = jax.random.normal(ks[0], (N, 4), jnp.float32)
    inp["edge_index"] = jax.random.randint(ks[1], (2, E), 0, N, jnp.int32)
    inp["batch"] = jnp.sort(jax.random.randint(ks[2], (N,), 0, G, jnp.int32))
    inp["goal"] = jax.random.normal(ks[3], (G, 3), jnp.float32)
    inp["conv1_Wl"] = nrm(ks[4], (4, H)); inp["conv1_Wr"] = nrm(ks[5], (4, H)); inp["conv1_b"] = jnp.zeros((H,), jnp.float32)
    inp["conv2_Wl"] = nrm(ks[6], (H, H)); inp["conv2_Wr"] = nrm(ks[7], (H, H)); inp["conv2_b"] = jnp.zeros((H,), jnp.float32)
    inp["conv3_Wl"] = nrm(ks[8], (H, H)); inp["conv3_Wr"] = nrm(ks[9], (H, H)); inp["conv3_b"] = jnp.zeros((H,), jnp.float32)
    inp["imp_W"] = nrm(ks[10], (H, 6)); inp["imp_b"] = jnp.zeros((6,), jnp.float32)
    inp["l1_W"] = nrm(ks[11], (9, 512)); inp["l1_b"] = jnp.zeros((512,), jnp.float32)
    inp["bn1_g"] = jnp.ones((512,), jnp.float32); inp["bn1_b"] = jnp.zeros((512,), jnp.float32)
    inp["l2_W"] = nrm(ks[12], (512, 128)); inp["l2_b"] = jnp.zeros((128,), jnp.float32)
    inp["bn2_g"] = jnp.ones((128,), jnp.float32); inp["bn2_b"] = jnp.zeros((128,), jnp.float32)
    inp["l3_W"] = nrm(ks[13], (128, 64)); inp["l3_b"] = jnp.zeros((64,), jnp.float32)
    inp["bn3_g"] = jnp.ones((64,), jnp.float32); inp["bn3_b"] = jnp.zeros((64,), jnp.float32)
    inp["lout_W"] = nrm(ks[14], (64, 5)); inp["lout_b"] = jnp.zeros((5,), jnp.float32)
    return inp

def _sage(x, src, dst, Wl, Wr, b):
    # PyG SAGEConv with mean aggregation: lin_l(mean_{j in N(i)} x_j) + lin_r(x_i)
    msgs = x[src]
    s = jax.ops.segment_sum(msgs, dst, num_segments=x.shape[0])
    cnt = jax.ops.segment_sum(jnp.ones((src.shape[0], 1), x.dtype), dst, num_segments=x.shape[0])
    mean = s / jnp.maximum(cnt, 1.0)
    return mean @ Wl + x @ Wr + b

def _bn(x, g, b):
    m = x.mean(axis=0)
    v = x.var(axis=0)
    return g * (x - m) / jnp.sqrt(v + 1e-5) + b

def reference(x, edge_index, batch, goal, conv1_Wl, conv1_Wr, conv1_b, conv2_Wl, conv2_Wr, conv2_b, conv3_Wl, conv3_Wr, conv3_b, imp_W, imp_b, l1_W, l1_b, bn1_g, bn1_b, l2_W, l2_b, bn2_g, bn2_b, l3_W, l3_b, bn3_g, bn3_b, lout_W, lout_b):
    src, dst = edge_index[0], edge_index[1]
    h = jax.nn.relu(_sage(x, src, dst, conv1_Wl, conv1_Wr, conv1_b))
    h = jax.nn.relu(_sage(h, src, dst, conv2_Wl, conv2_Wr, conv2_b))
    h = _sage(h, src, dst, conv3_Wl, conv3_Wr, conv3_b)
    # global_mean_pool over graph ids
    ps = jax.ops.segment_sum(h, batch, num_segments=G)
    pc = jax.ops.segment_sum(jnp.ones((h.shape[0], 1), h.dtype), batch, num_segments=G)
    pooled = ps / jnp.maximum(pc, 1.0)
    importance = pooled @ imp_W + imp_b
    nrm = jnp.linalg.norm(importance, axis=1, keepdims=True)
    im = importance / jnp.maximum(nrm, 1e-12)
    x1 = jnp.concatenate([jnp.abs(im), goal], axis=1) @ l1_W + l1_b
    x1 = jax.nn.relu(_bn(x1, bn1_g, bn1_b))
    x1 = jax.nn.relu(_bn(x1 @ l2_W + l2_b, bn2_g, bn2_b))  # dropout = identity (eval)
    x1 = jax.nn.relu(_bn(x1 @ l3_W + l3_b, bn3_g, bn3_b))
    label = x1 @ lout_W + lout_b
    return (im, label)

if __name__ == "__main__":
    import jax
    _d = setup_inputs()
    print(jax.jit(kernel)(*tuple(_d.values())))

</pallas_src>

<mosaic_0001>
#map = affine_map<(d0, d1) -> (0, 0)>
module attributes {stable_mosaic.version = 14 : i64} {
  func.func @_agg16_body(%arg0: i32, %arg1: i32, %arg2: memref<50000x16xf32, #tpu.memory_space<hbm>>, %arg3: memref<6400x128xi32, #tpu.memory_space<hbm>>, %arg4: memref<6400x128xi32, #tpu.memory_space<hbm>>, %arg5: memref<50048x16xf32, #tpu.memory_space<hbm>>, %arg6: memref<50048x16xf32, #tpu.memory_space<hbm>>, %arg7: memref<50048x16xf32, #tpu.memory_space<hbm>>, %arg8: memref<50048x16xf32, #tpu.memory_space<vmem_shared>>, %arg9: memref<40x128xi32, #tpu.memory_space<vmem>>, %arg10: memref<40x128xi32, #tpu.memory_space<vmem>>, %arg11: memref<128x16xf32, #tpu.memory_space<vmem>>, %arg12: memref<128x16xf32, #tpu.memory_space<vmem>>, %arg13: memref<128x16xf32, #tpu.memory_space<vmem>>, %arg14: memref<128x16xf32, #tpu.memory_space<vmem>>, %arg15: memref<128x16xf32, #tpu.memory_space<vmem>>, %arg16: memref<128x16xf32, #tpu.memory_space<vmem>>, %arg17: memref<128x16xf32, #tpu.memory_space<vmem>>, %arg18: memref<128x16xf32, #tpu.memory_space<vmem>>, %arg19: memref<!tpu.dma_semaphore, #tpu.memory_space<semaphore_mem>>, %arg20: memref<!tpu.dma_semaphore, #tpu.memory_space<semaphore_mem>>, %arg21: memref<!tpu.dma_semaphore, #tpu.memory_space<semaphore_mem>>, %arg22: memref<!tpu.dma_semaphore, #tpu.memory_space<semaphore_mem>>, %arg23: memref<!tpu.dma_semaphore, #tpu.memory_space<semaphore_mem>>, %arg24: memref<!tpu.dma_semaphore, #tpu.memory_space<semaphore_mem>>, %arg25: memref<!tpu.dma_semaphore, #tpu.memory_space<semaphore_mem>>, %arg26: memref<!tpu.dma_semaphore, #tpu.memory_space<semaphore_mem>>, %arg27: memref<!tpu.dma_semaphore, #tpu.memory_space<semaphore_mem>>, %arg28: memref<!tpu.dma_semaphore, #tpu.memory_space<semaphore_mem>>, %arg29: memref<!tpu.dma_semaphore, #tpu.memory_space<semaphore_mem>>, %arg30: memref<!tpu.dma_semaphore, #tpu.memory_space<semaphore_mem>>, %arg31: memref<!tpu.dma_semaphore, #tpu.memory_space<semaphore_mem>>, %arg32: memref<!tpu.dma_semaphore, #tpu.memory_space<semaphore_mem>>, %arg33: memref<!tpu.dma_semaphore, #tpu.memory_space<semaphore_mem>>, %arg34: memref<!tpu.dma_semaphore, #tpu.memory_space<semaphore_mem>>) attributes {dimension_semantics = [#tpu.dimension_semantics<core_parallel>, #tpu.dimension_semantics<subcore_parallel>], iteration_bounds = array<i64: 2, 16>, scalar_prefetch = 0 : i64, scratch_operands = 27 : i64, tpu.core_type = #tpu.core_type<sc_vector_subcore>, window_params = [{transform_indices = #map}, {transform_indices = #map}, {transform_indices = #map}, {transform_indices = #map}, {transform_indices = #map}, {transform_indices = #map}]} {
    %mul3A = arith.constant 2 : i32
    %mul3A_0 = arith.muli %arg1, %mul3A : i32
    %add3A = arith.addi %mul3A_0, %arg0 : i32
    %mul3A_1 = arith.constant 3128 : i32
    %mul3A_2 = arith.muli %arg1, %mul3A_1 : i32
    "tpu.region"() ({
      %run_scoped3A = tpu.sem_alloc : memref<!tpu.dma_semaphore, #tpu.memory_space<semaphore_mem>>
      %dma_start3A = arith.constant 0 : i32
      %dma_start3A_17 = tpu.memref_slice %arg8[%mul3A_2, %dma_start3A] : memref<50048x16xf32, #tpu.memory_space<vmem_shared>> -> memref<3128x16xf32, #tpu.memory_space<vmem_shared>>
      %dma_start3A_18 = arith.constant 0 : i32
      %dma_start3A_19 = tpu.memref_slice %arg5[%mul3A_2, %dma_start3A_18] : memref<50048x16xf32, #tpu.memory_space<hbm>> -> memref<3128x16xf32, #tpu.memory_space<hbm>>
      tpu.enqueue_dma source(%dma_start3A_19 : memref<3128x16xf32, #tpu.memory_space<hbm>>) target(%dma_start3A_17 : memref<3128x16xf32, #tpu.memory_space<vmem_shared>>) target_semaphore(%run_scoped3A : memref<!tpu.dma_semaphore, #tpu.memory_space<semaphore_mem>>)
      %dma_wait3A = arith.constant 0 : i32
      %dma_wait3A_20 = tpu.memref_slice %arg8[%mul3A_2, %dma_wait3A] : memref<50048x16xf32, #tpu.memory_space<vmem_shared>> -> memref<3128x16xf32, #tpu.memory_space<vmem_shared>>
      %dma_wait3A_21 = arith.constant 0 : i32
      %dma_wait3A_22 = tpu.memref_slice %arg5[%mul3A_2, %dma_wait3A_21] : memref<50048x16xf32, #tpu.memory_space<hbm>> -> memref<3128x16xf32, #tpu.memory_space<hbm>>
      tpu.wait_dma2 semaphore(%run_scoped3A : memref<!tpu.dma_semaphore, #tpu.memory_space<semaphore_mem>>) src(%dma_wait3A_22 : memref<3128x16xf32, #tpu.memory_space<hbm>>) dst(%dma_wait3A_20 : memref<3128x16xf32, #tpu.memory_space<vmem_shared>>)
      tpu.yield
    }) : () -> ()
    %barrier3A = arith.constant 0 : index
    tpu.barrier barrier_id(%barrier3A)
    %mul3A_3 = arith.constant 200 : i32
    %mul3A_4 = arith.muli %add3A, %mul3A_3 : i32
    %scan3A = arith.constant 0 : i32
    %scan3A_5 = arith.constant 5 : i32
    %scan3A_6 = arith.addi %scan3A, %scan3A_5 : i32
    %scan3A_7 = arith.constant 1 : i32
    scf.for %scan3A_17 = %scan3A to %scan3A_6 step %scan3A_7  : i32 {
      %mul3A_18 = arith.constant 1 : i32
      %mul3A_19 = arith.muli %scan3A_17, %mul3A_18 : i32
      %add3A_20 = arith.constant 0 : i32
      %add3A_21 = arith.addi %add3A_20, %mul3A_19 : i32
      %mul3A_22 = arith.constant 40 : i32
      %mul3A_23 = arith.muli %add3A_21, %mul3A_22 : i32
      %add3A_24 = arith.addi %mul3A_4, %mul3A_23 : i32
      "tpu.region"() ({
        %run_scoped3A = tpu.sem_alloc : memref<!tpu.dma_semaphore, #tpu.memory_space<semaphore_mem>>
        %dma_start3A_80 = arith.constant 0 : i32
        %dma_start3A_81 = tpu.memref_slice %arg3[%add3A_24, %dma_start3A_80] : memref<6400x128xi32, #tpu.memory_space<hbm>> -> memref<40x128xi32, #tpu.memory_space<hbm>>
        %dma_start3A_82 = arith.constant 0 : i32
        %dma_start3A_83 = tpu.memref_slice %arg3[%add3A_24, %dma_start3A_82] : memref<6400x128xi32, #tpu.memory_space<hbm>> -> memref<40x128xi32, #tpu.memory_space<hbm>>
        tpu.enqueue_dma source(%dma_start3A_83 : memref<40x128xi32, #tpu.memory_space<hbm>>) target(%arg9 : memref<40x128xi32, #tpu.memory_space<vmem>>) target_semaphore(%run_scoped3A : memref<!tpu.dma_semaphore, #tpu.memory_space<semaphore_mem>>)
        %dma_wait3A_84 = arith.constant 0 : i32
        %dma_wait3A_85 = tpu.memref_slice %arg3[%add3A_24, %dma_wait3A_84] : memref<6400x128xi32, #tpu.memory_space<hbm>> -> memref<40x128xi32, #tpu.memory_space<hbm>>
        %dma_wait3A_86 = arith.constant 0 : i32
        %dma_wait3A_87 = tpu.memref_slice %arg3[%add3A_24, %dma_wait3A_86] : memref<6400x128xi32, #tpu.memory_space<hbm>> -> memref<40x128xi32, #tpu.memory_space<hbm>>
        tpu.wait_dma2 semaphore(%run_scoped3A : memref<!tpu.dma_semaphore, #tpu.memory_space<semaphore_mem>>) src(%dma_wait3A_87 : memref<40x128xi32, #tpu.memory_space<hbm>>) dst(%arg9 : memref<40x128xi32, #tpu.memory_space<vmem>>)
        tpu.yield
      }) : () -> ()
      "tpu.region"() ({
        %run_scoped3A = tpu.sem_alloc : memref<!tpu.dma_semaphore, #tpu.memory_space<semaphore_mem>>
        %dma_start3A_80 = arith.constant 0 : i32
        %dma_start3A_81 = tpu.memref_slice %arg4[%add3A_24, %dma_start3A_80] : memref<6400x128xi32, #tpu.memory_space<hbm>> -> memref<40x128xi32, #tpu.memory_space<hbm>>
        %dma_start3A_82 = arith.constant 0 : i32
        %dma_start3A_83 = tpu.memref_slice %arg4[%add3A_24, %dma_start3A_82] : memref<6400x128xi32, #tpu.memory_space<hbm>> -> memref<40x128xi32, #tpu.memory_space<hbm>>
        tpu.enqueue_dma source(%dma_start3A_83 : memref<40x128xi32, #tpu.memory_space<hbm>>) target(%arg10 : memref<40x128xi32, #tpu.memory_space<vmem>>) target_semaphore(%run_scoped3A : memref<!tpu.dma_semaphore, #tpu.memory_space<semaphore_mem>>)
        %dma_wait3A_84 = arith.constant 0 : i32
        %dma_wait3A_85 = tpu.memref_slice %arg4[%add3A_24, %dma_wait3A_84] : memref<6400x128xi32, #tpu.memory_space<hbm>> -> memref<40x128xi32, #tpu.memory_space<hbm>>
        %dma_wait3A_86 = arith.constant 0 : i32
        %dma_wait3A_87 = tpu.memref_slice %arg4[%add3A_24, %dma_wait3A_86] : memref<6400x128xi32, #tpu.memory_space<hbm>> -> memref<40x128xi32, #tpu.memory_space<hbm>>
        tpu.wait_dma2 semaphore(%run_scoped3A : memref<!tpu.dma_semaphore, #tpu.memory_space<semaphore_mem>>) src(%dma_wait3A_87 : memref<40x128xi32, #tpu.memory_space<hbm>>) dst(%arg10 : memref<40x128xi32, #tpu.memory_space<vmem>>)
        tpu.yield
      }) : () -> ()
      %dma_start3A = arith.constant 0 : i32
      %dma_start3A_25 = arith.constant 0 : i32
      %dma_start3A_26 = tpu.memref_slice %arg9[%dma_start3A, %dma_start3A_25] : memref<40x128xi32, #tpu.memory_space<vmem>> -> memref<1x128xi32, #tpu.memory_space<vmem>>
      %dma_start3A_27 = tpu.memref_squeeze %dma_start3A_26 : memref<1x128xi32, #tpu.memory_space<vmem>> -> memref<128xi32, #tpu.memory_space<vmem>>
      %dma_start3A_28 = arith.constant 0 : i32
      %dma_start3A_29 = arith.constant 0 : i32
      %dma_start3A_30 = tpu.memref_slice %arg2[%dma_start3A_28, %dma_start3A_29] : memref<50000x16xf32, #tpu.memory_space<hbm>> -> memref<50000x16xf32, #tpu.memory_space<hbm>>
      tpu.enqueue_indirect_dma source(%dma_start3A_30 : memref<50000x16xf32, #tpu.memory_space<hbm>>) target(%arg11 : memref<128x16xf32, #tpu.memory_space<vmem>>) offsets(%dma_start3A_27 : memref<128xi32, #tpu.memory_space<vmem>>) semaphore(%arg19 : memref<!tpu.dma_semaphore, #tpu.memory_space<semaphore_mem>>)
      %dma_start3A_31 = arith.constant 1 : i32
      %dma_start3A_32 = arith.constant 0 : i32
      %dma_start3A_33 = tpu.memref_slice %arg9[%dma_start3A_31, %dma_start3A_32] : memref<40x128xi32, #tpu.memory_space<vmem>> -> memref<1x128xi32, #tpu.memory_space<vmem>>
      %dma_start3A_34 = tpu.memref_squeeze %dma_start3A_33 : memref<1x128xi32, #tpu.memory_space<vmem>> -> memref<128xi32, #tpu.memory_space<vmem>>
      %dma_start3A_35 = arith.constant 0 : i32
      %dma_start3A_36 = arith.constant 0 : i32
      %dma_start3A_37 = tpu.memref_slice %arg2[%dma_start3A_35, %dma_start3A_36] : memref<50000x16xf32, #tpu.memory_space<hbm>> -> memref<50000x16xf32, #tpu.memory_space<hbm>>
      tpu.enqueue_indirect_dma source(%dma_start3A_37 : memref<50000x16xf32, #tpu.memory_space<hbm>>) target(%arg12 : memref<128x16xf32, #tpu.memory_space<vmem>>) offsets(%dma_start3A_34 : memref<128xi32, #tpu.memory_space<vmem>>) semaphore(%arg20 : memref<!tpu.dma_semaphore, #tpu.memory_space<semaphore_mem>>)
      %dma_start3A_38 = arith.constant 2 : i32
      %dma_start3A_39 = arith.constant 0 : i32
      %dma_start3A_40 = tpu.memref_slice %arg9[%dma_start3A_38, %dma_start3A_39] : memref<40x128xi32, #tpu.memory_space<vmem>> -> memref<1x128xi32, #tpu.memory_space<vmem>>
      %dma_start3A_41 = tpu.memref_squeeze %dma_start3A_40 : memref<1x128xi32, #tpu.memory_space<vmem>> -> memref<128xi32, #tpu.memory_space<vmem>>
      %dma_start3A_42 = arith.constant 0 : i32
      %dma_start3A_43 = arith.constant 0 : i32
      %dma_start3A_44 = tpu.memref_slice %arg2[%dma_start3A_42, %dma_start3A_43] : memref<50000x16xf32, #tpu.memory_space<hbm>> -> memref<50000x16xf32, #tpu.memory_space<hbm>>
      tpu.enqueue_indirect_dma source(%dma_start3A_44 : memref<50000x16xf32, #tpu.memory_space<hbm>>) target(%arg13 : memref<128x16xf32, #tpu.memory_space<vmem>>) offsets(%dma_start3A_41 : memref<128xi32, #tpu.memory_space<vmem>>) semaphore(%arg21 : memref<!tpu.dma_semaphore, #tpu.memory_space<semaphore_mem>>)
      %dma_start3A_45 = arith.constant 3 : i32
      %dma_start3A_46 = arith.constant 0 : i32
      %dma_start3A_47 = tpu.memref_slice %arg9[%dma_start3A_45, %dma_start3A_46] : memref<40x128xi32, #tpu.memory_space<vmem>> -> memref<1x128xi32, #tpu.memory_space<vmem>>
      %dma_start3A_48 = tpu.memref_squeeze %dma_start3A_47 : memref<1x128xi32, #tpu.memory_space<vmem>> -> memref<128xi32, #tpu.memory_space<vmem>>
      %dma_start3A_49 = arith.constant 0 : i32
      %dma_start3A_50 = arith.constant 0 : i32
      %dma_start3A_51 = tpu.memref_slice %arg2[%dma_start3A_49, %dma_start3A_50] : memref<50000x16xf32, #tpu.memory_space<hbm>> -> memref<50000x16xf32, #tpu.memory_space<hbm>>
      tpu.enqueue_indirect_dma source(%dma_start3A_51 : memref<50000x16xf32, #tpu.memory_space<hbm>>) target(%arg14 : memref<128x16xf32, #tpu.memory_space<vmem>>) offsets(%dma_start3A_48 : memref<128xi32, #tpu.memory_space<vmem>>) semaphore(%arg22 : memref<!tpu.dma_semaphore, #tpu.memory_space<semaphore_mem>>)
      %scan3A_52 = arith.constant 0 : i32
      %scan3A_53 = arith.constant 5 : i32
      %scan3A_54 = arith.addi %scan3A_52, %scan3A_53 : i32
      %scan3A_55 = arith.constant 1 : i32
      scf.for %scan3A_80 = %scan3A_52 to %scan3A_54 step %scan3A_55  : i32 {
        %mul3A_81 = arith.constant 8 : i32
        %mul3A_82 = arith.muli %scan3A_80, %mul3A_81 : i32
        %add3A_83 = arith.constant 0 : i32
        %add3A_84 = arith.addi %add3A_83, %mul3A_82 : i32
        %add3A_85 = arith.constant 0 : i32
        %add3A_86 = arith.addi %add3A_84, %add3A_85 : i32
        %dma_wait3A_87 = arith.constant 0 : i32
        %dma_wait3A_88 = arith.constant 0 : i32
        %dma_wait3A_89 = tpu.memref_slice %arg2[%dma_wait3A_87, %dma_wait3A_88] : memref<50000x16xf32, #tpu.memory_space<hbm>> -> memref<128x16xf32, #tpu.memory_space<hbm>>
        %dma_wait3A_90 = arith.constant 0 : i32
        %dma_wait3A_91 = arith.constant 0 : i32
        %dma_wait3A_92 = tpu.memref_slice %arg2[%dma_wait3A_90, %dma_wait3A_91] : memref<50000x16xf32, #tpu.memory_space<hbm>> -> memref<128x16xf32, #tpu.memory_space<hbm>>
        tpu.wait_dma2 semaphore(%arg19 : memref<!tpu.dma_semaphore, #tpu.memory_space<semaphore_mem>>) src(%dma_wait3A_92 : memref<128x16xf32, #tpu.memory_space<hbm>>) dst(%arg11 : memref<128x16xf32, #tpu.memory_space<vmem>>)
        %dma_start3A_93 = arith.constant 0 : i32
        %dma_start3A_94 = tpu.memref_slice %arg10[%add3A_86, %dma_start3A_93] : memref<40x128xi32, #tpu.memory_space<vmem>> -> memref<1x128xi32, #tpu.memory_space<vmem>>
        %dma_start3A_95 = tpu.memref_squeeze %dma_start3A_94 : memref<1x128xi32, #tpu.memory_space<vmem>> -> memref<128xi32, #tpu.memory_space<vmem>>
        %dma_start3A_96 = arith.constant 0 : i32
        %dma_start3A_97 = arith.constant 0 : i32
        %dma_start3A_98 = tpu.memref_slice %arg8[%dma_start3A_96, %dma_start3A_97] : memref<50048x16xf32, #tpu.memory_space<vmem_shared>> -> memref<50048x16xf32, #tpu.memory_space<vmem_shared>>
        tpu.enqueue_indirect_dma source(%arg11 : memref<128x16xf32, #tpu.memory_space<vmem>>) target(%dma_start3A_98 : memref<50048x16xf32, #tpu.memory_space<vmem_shared>>) offsets(%dma_start3A_95 : memref<128xi32, #tpu.memory_space<vmem>>) semaphore(%arg27 : memref<!tpu.dma_semaphore, #tpu.memory_space<semaphore_mem>>) {add = true}
        %ge3A = arith.constant 4 : i32
        %ge3A_99 = arith.cmpi sge, %add3A_86, %ge3A : i32
        %convert_element_type3A_100 = arith.extui %ge3A_99 : i1 to i32
        %cond3A_101 = arith.constant 0 : i32
        %cond3A_102 = arith.cmpi ne, %convert_element_type3A_100, %cond3A_101 : i32
        scf.if %cond3A_102 {
          %dma_wait3A_291 = arith.constant 0 : i32
          %dma_wait3A_292 = arith.constant 0 : i32
          %dma_wait3A_293 = tpu.memref_slice %arg8[%dma_wait3A_291, %dma_wait3A_292] : memref<50048x16xf32, #tpu.memory_space<vmem_shared>> -> memref<128x16xf32, #tpu.memory_space<vmem_shared>>
          %dma_wait3A_294 = arith.constant 0 : i32
          %dma_wait3A_295 = arith.constant 0 : i32
          %dma_wait3A_296 = tpu.memref_slice %arg8[%dma_wait3A_294, %dma_wait3A_295] : memref<50048x16xf32, #tpu.memory_space<vmem_shared>> -> memref<128x16xf32, #tpu.memory_space<vmem_shared>>
          tpu.wait_dma2 semaphore(%arg31 : memref<!tpu.dma_semaphore, #tpu.memory_space<semaphore_mem>>) src(%arg15 : memref<128x16xf32, #tpu.memory_space<vmem>>) dst(%dma_wait3A_296 : memref<128x16xf32, #tpu.memory_space<vmem_shared>>)
        } else {
        }
        %add3A_103 = arith.constant 4 : i32
        %add3A_104 = arith.addi %add3A_86, %add3A_103 : i32
        %lt3A = arith.constant 40 : i32
        %lt3A_105 = arith.cmpi slt, %add3A_104, %lt3A : i32
        %convert_element_type3A_106 = arith.extui %lt3A_105 : i1 to i32
        %cond3A_107 = arith.constant 0 : i32
        %cond3A_108 = arith.cmpi ne, %convert_element_type3A_106, %cond3A_107 : i32
        scf.if %cond3A_108 {
          %add3A_291 = arith.constant 4 : i32
          %add3A_292 = arith.addi %add3A_86, %add3A_291 : i32
          %dma_start3A_293 = arith.constant 0 : i32
          %dma_start3A_294 = tpu.memref_slice %arg9[%add3A_292, %dma_start3A_293] : memref<40x128xi32, #tpu.memory_space<vmem>> -> memref<1x128xi32, #tpu.memory_space<vmem>>
          %dma_start3A_295 = tpu.memref_squeeze %dma_start3A_294 : memref<1x128xi32, #tpu.memory_space<vmem>> -> memref<128xi32, #tpu.memory_space<vmem>>
          %dma_start3A_296 = arith.constant 0 : i32
          %dma_start3A_297 = arith.constant 0 : i32
          %dma_start3A_298 = tpu.memref_slice %arg2[%dma_start3A_296, %dma_start3A_297] : memref<50000x16xf32, #tpu.memory_space<hbm>> -> memref<50000x16xf32, #tpu.memory_space<hbm>>
          tpu.enqueue_indirect_dma source(%dma_start3A_298 : memref<50000x16xf32, #tpu.memory_space<hbm>>) target(%arg15 : memref<128x16xf32, #tpu.memory_space<vmem>>) offsets(%dma_start3A_295 : memref<128xi32, #tpu.memory_space<vmem>>) semaphore(%arg23 : memref<!tpu.dma_semaphore, #tpu.memory_space<semaphore_mem>>)
        } else {
        }
        %add3A_109 = arith.constant 1 : i32
        %add3A_110 = arith.addi %add3A_84, %add3A_109 : i32
        %dma_wait3A_111 = arith.constant 0 : i32
        %dma_wait3A_112 = arith.constant 0 : i32
        %dma_wait3A_113 = tpu.memref_slice %arg2[%dma_wait3A_111, %dma_wait3A_112] : memref<50000x16xf32, #tpu.memory_space<hbm>> -> memref<128x16xf32, #tpu.memory_space<hbm>>
        %dma_wait3A_114 = arith.constant 0 : i32
        %dma_wait3A_115 = arith.constant 0 : i32
        %dma_wait3A_116 = tpu.memref_slice %arg2[%dma_wait3A_114, %dma_wait3A_115] : memref<50000x16xf32, #tpu.memory_space<hbm>> -> memref<128x16xf32, #tpu.memory_space<hbm>>
        tpu.wait_dma2 semaphore(%arg20 : memref<!tpu.dma_semaphore, #tpu.memory_space<semaphore_mem>>) src(%dma_wait3A_116 : memref<128x16xf32, #tpu.memory_space<hbm>>) dst(%arg12 : memref<128x16xf32, #tpu.memory_space<vmem>>)
        %dma_start3A_117 = arith.constant 0 : i32
        %dma_start3A_118 = tpu.memref_slice %arg10[%add3A_110, %dma_start3A_117] : memref<40x128xi32, #tpu.memory_space<vmem>> -> memref<1x128xi32, #tpu.memory_space<vmem>>
        %dma_start3A_119 = tpu.memref_squeeze %dma_start3A_118 : memref<1x128xi32, #tpu.memory_space<vmem>> -> memref<128xi32, #tpu.memory_space<vmem>>
        %dma_start3A_120 = arith.constant 0 : i32
        %dma_start3A_121 = arith.constant 0 : i32
        %dma_start3A_122 = tpu.memref_slice %arg8[%dma_start3A_120, %dma_start3A_121] : memref<50048x16xf32, #tpu.memory_space<vmem_shared>> -> memref<50048x16xf32, #tpu.memory_space<vmem_shared>>
        tpu.enqueue_indirect_dma source(%arg12 : memref<128x16xf32, #tpu.memory_space<vmem>>) target(%dma_start3A_122 : memref<50048x16xf32, #tpu.memory_space<vmem_shared>>) offsets(%dma_start3A_119 : memref<128xi32, #tpu.memory_space<vmem>>) semaphore(%arg28 : memref<!tpu.dma_semaphore, #tpu.memory_space<semaphore_mem>>) {add = true}
        %ge3A_123 = arith.constant 4 : i32
        %ge3A_124 = arith.cmpi sge, %add3A_110, %ge3A_123 : i32
        %convert_element_type3A_125 = arith.extui %ge3A_124 : i1 to i32
        %cond3A_126 = arith.constant 0 : i32
        %cond3A_127 = arith.cmpi ne, %convert_element_type3A_125, %cond3A_126 : i32
        scf.if %cond3A_127 {
          %dma_wait3A_291 = arith.constant 0 : i32
          %dma_wait3A_292 = arith.constant 0 : i32
          %dma_wait3A_293 = tpu.memref_slice %arg8[%dma_wait3A_291, %dma_wait3A_292] : memref<50048x16xf32, #tpu.memory_space<vmem_shared>> -> memref<128x16xf32, #tpu.memory_space<vmem_shared>>
          %dma_wait3A_294 = arith.constant 0 : i32
          %dma_wait3A_295 = arith.constant 0 : i32
          %dma_wait3A_296 = tpu.memref_slice %arg8[%dma_wait3A_294, %dma_wait3A_295] : memref<50048x16xf32, #tpu.memory_space<vmem_shared>> -> memref<128x16xf32, #tpu.memory_space<vmem_shared>>
          tpu.wait_dma2 semaphore(%arg32 : memref<!tpu.dma_semaphore, #tpu.memory_space<semaphore_mem>>) src(%arg16 : memref<128x16xf32, #tpu.memory_space<vmem>>) dst(%dma_wait3A_296 : memref<128x16xf32, #tpu.memory_space<vmem_shared>>)
        } else {
        }
        %add3A_128 = arith.constant 4 : i32
        %add3A_129 = arith.addi %add3A_110, %add3A_128 : i32
        %lt3A_130 = arith.constant 40 : i32
        %lt3A_131 = arith.cmpi slt, %add3A_129, %lt3A_130 : i32
        %convert_element_type3A_132 = arith.extui %lt3A_131 : i1 to i32
        %cond3A_133 = arith.constant 0 : i32
        %cond3A_134 = arith.cmpi ne, %convert_element_type3A_132, %cond3A_133 : i32
        scf.if %cond3A_134 {
          %add3A_291 = arith.constant 4 : i32
          %add3A_292 = arith.addi %add3A_110, %add3A_291 : i32
          %dma_start3A_293 = arith.constant 0 : i32
          %dma_start3A_294 = tpu.memref_slice %arg9[%add3A_292, %dma_start3A_293] : memref<40x128xi32, #tpu.memory_space<vmem>> -> memref<1x128xi32, #tpu.memory_space<vmem>>
          %dma_start3A_295 = tpu.memref_squeeze %dma_start3A_294 : memref<1x128xi32, #tpu.memory_space<vmem>> -> memref<128xi32, #tpu.memory_space<vmem>>
          %dma_start3A_296 = arith.constant 0 : i32
          %dma_start3A_297 = arith.constant 0 : i32
          %dma_start3A_298 = tpu.memref_slice %arg2[%dma_start3A_296, %dma_start3A_297] : memref<50000x16xf32, #tpu.memory_space<hbm>> -> memref<50000x16xf32, #tpu.memory_space<hbm>>
          tpu.enqueue_indirect_dma source(%dma_start3A_298 : memref<50000x16xf32, #tpu.memory_space<hbm>>) target(%arg16 : memref<128x16xf32, #tpu.memory_space<vmem>>) offsets(%dma_start3A_295 : memref<128xi32, #tpu.memory_space<vmem>>) semaphore(%arg24 : memref<!tpu.dma_semaphore, #tpu.memory_space<semaphore_mem>>)
        } else {
        }
        %add3A_135 = arith.constant 2 : i32
        %add3A_136 = arith.addi %add3A_84, %add3A_135 : i32
        %dma_wait3A_137 = arith.constant 0 : i32
        %dma_wait3A_138 = arith.constant 0 : i32
        %dma_wait3A_139 = tpu.memref_slice %arg2[%dma_wait3A_137, %dma_wait3A_138] : memref<50000x16xf32, #tpu.memory_space<hbm>> -> memref<128x16xf32, #tpu.memory_space<hbm>>
        %dma_wait3A_140 = arith.constant 0 : i32
        %dma_wait3A_141 = arith.constant 0 : i32
        %dma_wait3A_142 = tpu.memref_slice %arg2[%dma_wait3A_140, %dma_wait3A_141] : memref<50000x16xf32, #tpu.memory_space<hbm>> -> memref<128x16xf32, #tpu.memory_space<hbm>>
        tpu.wait_dma2 semaphore(%arg21 : memref<!tpu.dma_semaphore, #tpu.memory_space<semaphore_mem>>) src(%dma_wait3A_142 : memref<128x16xf32, #tpu.memory_space<hbm>>) dst(%arg13 : memref<128x16xf32, #tpu.memory_space<vmem>>)
        %dma_start3A_143 = arith.constant 0 : i32
        %dma_start3A_144 = tpu.memref_slice %arg10[%add3A_136, %dma_start3A_143] : memref<40x128xi32, #tpu.memory_space<vmem>> -> memref<1x128xi32, #tpu.memory_space<vmem>>
        %dma_start3A_145 = tpu.memref_squeeze %dma_start3A_144 : memref<1x128xi32, #tpu.memory_space<vmem>> -> memref<128xi32, #tpu.memory_space<vmem>>
        %dma_start3A_146 = arith.constant 0 : i32
        %dma_start3A_147 = arith.constant 0 : i32
        %dma_start3A_148 = tpu.memref_slice %arg8[%dma_start3A_146, %dma_start3A_147] : memref<50048x16xf32, #tpu.memory_space<vmem_shared>> -> memref<50048x16xf32, #tpu.memory_space<vmem_shared>>
        tpu.enqueue_indirect_dma source(%arg13 : memref<128x16xf32, #tpu.memory_space<vmem>>) target(%dma_start3A_148 : memref<50048x16xf32, #tpu.memory_space<vmem_shared>>) offsets(%dma_start3A_145 : memref<128xi32, #tpu.memory_space<vmem>>) semaphore(%arg29 : memref<!tpu.dma_semaphore, #tpu.memory_space<semaphore_mem>>) {add = true}
        %ge3A_149 = arith.constant 4 : i32
        %ge3A_150 = arith.cmpi sge, %add3A_136, %ge3A_149 : i32
        %convert_element_type3A_151 = arith.extui %ge3A_150 : i1 to i32
        %cond3A_152 = arith.constant 0 : i32
        %cond3A_153 = arith.cmpi ne, %convert_element_type3A_151, %cond3A_152 : i32
        scf.if %cond3A_153 {
          %dma_wait3A_291 = arith.constant 0 : i32
          %dma_wait3A_292 = arith.constant 0 : i32
          %dma_wait3A_293 = tpu.memref_slice %arg8[%dma_wait3A_291, %dma_wait3A_292] : memref<50048x16xf32, #tpu.memory_space<vmem_shared>> -> memref<128x16xf32, #tpu.memory_space<vmem_shared>>
          %dma_wait3A_294 = arith.constant 0 : i32
          %dma_wait3A_295 = arith.constant 0 : i32
          %dma_wait3A_296 = tpu.memref_slice %arg8[%dma_wait3A_294, %dma_wait3A_295] : memref<50048x16xf32, #tpu.memory_space<vmem_shared>> -> memref<128x16xf32, #tpu.memory_space<vmem_shared>>
          tpu.wait_dma2 semaphore(%arg33 : memref<!tpu.dma_semaphore, #tpu.memory_space<semaphore_mem>>) src(%arg17 : memref<128x16xf32, #tpu.memory_space<vmem>>) dst(%dma_wait3A_296 : memref<128x16xf32, #tpu.memory_space<vmem_shared>>)
        } else {
        }
        %add3A_154 = arith.constant 4 : i32
        %add3A_155 = arith.addi %add3A_136, %add3A_154 : i32
        %lt3A_156 = arith.constant 40 : i32
        %lt3A_157 = arith.cmpi slt, %add3A_155, %lt3A_156 : i32
        %convert_element_type3A_158 = arith.extui %lt3A_157 : i1 to i32
        %cond3A_159 = arith.constant 0 : i32
        %cond3A_160 = arith.cmpi ne, %convert_element_type3A_158, %cond3A_159 : i32
        scf.if %cond3A_160 {
          %add3A_291 = arith.constant 4 : i32
          %add3A_292 = arith.addi %add3A_136, %add3A_291 : i32
          %dma_start3A_293 = arith.constant 0 : i32
          %dma_start3A_294 = tpu.memref_slice %arg9[%add3A_292, %dma_start3A_293] : memref<40x128xi32, #tpu.memory_space<vmem>> -> memref<1x128xi32, #tpu.memory_space<vmem>>
          %dma_start3A_295 = tpu.memref_squeeze %dma_start3A_294 : memref<1x128xi32, #tpu.memory_space<vmem>> -> memref<128xi32, #tpu.memory_space<vmem>>
          %dma_start3A_296 = arith.constant 0 : i32
          %dma_start3A_297 = arith.constant 0 : i32
          %dma_start3A_298 = tpu.memref_slice %arg2[%dma_start3A_296, %dma_start3A_297] : memref<50000x16xf32, #tpu.memory_space<hbm>> -> memref<50000x16xf32, #tpu.memory_space<hbm>>
          tpu.enqueue_indirect_dma source(%dma_start3A_298 : memref<50000x16xf32, #tpu.memory_space<hbm>>) target(%arg17 : memref<128x16xf32, #tpu.memory_space<vmem>>) offsets(%dma_start3A_295 : memref<128xi32, #tpu.memory_space<vmem>>) semaphore(%arg25 : memref<!tpu.dma_semaphore, #tpu.memory_space<semaphore_mem>>)
        } else {
        }
        %add3A_161 = arith.constant 3 : i32
        %add3A_162 = arith.addi %add3A_84, %add3A_161 : i32
        %dma_wait3A_163 = arith.constant 0 : i32
        %dma_wait3A_164 = arith.constant 0 : i32
        %dma_wait3A_165 = tpu.memref_slice %arg2[%dma_wait3A_163, %dma_wait3A_164] : memref<50000x16xf32, #tpu.memory_space<hbm>> -> memref<128x16xf32, #tpu.memory_space<hbm>>
        %dma_wait3A_166 = arith.constant 0 : i32
        %dma_wait3A_167 = arith.constant 0 : i32
        %dma_wait3A_168 = tpu.memref_slice %arg2[%dma_wait3A_166, %dma_wait3A_167] : memref<50000x16xf32, #tpu.memory_space<hbm>> -> memref<128x16xf32, #tpu.memory_space<hbm>>
        tpu.wait_dma2 semaphore(%arg22 : memref<!tpu.dma_semaphore, #tpu.memory_space<semaphore_mem>>) src(%dma_wait3A_168 : memref<128x16xf32, #tpu.memory_space<hbm>>) dst(%arg14 : memref<128x16xf32, #tpu.memory_space<vmem>>)
        %dma_start3A_169 = arith.constant 0 : i32
        %dma_start3A_170 = tpu.memref_slice %arg10[%add3A_162, %dma_start3A_169] : memref<40x128xi32, #tpu.memory_space<vmem>> -> memref<1x128xi32, #tpu.memory_space<vmem>>
        %dma_start3A_171 = tpu.memref_squeeze %dma_start3A_170 : memref<1x128xi32, #tpu.memory_space<vmem>> -> memref<128xi32, #tpu.memory_space<vmem>>
        %dma_start3A_172 = arith.constant 0 : i32
        %dma_start3A_173 = arith.constant 0 : i32
        %dma_start3A_174 = tpu.memref_slice %arg8[%dma_start3A_172, %dma_start3A_173] : memref<50048x16xf32, #tpu.memory_space<vmem_shared>> -> memref<50048x16xf32, #tpu.memory_space<vmem_shared>>
        tpu.enqueue_indirect_dma source(%arg14 : memref<128x16xf32, #tpu.memory_space<vmem>>) target(%dma_start3A_174 : memref<50048x16xf32, #tpu.memory_space<vmem_shared>>) offsets(%dma_start3A_171 : memref<128xi32, #tpu.memory_space<vmem>>) semaphore(%arg30 : memref<!tpu.dma_semaphore, #tpu.memory_space<semaphore_mem>>) {add = true}
        %ge3A_175 = arith.constant 4 : i32
        %ge3A_176 = arith.cmpi sge, %add3A_162, %ge3A_175 : i32
        %convert_element_type3A_177 = arith.extui %ge3A_176 : i1 to i32
        %cond3A_178 = arith.constant 0 : i32
        %cond3A_179 = arith.cmpi ne, %convert_element_type3A_177, %cond3A_178 : i32
        scf.if %cond3A_179 {
          %dma_wait3A_291 = arith.constant 0 : i32
          %dma_wait3A_292 = arith.constant 0 : i32
          %dma_wait3A_293 = tpu.memref_slice %arg8[%dma_wait3A_291, %dma_wait3A_292] : memref<50048x16xf32, #tpu.memory_space<vmem_shared>> -> memref<128x16xf32, #tpu.memory_space<vmem_shared>>
          %dma_wait3A_294 = arith.constant 0 : i32
          %dma_wait3A_295 = arith.constant 0 : i32
          %dma_wait3A_296 = tpu.memref_slice %arg8[%dma_wait3A_294, %dma_wait3A_295] : memref<50048x16xf32, #tpu.memory_space<vmem_shared>> -> memref<128x16xf32, #tpu.memory_space<vmem_shared>>
          tpu.wait_dma2 semaphore(%arg34 : memref<!tpu.dma_semaphore, #tpu.memory_space<semaphore_mem>>) src(%arg18 : memref<128x16xf32, #tpu.memory_space<vmem>>) dst(%dma_wait3A_296 : memref<128x16xf32, #tpu.memory_space<vmem_shared>>)
        } else {
        }
        %add3A_180 = arith.constant 4 : i32
        %add3A_181 = arith.addi %add3A_162, %add3A_180 : i32
        %lt3A_182 = arith.constant 40 : i32
        %lt3A_183 = arith.cmpi slt, %add3A_181, %lt3A_182 : i32
        %convert_element_type3A_184 = arith.extui %lt3A_183 : i1 to i32
        %cond3A_185 = arith.constant 0 : i32
        %cond3A_186 = arith.cmpi ne, %convert_element_type3A_184, %cond3A_185 : i32
        scf.if %cond3A_186 {
          %add3A_291 = arith.constant 4 : i32
          %add3A_292 = arith.addi %add3A_162, %add3A_291 : i32
          %dma_start3A_293 = arith.constant 0 : i32
          %dma_start3A_294 = tpu.memref_slice %arg9[%add3A_292, %dma_start3A_293] : memref<40x128xi32, #tpu.memory_space<vmem>> -> memref<1x128xi32, #tpu.memory_space<vmem>>
          %dma_start3A_295 = tpu.memref_squeeze %dma_start3A_294 : memref<1x128xi32, #tpu.memory_space<vmem>> -> memref<128xi32, #tpu.memory_space<vmem>>
          %dma_start3A_296 = arith.constant 0 : i32
          %dma_start3A_297 = arith.constant 0 : i32
          %dma_start3A_298 = tpu.memref_slice %arg2[%dma_start3A_296, %dma_start3A_297] : memref<50000x16xf32, #tpu.memory_space<hbm>> -> memref<50000x16xf32, #tpu.memory_space<hbm>>
          tpu.enqueue_indirect_dma source(%dma_start3A_298 : memref<50000x16xf32, #tpu.memory_space<hbm>>) target(%arg18 : memref<128x16xf32, #tpu.memory_space<vmem>>) offsets(%dma_start3A_295 : memref<128xi32, #tpu.memory_space<vmem>>) semaphore(%arg26 : memref<!tpu.dma_semaphore, #tpu.memory_space<semaphore_mem>>)
        } else {
        }
        %add3A_187 = arith.constant 4 : i32
        %add3A_188 = arith.addi %add3A_84, %add3A_187 : i32
        %dma_wait3A_189 = arith.constant 0 : i32
        %dma_wait3A_190 = arith.constant 0 : i32
        %dma_wait3A_191 = tpu.memref_slice %arg2[%dma_wait3A_189, %dma_wait3A_190] : memref<50000x16xf32, #tpu.memory_space<hbm>> -> memref<128x16xf32, #tpu.memory_space<hbm>>
        %dma_wait3A_192 = arith.constant 0 : i32
        %dma_wait3A_193 = arith.constant 0 : i32
        %dma_wait3A_194 = tpu.memref_slice %arg2[%dma_wait3A_192, %dma_wait3A_193] : memref<50000x16xf32, #tpu.memory_space<hbm>> -> memref<128x16xf32, #tpu.memory_space<hbm>>
        tpu.wait_dma2 semaphore(%arg23 : memref<!tpu.dma_semaphore, #tpu.memory_space<semaphore_mem>>) src(%dma_wait3A_194 : memref<128x16xf32, #tpu.memory_space<hbm>>) dst(%arg15 : memref<128x16xf32, #tpu.memory_space<vmem>>)
        %dma_start3A_195 = arith.constant 0 : i32
        %dma_start3A_196 = tpu.memref_slice %arg10[%add3A_188, %dma_start3A_195] : memref<40x128xi32, #tpu.memory_space<vmem>> -> memref<1x128xi32, #tpu.memory_space<vmem>>
        %dma_start3A_197 = tpu.memref_squeeze %dma_start3A_196 : memref<1x128xi32, #tpu.memory_space<vmem>> -> memref<128xi32, #tpu.memory_space<vmem>>
        %dma_start3A_198 = arith.constant 0 : i32
        %dma_start3A_199 = arith.constant 0 : i32
        %dma_start3A_200 = tpu.memref_slice %arg8[%dma_start3A_198, %dma_start3A_199] : memref<50048x16xf32, #tpu.memory_space<vmem_shared>> -> memref<50048x16xf32, #tpu.memory_space<vmem_shared>>
        tpu.enqueue_indirect_dma source(%arg15 : memref<128x16xf32, #tpu.memory_space<vmem>>) target(%dma_start3A_200 : memref<50048x16xf32, #tpu.memory_space<vmem_shared>>) offsets(%dma_start3A_197 : memref<128xi32, #tpu.memory_space<vmem>>) semaphore(%arg31 : memref<!tpu.dma_semaphore, #tpu.memory_space<semaphore_mem>>) {add = true}
        %ge3A_201 = arith.constant 4 : i32
        %ge3A_202 = arith.cmpi sge, %add3A_188, %ge3A_201 : i32
        %convert_element_type3A_203 = arith.extui %ge3A_202 : i1 to i32
        %cond3A_204 = arith.constant 0 : i32
        %cond3A_205 = arith.cmpi ne, %convert_element_type3A_203, %cond3A_204 : i32
        scf.if %cond3A_205 {
          %dma_wait3A_291 = arith.constant 0 : i32
          %dma_wait3A_292 = arith.constant 0 : i32
          %dma_wait3A_293 = tpu.memref_slice %arg8[%dma_wait3A_291, %dma_wait3A_292] : memref<50048x16xf32, #tpu.memory_space<vmem_shared>> -> memref<128x16xf32, #tpu.memory_space<vmem_shared>>
          %dma_wait3A_294 = arith.constant 0 : i32
          %dma_wait3A_295 = arith.constant 0 : i32
          %dma_wait3A_296 = tpu.memref_slice %arg8[%dma_wait3A_294, %dma_wait3A_295] : memref<50048x16xf32, #tpu.memory_space<vmem_shared>> -> memref<128x16xf32, #tpu.memory_space<vmem_shared>>
          tpu.wait_dma2 semaphore(%arg27 : memref<!tpu.dma_semaphore, #tpu.memory_space<semaphore_mem>>) src(%arg11 : memref<128x16xf32, #tpu.memory_space<vmem>>) dst(%dma_wait3A_296 : memref<128x16xf32, #tpu.memory_space<vmem_shared>>)
        } else {
        }
        %add3A_206 = arith.constant 4 : i32
        %add3A_207 = arith.addi %add3A_188, %add3A_206 : i32
        %lt3A_208 = arith.constant 40 : i32
        %lt3A_209 = arith.cmpi slt, %add3A_207, %lt3A_208 : i32
        %convert_element_type3A_210 = arith.extui %lt3A_209 : i1 to i32
        %cond3A_211 = arith.constant 0 : i32
        %cond3A_212 = arith.cmpi ne, %convert_element_type3A_210, %cond3A_211 : i32
        scf.if %cond3A_212 {
          %add3A_291 = arith.constant 4 : i32
          %add3A_292 = arith.addi %add3A_188, %add3A_291 : i32
          %dma_start3A_293 = arith.constant 0 : i32
          %dma_start3A_294 = tpu.memref_slice %arg9[%add3A_292, %dma_start3A_293] : memref<40x128xi32, #tpu.memory_space<vmem>> -> memref<1x128xi32, #tpu.memory_space<vmem>>
          %dma_start3A_295 = tpu.memref_squeeze %dma_start3A_294 : memref<1x128xi32, #tpu.memory_space<vmem>> -> memref<128xi32, #tpu.memory_space<vmem>>
          %dma_start3A_296 = arith.constant 0 : i32
          %dma_start3A_297 = arith.constant 0 : i32
          %dma_start3A_298 = tpu.memref_slice %arg2[%dma_start3A_296, %dma_start3A_297] : memref<50000x16xf32, #tpu.memory_space<hbm>> -> memref<50000x16xf32, #tpu.memory_space<hbm>>
          tpu.enqueue_indirect_dma source(%dma_start3A_298 : memref<50000x16xf32, #tpu.memory_space<hbm>>) target(%arg11 : memref<128x16xf32, #tpu.memory_space<vmem>>) offsets(%dma_start3A_295 : memref<128xi32, #tpu.memory_space<vmem>>) semaphore(%arg19 : memref<!tpu.dma_semaphore, #tpu.memory_space<semaphore_mem>>)
        } else {
        }
        %add3A_213 = arith.constant 5 : i32
        %add3A_214 = arith.addi %add3A_84, %add3A_213 : i32
        %dma_wait3A_215 = arith.constant 0 : i32
        %dma_wait3A_216 = arith.constant 0 : i32
        %dma_wait3A_217 = tpu.memref_slice %arg2[%dma_wait3A_215, %dma_wait3A_216] : memref<50000x16xf32, #tpu.memory_space<hbm>> -> memref<128x16xf32, #tpu.memory_space<hbm>>
        %dma_wait3A_218 = arith.constant 0 : i32
        %dma_wait3A_219 = arith.constant 0 : i32
        %dma_wait3A_220 = tpu.memref_slice %arg2[%dma_wait3A_218, %dma_wait3A_219] : memref<50000x16xf32, #tpu.memory_space<hbm>> -> memref<128x16xf32, #tpu.memory_space<hbm>>
        tpu.wait_dma2 semaphore(%arg24 : memref<!tpu.dma_semaphore, #tpu.memory_space<semaphore_mem>>) src(%dma_wait3A_220 : memref<128x16xf32, #tpu.memory_space<hbm>>) dst(%arg16 : memref<128x16xf32, #tpu.memory_space<vmem>>)
        %dma_start3A_221 = arith.constant 0 : i32
        %dma_start3A_222 = tpu.memref_slice %arg10[%add3A_214, %dma_start3A_221] : memref<40x128xi32, #tpu.memory_space<vmem>> -> memref<1x128xi32, #tpu.memory_space<vmem>>
        %dma_start3A_223 = tpu.memref_squeeze %dma_start3A_222 : memref<1x128xi32, #tpu.memory_space<vmem>> -> memref<128xi32, #tpu.memory_space<vmem>>
        %dma_start3A_224 = arith.constant 0 : i32
        %dma_start3A_225 = arith.constant 0 : i32
        %dma_start3A_226 = tpu.memref_slice %arg8[%dma_start3A_224, %dma_start3A_225] : memref<50048x16xf32, #tpu.memory_space<vmem_shared>> -> memref<50048x16xf32, #tpu.memory_space<vmem_shared>>
        tpu.enqueue_indirect_dma source(%arg16 : memref<128x16xf32, #tpu.memory_space<vmem>>) target(%dma_start3A_226 : memref<50048x16xf32, #tpu.memory_space<vmem_shared>>) offsets(%dma_start3A_223 : memref<128xi32, #tpu.memory_space<vmem>>) semaphore(%arg32 : memref<!tpu.dma_semaphore, #tpu.memory_space<semaphore_mem>>) {add = true}
        %ge3A_227 = arith.constant 4 : i32
        %ge3A_228 = arith.cmpi sge, %add3A_214, %ge3A_227 : i32
        %convert_element_type3A_229 = arith.extui %ge3A_228 : i1 to i32
        %cond3A_230 = arith.constant 0 : i32
        %cond3A_231 = arith.cmpi ne, %convert_element_type3A_229, %cond3A_230 : i32
        scf.if %cond3A_231 {
          %dma_wait3A_291 = arith.constant 0 : i32
          %dma_wait3A_292 = arith.constant 0 : i32
          %dma_wait3A_293 = tpu.memref_slice %arg8[%dma_wait3A_291, %dma_wait3A_292] : memref<50048x16xf32, #tpu.memory_space<vmem_shared>> -> memref<128x16xf32, #tpu.memory_space<vmem_shared>>
          %dma_wait3A_294 = arith.constant 0 : i32
          %dma_wait3A_295 = arith.constant 0 : i32
          %dma_wait3A_296 = tpu.memref_slice %arg8[%dma_wait3A_294, %dma_wait3A_295] : memref<50048x16xf32, #tpu.memory_space<vmem_shared>> -> memref<128x16xf32, #tpu.memory_space<vmem_shared>>
          tpu.wait_dma2 semaphore(%arg28 : memref<!tpu.dma_semaphore, #tpu.memory_space<semaphore_mem>>) src(%arg12 : memref<128x16xf32, #tpu.memory_space<vmem>>) dst(%dma_wait3A_296 : memref<128x16xf32, #tpu.memory_space<vmem_shared>>)
        } else {
        }
        %add3A_232 = arith.constant 4 : i32
        %add3A_233 = arith.addi %add3A_214, %add3A_232 : i32
        %lt3A_234 = arith.constant 40 : i32
        %lt3A_235 = arith.cmpi slt, %add3A_233, %lt3A_234 : i32
        %convert_element_type3A_236 = arith.extui %lt3A_235 : i1 to i32
        %cond3A_237 = arith.constant 0 : i32
        %cond3A_238 = arith.cmpi ne, %convert_element_type3A_236, %cond3A_237 : i32
        scf.if %cond3A_238 {
          %add3A_291 = arith.constant 4 : i32
          %add3A_292 = arith.addi %add3A_214, %add3A_291 : i32
          %dma_start3A_293 = arith.constant 0 : i32
          %dma_start3A_294 = tpu.memref_slice %arg9[%add3A_292, %dma_start3A_293] : memref<40x128xi32, #tpu.memory_space<vmem>> -> memref<1x128xi32, #tpu.memory_space<vmem>>
          %dma_start3A_295 = tpu.memref_squeeze %dma_start3A_294 : memref<1x128xi32, #tpu.memory_space<vmem>> -> memref<128xi32, #tpu.memory_space<vmem>>
          %dma_start3A_296 = arith.constant 0 : i32
          %dma_start3A_297 = arith.constant 0 : i32
          %dma_start3A_298 = tpu.memref_slice %arg2[%dma_start3A_296, %dma_start3A_297] : memref<50000x16xf32, #tpu.memory_space<hbm>> -> memref<50000x16xf32, #tpu.memory_space<hbm>>
          tpu.enqueue_indirect_dma source(%dma_start3A_298 : memref<50000x16xf32, #tpu.memory_space<hbm>>) target(%arg12 : memref<128x16xf32, #tpu.memory_space<vmem>>) offsets(%dma_start3A_295 : memref<128xi32, #tpu.memory_space<vmem>>) semaphore(%arg20 : memref<!tpu.dma_semaphore, #tpu.memory_space<semaphore_mem>>)
        } else {
        }
        %add3A_239 = arith.constant 6 : i32
        %add3A_240 = arith.addi %add3A_84, %add3A_239 : i32
        %dma_wait3A_241 = arith.constant 0 : i32
        %dma_wait3A_242 = arith.constant 0 : i32
        %dma_wait3A_243 = tpu.memref_slice %arg2[%dma_wait3A_241, %dma_wait3A_242] : memref<50000x16xf32, #tpu.memory_space<hbm>> -> memref<128x16xf32, #tpu.memory_space<hbm>>
        %dma_wait3A_244 = arith.constant 0 : i32
        %dma_wait3A_245 = arith.constant 0 : i32
        %dma_wait3A_246 = tpu.memref_slice %arg2[%dma_wait3A_244, %dma_wait3A_245] : memref<50000x16xf32, #tpu.memory_space<hbm>> -> memref<128x16xf32, #tpu.memory_space<hbm>>
        tpu.wait_dma2 semaphore(%arg25 : memref<!tpu.dma_semaphore, #tpu.memory_space<semaphore_mem>>) src(%dma_wait3A_246 : memref<128x16xf32, #tpu.memory_space<hbm>>) dst(%arg17 : memref<128x16xf32, #tpu.memory_space<vmem>>)
        %dma_start3A_247 = arith.constant 0 : i32
        %dma_start3A_248 = tpu.memref_slice %arg10[%add3A_240, %dma_start3A_247] : memref<40x128xi32, #tpu.memory_space<vmem>> -> memref<1x128xi32, #tpu.memory_space<vmem>>
        %dma_start3A_249 = tpu.memref_squeeze %dma_start3A_248 : memref<1x128xi32, #tpu.memory_space<vmem>> -> memref<128xi32, #tpu.memory_space<vmem>>
        %dma_start3A_250 = arith.constant 0 : i32
        %dma_start3A_251 = arith.constant 0 : i32
        %dma_start3A_252 = tpu.memref_slice %arg8[%dma_start3A_250, %dma_start3A_251] : memref<50048x16xf32, #tpu.memory_space<vmem_shared>> -> memref<50048x16xf32, #tpu.memory_space<vmem_shared>>
        tpu.enqueue_indirect_dma source(%arg17 : memref<128x16xf32, #tpu.memory_space<vmem>>) target(%dma_start3A_252 : memref<50048x16xf32, #tpu.memory_space<vmem_shared>>) offsets(%dma_start3A_249 : memref<128xi32, #tpu.memory_space<vmem>>) semaphore(%arg33 : memref<!tpu.dma_semaphore, #tpu.memory_space<semaphore_mem>>) {add = true}
        %ge3A_253 = arith.constant 4 : i32
        %ge3A_254 = arith.cmpi sge, %add3A_240, %ge3A_253 : i32
        %convert_element_type3A_255 = arith.extui %ge3A_254 : i1 to i32
        %cond3A_256 = arith.constant 0 : i32
        %cond3A_257 = arith.cmpi ne, %convert_element_type3A_255, %cond3A_256 : i32
        scf.if %cond3A_257 {
          %dma_wait3A_291 = arith.constant 0 : i32
          %dma_wait3A_292 = arith.constant 0 : i32
          %dma_wait3A_293 = tpu.memref_slice %arg8[%dma_wait3A_291, %dma_wait3A_292] : memref<50048x16xf32, #tpu.memory_space<vmem_shared>> -> memref<128x16xf32, #tpu.memory_space<vmem_shared>>
          %dma_wait3A_294 = arith.constant 0 : i32
          %dma_wait3A_295 = arith.constant 0 : i32
          %dma_wait3A_296 = tpu.memref_slice %arg8[%dma_wait3A_294, %dma_wait3A_295] : memref<50048x16xf32, #tpu.memory_space<vmem_shared>> -> memref<128x16xf32, #tpu.memory_space<vmem_shared>>
          tpu.wait_dma2 semaphore(%arg29 : memref<!tpu.dma_semaphore, #tpu.memory_space<semaphore_mem>>) src(%arg13 : memref<128x16xf32, #tpu.memory_space<vmem>>) dst(%dma_wait3A_296 : memref<128x16xf32, #tpu.memory_space<vmem_shared>>)
        } else {
        }
        %add3A_258 = arith.constant 4 : i32
        %add3A_259 = arith.addi %add3A_240, %add3A_258 : i32
        %lt3A_260 = arith.constant 40 : i32
        %lt3A_261 = arith.cmpi slt, %add3A_259, %lt3A_260 : i32
        %convert_element_type3A_262 = arith.extui %lt3A_261 : i1 to i32
        %cond3A_263 = arith.constant 0 : i32
        %cond3A_264 = arith.cmpi ne, %convert_element_type3A_262, %cond3A_263 : i32
        scf.if %cond3A_264 {
          %add3A_291 = arith.constant 4 : i32
          %add3A_292 = arith.addi %add3A_240, %add3A_291 : i32
          %dma_start3A_293 = arith.constant 0 : i32
          %dma_start3A_294 = tpu.memref_slice %arg9[%add3A_292, %dma_start3A_293] : memref<40x128xi32, #tpu.memory_space<vmem>> -> memref<1x128xi32, #tpu.memory_space<vmem>>
          %dma_start3A_295 = tpu.memref_squeeze %dma_start3A_294 : memref<1x128xi32, #tpu.memory_space<vmem>> -> memref<128xi32, #tpu.memory_space<vmem>>
          %dma_start3A_296 = arith.constant 0 : i32
          %dma_start3A_297 = arith.constant 0 : i32
          %dma_start3A_298 = tpu.memref_slice %arg2[%dma_start3A_296, %dma_start3A_297] : memref<50000x16xf32, #tpu.memory_space<hbm>> -> memref<50000x16xf32, #tpu.memory_space<hbm>>
          tpu.enqueue_indirect_dma source(%dma_start3A_298 : memref<50000x16xf32, #tpu.memory_space<hbm>>) target(%arg13 : memref<128x16xf32, #tpu.memory_space<vmem>>) offsets(%dma_start3A_295 : memref<128xi32, #tpu.memory_space<vmem>>) semaphore(%arg21 : memref<!tpu.dma_semaphore, #tpu.memory_space<semaphore_mem>>)
        } else {
        }
        %add3A_265 = arith.constant 7 : i32
        %add3A_266 = arith.addi %add3A_84, %add3A_265 : i32
        %dma_wait3A_267 = arith.constant 0 : i32
        %dma_wait3A_268 = arith.constant 0 : i32
        %dma_wait3A_269 = tpu.memref_slice %arg2[%dma_wait3A_267, %dma_wait3A_268] : memref<50000x16xf32, #tpu.memory_space<hbm>> -> memref<128x16xf32, #tpu.memory_space<hbm>>
        %dma_wait3A_270 = arith.constant 0 : i32
        %dma_wait3A_271 = arith.constant 0 : i32
        %dma_wait3A_272 = tpu.memref_slice %arg2[%dma_wait3A_270, %dma_wait3A_271] : memref<50000x16xf32, #tpu.memory_space<hbm>> -> memref<128x16xf32, #tpu.memory_space<hbm>>
        tpu.wait_dma2 semaphore(%arg26 : memref<!tpu.dma_semaphore, #tpu.memory_space<semaphore_mem>>) src(%dma_wait3A_272 : memref<128x16xf32, #tpu.memory_space<hbm>>) dst(%arg18 : memref<128x16xf32, #tpu.memory_space<vmem>>)
        %dma_start3A_273 = arith.constant 0 : i32
        %dma_start3A_274 = tpu.memref_slice %arg10[%add3A_266, %dma_start3A_273] : memref<40x128xi32, #tpu.memory_space<vmem>> -> memref<1x128xi32, #tpu.memory_space<vmem>>
        %dma_start3A_275 = tpu.memref_squeeze %dma_start3A_274 : memref<1x128xi32, #tpu.memory_space<vmem>> -> memref<128xi32, #tpu.memory_space<vmem>>
        %dma_start3A_276 = arith.constant 0 : i32
        %dma_start3A_277 = arith.constant 0 : i32
        %dma_start3A_278 = tpu.memref_slice %arg8[%dma_start3A_276, %dma_start3A_277] : memref<50048x16xf32, #tpu.memory_space<vmem_shared>> -> memref<50048x16xf32, #tpu.memory_space<vmem_shared>>
        tpu.enqueue_indirect_dma source(%arg18 : memref<128x16xf32, #tpu.memory_space<vmem>>) target(%dma_start3A_278 : memref<50048x16xf32, #tpu.memory_space<vmem_shared>>) offsets(%dma_start3A_275 : memref<128xi32, #tpu.memory_space<vmem>>) semaphore(%arg34 : memref<!tpu.dma_semaphore, #tpu.memory_space<semaphore_mem>>) {add = true}
        %ge3A_279 = arith.constant 4 : i32
        %ge3A_280 = arith.cmpi sge, %add3A_266, %ge3A_279 : i32
        %convert_element_type3A_281 = arith.extui %ge3A_280 : i1 to i32
        %cond3A_282 = arith.constant 0 : i32
        %cond3A_283 = arith.cmpi ne, %convert_element_type3A_281, %cond3A_282 : i32
        scf.if %cond3A_283 {
          %dma_wait3A_291 = arith.constant 0 : i32
          %dma_wait3A_292 = arith.constant 0 : i32
          %dma_wait3A_293 = tpu.memref_slice %arg8[%dma_wait3A_291, %dma_wait3A_292] : memref<50048x16xf32, #tpu.memory_space<vmem_shared>> -> memref<128x16xf32, #tpu.memory_space<vmem_shared>>
          %dma_wait3A_294 = arith.constant 0 : i32
          %dma_wait3A_295 = arith.constant 0 : i32
          %dma_wait3A_296 = tpu.memref_slice %arg8[%dma_wait3A_294, %dma_wait3A_295] : memref<50048x16xf32, #tpu.memory_space<vmem_shared>> -> memref<128x16xf32, #tpu.memory_space<vmem_shared>>
          tpu.wait_dma2 semaphore(%arg30 : memref<!tpu.dma_semaphore, #tpu.memory_space<semaphore_mem>>) src(%arg14 : memref<128x16xf32, #tpu.memory_space<vmem>>) dst(%dma_wait3A_296 : memref<128x16xf32, #tpu.memory_space<vmem_shared>>)
        } else {
        }
        %add3A_284 = arith.constant 4 : i32
        %add3A_285 = arith.addi %add3A_266, %add3A_284 : i32
        %lt3A_286 = arith.constant 40 : i32
        %lt3A_287 = arith.cmpi slt, %add3A_285, %lt3A_286 : i32
        %convert_element_type3A_288 = arith.extui %lt3A_287 : i1 to i32
        %cond3A_289 = arith.constant 0 : i32
        %cond3A_290 = arith.cmpi ne, %convert_element_type3A_288, %cond3A_289 : i32
        scf.if %cond3A_290 {
          %add3A_291 = arith.constant 4 : i32
          %add3A_292 = arith.addi %add3A_266, %add3A_291 : i32
          %dma_start3A_293 = arith.constant 0 : i32
          %dma_start3A_294 = tpu.memref_slice %arg9[%add3A_292, %dma_start3A_293] : memref<40x128xi32, #tpu.memory_space<vmem>> -> memref<1x128xi32, #tpu.memory_space<vmem>>
          %dma_start3A_295 = tpu.memref_squeeze %dma_start3A_294 : memref<1x128xi32, #tpu.memory_space<vmem>> -> memref<128xi32, #tpu.memory_space<vmem>>
          %dma_start3A_296 = arith.constant 0 : i32
          %dma_start3A_297 = arith.constant 0 : i32
          %dma_start3A_298 = tpu.memref_slice %arg2[%dma_start3A_296, %dma_start3A_297] : memref<50000x16xf32, #tpu.memory_space<hbm>> -> memref<50000x16xf32, #tpu.memory_space<hbm>>
          tpu.enqueue_indirect_dma source(%dma_start3A_298 : memref<50000x16xf32, #tpu.memory_space<hbm>>) target(%arg14 : memref<128x16xf32, #tpu.memory_space<vmem>>) offsets(%dma_start3A_295 : memref<128xi32, #tpu.memory_space<vmem>>) semaphore(%arg22 : memref<!tpu.dma_semaphore, #tpu.memory_space<semaphore_mem>>)
        } else {
        }
      }
      %scan3A_56 = arith.constant 5 : i32
      %dma_wait3A = arith.constant 0 : i32
      %dma_wait3A_57 = arith.constant 0 : i32
      %dma_wait3A_58 = tpu.memref_slice %arg8[%dma_wait3A, %dma_wait3A_57] : memref<50048x16xf32, #tpu.memory_space<vmem_shared>> -> memref<128x16xf32, #tpu.memory_space<vmem_shared>>
      %dma_wait3A_59 = arith.constant 0 : i32
      %dma_wait3A_60 = arith.constant 0 : i32
      %dma_wait3A_61 = tpu.memref_slice %arg8[%dma_wait3A_59, %dma_wait3A_60] : memref<50048x16xf32, #tpu.memory_space<vmem_shared>> -> memref<128x16xf32, #tpu.memory_space<vmem_shared>>
      tpu.wait_dma2 semaphore(%arg31 : memref<!tpu.dma_semaphore, #tpu.memory_space<semaphore_mem>>) src(%arg15 : memref<128x16xf32, #tpu.memory_space<vmem>>) dst(%dma_wait3A_61 : memref<128x16xf32, #tpu.memory_space<vmem_shared>>)
      %dma_wait3A_62 = arith.constant 0 : i32
      %dma_wait3A_63 = arith.constant 0 : i32
      %dma_wait3A_64 = tpu.memref_slice %arg8[%dma_wait3A_62, %dma_wait3A_63] : memref<50048x16xf32, #tpu.memory_space<vmem_shared>> -> memref<128x16xf32, #tpu.memory_space<vmem_shared>>
      %dma_wait3A_65 = arith.constant 0 : i32
      %dma_wait3A_66 = arith.constant 0 : i32
      %dma_wait3A_67 = tpu.memref_slice %arg8[%dma_wait3A_65, %dma_wait3A_66] : memref<50048x16xf32, #tpu.memory_space<vmem_shared>> -> memref<128x16xf32, #tpu.memory_space<vmem_shared>>
      tpu.wait_dma2 semaphore(%arg32 : memref<!tpu.dma_semaphore, #tpu.memory_space<semaphore_mem>>) src(%arg16 : memref<128x16xf32, #tpu.memory_space<vmem>>) dst(%dma_wait3A_67 : memref<128x16xf32, #tpu.memory_space<vmem_shared>>)
      %dma_wait3A_68 = arith.constant 0 : i32
      %dma_wait3A_69 = arith.constant 0 : i32
      %dma_wait3A_70 = tpu.memref_slice %arg8[%dma_wait3A_68, %dma_wait3A_69] : memref<50048x16xf32, #tpu.memory_space<vmem_shared>> -> memref<128x16xf32, #tpu.memory_space<vmem_shared>>
      %dma_wait3A_71 = arith.constant 0 : i32
      %dma_wait3A_72 = arith.constant 0 : i32
      %dma_wait3A_73 = tpu.memref_slice %arg8[%dma_wait3A_71, %dma_wait3A_72] : memref<50048x16xf32, #tpu.memory_space<vmem_shared>> -> memref<128x16xf32, #tpu.memory_space<vmem_shared>>
      tpu.wait_dma2 semaphore(%arg33 : memref<!tpu.dma_semaphore, #tpu.memory_space<semaphore_mem>>) src(%arg17 : memref<128x16xf32, #tpu.memory_space<vmem>>) dst(%dma_wait3A_73 : memref<128x16xf32, #tpu.memory_space<vmem_shared>>)
      %dma_wait3A_74 = arith.constant 0 : i32
      %dma_wait3A_75 = arith.constant 0 : i32
      %dma_wait3A_76 = tpu.memref_slice %arg8[%dma_wait3A_74, %dma_wait3A_75] : memref<50048x16xf32, #tpu.memory_space<vmem_shared>> -> memref<128x16xf32, #tpu.memory_space<vmem_shared>>
      %dma_wait3A_77 = arith.constant 0 : i32
      %dma_wait3A_78 = arith.constant 0 : i32
      %dma_wait3A_79 = tpu.memref_slice %arg8[%dma_wait3A_77, %dma_wait3A_78] : memref<50048x16xf32, #tpu.memory_space<vmem_shared>> -> memref<128x16xf32, #tpu.memory_space<vmem_shared>>
      tpu.wait_dma2 semaphore(%arg34 : memref<!tpu.dma_semaphore, #tpu.memory_space<semaphore_mem>>) src(%arg18 : memref<128x16xf32, #tpu.memory_space<vmem>>) dst(%dma_wait3A_79 : memref<128x16xf32, #tpu.memory_space<vmem_shared>>)
    }
    %scan3A_8 = arith.constant 5 : i32
    %barrier3A_9 = arith.constant 0 : index
    tpu.barrier barrier_id(%barrier3A_9)
    %eq3A = arith.constant 0 : i32
    %eq3A_10 = arith.cmpi eq, %arg0, %eq3A : i32
    %convert_element_type3A = arith.extui %eq3A_10 : i1 to i32
    %cond3A = arith.constant 0 : i32
    %cond3A_11 = arith.cmpi ne, %convert_element_type3A, %cond3A : i32
    scf.if %cond3A_11 {
      "tpu.region"() ({
        %run_scoped3A = tpu.sem_alloc : memref<!tpu.dma_semaphore, #tpu.memory_space<semaphore_mem>>
        %dma_start3A = arith.constant 0 : i32
        %dma_start3A_17 = tpu.memref_slice %arg6[%mul3A_2, %dma_start3A] : memref<50048x16xf32, #tpu.memory_space<hbm>> -> memref<3128x16xf32, #tpu.memory_space<hbm>>
        %dma_start3A_18 = arith.constant 0 : i32
        %dma_start3A_19 = tpu.memref_slice %arg8[%mul3A_2, %dma_start3A_18] : memref<50048x16xf32, #tpu.memory_space<vmem_shared>> -> memref<3128x16xf32, #tpu.memory_space<vmem_shared>>
        tpu.enqueue_dma source(%dma_start3A_19 : memref<3128x16xf32, #tpu.memory_space<vmem_shared>>) target(%dma_start3A_17 : memref<3128x16xf32, #tpu.memory_space<hbm>>) target_semaphore(%run_scoped3A : memref<!tpu.dma_semaphore, #tpu.memory_space<semaphore_mem>>)
        %dma_wait3A = arith.constant 0 : i32
        %dma_wait3A_20 = tpu.memref_slice %arg6[%mul3A_2, %dma_wait3A] : memref<50048x16xf32, #tpu.memory_space<hbm>> -> memref<3128x16xf32, #tpu.memory_space<hbm>>
        %dma_wait3A_21 = arith.constant 0 : i32
        %dma_wait3A_22 = tpu.memref_slice %arg8[%mul3A_2, %dma_wait3A_21] : memref<50048x16xf32, #tpu.memory_space<vmem_shared>> -> memref<3128x16xf32, #tpu.memory_space<vmem_shared>>
        tpu.wait_dma2 semaphore(%run_scoped3A : memref<!tpu.dma_semaphore, #tpu.memory_space<semaphore_mem>>) src(%dma_wait3A_22 : memref<3128x16xf32, #tpu.memory_space<vmem_shared>>) dst(%dma_wait3A_20 : memref<3128x16xf32, #tpu.memory_space<hbm>>)
        tpu.yield
      }) : () -> ()
    } else {
    }
    %eq3A_12 = arith.constant 1 : i32
    %eq3A_13 = arith.cmpi eq, %arg0, %eq3A_12 : i32
    %convert_element_type3A_14 = arith.extui %eq3A_13 : i1 to i32
    %cond3A_15 = arith.constant 0 : i32
    %cond3A_16 = arith.cmpi ne, %convert_element_type3A_14, %cond3A_15 : i32
    scf.if %cond3A_16 {
      "tpu.region"() ({
        %run_scoped3A = tpu.sem_alloc : memref<!tpu.dma_semaphore, #tpu.memory_space<semaphore_mem>>
        %dma_start3A = arith.constant 0 : i32
        %dma_start3A_17 = tpu.memref_slice %arg7[%mul3A_2, %dma_start3A] : memref<50048x16xf32, #tpu.memory_space<hbm>> -> memref<3128x16xf32, #tpu.memory_space<hbm>>
        %dma_start3A_18 = arith.constant 0 : i32
        %dma_start3A_19 = tpu.memref_slice %arg8[%mul3A_2, %dma_start3A_18] : memref<50048x16xf32, #tpu.memory_space<vmem_shared>> -> memref<3128x16xf32, #tpu.memory_space<vmem_shared>>
        tpu.enqueue_dma source(%dma_start3A_19 : memref<3128x16xf32, #tpu.memory_space<vmem_shared>>) target(%dma_start3A_17 : memref<3128x16xf32, #tpu.memory_space<hbm>>) target_semaphore(%run_scoped3A : memref<!tpu.dma_semaphore, #tpu.memory_space<semaphore_mem>>)
        %dma_wait3A = arith.constant 0 : i32
        %dma_wait3A_20 = tpu.memref_slice %arg7[%mul3A_2, %dma_wait3A] : memref<50048x16xf32, #tpu.memory_space<hbm>> -> memref<3128x16xf32, #tpu.memory_space<hbm>>
        %dma_wait3A_21 = arith.constant 0 : i32
        %dma_wait3A_22 = tpu.memref_slice %arg8[%mul3A_2, %dma_wait3A_21] : memref<50048x16xf32, #tpu.memory_space<vmem_shared>> -> memref<3128x16xf32, #tpu.memory_space<vmem_shared>>
        tpu.wait_dma2 semaphore(%run_scoped3A : memref<!tpu.dma_semaphore, #tpu.memory_space<semaphore_mem>>) src(%dma_wait3A_22 : memref<3128x16xf32, #tpu.memory_space<vmem_shared>>) dst(%dma_wait3A_20 : memref<3128x16xf32, #tpu.memory_space<hbm>>)
        tpu.yield
      }) : () -> ()
    } else {
    }
    return
  }
}

#map = affine_map<(d0, d1) -> (0, 0)>
module attributes {stable_mosaic.version = 14 : i64} {
  func.func @_agg32_body(%arg0: i32, %arg1: i32, %arg2: memref<50000x32xf32, #tpu.memory_space<hbm>>, %arg3: memref<50000x32xf32, #tpu.memory_space<hbm>>, %arg4: memref<6400x128xi32, #tpu.memory_space<hbm>>, %arg5: memref<6400x128xi32, #tpu.memory_space<hbm>>, %arg6: memref<50048x32xf32, #tpu.memory_space<hbm>>, %arg7: memref<50048x32xf32, #tpu.memory_space<hbm>>, %arg8: memref<50048x32xf32, #tpu.memory_space<hbm>>, %arg9: memref<50048x32xf32, #tpu.memory_space<vmem_shared>>, %arg10: memref<40x128xi32, #tpu.memory_space<vmem>>, %arg11: memref<40x128xi32, #tpu.memory_space<vmem>>, %arg12: memref<128x32xf32, #tpu.memory_space<vmem>>, %arg13: memref<128x32xf32, #tpu.memory_space<vmem>>, %arg14: memref<128x32xf32, #tpu.memory_space<vmem>>, %arg15: memref<128x32xf32, #tpu.memory_space<vmem>>, %arg16: memref<!tpu.dma_semaphore, #tpu.memory_space<semaphore_mem>>, %arg17: memref<!tpu.dma_semaphore, #tpu.memory_space<semaphore_mem>>, %arg18: memref<!tpu.dma_semaphore, #tpu.memory_space<semaphore_mem>>, %arg19: memref<!tpu.dma_semaphore, #tpu.memory_space<semaphore_mem>>, %arg20: memref<!tpu.dma_semaphore, #tpu.memory_space<semaphore_mem>>, %arg21: memref<!tpu.dma_semaphore, #tpu.memory_space<semaphore_mem>>, %arg22: memref<!tpu.dma_semaphore, #tpu.memory_space<semaphore_mem>>, %arg23: memref<!tpu.dma_semaphore, #tpu.memory_space<semaphore_mem>>) attributes {dimension_semantics = [#tpu.dimension_semantics<core_parallel>, #tpu.dimension_semantics<subcore_parallel>], iteration_bounds = array<i64: 2, 16>, scalar_prefetch = 0 : i64, scratch_operands = 15 : i64, tpu.core_type = #tpu.core_type<sc_vector_subcore>, window_params = [{transform_indices = #map}, {transform_indices = #map}, {transform_indices = #map}, {transform_indices = #map}, {transform_indices = #map}, {transform_indices = #map}, {transform_indices = #map}]} {
    %mul3A = arith.constant 3128 : i32
    %mul3A_0 = arith.muli %arg1, %mul3A : i32
    "tpu.region"() ({
      %run_scoped3A = tpu.sem_alloc : memref<!tpu.dma_semaphore, #tpu.memory_space<semaphore_mem>>
      %dma_start3A = arith.constant 0 : i32
      %dma_start3A_21 = tpu.memref_slice %arg9[%mul3A_0, %dma_start3A] : memref<50048x32xf32, #tpu.memory_space<vmem_shared>> -> memref<3128x32xf32, #tpu.memory_space<vmem_shared>>
      %dma_start3A_22 = arith.constant 0 : i32
      %dma_start3A_23 = tpu.memref_slice %arg6[%mul3A_0, %dma_start3A_22] : memref<50048x32xf32, #tpu.memory_space<hbm>> -> memref<3128x32xf32, #tpu.memory_space<hbm>>
      tpu.enqueue_dma source(%dma_start3A_23 : memref<3128x32xf32, #tpu.memory_space<hbm>>) target(%dma_start3A_21 : memref<3128x32xf32, #tpu.memory_space<vmem_shared>>) target_semaphore(%run_scoped3A : memref<!tpu.dma_semaphore, #tpu.memory_space<semaphore_mem>>)
      %dma_wait3A = arith.constant 0 : i32
      %dma_wait3A_24 = tpu.memref_slice %arg9[%mul3A_0, %dma_wait3A] : memref<50048x32xf32, #tpu.memory_space<vmem_shared>> -> memref<3128x32xf32, #tpu.memory_space<vmem_shared>>
      %dma_wait3A_25 = arith.constant 0 : i32
      %dma_wait3A_26 = tpu.memref_slice %arg6[%mul3A_0, %dma_wait3A_25] : memref<50048x32xf32, #tpu.memory_space<hbm>> -> memref<3128x32xf32, #tpu.memory_space<hbm>>
      tpu.wait_dma2 semaphore(%run_scoped3A : memref<!tpu.dma_semaphore, #tpu.memory_space<semaphore_mem>>) src(%dma_wait3A_26 : memref<3128x32xf32, #tpu.memory_space<hbm>>) dst(%dma_wait3A_24 : memref<3128x32xf32, #tpu.memory_space<vmem_shared>>)
      tpu.yield
    }) : () -> ()
    %barrier3A = arith.constant 0 : index
    tpu.barrier barrier_id(%barrier3A)
    %mul3A_1 = arith.constant 400 : i32
    %mul3A_2 = arith.muli %arg1, %mul3A_1 : i32
    %eq3A = arith.constant 0 : i32
    %eq3A_3 = arith.cmpi eq, %arg0, %eq3A : i32
    %convert_element_type3A = arith.extui %eq3A_3 : i1 to i32
    %cond3A = arith.constant 0 : i32
    %cond3A_4 = arith.cmpi ne, %convert_element_type3A, %cond3A : i32
    scf.if %cond3A_4 {
      %scan3A = arith.constant 0 : i32
      %scan3A_21 = arith.constant 10 : i32
      %scan3A_22 = arith.addi %scan3A, %scan3A_21 : i32
      %scan3A_23 = arith.constant 1 : i32
      scf.for %scan3A_25 = %scan3A to %scan3A_22 step %scan3A_23  : i32 {
        %mul3A_26 = arith.constant 1 : i32
        %mul3A_27 = arith.muli %scan3A_25, %mul3A_26 : i32
        %add3A = arith.constant 0 : i32
        %add3A_28 = arith.addi %add3A, %mul3A_27 : i32
        %mul3A_29 = arith.constant 40 : i32
        %mul3A_30 = arith.muli %add3A_28, %mul3A_29 : i32
        %add3A_31 = arith.addi %mul3A_2, %mul3A_30 : i32
        "tpu.region"() ({
          %run_scoped3A = tpu.sem_alloc : memref<!tpu.dma_semaphore, #tpu.memory_space<semaphore_mem>>
          %dma_start3A_61 = arith.constant 0 : i32
          %dma_start3A_62 = tpu.memref_slice %arg4[%add3A_31, %dma_start3A_61] : memref<6400x128xi32, #tpu.memory_space<hbm>> -> memref<40x128xi32, #tpu.memory_space<hbm>>
          %dma_start3A_63 = arith.constant 0 : i32
          %dma_start3A_64 = tpu.memref_slice %arg4[%add3A_31, %dma_start3A_63] : memref<6400x128xi32, #tpu.memory_space<hbm>> -> memref<40x128xi32, #tpu.memory_space<hbm>>
          tpu.enqueue_dma source(%dma_start3A_64 : memref<40x128xi32, #tpu.memory_space<hbm>>) target(%arg10 : memref<40x128xi32, #tpu.memory_space<vmem>>) target_semaphore(%run_scoped3A : memref<!tpu.dma_semaphore, #tpu.memory_space<semaphore_mem>>)
          %dma_wait3A_65 = arith.constant 0 : i32
          %dma_wait3A_66 = tpu.memref_slice %arg4[%add3A_31, %dma_wait3A_65] : memref<6400x128xi32, #tpu.memory_space<hbm>> -> memref<40x128xi32, #tpu.memory_space<hbm>>
          %dma_wait3A_67 = arith.constant 0 : i32
          %dma_wait3A_68 = tpu.memref_slice %arg4[%add3A_31, %dma_wait3A_67] : memref<6400x128xi32, #tpu.memory_space<hbm>> -> memref<40x128xi32, #tpu.memory_space<hbm>>
          tpu.wait_dma2 semaphore(%run_scoped3A : memref<!tpu.dma_semaphore, #tpu.memory_space<semaphore_mem>>) src(%dma_wait3A_68 : memref<40x128xi32, #tpu.memory_space<hbm>>) dst(%arg10 : memref<40x128xi32, #tpu.memory_space<vmem>>)
          tpu.yield
        }) : () -> ()
        "tpu.region"() ({
          %run_scoped3A = tpu.sem_alloc : memref<!tpu.dma_semaphore, #tpu.memory_space<semaphore_mem>>
          %dma_start3A_61 = arith.constant 0 : i32
          %dma_start3A_62 = tpu.memref_slice %arg5[%add3A_31, %dma_start3A_61] : memref<6400x128xi32, #tpu.memory_space<hbm>> -> memref<40x128xi32, #tpu.memory_space<hbm>>
          %dma_start3A_63 = arith.constant 0 : i32
          %dma_start3A_64 = tpu.memref_slice %arg5[%add3A_31, %dma_start3A_63] : memref<6400x128xi32, #tpu.memory_space<hbm>> -> memref<40x128xi32, #tpu.memory_space<hbm>>
          tpu.enqueue_dma source(%dma_start3A_64 : memref<40x128xi32, #tpu.memory_space<hbm>>) target(%arg11 : memref<40x128xi32, #tpu.memory_space<vmem>>) target_semaphore(%run_scoped3A : memref<!tpu.dma_semaphore, #tpu.memory_space<semaphore_mem>>)
          %dma_wait3A_65 = arith.constant 0 : i32
          %dma_wait3A_66 = tpu.memref_slice %arg5[%add3A_31, %dma_wait3A_65] : memref<6400x128xi32, #tpu.memory_space<hbm>> -> memref<40x128xi32, #tpu.memory_space<hbm>>
          %dma_wait3A_67 = arith.constant 0 : i32
          %dma_wait3A_68 = tpu.memref_slice %arg5[%add3A_31, %dma_wait3A_67] : memref<6400x128xi32, #tpu.memory_space<hbm>> -> memref<40x128xi32, #tpu.memory_space<hbm>>
          tpu.wait_dma2 semaphore(%run_scoped3A : memref<!tpu.dma_semaphore, #tpu.memory_space<semaphore_mem>>) src(%dma_wait3A_68 : memref<40x128xi32, #tpu.memory_space<hbm>>) dst(%arg11 : memref<40x128xi32, #tpu.memory_space<vmem>>)
          tpu.yield
        }) : () -> ()
        %dma_start3A = arith.constant 0 : i32
        %dma_start3A_32 = arith.constant 0 : i32
        %dma_start3A_33 = tpu.memref_slice %arg10[%dma_start3A, %dma_start3A_32] : memref<40x128xi32, #tpu.memory_space<vmem>> -> memref<1x128xi32, #tpu.memory_space<vmem>>
        %dma_start3A_34 = tpu.memref_squeeze %dma_start3A_33 : memref<1x128xi32, #tpu.memory_space<vmem>> -> memref<128xi32, #tpu.memory_space<vmem>>
        %dma_start3A_35 = arith.constant 0 : i32
        %dma_start3A_36 = arith.constant 0 : i32
        %dma_start3A_37 = tpu.memref_slice %arg2[%dma_start3A_35, %dma_start3A_36] : memref<50000x32xf32, #tpu.memory_space<hbm>> -> memref<50000x32xf32, #tpu.memory_space<hbm>>
        tpu.enqueue_indirect_dma source(%dma_start3A_37 : memref<50000x32xf32, #tpu.memory_space<hbm>>) target(%arg12 : memref<128x32xf32, #tpu.memory_space<vmem>>) offsets(%dma_start3A_34 : memref<128xi32, #tpu.memory_space<vmem>>) semaphore(%arg16 : memref<!tpu.dma_semaphore, #tpu.memory_space<semaphore_mem>>)
        %dma_start3A_38 = arith.constant 1 : i32
        %dma_start3A_39 = arith.constant 0 : i32
        %dma_start3A_40 = tpu.memref_slice %arg10[%dma_start3A_38, %dma_start3A_39] : memref<40x128xi32, #tpu.memory_space<vmem>> -> memref<1x128xi32, #tpu.memory_space<vmem>>
        %dma_start3A_41 = tpu.memref_squeeze %dma_start3A_40 : memref<1x128xi32, #tpu.memory_space<vmem>> -> memref<128xi32, #tpu.memory_space<vmem>>
        %dma_start3A_42 = arith.constant 0 : i32
        %dma_start3A_43 = arith.constant 0 : i32
        %dma_start3A_44 = tpu.memref_slice %arg2[%dma_start3A_42, %dma_start3A_43] : memref<50000x32xf32, #tpu.memory_space<hbm>> -> memref<50000x32xf32, #tpu.memory_space<hbm>>
        tpu.enqueue_indirect_dma source(%dma_start3A_44 : memref<50000x32xf32, #tpu.memory_space<hbm>>) target(%arg13 : memref<128x32xf32, #tpu.memory_space<vmem>>) offsets(%dma_start3A_41 : memref<128xi32, #tpu.memory_space<vmem>>) semaphore(%arg17 : memref<!tpu.dma_semaphore, #tpu.memory_space<semaphore_mem>>)
        %scan3A_45 = arith.constant 0 : i32
        %scan3A_46 = arith.constant 10 : i32
        %scan3A_47 = arith.addi %scan3A_45, %scan3A_46 : i32
        %scan3A_48 = arith.constant 1 : i32
        scf.for %scan3A_61 = %scan3A_45 to %scan3A_47 step %scan3A_48  : i32 {
          %mul3A_62 = arith.constant 4 : i32
          %mul3A_63 = arith.muli %scan3A_61, %mul3A_62 : i32
          %add3A_64 = arith.constant 0 : i32
          %add3A_65 = arith.addi %add3A_64, %mul3A_63 : i32
          %add3A_66 = arith.constant 0 : i32
          %add3A_67 = arith.addi %add3A_65, %add3A_66 : i32
          %dma_wait3A_68 = arith.constant 0 : i32
          %dma_wait3A_69 = arith.constant 0 : i32
          %dma_wait3A_70 = tpu.memref_slice %arg2[%dma_wait3A_68, %dma_wait3A_69] : memref<50000x32xf32, #tpu.memory_space<hbm>> -> memref<128x32xf32, #tpu.memory_space<hbm>>
          %dma_wait3A_71 = arith.constant 0 : i32
          %dma_wait3A_72 = arith.constant 0 : i32
          %dma_wait3A_73 = tpu.memref_slice %arg2[%dma_wait3A_71, %dma_wait3A_72] : memref<50000x32xf32, #tpu.memory_space<hbm>> -> memref<128x32xf32, #tpu.memory_space<hbm>>
          tpu.wait_dma2 semaphore(%arg16 : memref<!tpu.dma_semaphore, #tpu.memory_space<semaphore_mem>>) src(%dma_wait3A_73 : memref<128x32xf32, #tpu.memory_space<hbm>>) dst(%arg12 : memref<128x32xf32, #tpu.memory_space<vmem>>)
          %dma_start3A_74 = arith.constant 0 : i32
          %dma_start3A_75 = tpu.memref_slice %arg11[%add3A_67, %dma_start3A_74] : memref<40x128xi32, #tpu.memory_space<vmem>> -> memref<1x128xi32, #tpu.memory_space<vmem>>
          %dma_start3A_76 = tpu.memref_squeeze %dma_start3A_75 : memref<1x128xi32, #tpu.memory_space<vmem>> -> memref<128xi32, #tpu.memory_space<vmem>>
          %dma_start3A_77 = arith.constant 0 : i32
          %dma_start3A_78 = arith.constant 0 : i32
          %dma_start3A_79 = tpu.memref_slice %arg9[%dma_start3A_77, %dma_start3A_78] : memref<50048x32xf32, #tpu.memory_space<vmem_shared>> -> memref<50048x32xf32, #tpu.memory_space<vmem_shared>>
          tpu.enqueue_indirect_dma source(%arg12 : memref<128x32xf32, #tpu.memory_space<vmem>>) target(%dma_start3A_79 : memref<50048x32xf32, #tpu.memory_space<vmem_shared>>) offsets(%dma_start3A_76 : memref<128xi32, #tpu.memory_space<vmem>>) semaphore(%arg20 : memref<!tpu.dma_semaphore, #tpu.memory_space<semaphore_mem>>) {add = true}
          %ge3A = arith.constant 2 : i32
          %ge3A_80 = arith.cmpi sge, %add3A_67, %ge3A : i32
          %convert_element_type3A_81 = arith.extui %ge3A_80 : i1 to i32
          %cond3A_82 = arith.constant 0 : i32
          %cond3A_83 = arith.cmpi ne, %convert_element_type3A_81, %cond3A_82 : i32
          scf.if %cond3A_83 {
            %dma_wait3A_168 = arith.constant 0 : i32
            %dma_wait3A_169 = arith.constant 0 : i32
            %dma_wait3A_170 = tpu.memref_slice %arg9[%dma_wait3A_168, %dma_wait3A_169] : memref<50048x32xf32, #tpu.memory_space<vmem_shared>> -> memref<128x32xf32, #tpu.memory_space<vmem_shared>>
            %dma_wait3A_171 = arith.constant 0 : i32
            %dma_wait3A_172 = arith.constant 0 : i32
            %dma_wait3A_173 = tpu.memref_slice %arg9[%dma_wait3A_171, %dma_wait3A_172] : memref<50048x32xf32, #tpu.memory_space<vmem_shared>> -> memref<128x32xf32, #tpu.memory_space<vmem_shared>>
            tpu.wait_dma2 semaphore(%arg22 : memref<!tpu.dma_semaphore, #tpu.memory_space<semaphore_mem>>) src(%arg14 : memref<128x32xf32, #tpu.memory_space<vmem>>) dst(%dma_wait3A_173 : memref<128x32xf32, #tpu.memory_space<vmem_shared>>)
          } else {
          }
          %add3A_84 = arith.constant 2 : i32
          %add3A_85 = arith.addi %add3A_67, %add3A_84 : i32
          %lt3A = arith.constant 40 : i32
          %lt3A_86 = arith.cmpi slt, %add3A_85, %lt3A : i32
          %convert_element_type3A_87 = arith.extui %lt3A_86 : i1 to i32
          %cond3A_88 = arith.constant 0 : i32
          %cond3A_89 = arith.cmpi ne, %convert_element_type3A_87, %cond3A_88 : i32
          scf.if %cond3A_89 {
            %add3A_168 = arith.constant 2 : i32
            %add3A_169 = arith.addi %add3A_67, %add3A_168 : i32
            %dma_start3A_170 = arith.constant 0 : i32
            %dma_start3A_171 = tpu.memref_slice %arg10[%add3A_169, %dma_start3A_170] : memref<40x128xi32, #tpu.memory_space<vmem>> -> memref<1x128xi32, #tpu.memory_space<vmem>>
            %dma_start3A_172 = tpu.memref_squeeze %dma_start3A_171 : memref<1x128xi32, #tpu.memory_space<vmem>> -> memref<128xi32, #tpu.memory_space<vmem>>
            %dma_start3A_173 = arith.constant 0 : i32
            %dma_start3A_174 = arith.constant 0 : i32
            %dma_start3A_175 = tpu.memref_slice %arg2[%dma_start3A_173, %dma_start3A_174] : memref<50000x32xf32, #tpu.memory_space<hbm>> -> memref<50000x32xf32, #tpu.memory_space<hbm>>
            tpu.enqueue_indirect_dma source(%dma_start3A_175 : memref<50000x32xf32, #tpu.memory_space<hbm>>) target(%arg14 : memref<128x32xf32, #tpu.memory_space<vmem>>) offsets(%dma_start3A_172 : memref<128xi32, #tpu.memory_space<vmem>>) semaphore(%arg18 : memref<!tpu.dma_semaphore, #tpu.memory_space<semaphore_mem>>)
          } else {
          }
          %add3A_90 = arith.constant 1 : i32
          %add3A_91 = arith.addi %add3A_65, %add3A_90 : i32
          %dma_wait3A_92 = arith.constant 0 : i32
          %dma_wait3A_93 = arith.constant 0 : i32
          %dma_wait3A_94 = tpu.memref_slice %arg2[%dma_wait3A_92, %dma_wait3A_93] : memref<50000x32xf32, #tpu.memory_space<hbm>> -> memref<128x32xf32, #tpu.memory_space<hbm>>
          %dma_wait3A_95 = arith.constant 0 : i32
          %dma_wait3A_96 = arith.constant 0 : i32
          %dma_wait3A_97 = tpu.memref_slice %arg2[%dma_wait3A_95, %dma_wait3A_96] : memref<50000x32xf32, #tpu.memory_space<hbm>> -> memref<128x32xf32, #tpu.memory_space<hbm>>
          tpu.wait_dma2 semaphore(%arg17 : memref<!tpu.dma_semaphore, #tpu.memory_space<semaphore_mem>>) src(%dma_wait3A_97 : memref<128x32xf32, #tpu.memory_space<hbm>>) dst(%arg13 : memref<128x32xf32, #tpu.memory_space<vmem>>)
          %dma_start3A_98 = arith.constant 0 : i32
          %dma_start3A_99 = tpu.memref_slice %arg11[%add3A_91, %dma_start3A_98] : memref<40x128xi32, #tpu.memory_space<vmem>> -> memref<1x128xi32, #tpu.memory_space<vmem>>
          %dma_start3A_100 = tpu.memref_squeeze %dma_start3A_99 : memref<1x128xi32, #tpu.memory_space<vmem>> -> memref<128xi32, #tpu.memory_space<vmem>>
          %dma_start3A_101 = arith.constant 0 : i32
          %dma_start3A_102 = arith.constant 0 : i32
          %dma_start3A_103 = tpu.memref_slice %arg9[%dma_start3A_101, %dma_start3A_102] : memref<50048x32xf32, #tpu.memory_space<vmem_shared>> -> memref<50048x32xf32, #tpu.memory_space<vmem_shared>>
          tpu.enqueue_indirect_dma source(%arg13 : memref<128x32xf32, #tpu.memory_space<vmem>>) target(%dma_start3A_103 : memref<50048x32xf32, #tpu.memory_space<vmem_shared>>) offsets(%dma_start3A_100 : memref<128xi32, #tpu.memory_space<vmem>>) semaphore(%arg21 : memref<!tpu.dma_semaphore, #tpu.memory_space<semaphore_mem>>) {add = true}
          %ge3A_104 = arith.constant 2 : i32
          %ge3A_105 = arith.cmpi sge, %add3A_91, %ge3A_104 : i32
          %convert_element_type3A_106 = arith.extui %ge3A_105 : i1 to i32
          %cond3A_107 = arith.constant 0 : i32
          %cond3A_108 = arith.cmpi ne, %convert_element_type3A_106, %cond3A_107 : i32
          scf.if %cond3A_108 {
            %dma_wait3A_168 = arith.constant 0 : i32
            %dma_wait3A_169 = arith.constant 0 : i32
            %dma_wait3A_170 = tpu.memref_slice %arg9[%dma_wait3A_168, %dma_wait3A_169] : memref<50048x32xf32, #tpu.memory_space<vmem_shared>> -> memref<128x32xf32, #tpu.memory_space<vmem_shared>>
            %dma_wait3A_171 = arith.constant 0 : i32
            %dma_wait3A_172 = arith.constant 0 : i32
            %dma_wait3A_173 = tpu.memref_slice %arg9[%dma_wait3A_171, %dma_wait3A_172] : memref<50048x32xf32, #tpu.memory_space<vmem_shared>> -> memref<128x32xf32, #tpu.memory_space<vmem_shared>>
            tpu.wait_dma2 semaphore(%arg23 : memref<!tpu.dma_semaphore, #tpu.memory_space<semaphore_mem>>) src(%arg15 : memref<128x32xf32, #tpu.memory_space<vmem>>) dst(%dma_wait3A_173 : memref<128x32xf32, #tpu.memory_space<vmem_shared>>)
          } else {
          }
          %add3A_109 = arith.constant 2 : i32
          %add3A_110 = arith.addi %add3A_91, %add3A_109 : i32
          %lt3A_111 = arith.constant 40 : i32
          %lt3A_112 = arith.cmpi slt, %add3A_110, %lt3A_111 : i32
          %convert_element_type3A_113 = arith.extui %lt3A_112 : i1 to i32
          %cond3A_114 = arith.constant 0 : i32
          %cond3A_115 = arith.cmpi ne, %convert_element_type3A_113, %cond3A_114 : i32
          scf.if %cond3A_115 {
            %add3A_168 = arith.constant 2 : i32
            %add3A_169 = arith.addi %add3A_91, %add3A_168 : i32
            %dma_start3A_170 = arith.constant 0 : i32
            %dma_start3A_171 = tpu.memref_slice %arg10[%add3A_169, %dma_start3A_170] : memref<40x128xi32, #tpu.memory_space<vmem>> -> memref<1x128xi32, #tpu.memory_space<vmem>>
            %dma_start3A_172 = tpu.memref_squeeze %dma_start3A_171 : memref<1x128xi32, #tpu.memory_space<vmem>> -> memref<128xi32, #tpu.memory_space<vmem>>
            %dma_start3A_173 = arith.constant 0 : i32
            %dma_start3A_174 = arith.constant 0 : i32
            %dma_start3A_175 = tpu.memref_slice %arg2[%dma_start3A_173, %dma_start3A_174] : memref<50000x32xf32, #tpu.memory_space<hbm>> -> memref<50000x32xf32, #tpu.memory_space<hbm>>
            tpu.enqueue_indirect_dma source(%dma_start3A_175 : memref<50000x32xf32, #tpu.memory_space<hbm>>) target(%arg15 : memref<128x32xf32, #tpu.memory_space<vmem>>) offsets(%dma_start3A_172 : memref<128xi32, #tpu.memory_space<vmem>>) semaphore(%arg19 : memref<!tpu.dma_semaphore, #tpu.memory_space<semaphore_mem>>)
          } else {
          }
          %add3A_116 = arith.constant 2 : i32
          %add3A_117 = arith.addi %add3A_65, %add3A_116 : i32
          %dma_wait3A_118 = arith.constant 0 : i32
          %dma_wait3A_119 = arith.constant 0 : i32
          %dma_wait3A_120 = tpu.memref_slice %arg2[%dma_wait3A_118, %dma_wait3A_119] : memref<50000x32xf32, #tpu.memory_space<hbm>> -> memref<128x32xf32, #tpu.memory_space<hbm>>
          %dma_wait3A_121 = arith.constant 0 : i32
          %dma_wait3A_122 = arith.constant 0 : i32
          %dma_wait3A_123 = tpu.memref_slice %arg2[%dma_wait3A_121, %dma_wait3A_122] : memref<50000x32xf32, #tpu.memory_space<hbm>> -> memref<128x32xf32, #tpu.memory_space<hbm>>
          tpu.wait_dma2 semaphore(%arg18 : memref<!tpu.dma_semaphore, #tpu.memory_space<semaphore_mem>>) src(%dma_wait3A_123 : memref<128x32xf32, #tpu.memory_space<hbm>>) dst(%arg14 : memref<128x32xf32, #tpu.memory_space<vmem>>)
          %dma_start3A_124 = arith.constant 0 : i32
          %dma_start3A_125 = tpu.memref_slice %arg11[%add3A_117, %dma_start3A_124] : memref<40x128xi32, #tpu.memory_space<vmem>> -> memref<1x128xi32, #tpu.memory_space<vmem>>
          %dma_start3A_126 = tpu.memref_squeeze %dma_start3A_125 : memref<1x128xi32, #tpu.memory_space<vmem>> -> memref<128xi32, #tpu.memory_space<vmem>>
          %dma_start3A_127 = arith.constant 0 : i32
          %dma_start3A_128 = arith.constant 0 : i32
          %dma_start3A_129 = tpu.memref_slice %arg9[%dma_start3A_127, %dma_start3A_128] : memref<50048x32xf32, #tpu.memory_space<vmem_shared>> -> memref<50048x32xf32, #tpu.memory_space<vmem_shared>>
          tpu.enqueue_indirect_dma source(%arg14 : memref<128x32xf32, #tpu.memory_space<vmem>>) target(%dma_start3A_129 : memref<50048x32xf32, #tpu.memory_space<vmem_shared>>) offsets(%dma_start3A_126 : memref<128xi32, #tpu.memory_space<vmem>>) semaphore(%arg22 : memref<!tpu.dma_semaphore, #tpu.memory_space<semaphore_mem>>) {add = true}
          %ge3A_130 = arith.constant 2 : i32
          %ge3A_131 = arith.cmpi sge, %add3A_117, %ge3A_130 : i32
          %convert_element_type3A_132 = arith.extui %ge3A_131 : i1 to i32
          %cond3A_133 = arith.constant 0 : i32
          %cond3A_134 = arith.cmpi ne, %convert_element_type3A_132, %cond3A_133 : i32
          scf.if %cond3A_134 {
            %dma_wait3A_168 = arith.constant 0 : i32
            %dma_wait3A_169 = arith.constant 0 : i32
            %dma_wait3A_170 = tpu.memref_slice %arg9[%dma_wait3A_168, %dma_wait3A_169] : memref<50048x32xf32, #tpu.memory_space<vmem_shared>> -> memref<128x32xf32, #tpu.memory_space<vmem_shared>>
            %dma_wait3A_171 = arith.constant 0 : i32
            %dma_wait3A_172 = arith.constant 0 : i32
            %dma_wait3A_173 = tpu.memref_slice %arg9[%dma_wait3A_171, %dma_wait3A_172] : memref<50048x32xf32, #tpu.memory_space<vmem_shared>> -> memref<128x32xf32, #tpu.memory_space<vmem_shared>>
            tpu.wait_dma2 semaphore(%arg20 : memref<!tpu.dma_semaphore, #tpu.memory_space<semaphore_mem>>) src(%arg12 : memref<128x32xf32, #tpu.memory_space<vmem>>) dst(%dma_wait3A_173 : memref<128x32xf32, #tpu.memory_space<vmem_shared>>)
          } else {
          }
          %add3A_135 = arith.constant 2 : i32
          %add3A_136 = arith.addi %add3A_117, %add3A_135 : i32
          %lt3A_137 = arith.constant 40 : i32
          %lt3A_138 = arith.cmpi slt, %add3A_136, %lt3A_137 : i32
          %convert_element_type3A_139 = arith.extui %lt3A_138 : i1 to i32
          %cond3A_140 = arith.constant 0 : i32
          %cond3A_141 = arith.cmpi ne, %convert_element_type3A_139, %cond3A_140 : i32
          scf.if %cond3A_141 {
            %add3A_168 = arith.constant 2 : i32
            %add3A_169 = arith.addi %add3A_117, %add3A_168 : i32
            %dma_start3A_170 = arith.constant 0 : i32
            %dma_start3A_171 = tpu.memref_slice %arg10[%add3A_169, %dma_start3A_170] : memref<40x128xi32, #tpu.memory_space<vmem>> -> memref<1x128xi32, #tpu.memory_space<vmem>>
            %dma_start3A_172 = tpu.memref_squeeze %dma_start3A_171 : memref<1x128xi32, #tpu.memory_space<vmem>> -> memref<128xi32, #tpu.memory_space<vmem>>
            %dma_start3A_173 = arith.constant 0 : i32
            %dma_start3A_174 = arith.constant 0 : i32
            %dma_start3A_175 = tpu.memref_slice %arg2[%dma_start3A_173, %dma_start3A_174] : memref<50000x32xf32, #tpu.memory_space<hbm>> -> memref<50000x32xf32, #tpu.memory_space<hbm>>
            tpu.enqueue_indirect_dma source(%dma_start3A_175 : memref<50000x32xf32, #tpu.memory_space<hbm>>) target(%arg12 : memref<128x32xf32, #tpu.memory_space<vmem>>) offsets(%dma_start3A_172 : memref<128xi32, #tpu.memory_space<vmem>>) semaphore(%arg16 : memref<!tpu.dma_semaphore, #tpu.memory_space<semaphore_mem>>)
          } else {
          }
          %add3A_142 = arith.constant 3 : i32
          %add3A_143 = arith.addi %add3A_65, %add3A_142 : i32
          %dma_wait3A_144 = arith.constant 0 : i32
          %dma_wait3A_145 = arith.constant 0 : i32
          %dma_wait3A_146 = tpu.memref_slice %arg2[%dma_wait3A_144, %dma_wait3A_145] : memref<50000x32xf32, #tpu.memory_space<hbm>> -> memref<128x32xf32, #tpu.memory_space<hbm>>
          %dma_wait3A_147 = arith.constant 0 : i32
          %dma_wait3A_148 = arith.constant 0 : i32
          %dma_wait3A_149 = tpu.memref_slice %arg2[%dma_wait3A_147, %dma_wait3A_148] : memref<50000x32xf32, #tpu.memory_space<hbm>> -> memref<128x32xf32, #tpu.memory_space<hbm>>
          tpu.wait_dma2 semaphore(%arg19 : memref<!tpu.dma_semaphore, #tpu.memory_space<semaphore_mem>>) src(%dma_wait3A_149 : memref<128x32xf32, #tpu.memory_space<hbm>>) dst(%arg15 : memref<128x32xf32, #tpu.memory_space<vmem>>)
          %dma_start3A_150 = arith.constant 0 : i32
          %dma_start3A_151 = tpu.memref_slice %arg11[%add3A_143, %dma_start3A_150] : memref<40x128xi32, #tpu.memory_space<vmem>> -> memref<1x128xi32, #tpu.memory_space<vmem>>
          %dma_start3A_152 = tpu.memref_squeeze %dma_start3A_151 : memref<1x128xi32, #tpu.memory_space<vmem>> -> memref<128xi32, #tpu.memory_space<vmem>>
          %dma_start3A_153 = arith.constant 0 : i32
          %dma_start3A_154 = arith.constant 0 : i32
          %dma_start3A_155 = tpu.memref_slice %arg9[%dma_start3A_153, %dma_start3A_154] : memref<50048x32xf32, #tpu.memory_space<vmem_shared>> -> memref<50048x32xf32, #tpu.memory_space<vmem_shared>>
          tpu.enqueue_indirect_dma source(%arg15 : memref<128x32xf32, #tpu.memory_space<vmem>>) target(%dma_start3A_155 : memref<50048x32xf32, #tpu.memory_space<vmem_shared>>) offsets(%dma_start3A_152 : memref<128xi32, #tpu.memory_space<vmem>>) semaphore(%arg23 : memref<!tpu.dma_semaphore, #tpu.memory_space<semaphore_mem>>) {add = true}
          %ge3A_156 = arith.constant 2 : i32
          %ge3A_157 = arith.cmpi sge, %add3A_143, %ge3A_156 : i32
          %convert_element_type3A_158 = arith.extui %ge3A_157 : i1 to i32
          %cond3A_159 = arith.constant 0 : i32
          %cond3A_160 = arith.cmpi ne, %convert_element_type3A_158, %cond3A_159 : i32
          scf.if %cond3A_160 {
            %dma_wait3A_168 = arith.constant 0 : i32
            %dma_wait3A_169 = arith.constant 0 : i32
            %dma_wait3A_170 = tpu.memref_slice %arg9[%dma_wait3A_168, %dma_wait3A_169] : memref<50048x32xf32, #tpu.memory_space<vmem_shared>> -> memref<128x32xf32, #tpu.memory_space<vmem_shared>>
            %dma_wait3A_171 = arith.constant 0 : i32
            %dma_wait3A_172 = arith.constant 0 : i32
            %dma_wait3A_173 = tpu.memref_slice %arg9[%dma_wait3A_171, %dma_wait3A_172] : memref<50048x32xf32, #tpu.memory_space<vmem_shared>> -> memref<128x32xf32, #tpu.memory_space<vmem_shared>>
            tpu.wait_dma2 semaphore(%arg21 : memref<!tpu.dma_semaphore, #tpu.memory_space<semaphore_mem>>) src(%arg13 : memref<128x32xf32, #tpu.memory_space<vmem>>) dst(%dma_wait3A_173 : memref<128x32xf32, #tpu.memory_space<vmem_shared>>)
          } else {
          }
          %add3A_161 = arith.constant 2 : i32
          %add3A_162 = arith.addi %add3A_143, %add3A_161 : i32
          %lt3A_163 = arith.constant 40 : i32
          %lt3A_164 = arith.cmpi slt, %add3A_162, %lt3A_163 : i32
          %convert_element_type3A_165 = arith.extui %lt3A_164 : i1 to i32
          %cond3A_166 = arith.constant 0 : i32
          %cond3A_167 = arith.cmpi ne, %convert_element_type3A_165, %cond3A_166 : i32
          scf.if %cond3A_167 {
            %add3A_168 = arith.constant 2 : i32
            %add3A_169 = arith.addi %add3A_143, %add3A_168 : i32
            %dma_start3A_170 = arith.constant 0 : i32
            %dma_start3A_171 = tpu.memref_slice %arg10[%add3A_169, %dma_start3A_170] : memref<40x128xi32, #tpu.memory_space<vmem>> -> memref<1x128xi32, #tpu.memory_space<vmem>>
            %dma_start3A_172 = tpu.memref_squeeze %dma_start3A_171 : memref<1x128xi32, #tpu.memory_space<vmem>> -> memref<128xi32, #tpu.memory_space<vmem>>
            %dma_start3A_173 = arith.constant 0 : i32
            %dma_start3A_174 = arith.constant 0 : i32
            %dma_start3A_175 = tpu.memref_slice %arg2[%dma_start3A_173, %dma_start3A_174] : memref<50000x32xf32, #tpu.memory_space<hbm>> -> memref<50000x32xf32, #tpu.memory_space<hbm>>
            tpu.enqueue_indirect_dma source(%dma_start3A_175 : memref<50000x32xf32, #tpu.memory_space<hbm>>) target(%arg13 : memref<128x32xf32, #tpu.memory_space<vmem>>) offsets(%dma_start3A_172 : memref<128xi32, #tpu.memory_space<vmem>>) semaphore(%arg17 : memref<!tpu.dma_semaphore, #tpu.memory_space<semaphore_mem>>)
          } else {
          }
        }
        %scan3A_49 = arith.constant 10 : i32
        %dma_wait3A = arith.constant 0 : i32
        %dma_wait3A_50 = arith.constant 0 : i32
        %dma_wait3A_51 = tpu.memref_slice %arg9[%dma_wait3A, %dma_wait3A_50] : memref<50048x32xf32, #tpu.memory_space<vmem_shared>> -> memref<128x32xf32, #tpu.memory_space<vmem_shared>>
        %dma_wait3A_52 = arith.constant 0 : i32
        %dma_wait3A_53 = arith.constant 0 : i32
        %dma_wait3A_54 = tpu.memref_slice %arg9[%dma_wait3A_52, %dma_wait3A_53] : memref<50048x32xf32, #tpu.memory_space<vmem_shared>> -> memref<128x32xf32, #tpu.memory_space<vmem_shared>>
        tpu.wait_dma2 semaphore(%arg22 : memref<!tpu.dma_semaphore, #tpu.memory_space<semaphore_mem>>) src(%arg14 : memref<128x32xf32, #tpu.memory_space<vmem>>) dst(%dma_wait3A_54 : memref<128x32xf32, #tpu.memory_space<vmem_shared>>)
        %dma_wait3A_55 = arith.constant 0 : i32
        %dma_wait3A_56 = arith.constant 0 : i32
        %dma_wait3A_57 = tpu.memref_slice %arg9[%dma_wait3A_55, %dma_wait3A_56] : memref<50048x32xf32, #tpu.memory_space<vmem_shared>> -> memref<128x32xf32, #tpu.memory_space<vmem_shared>>
        %dma_wait3A_58 = arith.constant 0 : i32
        %dma_wait3A_59 = arith.constant 0 : i32
        %dma_wait3A_60 = tpu.memref_slice %arg9[%dma_wait3A_58, %dma_wait3A_59] : memref<50048x32xf32, #tpu.memory_space<vmem_shared>> -> memref<128x32xf32, #tpu.memory_space<vmem_shared>>
        tpu.wait_dma2 semaphore(%arg23 : memref<!tpu.dma_semaphore, #tpu.memory_space<semaphore_mem>>) src(%arg15 : memref<128x32xf32, #tpu.memory_space<vmem>>) dst(%dma_wait3A_60 : memref<128x32xf32, #tpu.memory_space<vmem_shared>>)
      }
      %scan3A_24 = arith.constant 10 : i32
    } else {
    }
    %eq3A_5 = arith.constant 1 : i32
    %eq3A_6 = arith.cmpi eq, %arg0, %eq3A_5 : i32
    %convert_element_type3A_7 = arith.extui %eq3A_6 : i1 to i32
    %cond3A_8 = arith.constant 0 : i32
    %cond3A_9 = arith.cmpi ne, %convert_element_type3A_7, %cond3A_8 : i32
    scf.if %cond3A_9 {
      %scan3A = arith.constant 0 : i32
      %scan3A_21 = arith.constant 10 : i32
      %scan3A_22 = arith.addi %scan3A, %scan3A_21 : i32
      %scan3A_23 = arith.constant 1 : i32
      scf.for %scan3A_25 = %scan3A to %scan3A_22 step %scan3A_23  : i32 {
        %mul3A_26 = arith.constant 1 : i32
        %mul3A_27 = arith.muli %scan3A_25, %mul3A_26 : i32
        %add3A = arith.constant 0 : i32
        %add3A_28 = arith.addi %add3A, %mul3A_27 : i32
        %mul3A_29 = arith.constant 40 : i32
        %mul3A_30 = arith.muli %add3A_28, %mul3A_29 : i32
        %add3A_31 = arith.addi %mul3A_2, %mul3A_30 : i32
        "tpu.region"() ({
          %run_scoped3A = tpu.sem_alloc : memref<!tpu.dma_semaphore, #tpu.memory_space<semaphore_mem>>
          %dma_start3A_61 = arith.constant 0 : i32
          %dma_start3A_62 = tpu.memref_slice %arg4[%add3A_31, %dma_start3A_61] : memref<6400x128xi32, #tpu.memory_space<hbm>> -> memref<40x128xi32, #tpu.memory_space<hbm>>
          %dma_start3A_63 = arith.constant 0 : i32
          %dma_start3A_64 = tpu.memref_slice %arg4[%add3A_31, %dma_start3A_63] : memref<6400x128xi32, #tpu.memory_space<hbm>> -> memref<40x128xi32, #tpu.memory_space<hbm>>
          tpu.enqueue_dma source(%dma_start3A_64 : memref<40x128xi32, #tpu.memory_space<hbm>>) target(%arg10 : memref<40x128xi32, #tpu.memory_space<vmem>>) target_semaphore(%run_scoped3A : memref<!tpu.dma_semaphore, #tpu.memory_space<semaphore_mem>>)
          %dma_wait3A_65 = arith.constant 0 : i32
          %dma_wait3A_66 = tpu.memref_slice %arg4[%add3A_31, %dma_wait3A_65] : memref<6400x128xi32, #tpu.memory_space<hbm>> -> memref<40x128xi32, #tpu.memory_space<hbm>>
          %dma_wait3A_67 = arith.constant 0 : i32
          %dma_wait3A_68 = tpu.memref_slice %arg4[%add3A_31, %dma_wait3A_67] : memref<6400x128xi32, #tpu.memory_space<hbm>> -> memref<40x128xi32, #tpu.memory_space<hbm>>
          tpu.wait_dma2 semaphore(%run_scoped3A : memref<!tpu.dma_semaphore, #tpu.memory_space<semaphore_mem>>) src(%dma_wait3A_68 : memref<40x128xi32, #tpu.memory_space<hbm>>) dst(%arg10 : memref<40x128xi32, #tpu.memory_space<vmem>>)
          tpu.yield
        }) : () -> ()
        "tpu.region"() ({
          %run_scoped3A = tpu.sem_alloc : memref<!tpu.dma_semaphore, #tpu.memory_space<semaphore_mem>>
          %dma_start3A_61 = arith.constant 0 : i32
          %dma_start3A_62 = tpu.memref_slice %arg5[%add3A_31, %dma_start3A_61] : memref<6400x128xi32, #tpu.memory_space<hbm>> -> memref<40x128xi32, #tpu.memory_space<hbm>>
          %dma_start3A_63 = arith.constant 0 : i32
          %dma_start3A_64 = tpu.memref_slice %arg5[%add3A_31, %dma_start3A_63] : memref<6400x128xi32, #tpu.memory_space<hbm>> -> memref<40x128xi32, #tpu.memory_space<hbm>>
          tpu.enqueue_dma source(%dma_start3A_64 : memref<40x128xi32, #tpu.memory_space<hbm>>) target(%arg11 : memref<40x128xi32, #tpu.memory_space<vmem>>) target_semaphore(%run_scoped3A : memref<!tpu.dma_semaphore, #tpu.memory_space<semaphore_mem>>)
          %dma_wait3A_65 = arith.constant 0 : i32
          %dma_wait3A_66 = tpu.memref_slice %arg5[%add3A_31, %dma_wait3A_65] : memref<6400x128xi32, #tpu.memory_space<hbm>> -> memref<40x128xi32, #tpu.memory_space<hbm>>
          %dma_wait3A_67 = arith.constant 0 : i32
          %dma_wait3A_68 = tpu.memref_slice %arg5[%add3A_31, %dma_wait3A_67] : memref<6400x128xi32, #tpu.memory_space<hbm>> -> memref<40x128xi32, #tpu.memory_space<hbm>>
          tpu.wait_dma2 semaphore(%run_scoped3A : memref<!tpu.dma_semaphore, #tpu.memory_space<semaphore_mem>>) src(%dma_wait3A_68 : memref<40x128xi32, #tpu.memory_space<hbm>>) dst(%arg11 : memref<40x128xi32, #tpu.memory_space<vmem>>)
          tpu.yield
        }) : () -> ()
        %dma_start3A = arith.constant 0 : i32
        %dma_start3A_32 = arith.constant 0 : i32
        %dma_start3A_33 = tpu.memref_slice %arg10[%dma_start3A, %dma_start3A_32] : memref<40x128xi32, #tpu.memory_space<vmem>> -> memref<1x128xi32, #tpu.memory_space<vmem>>
        %dma_start3A_34 = tpu.memref_squeeze %dma_start3A_33 : memref<1x128xi32, #tpu.memory_space<vmem>> -> memref<128xi32, #tpu.memory_space<vmem>>
        %dma_start3A_35 = arith.constant 0 : i32
        %dma_start3A_36 = arith.constant 0 : i32
        %dma_start3A_37 = tpu.memref_slice %arg3[%dma_start3A_35, %dma_start3A_36] : memref<50000x32xf32, #tpu.memory_space<hbm>> -> memref<50000x32xf32, #tpu.memory_space<hbm>>
        tpu.enqueue_indirect_dma source(%dma_start3A_37 : memref<50000x32xf32, #tpu.memory_space<hbm>>) target(%arg12 : memref<128x32xf32, #tpu.memory_space<vmem>>) offsets(%dma_start3A_34 : memref<128xi32, #tpu.memory_space<vmem>>) semaphore(%arg16 : memref<!tpu.dma_semaphore, #tpu.memory_space<semaphore_mem>>)
        %dma_start3A_38 = arith.constant 1 : i32
        %dma_start3A_39 = arith.constant 0 : i32
        %dma_start3A_40 = tpu.memref_slice %arg10[%dma_start3A_38, %dma_start3A_39] : memref<40x128xi32, #tpu.memory_space<vmem>> -> memref<1x128xi32, #tpu.memory_space<vmem>>
        %dma_start3A_41 = tpu.memref_squeeze %dma_start3A_40 : memref<1x128xi32, #tpu.memory_space<vmem>> -> memref<128xi32, #tpu.memory_space<vmem>>
        %dma_start3A_42 = arith.constant 0 : i32
        %dma_start3A_43 = arith.constant 0 : i32
        %dma_start3A_44 = tpu.memref_slice %arg3[%dma_start3A_42, %dma_start3A_43] : memref<50000x32xf32, #tpu.memory_space<hbm>> -> memref<50000x32xf32, #tpu.memory_space<hbm>>
        tpu.enqueue_indirect_dma source(%dma_start3A_44 : memref<50000x32xf32, #tpu.memory_space<hbm>>) target(%arg13 : memref<128x32xf32, #tpu.memory_space<vmem>>) offsets(%dma_start3A_41 : memref<128xi32, #tpu.memory_space<vmem>>) semaphore(%arg17 : memref<!tpu.dma_semaphore, #tpu.memory_space<semaphore_mem>>)
        %scan3A_45 = arith.constant 0 : i32
        %scan3A_46 = arith.constant 10 : i32
        %scan3A_47 = arith.addi %scan3A_45, %scan3A_46 : i32
        %scan3A_48 = arith.constant 1 : i32
        scf.for %scan3A_61 = %scan3A_45 to %scan3A_47 step %scan3A_48  : i32 {
          %mul3A_62 = arith.constant 4 : i32
          %mul3A_63 = arith.muli %scan3A_61, %mul3A_62 : i32
          %add3A_64 = arith.constant 0 : i32
          %add3A_65 = arith.addi %add3A_64, %mul3A_63 : i32
          %add3A_66 = arith.constant 0 : i32
          %add3A_67 = arith.addi %add3A_65, %add3A_66 : i32
          %dma_wait3A_68 = arith.constant 0 : i32
          %dma_wait3A_69 = arith.constant 0 : i32
          %dma_wait3A_70 = tpu.memref_slice %arg3[%dma_wait3A_68, %dma_wait3A_69] : memref<50000x32xf32, #tpu.memory_space<hbm>> -> memref<128x32xf32, #tpu.memory_space<hbm>>
          %dma_wait3A_71 = arith.constant 0 : i32
          %dma_wait3A_72 = arith.constant 0 : i32
          %dma_wait3A_73 = tpu.memref_slice %arg3[%dma_wait3A_71, %dma_wait3A_72] : memref<50000x32xf32, #tpu.memory_space<hbm>> -> memref<128x32xf32, #tpu.memory_space<hbm>>
          tpu.wait_dma2 semaphore(%arg16 : memref<!tpu.dma_semaphore, #tpu.memory_space<semaphore_mem>>) src(%dma_wait3A_73 : memref<128x32xf32, #tpu.memory_space<hbm>>) dst(%arg12 : memref<128x32xf32, #tpu.memory_space<vmem>>)
          %dma_start3A_74 = arith.constant 0 : i32
          %dma_start3A_75 = tpu.memref_slice %arg11[%add3A_67, %dma_start3A_74] : memref<40x128xi32, #tpu.memory_space<vmem>> -> memref<1x128xi32, #tpu.memory_space<vmem>>
          %dma_start3A_76 = tpu.memref_squeeze %dma_start3A_75 : memref<1x128xi32, #tpu.memory_space<vmem>> -> memref<128xi32, #tpu.memory_space<vmem>>
          %dma_start3A_77 = arith.constant 0 : i32
          %dma_start3A_78 = arith.constant 0 : i32
          %dma_start3A_79 = tpu.memref_slice %arg9[%dma_start3A_77, %dma_start3A_78] : memref<50048x32xf32, #tpu.memory_space<vmem_shared>> -> memref<50048x32xf32, #tpu.memory_space<vmem_shared>>
          tpu.enqueue_indirect_dma source(%arg12 : memref<128x32xf32, #tpu.memory_space<vmem>>) target(%dma_start3A_79 : memref<50048x32xf32, #tpu.memory_space<vmem_shared>>) offsets(%dma_start3A_76 : memref<128xi32, #tpu.memory_space<vmem>>) semaphore(%arg20 : memref<!tpu.dma_semaphore, #tpu.memory_space<semaphore_mem>>) {add = true}
          %ge3A = arith.constant 2 : i32
          %ge3A_80 = arith.cmpi sge, %add3A_67, %ge3A : i32
          %convert_element_type3A_81 = arith.extui %ge3A_80 : i1 to i32
          %cond3A_82 = arith.constant 0 : i32
          %cond3A_83 = arith.cmpi ne, %convert_element_type3A_81, %cond3A_82 : i32
          scf.if %cond3A_83 {
            %dma_wait3A_168 = arith.constant 0 : i32
            %dma_wait3A_169 = arith.constant 0 : i32
            %dma_wait3A_170 = tpu.memref_slice %arg9[%dma_wait3A_168, %dma_wait3A_169] : memref<50048x32xf32, #tpu.memory_space<vmem_shared>> -> memref<128x32xf32, #tpu.memory_space<vmem_shared>>
            %dma_wait3A_171 = arith.constant 0 : i32
            %dma_wait3A_172 = arith.constant 0 : i32
            %dma_wait3A_173 = tpu.memref_slice %arg9[%dma_wait3A_171, %dma_wait3A_172] : memref<50048x32xf32, #tpu.memory_space<vmem_shared>> -> memref<128x32xf32, #tpu.memory_space<vmem_shared>>
            tpu.wait_dma2 semaphore(%arg22 : memref<!tpu.dma_semaphore, #tpu.memory_space<semaphore_mem>>) src(%arg14 : memref<128x32xf32, #tpu.memory_space<vmem>>) dst(%dma_wait3A_173 : memref<128x32xf32, #tpu.memory_space<vmem_shared>>)
          } else {
          }
          %add3A_84 = arith.constant 2 : i32
          %add3A_85 = arith.addi %add3A_67, %add3A_84 : i32
          %lt3A = arith.constant 40 : i32
          %lt3A_86 = arith.cmpi slt, %add3A_85, %lt3A : i32
          %convert_element_type3A_87 = arith.extui %lt3A_86 : i1 to i32
          %cond3A_88 = arith.constant 0 : i32
          %cond3A_89 = arith.cmpi ne, %convert_element_type3A_87, %cond3A_88 : i32
          scf.if %cond3A_89 {
            %add3A_168 = arith.constant 2 : i32
            %add3A_169 = arith.addi %add3A_67, %add3A_168 : i32
            %dma_start3A_170 = arith.constant 0 : i32
            %dma_start3A_171 = tpu.memref_slice %arg10[%add3A_169, %dma_start3A_170] : memref<40x128xi32, #tpu.memory_space<vmem>> -> memref<1x128xi32, #tpu.memory_space<vmem>>
            %dma_start3A_172 = tpu.memref_squeeze %dma_start3A_171 : memref<1x128xi32, #tpu.memory_space<vmem>> -> memref<128xi32, #tpu.memory_space<vmem>>
            %dma_start3A_173 = arith.constant 0 : i32
            %dma_start3A_174 = arith.constant 0 : i32
            %dma_start3A_175 = tpu.memref_slice %arg3[%dma_start3A_173, %dma_start3A_174] : memref<50000x32xf32, #tpu.memory_space<hbm>> -> memref<50000x32xf32, #tpu.memory_space<hbm>>
            tpu.enqueue_indirect_dma source(%dma_start3A_175 : memref<50000x32xf32, #tpu.memory_space<hbm>>) target(%arg14 : memref<128x32xf32, #tpu.memory_space<vmem>>) offsets(%dma_start3A_172 : memref<128xi32, #tpu.memory_space<vmem>>) semaphore(%arg18 : memref<!tpu.dma_semaphore, #tpu.memory_space<semaphore_mem>>)
          } else {
          }
          %add3A_90 = arith.constant 1 : i32
          %add3A_91 = arith.addi %add3A_65, %add3A_90 : i32
          %dma_wait3A_92 = arith.constant 0 : i32
          %dma_wait3A_93 = arith.constant 0 : i32
          %dma_wait3A_94 = tpu.memref_slice %arg3[%dma_wait3A_92, %dma_wait3A_93] : memref<50000x32xf32, #tpu.memory_space<hbm>> -> memref<128x32xf32, #tpu.memory_space<hbm>>
          %dma_wait3A_95 = arith.constant 0 : i32
          %dma_wait3A_96 = arith.constant 0 : i32
          %dma_wait3A_97 = tpu.memref_slice %arg3[%dma_wait3A_95, %dma_wait3A_96] : memref<50000x32xf32, #tpu.memory_space<hbm>> -> memref<128x32xf32, #tpu.memory_space<hbm>>
          tpu.wait_dma2 semaphore(%arg17 : memref<!tpu.dma_semaphore, #tpu.memory_space<semaphore_mem>>) src(%dma_wait3A_97 : memref<128x32xf32, #tpu.memory_space<hbm>>) dst(%arg13 : memref<128x32xf32, #tpu.memory_space<vmem>>)
          %dma_start3A_98 = arith.constant 0 : i32
          %dma_start3A_99 = tpu.memref_slice %arg11[%add3A_91, %dma_start3A_98] : memref<40x128xi32, #tpu.memory_space<vmem>> -> memref<1x128xi32, #tpu.memory_space<vmem>>
          %dma_start3A_100 = tpu.memref_squeeze %dma_start3A_99 : memref<1x128xi32, #tpu.memory_space<vmem>> -> memref<128xi32, #tpu.memory_space<vmem>>
          %dma_start3A_101 = arith.constant 0 : i32
          %dma_start3A_102 = arith.constant 0 : i32
          %dma_start3A_103 = tpu.memref_slice %arg9[%dma_start3A_101, %dma_start3A_102] : memref<50048x32xf32, #tpu.memory_space<vmem_shared>> -> memref<50048x32xf32, #tpu.memory_space<vmem_shared>>
          tpu.enqueue_indirect_dma source(%arg13 : memref<128x32xf32, #tpu.memory_space<vmem>>) target(%dma_start3A_103 : memref<50048x32xf32, #tpu.memory_space<vmem_shared>>) offsets(%dma_start3A_100 : memref<128xi32, #tpu.memory_space<vmem>>) semaphore(%arg21 : memref<!tpu.dma_semaphore, #tpu.memory_space<semaphore_mem>>) {add = true}
          %ge3A_104 = arith.constant 2 : i32
          %ge3A_105 = arith.cmpi sge, %add3A_91, %ge3A_104 : i32
          %convert_element_type3A_106 = arith.extui %ge3A_105 : i1 to i32
          %cond3A_107 = arith.constant 0 : i32
          %cond3A_108 = arith.cmpi ne, %convert_element_type3A_106, %cond3A_107 : i32
          scf.if %cond3A_108 {
            %dma_wait3A_168 = arith.constant 0 : i32
            %dma_wait3A_169 = arith.constant 0 : i32
            %dma_wait3A_170 = tpu.memref_slice %arg9[%dma_wait3A_168, %dma_wait3A_169] : memref<50048x32xf32, #tpu.memory_space<vmem_shared>> -> memref<128x32xf32, #tpu.memory_space<vmem_shared>>
            %dma_wait3A_171 = arith.constant 0 : i32
            %dma_wait3A_172 = arith.constant 0 : i32
            %dma_wait3A_173 = tpu.memref_slice %arg9[%dma_wait3A_171, %dma_wait3A_172] : memref<50048x32xf32, #tpu.memory_space<vmem_shared>> -> memref<128x32xf32, #tpu.memory_space<vmem_shared>>
            tpu.wait_dma2 semaphore(%arg23 : memref<!tpu.dma_semaphore, #tpu.memory_space<semaphore_mem>>) src(%arg15 : memref<128x32xf32, #tpu.memory_space<vmem>>) dst(%dma_wait3A_173 : memref<128x32xf32, #tpu.memory_space<vmem_shared>>)
          } else {
          }
          %add3A_109 = arith.constant 2 : i32
          %add3A_110 = arith.addi %add3A_91, %add3A_109 : i32
          %lt3A_111 = arith.constant 40 : i32
          %lt3A_112 = arith.cmpi slt, %add3A_110, %lt3A_111 : i32
          %convert_element_type3A_113 = arith.extui %lt3A_112 : i1 to i32
          %cond3A_114 = arith.constant 0 : i32
          %cond3A_115 = arith.cmpi ne, %convert_element_type3A_113, %cond3A_114 : i32
          scf.if %cond3A_115 {
            %add3A_168 = arith.constant 2 : i32
            %add3A_169 = arith.addi %add3A_91, %add3A_168 : i32
            %dma_start3A_170 = arith.constant 0 : i32
            %dma_start3A_171 = tpu.memref_slice %arg10[%add3A_169, %dma_start3A_170] : memref<40x128xi32, #tpu.memory_space<vmem>> -> memref<1x128xi32, #tpu.memory_space<vmem>>
            %dma_start3A_172 = tpu.memref_squeeze %dma_start3A_171 : memref<1x128xi32, #tpu.memory_space<vmem>> -> memref<128xi32, #tpu.memory_space<vmem>>
            %dma_start3A_173 = arith.constant 0 : i32
            %dma_start3A_174 = arith.constant 0 : i32
            %dma_start3A_175 = tpu.memref_slice %arg3[%dma_start3A_173, %dma_start3A_174] : memref<50000x32xf32, #tpu.memory_space<hbm>> -> memref<50000x32xf32, #tpu.memory_space<hbm>>
            tpu.enqueue_indirect_dma source(%dma_start3A_175 : memref<50000x32xf32, #tpu.memory_space<hbm>>) target(%arg15 : memref<128x32xf32, #tpu.memory_space<vmem>>) offsets(%dma_start3A_172 : memref<128xi32, #tpu.memory_space<vmem>>) semaphore(%arg19 : memref<!tpu.dma_semaphore, #tpu.memory_space<semaphore_mem>>)
          } else {
          }
          %add3A_116 = arith.constant 2 : i32
          %add3A_117 = arith.addi %add3A_65, %add3A_116 : i32
          %dma_wait3A_118 = arith.constant 0 : i32
          %dma_wait3A_119 = arith.constant 0 : i32
          %dma_wait3A_120 = tpu.memref_slice %arg3[%dma_wait3A_118, %dma_wait3A_119] : memref<50000x32xf32, #tpu.memory_space<hbm>> -> memref<128x32xf32, #tpu.memory_space<hbm>>
          %dma_wait3A_121 = arith.constant 0 : i32
          %dma_wait3A_122 = arith.constant 0 : i32
          %dma_wait3A_123 = tpu.memref_slice %arg3[%dma_wait3A_121, %dma_wait3A_122] : memref<50000x32xf32, #tpu.memory_space<hbm>> -> memref<128x32xf32, #tpu.memory_space<hbm>>
          tpu.wait_dma2 semaphore(%arg18 : memref<!tpu.dma_semaphore, #tpu.memory_space<semaphore_mem>>) src(%dma_wait3A_123 : memref<128x32xf32, #tpu.memory_space<hbm>>) dst(%arg14 : memref<128x32xf32, #tpu.memory_space<vmem>>)
          %dma_start3A_124 = arith.constant 0 : i32
          %dma_start3A_125 = tpu.memref_slice %arg11[%add3A_117, %dma_start3A_124] : memref<40x128xi32, #tpu.memory_space<vmem>> -> memref<1x128xi32, #tpu.memory_space<vmem>>
          %dma_start3A_126 = tpu.memref_squeeze %dma_start3A_125 : memref<1x128xi32, #tpu.memory_space<vmem>> -> memref<128xi32, #tpu.memory_space<vmem>>
          %dma_start3A_127 = arith.constant 0 : i32
          %dma_start3A_128 = arith.constant 0 : i32
          %dma_start3A_129 = tpu.memref_slice %arg9[%dma_start3A_127, %dma_start3A_128] : memref<50048x32xf32, #tpu.memory_space<vmem_shared>> -> memref<50048x32xf32, #tpu.memory_space<vmem_shared>>
          tpu.enqueue_indirect_dma source(%arg14 : memref<128x32xf32, #tpu.memory_space<vmem>>) target(%dma_start3A_129 : memref<50048x32xf32, #tpu.memory_space<vmem_shared>>) offsets(%dma_start3A_126 : memref<128xi32, #tpu.memory_space<vmem>>) semaphore(%arg22 : memref<!tpu.dma_semaphore, #tpu.memory_space<semaphore_mem>>) {add = true}
          %ge3A_130 = arith.constant 2 : i32
          %ge3A_131 = arith.cmpi sge, %add3A_117, %ge3A_130 : i32
          %convert_element_type3A_132 = arith.extui %ge3A_131 : i1 to i32
          %cond3A_133 = arith.constant 0 : i32
          %cond3A_134 = arith.cmpi ne, %convert_element_type3A_132, %cond3A_133 : i32
          scf.if %cond3A_134 {
            %dma_wait3A_168 = arith.constant 0 : i32
            %dma_wait3A_169 = arith.constant 0 : i32
            %dma_wait3A_170 = tpu.memref_slice %arg9[%dma_wait3A_168, %dma_wait3A_169] : memref<50048x32xf32, #tpu.memory_space<vmem_shared>> -> memref<128x32xf32, #tpu.memory_space<vmem_shared>>
            %dma_wait3A_171 = arith.constant 0 : i32
            %dma_wait3A_172 = arith.constant 0 : i32
            %dma_wait3A_173 = tpu.memref_slice %arg9[%dma_wait3A_171, %dma_wait3A_172] : memref<50048x32xf32, #tpu.memory_space<vmem_shared>> -> memref<128x32xf32, #tpu.memory_space<vmem_shared>>
            tpu.wait_dma2 semaphore(%arg20 : memref<!tpu.dma_semaphore, #tpu.memory_space<semaphore_mem>>) src(%arg12 : memref<128x32xf32, #tpu.memory_space<vmem>>) dst(%dma_wait3A_173 : memref<128x32xf32, #tpu.memory_space<vmem_shared>>)
          } else {
          }
          %add3A_135 = arith.constant 2 : i32
          %add3A_136 = arith.addi %add3A_117, %add3A_135 : i32
          %lt3A_137 = arith.constant 40 : i32
          %lt3A_138 = arith.cmpi slt, %add3A_136, %lt3A_137 : i32
          %convert_element_type3A_139 = arith.extui %lt3A_138 : i1 to i32
          %cond3A_140 = arith.constant 0 : i32
          %cond3A_141 = arith.cmpi ne, %convert_element_type3A_139, %cond3A_140 : i32
          scf.if %cond3A_141 {
            %add3A_168 = arith.constant 2 : i32
            %add3A_169 = arith.addi %add3A_117, %add3A_168 : i32
            %dma_start3A_170 = arith.constant 0 : i32
            %dma_start3A_171 = tpu.memref_slice %arg10[%add3A_169, %dma_start3A_170] : memref<40x128xi32, #tpu.memory_space<vmem>> -> memref<1x128xi32, #tpu.memory_space<vmem>>
            %dma_start3A_172 = tpu.memref_squeeze %dma_start3A_171 : memref<1x128xi32, #tpu.memory_space<vmem>> -> memref<128xi32, #tpu.memory_space<vmem>>
            %dma_start3A_173 = arith.constant 0 : i32
            %dma_start3A_174 = arith.constant 0 : i32
            %dma_start3A_175 = tpu.memref_slice %arg3[%dma_start3A_173, %dma_start3A_174] : memref<50000x32xf32, #tpu.memory_space<hbm>> -> memref<50000x32xf32, #tpu.memory_space<hbm>>
            tpu.enqueue_indirect_dma source(%dma_start3A_175 : memref<50000x32xf32, #tpu.memory_space<hbm>>) target(%arg12 : memref<128x32xf32, #tpu.memory_space<vmem>>) offsets(%dma_start3A_172 : memref<128xi32, #tpu.memory_space<vmem>>) semaphore(%arg16 : memref<!tpu.dma_semaphore, #tpu.memory_space<semaphore_mem>>)
          } else {
          }
          %add3A_142 = arith.constant 3 : i32
          %add3A_143 = arith.addi %add3A_65, %add3A_142 : i32
          %dma_wait3A_144 = arith.constant 0 : i32
          %dma_wait3A_145 = arith.constant 0 : i32
          %dma_wait3A_146 = tpu.memref_slice %arg3[%dma_wait3A_144, %dma_wait3A_145] : memref<50000x32xf32, #tpu.memory_space<hbm>> -> memref<128x32xf32, #tpu.memory_space<hbm>>
          %dma_wait3A_147 = arith.constant 0 : i32
          %dma_wait3A_148 = arith.constant 0 : i32
          %dma_wait3A_149 = tpu.memref_slice %arg3[%dma_wait3A_147, %dma_wait3A_148] : memref<50000x32xf32, #tpu.memory_space<hbm>> -> memref<128x32xf32, #tpu.memory_space<hbm>>
          tpu.wait_dma2 semaphore(%arg19 : memref<!tpu.dma_semaphore, #tpu.memory_space<semaphore_mem>>) src(%dma_wait3A_149 : memref<128x32xf32, #tpu.memory_space<hbm>>) dst(%arg15 : memref<128x32xf32, #tpu.memory_space<vmem>>)
          %dma_start3A_150 = arith.constant 0 : i32
          %dma_start3A_151 = tpu.memref_slice %arg11[%add3A_143, %dma_start3A_150] : memref<40x128xi32, #tpu.memory_space<vmem>> -> memref<1x128xi32, #tpu.memory_space<vmem>>
          %dma_start3A_152 = tpu.memref_squeeze %dma_start3A_151 : memref<1x128xi32, #tpu.memory_space<vmem>> -> memref<128xi32, #tpu.memory_space<vmem>>
          %dma_start3A_153 = arith.constant 0 : i32
          %dma_start3A_154 = arith.constant 0 : i32
          %dma_start3A_155 = tpu.memref_slice %arg9[%dma_start3A_153, %dma_start3A_154] : memref<50048x32xf32, #tpu.memory_space<vmem_shared>> -> memref<50048x32xf32, #tpu.memory_space<vmem_shared>>
          tpu.enqueue_indirect_dma source(%arg15 : memref<128x32xf32, #tpu.memory_space<vmem>>) target(%dma_start3A_155 : memref<50048x32xf32, #tpu.memory_space<vmem_shared>>) offsets(%dma_start3A_152 : memref<128xi32, #tpu.memory_space<vmem>>) semaphore(%arg23 : memref<!tpu.dma_semaphore, #tpu.memory_space<semaphore_mem>>) {add = true}
          %ge3A_156 = arith.constant 2 : i32
          %ge3A_157 = arith.cmpi sge, %add3A_143, %ge3A_156 : i32
          %convert_element_type3A_158 = arith.extui %ge3A_157 : i1 to i32
          %cond3A_159 = arith.constant 0 : i32
          %cond3A_160 = arith.cmpi ne, %convert_element_type3A_158, %cond3A_159 : i32
          scf.if %cond3A_160 {
            %dma_wait3A_168 = arith.constant 0 : i32
            %dma_wait3A_169 = arith.constant 0 : i32
            %dma_wait3A_170 = tpu.memref_slice %arg9[%dma_wait3A_168, %dma_wait3A_169] : memref<50048x32xf32, #tpu.memory_space<vmem_shared>> -> memref<128x32xf32, #tpu.memory_space<vmem_shared>>
            %dma_wait3A_171 = arith.constant 0 : i32
            %dma_wait3A_172 = arith.constant 0 : i32
            %dma_wait3A_173 = tpu.memref_slice %arg9[%dma_wait3A_171, %dma_wait3A_172] : memref<50048x32xf32, #tpu.memory_space<vmem_shared>> -> memref<128x32xf32, #tpu.memory_space<vmem_shared>>
            tpu.wait_dma2 semaphore(%arg21 : memref<!tpu.dma_semaphore, #tpu.memory_space<semaphore_mem>>) src(%arg13 : memref<128x32xf32, #tpu.memory_space<vmem>>) dst(%dma_wait3A_173 : memref<128x32xf32, #tpu.memory_space<vmem_shared>>)
          } else {
          }
          %add3A_161 = arith.constant 2 : i32
          %add3A_162 = arith.addi %add3A_143, %add3A_161 : i32
          %lt3A_163 = arith.constant 40 : i32
          %lt3A_164 = arith.cmpi slt, %add3A_162, %lt3A_163 : i32
          %convert_element_type3A_165 = arith.extui %lt3A_164 : i1 to i32
          %cond3A_166 = arith.constant 0 : i32
          %cond3A_167 = arith.cmpi ne, %convert_element_type3A_165, %cond3A_166 : i32
          scf.if %cond3A_167 {
            %add3A_168 = arith.constant 2 : i32
            %add3A_169 = arith.addi %add3A_143, %add3A_168 : i32
            %dma_start3A_170 = arith.constant 0 : i32
            %dma_start3A_171 = tpu.memref_slice %arg10[%add3A_169, %dma_start3A_170] : memref<40x128xi32, #tpu.memory_space<vmem>> -> memref<1x128xi32, #tpu.memory_space<vmem>>
            %dma_start3A_172 = tpu.memref_squeeze %dma_start3A_171 : memref<1x128xi32, #tpu.memory_space<vmem>> -> memref<128xi32, #tpu.memory_space<vmem>>
            %dma_start3A_173 = arith.constant 0 : i32
            %dma_start3A_174 = arith.constant 0 : i32
            %dma_start3A_175 = tpu.memref_slice %arg3[%dma_start3A_173, %dma_start3A_174] : memref<50000x32xf32, #tpu.memory_space<hbm>> -> memref<50000x32xf32, #tpu.memory_space<hbm>>
            tpu.enqueue_indirect_dma source(%dma_start3A_175 : memref<50000x32xf32, #tpu.memory_space<hbm>>) target(%arg13 : memref<128x32xf32, #tpu.memory_space<vmem>>) offsets(%dma_start3A_172 : memref<128xi32, #tpu.memory_space<vmem>>) semaphore(%arg17 : memref<!tpu.dma_semaphore, #tpu.memory_space<semaphore_mem>>)
          } else {
          }
        }
        %scan3A_49 = arith.constant 10 : i32
        %dma_wait3A = arith.constant 0 : i32
        %dma_wait3A_50 = arith.constant 0 : i32
        %dma_wait3A_51 = tpu.memref_slice %arg9[%dma_wait3A, %dma_wait3A_50] : memref<50048x32xf32, #tpu.memory_space<vmem_shared>> -> memref<128x32xf32, #tpu.memory_space<vmem_shared>>
        %dma_wait3A_52 = arith.constant 0 : i32
        %dma_wait3A_53 = arith.constant 0 : i32
        %dma_wait3A_54 = tpu.memref_slice %arg9[%dma_wait3A_52, %dma_wait3A_53] : memref<50048x32xf32, #tpu.memory_space<vmem_shared>> -> memref<128x32xf32, #tpu.memory_space<vmem_shared>>
        tpu.wait_dma2 semaphore(%arg22 : memref<!tpu.dma_semaphore, #tpu.memory_space<semaphore_mem>>) src(%arg14 : memref<128x32xf32, #tpu.memory_space<vmem>>) dst(%dma_wait3A_54 : memref<128x32xf32, #tpu.memory_space<vmem_shared>>)
        %dma_wait3A_55 = arith.constant 0 : i32
        %dma_wait3A_56 = arith.constant 0 : i32
        %dma_wait3A_57 = tpu.memref_slice %arg9[%dma_wait3A_55, %dma_wait3A_56] : memref<50048x32xf32, #tpu.memory_space<vmem_shared>> -> memref<128x32xf32, #tpu.memory_space<vmem_shared>>
        %dma_wait3A_58 = arith.constant 0 : i32
        %dma_wait3A_59 = arith.constant 0 : i32
        %dma_wait3A_60 = tpu.memref_slice %arg9[%dma_wait3A_58, %dma_wait3A_59] : memref<50048x32xf32, #tpu.memory_space<vmem_shared>> -> memref<128x32xf32, #tpu.memory_space<vmem_shared>>
        tpu.wait_dma2 semaphore(%arg23 : memref<!tpu.dma_semaphore, #tpu.memory_space<semaphore_mem>>) src(%arg15 : memref<128x32xf32, #tpu.memory_space<vmem>>) dst(%dma_wait3A_60 : memref<128x32xf32, #tpu.memory_space<vmem_shared>>)
      }
      %scan3A_24 = arith.constant 10 : i32
    } else {
    }
    %barrier3A_10 = arith.constant 0 : index
    tpu.barrier barrier_id(%barrier3A_10)
    %eq3A_11 = arith.constant 0 : i32
    %eq3A_12 = arith.cmpi eq, %arg0, %eq3A_11 : i32
    %convert_element_type3A_13 = arith.extui %eq3A_12 : i1 to i32
    %cond3A_14 = arith.constant 0 : i32
    %cond3A_15 = arith.cmpi ne, %convert_element_type3A_13, %cond3A_14 : i32
    scf.if %cond3A_15 {
      "tpu.region"() ({
        %run_scoped3A = tpu.sem_alloc : memref<!tpu.dma_semaphore, #tpu.memory_space<semaphore_mem>>
        %dma_start3A = arith.constant 0 : i32
        %dma_start3A_21 = tpu.memref_slice %arg7[%mul3A_0, %dma_start3A] : memref<50048x32xf32, #tpu.memory_space<hbm>> -> memref<3128x32xf32, #tpu.memory_space<hbm>>
        %dma_start3A_22 = arith.constant 0 : i32
        %dma_start3A_23 = tpu.memref_slice %arg9[%mul3A_0, %dma_start3A_22] : memref<50048x32xf32, #tpu.memory_space<vmem_shared>> -> memref<3128x32xf32, #tpu.memory_space<vmem_shared>>
        tpu.enqueue_dma source(%dma_start3A_23 : memref<3128x32xf32, #tpu.memory_space<vmem_shared>>) target(%dma_start3A_21 : memref<3128x32xf32, #tpu.memory_space<hbm>>) target_semaphore(%run_scoped3A : memref<!tpu.dma_semaphore, #tpu.memory_space<semaphore_mem>>)
        %dma_wait3A = arith.constant 0 : i32
        %dma_wait3A_24 = tpu.memref_slice %arg7[%mul3A_0, %dma_wait3A] : memref<50048x32xf32, #tpu.memory_space<hbm>> -> memref<3128x32xf32, #tpu.memory_space<hbm>>
        %dma_wait3A_25 = arith.constant 0 : i32
        %dma_wait3A_26 = tpu.memref_slice %arg9[%mul3A_0, %dma_wait3A_25] : memref<50048x32xf32, #tpu.memory_space<vmem_shared>> -> memref<3128x32xf32, #tpu.memory_space<vmem_shared>>
        tpu.wait_dma2 semaphore(%run_scoped3A : memref<!tpu.dma_semaphore, #tpu.memory_space<semaphore_mem>>) src(%dma_wait3A_26 : memref<3128x32xf32, #tpu.memory_space<vmem_shared>>) dst(%dma_wait3A_24 : memref<3128x32xf32, #tpu.memory_space<hbm>>)
        tpu.yield
      }) : () -> ()
    } else {
    }
    %eq3A_16 = arith.constant 1 : i32
    %eq3A_17 = arith.cmpi eq, %arg0, %eq3A_16 : i32
    %convert_element_type3A_18 = arith.extui %eq3A_17 : i1 to i32
    %cond3A_19 = arith.constant 0 : i32
    %cond3A_20 = arith.cmpi ne, %convert_element_type3A_18, %cond3A_19 : i32
    scf.if %cond3A_20 {
      "tpu.region"() ({
        %run_scoped3A = tpu.sem_alloc : memref<!tpu.dma_semaphore, #tpu.memory_space<semaphore_mem>>
        %dma_start3A = arith.constant 0 : i32
        %dma_start3A_21 = tpu.memref_slice %arg8[%mul3A_0, %dma_start3A] : memref<50048x32xf32, #tpu.memory_space<hbm>> -> memref<3128x32xf32, #tpu.memory_space<hbm>>
        %dma_start3A_22 = arith.constant 0 : i32
        %dma_start3A_23 = tpu.memref_slice %arg9[%mul3A_0, %dma_start3A_22] : memref<50048x32xf32, #tpu.memory_space<vmem_shared>> -> memref<3128x32xf32, #tpu.memory_space<vmem_shared>>
        tpu.enqueue_dma source(%dma_start3A_23 : memref<3128x32xf32, #tpu.memory_space<vmem_shared>>) target(%dma_start3A_21 : memref<3128x32xf32, #tpu.memory_space<hbm>>) target_semaphore(%run_scoped3A : memref<!tpu.dma_semaphore, #tpu.memory_space<semaphore_mem>>)
        %dma_wait3A = arith.constant 0 : i32
        %dma_wait3A_24 = tpu.memref_slice %arg8[%mul3A_0, %dma_wait3A] : memref<50048x32xf32, #tpu.memory_space<hbm>> -> memref<3128x32xf32, #tpu.memory_space<hbm>>
        %dma_wait3A_25 = arith.constant 0 : i32
        %dma_wait3A_26 = tpu.memref_slice %arg9[%mul3A_0, %dma_wait3A_25] : memref<50048x32xf32, #tpu.memory_space<vmem_shared>> -> memref<3128x32xf32, #tpu.memory_space<vmem_shared>>
        tpu.wait_dma2 semaphore(%run_scoped3A : memref<!tpu.dma_semaphore, #tpu.memory_space<semaphore_mem>>) src(%dma_wait3A_26 : memref<3128x32xf32, #tpu.memory_space<vmem_shared>>) dst(%dma_wait3A_24 : memref<3128x32xf32, #tpu.memory_space<hbm>>)
        tpu.yield
      }) : () -> ()
    } else {
    }
    return
  }
}

#map = affine_map<(d0, d1) -> (0, 0)>
module attributes {stable_mosaic.version = 14 : i64} {
  func.func @_agg32_body(%arg0: i32, %arg1: i32, %arg2: memref<50000x32xf32, #tpu.memory_space<hbm>>, %arg3: memref<50000x32xf32, #tpu.memory_space<hbm>>, %arg4: memref<6400x128xi32, #tpu.memory_space<hbm>>, %arg5: memref<6400x128xi32, #tpu.memory_space<hbm>>, %arg6: memref<50048x32xf32, #tpu.memory_space<hbm>>, %arg7: memref<50048x32xf32, #tpu.memory_space<hbm>>, %arg8: memref<50048x32xf32, #tpu.memory_space<hbm>>, %arg9: memref<50048x32xf32, #tpu.memory_space<vmem_shared>>, %arg10: memref<40x128xi32, #tpu.memory_space<vmem>>, %arg11: memref<40x128xi32, #tpu.memory_space<vmem>>, %arg12: memref<128x32xf32, #tpu.memory_space<vmem>>, %arg13: memref<128x32xf32, #tpu.memory_space<vmem>>, %arg14: memref<128x32xf32, #tpu.memory_space<vmem>>, %arg15: memref<128x32xf32, #tpu.memory_space<vmem>>, %arg16: memref<!tpu.dma_semaphore, #tpu.memory_space<semaphore_mem>>, %arg17: memref<!tpu.dma_semaphore, #tpu.memory_space<semaphore_mem>>, %arg18: memref<!tpu.dma_semaphore, #tpu.memory_space<semaphore_mem>>, %arg19: memref<!tpu.dma_semaphore, #tpu.memory_space<semaphore_mem>>, %arg20: memref<!tpu.dma_semaphore, #tpu.memory_space<semaphore_mem>>, %arg21: memref<!tpu.dma_semaphore, #tpu.memory_space<semaphore_mem>>, %arg22: memref<!tpu.dma_semaphore, #tpu.memory_space<semaphore_mem>>, %arg23: memref<!tpu.dma_semaphore, #tpu.memory_space<semaphore_mem>>) attributes {dimension_semantics = [#tpu.dimension_semantics<core_parallel>, #tpu.dimension_semantics<subcore_parallel>], iteration_bounds = array<i64: 2, 16>, scalar_prefetch = 0 : i64, scratch_operands = 15 : i64, tpu.core_type = #tpu.core_type<sc_vector_subcore>, window_params = [{transform_indices = #map}, {transform_indices = #map}, {transform_indices = #map}, {transform_indices = #map}, {transform_indices = #map}, {transform_indices = #map}, {transform_indices = #map}]} {
    %mul3A = arith.constant 3128 : i32
    %mul3A_0 = arith.muli %arg1, %mul3A : i32
    "tpu.region"() ({
      %run_scoped3A = tpu.sem_alloc : memref<!tpu.dma_semaphore, #tpu.memory_space<semaphore_mem>>
      %dma_start3A = arith.constant 0 : i32
      %dma_start3A_21 = tpu.memref_slice %arg9[%mul3A_0, %dma_start3A] : memref<50048x32xf32, #tpu.memory_space<vmem_shared>> -> memref<3128x32xf32, #tpu.memory_space<vmem_shared>>
      %dma_start3A_22 = arith.constant 0 : i32
      %dma_start3A_23 = tpu.memref_slice %arg6[%mul3A_0, %dma_start3A_22] : memref<50048x32xf32, #tpu.memory_space<hbm>> -> memref<3128x32xf32, #tpu.memory_space<hbm>>
      tpu.enqueue_dma source(%dma_start3A_23 : memref<3128x32xf32, #tpu.memory_space<hbm>>) target(%dma_start3A_21 : memref<3128x32xf32, #tpu.memory_space<vmem_shared>>) target_semaphore(%run_scoped3A : memref<!tpu.dma_semaphore, #tpu.memory_space<semaphore_mem>>)
      %dma_wait3A = arith.constant 0 : i32
      %dma_wait3A_24 = tpu.memref_slice %arg9[%mul3A_0, %dma_wait3A] : memref<50048x32xf32, #tpu.memory_space<vmem_shared>> -> memref<3128x32xf32, #tpu.memory_space<vmem_shared>>
      %dma_wait3A_25 = arith.constant 0 : i32
      %dma_wait3A_26 = tpu.memref_slice %arg6[%mul3A_0, %dma_wait3A_25] : memref<50048x32xf32, #tpu.memory_space<hbm>> -> memref<3128x32xf32, #tpu.memory_space<hbm>>
      tpu.wait_dma2 semaphore(%run_scoped3A : memref<!tpu.dma_semaphore, #tpu.memory_space<semaphore_mem>>) src(%dma_wait3A_26 : memref<3128x32xf32, #tpu.memory_space<hbm>>) dst(%dma_wait3A_24 : memref<3128x32xf32, #tpu.memory_space<vmem_shared>>)
      tpu.yield
    }) : () -> ()
    %barrier3A = arith.constant 0 : index
    tpu.barrier barrier_id(%barrier3A)
    %mul3A_1 = arith.constant 400 : i32
    %mul3A_2 = arith.muli %arg1, %mul3A_1 : i32
    %eq3A = arith.constant 0 : i32
    %eq3A_3 = arith.cmpi eq, %arg0, %eq3A : i32
    %convert_element_type3A = arith.extui %eq3A_3 : i1 to i32
    %cond3A = arith.constant 0 : i32
    %cond3A_4 = arith.cmpi ne, %convert_element_type3A, %cond3A : i32
    scf.if %cond3A_4 {
      %scan3A = arith.constant 0 : i32
      %scan3A_21 = arith.constant 10 : i32
      %scan3A_22 = arith.addi %scan3A, %scan3A_21 : i32
      %scan3A_23 = arith.constant 1 : i32
      scf.for %scan3A_25 = %scan3A to %scan3A_22 step %scan3A_23  : i32 {
        %mul3A_26 = arith.constant 1 : i32
        %mul3A_27 = arith.muli %scan3A_25, %mul3A_26 : i32
        %add3A = arith.constant 0 : i32
        %add3A_28 = arith.addi %add3A, %mul3A_27 : i32
        %mul3A_29 = arith.constant 40 : i32
        %mul3A_30 = arith.muli %add3A_28, %mul3A_29 : i32
        %add3A_31 = arith.addi %mul3A_2, %mul3A_30 : i32
        "tpu.region"() ({
          %run_scoped3A = tpu.sem_alloc : memref<!tpu.dma_semaphore, #tpu.memory_space<semaphore_mem>>
          %dma_start3A_61 = arith.constant 0 : i32
          %dma_start3A_62 = tpu.memref_slice %arg4[%add3A_31, %dma_start3A_61] : memref<6400x128xi32, #tpu.memory_space<hbm>> -> memref<40x128xi32, #tpu.memory_space<hbm>>
          %dma_start3A_63 = arith.constant 0 : i32
          %dma_start3A_64 = tpu.memref_slice %arg4[%add3A_31, %dma_start3A_63] : memref<6400x128xi32, #tpu.memory_space<hbm>> -> memref<40x128xi32, #tpu.memory_space<hbm>>
          tpu.enqueue_dma source(%dma_start3A_64 : memref<40x128xi32, #tpu.memory_space<hbm>>) target(%arg10 : memref<40x128xi32, #tpu.memory_space<vmem>>) target_semaphore(%run_scoped3A : memref<!tpu.dma_semaphore, #tpu.memory_space<semaphore_mem>>)
          %dma_wait3A_65 = arith.constant 0 : i32
          %dma_wait3A_66 = tpu.memref_slice %arg4[%add3A_31, %dma_wait3A_65] : memref<6400x128xi32, #tpu.memory_space<hbm>> -> memref<40x128xi32, #tpu.memory_space<hbm>>
          %dma_wait3A_67 = arith.constant 0 : i32
          %dma_wait3A_68 = tpu.memref_slice %arg4[%add3A_31, %dma_wait3A_67] : memref<6400x128xi32, #tpu.memory_space<hbm>> -> memref<40x128xi32, #tpu.memory_space<hbm>>
          tpu.wait_dma2 semaphore(%run_scoped3A : memref<!tpu.dma_semaphore, #tpu.memory_space<semaphore_mem>>) src(%dma_wait3A_68 : memref<40x128xi32, #tpu.memory_space<hbm>>) dst(%arg10 : memref<40x128xi32, #tpu.memory_space<vmem>>)
          tpu.yield
        }) : () -> ()
        "tpu.region"() ({
          %run_scoped3A = tpu.sem_alloc : memref<!tpu.dma_semaphore, #tpu.memory_space<semaphore_mem>>
          %dma_start3A_61 = arith.constant 0 : i32
          %dma_start3A_62 = tpu.memref_slice %arg5[%add3A_31, %dma_start3A_61] : memref<6400x128xi32, #tpu.memory_space<hbm>> -> memref<40x128xi32, #tpu.memory_space<hbm>>
          %dma_start3A_63 = arith.constant 0 : i32
          %dma_start3A_64 = tpu.memref_slice %arg5[%add3A_31, %dma_start3A_63] : memref<6400x128xi32, #tpu.memory_space<hbm>> -> memref<40x128xi32, #tpu.memory_space<hbm>>
          tpu.enqueue_dma source(%dma_start3A_64 : memref<40x128xi32, #tpu.memory_space<hbm>>) target(%arg11 : memref<40x128xi32, #tpu.memory_space<vmem>>) target_semaphore(%run_scoped3A : memref<!tpu.dma_semaphore, #tpu.memory_space<semaphore_mem>>)
          %dma_wait3A_65 = arith.constant 0 : i32
          %dma_wait3A_66 = tpu.memref_slice %arg5[%add3A_31, %dma_wait3A_65] : memref<6400x128xi32, #tpu.memory_space<hbm>> -> memref<40x128xi32, #tpu.memory_space<hbm>>
          %dma_wait3A_67 = arith.constant 0 : i32
          %dma_wait3A_68 = tpu.memref_slice %arg5[%add3A_31, %dma_wait3A_67] : memref<6400x128xi32, #tpu.memory_space<hbm>> -> memref<40x128xi32, #tpu.memory_space<hbm>>
          tpu.wait_dma2 semaphore(%run_scoped3A : memref<!tpu.dma_semaphore, #tpu.memory_space<semaphore_mem>>) src(%dma_wait3A_68 : memref<40x128xi32, #tpu.memory_space<hbm>>) dst(%arg11 : memref<40x128xi32, #tpu.memory_space<vmem>>)
          tpu.yield
        }) : () -> ()
        %dma_start3A = arith.constant 0 : i32
        %dma_start3A_32 = arith.constant 0 : i32
        %dma_start3A_33 = tpu.memref_slice %arg10[%dma_start3A, %dma_start3A_32] : memref<40x128xi32, #tpu.memory_space<vmem>> -> memref<1x128xi32, #tpu.memory_space<vmem>>
        %dma_start3A_34 = tpu.memref_squeeze %dma_start3A_33 : memref<1x128xi32, #tpu.memory_space<vmem>> -> memref<128xi32, #tpu.memory_space<vmem>>
        %dma_start3A_35 = arith.constant 0 : i32
        %dma_start3A_36 = arith.constant 0 : i32
        %dma_start3A_37 = tpu.memref_slice %arg2[%dma_start3A_35, %dma_start3A_36] : memref<50000x32xf32, #tpu.memory_space<hbm>> -> memref<50000x32xf32, #tpu.memory_space<hbm>>
        tpu.enqueue_indirect_dma source(%dma_start3A_37 : memref<50000x32xf32, #tpu.memory_space<hbm>>) target(%arg12 : memref<128x32xf32, #tpu.memory_space<vmem>>) offsets(%dma_start3A_34 : memref<128xi32, #tpu.memory_space<vmem>>) semaphore(%arg16 : memref<!tpu.dma_semaphore, #tpu.memory_space<semaphore_mem>>)
        %dma_start3A_38 = arith.constant 1 : i32
        %dma_start3A_39 = arith.constant 0 : i32
        %dma_start3A_40 = tpu.memref_slice %arg10[%dma_start3A_38, %dma_start3A_39] : memref<40x128xi32, #tpu.memory_space<vmem>> -> memref<1x128xi32, #tpu.memory_space<vmem>>
        %dma_start3A_41 = tpu.memref_squeeze %dma_start3A_40 : memref<1x128xi32, #tpu.memory_space<vmem>> -> memref<128xi32, #tpu.memory_space<vmem>>
        %dma_start3A_42 = arith.constant 0 : i32
        %dma_start3A_43 = arith.constant 0 : i32
        %dma_start3A_44 = tpu.memref_slice %arg2[%dma_start3A_42, %dma_start3A_43] : memref<50000x32xf32, #tpu.memory_space<hbm>> -> memref<50000x32xf32, #tpu.memory_space<hbm>>
        tpu.enqueue_indirect_dma source(%dma_start3A_44 : memref<50000x32xf32, #tpu.memory_space<hbm>>) target(%arg13 : memref<128x32xf32, #tpu.memory_space<vmem>>) offsets(%dma_start3A_41 : memref<128xi32, #tpu.memory_space<vmem>>) semaphore(%arg17 : memref<!tpu.dma_semaphore, #tpu.memory_space<semaphore_mem>>)
        %scan3A_45 = arith.constant 0 : i32
        %scan3A_46 = arith.constant 10 : i32
        %scan3A_47 = arith.addi %scan3A_45, %scan3A_46 : i32
        %scan3A_48 = arith.constant 1 : i32
        scf.for %scan3A_61 = %scan3A_45 to %scan3A_47 step %scan3A_48  : i32 {
          %mul3A_62 = arith.constant 4 : i32
          %mul3A_63 = arith.muli %scan3A_61, %mul3A_62 : i32
          %add3A_64 = arith.constant 0 : i32
          %add3A_65 = arith.addi %add3A_64, %mul3A_63 : i32
          %add3A_66 = arith.constant 0 : i32
          %add3A_67 = arith.addi %add3A_65, %add3A_66 : i32
          %dma_wait3A_68 = arith.constant 0 : i32
          %dma_wait3A_69 = arith.constant 0 : i32
          %dma_wait3A_70 = tpu.memref_slice %arg2[%dma_wait3A_68, %dma_wait3A_69] : memref<50000x32xf32, #tpu.memory_space<hbm>> -> memref<128x32xf32, #tpu.memory_space<hbm>>
          %dma_wait3A_71 = arith.constant 0 : i32
          %dma_wait3A_72 = arith.constant 0 : i32
          %dma_wait3A_73 = tpu.memref_slice %arg2[%dma_wait3A_71, %dma_wait3A_72] : memref<50000x32xf32, #tpu.memory_space<hbm>> -> memref<128x32xf32, #tpu.memory_space<hbm>>
          tpu.wait_dma2 semaphore(%arg16 : memref<!tpu.dma_semaphore, #tpu.memory_space<semaphore_mem>>) src(%dma_wait3A_73 : memref<128x32xf32, #tpu.memory_space<hbm>>) dst(%arg12 : memref<128x32xf32, #tpu.memory_space<vmem>>)
          %dma_start3A_74 = arith.constant 0 : i32
          %dma_start3A_75 = tpu.memref_slice %arg11[%add3A_67, %dma_start3A_74] : memref<40x128xi32, #tpu.memory_space<vmem>> -> memref<1x128xi32, #tpu.memory_space<vmem>>
          %dma_start3A_76 = tpu.memref_squeeze %dma_start3A_75 : memref<1x128xi32, #tpu.memory_space<vmem>> -> memref<128xi32, #tpu.memory_space<vmem>>
          %dma_start3A_77 = arith.constant 0 : i32
          %dma_start3A_78 = arith.constant 0 : i32
          %dma_start3A_79 = tpu.memref_slice %arg9[%dma_start3A_77, %dma_start3A_78] : memref<50048x32xf32, #tpu.memory_space<vmem_shared>> -> memref<50048x32xf32, #tpu.memory_space<vmem_shared>>
          tpu.enqueue_indirect_dma source(%arg12 : memref<128x32xf32, #tpu.memory_space<vmem>>) target(%dma_start3A_79 : memref<50048x32xf32, #tpu.memory_space<vmem_shared>>) offsets(%dma_start3A_76 : memref<128xi32, #tpu.memory_space<vmem>>) semaphore(%arg20 : memref<!tpu.dma_semaphore, #tpu.memory_space<semaphore_mem>>) {add = true}
          %ge3A = arith.constant 2 : i32
          %ge3A_80 = arith.cmpi sge, %add3A_67, %ge3A : i32
          %convert_element_type3A_81 = arith.extui %ge3A_80 : i1 to i32
          %cond3A_82 = arith.constant 0 : i32
          %cond3A_83 = arith.cmpi ne, %convert_element_type3A_81, %cond3A_82 : i32
          scf.if %cond3A_83 {
            %dma_wait3A_168 = arith.constant 0 : i32
            %dma_wait3A_169 = arith.constant 0 : i32
            %dma_wait3A_170 = tpu.memref_slice %arg9[%dma_wait3A_168, %dma_wait3A_169] : memref<50048x32xf32, #tpu.memory_space<vmem_shared>> -> memref<128x32xf32, #tpu.memory_space<vmem_shared>>
            %dma_wait3A_171 = arith.constant 0 : i32
            %dma_wait3A_172 = arith.constant 0 : i32
            %dma_wait3A_173 = tpu.memref_slice %arg9[%dma_wait3A_171, %dma_wait3A_172] : memref<50048x32xf32, #tpu.memory_space<vmem_shared>> -> memref<128x32xf32, #tpu.memory_space<vmem_shared>>
            tpu.wait_dma2 semaphore(%arg22 : memref<!tpu.dma_semaphore, #tpu.memory_space<semaphore_mem>>) src(%arg14 : memref<128x32xf32, #tpu.memory_space<vmem>>) dst(%dma_wait3A_173 : memref<128x32xf32, #tpu.memory_space<vmem_shared>>)
          } else {
          }
          %add3A_84 = arith.constant 2 : i32
          %add3A_85 = arith.addi %add3A_67, %add3A_84 : i32
          %lt3A = arith.constant 40 : i32
          %lt3A_86 = arith.cmpi slt, %add3A_85, %lt3A : i32
          %convert_element_type3A_87 = arith.extui %lt3A_86 : i1 to i32
          %cond3A_88 = arith.constant 0 : i32
          %cond3A_89 = arith.cmpi ne, %convert_element_type3A_87, %cond3A_88 : i32
          scf.if %cond3A_89 {
            %add3A_168 = arith.constant 2 : i32
            %add3A_169 = arith.addi %add3A_67, %add3A_168 : i32
            %dma_start3A_170 = arith.constant 0 : i32
            %dma_start3A_171 = tpu.memref_slice %arg10[%add3A_169, %dma_start3A_170] : memref<40x128xi32, #tpu.memory_space<vmem>> -> memref<1x128xi32, #tpu.memory_space<vmem>>
            %dma_start3A_172 = tpu.memref_squeeze %dma_start3A_171 : memref<1x128xi32, #tpu.memory_space<vmem>> -> memref<128xi32, #tpu.memory_space<vmem>>
            %dma_start3A_173 = arith.constant 0 : i32
            %dma_start3A_174 = arith.constant 0 : i32
            %dma_start3A_175 = tpu.memref_slice %arg2[%dma_start3A_173, %dma_start3A_174] : memref<50000x32xf32, #tpu.memory_space<hbm>> -> memref<50000x32xf32, #tpu.memory_space<hbm>>
            tpu.enqueue_indirect_dma source(%dma_start3A_175 : memref<50000x32xf32, #tpu.memory_space<hbm>>) target(%arg14 : memref<128x32xf32, #tpu.memory_space<vmem>>) offsets(%dma_start3A_172 : memref<128xi32, #tpu.memory_space<vmem>>) semaphore(%arg18 : memref<!tpu.dma_semaphore, #tpu.memory_space<semaphore_mem>>)
          } else {
          }
          %add3A_90 = arith.constant 1 : i32
          %add3A_91 = arith.addi %add3A_65, %add3A_90 : i32
          %dma_wait3A_92 = arith.constant 0 : i32
          %dma_wait3A_93 = arith.constant 0 : i32
          %dma_wait3A_94 = tpu.memref_slice %arg2[%dma_wait3A_92, %dma_wait3A_93] : memref<50000x32xf32, #tpu.memory_space<hbm>> -> memref<128x32xf32, #tpu.memory_space<hbm>>
          %dma_wait3A_95 = arith.constant 0 : i32
          %dma_wait3A_96 = arith.constant 0 : i32
          %dma_wait3A_97 = tpu.memref_slice %arg2[%dma_wait3A_95, %dma_wait3A_96] : memref<50000x32xf32, #tpu.memory_space<hbm>> -> memref<128x32xf32, #tpu.memory_space<hbm>>
          tpu.wait_dma2 semaphore(%arg17 : memref<!tpu.dma_semaphore, #tpu.memory_space<semaphore_mem>>) src(%dma_wait3A_97 : memref<128x32xf32, #tpu.memory_space<hbm>>) dst(%arg13 : memref<128x32xf32, #tpu.memory_space<vmem>>)
          %dma_start3A_98 = arith.constant 0 : i32
          %dma_start3A_99 = tpu.memref_slice %arg11[%add3A_91, %dma_start3A_98] : memref<40x128xi32, #tpu.memory_space<vmem>> -> memref<1x128xi32, #tpu.memory_space<vmem>>
          %dma_start3A_100 = tpu.memref_squeeze %dma_start3A_99 : memref<1x128xi32, #tpu.memory_space<vmem>> -> memref<128xi32, #tpu.memory_space<vmem>>
          %dma_start3A_101 = arith.constant 0 : i32
          %dma_start3A_102 = arith.constant 0 : i32
          %dma_start3A_103 = tpu.memref_slice %arg9[%dma_start3A_101, %dma_start3A_102] : memref<50048x32xf32, #tpu.memory_space<vmem_shared>> -> memref<50048x32xf32, #tpu.memory_space<vmem_shared>>
          tpu.enqueue_indirect_dma source(%arg13 : memref<128x32xf32, #tpu.memory_space<vmem>>) target(%dma_start3A_103 : memref<50048x32xf32, #tpu.memory_space<vmem_shared>>) offsets(%dma_start3A_100 : memref<128xi32, #tpu.memory_space<vmem>>) semaphore(%arg21 : memref<!tpu.dma_semaphore, #tpu.memory_space<semaphore_mem>>) {add = true}
          %ge3A_104 = arith.constant 2 : i32
          %ge3A_105 = arith.cmpi sge, %add3A_91, %ge3A_104 : i32
          %convert_element_type3A_106 = arith.extui %ge3A_105 : i1 to i32
          %cond3A_107 = arith.constant 0 : i32
          %cond3A_108 = arith.cmpi ne, %convert_element_type3A_106, %cond3A_107 : i32
          scf.if %cond3A_108 {
            %dma_wait3A_168 = arith.constant 0 : i32
            %dma_wait3A_169 = arith.constant 0 : i32
            %dma_wait3A_170 = tpu.memref_slice %arg9[%dma_wait3A_168, %dma_wait3A_169] : memref<50048x32xf32, #tpu.memory_space<vmem_shared>> -> memref<128x32xf32, #tpu.memory_space<vmem_shared>>
            %dma_wait3A_171 = arith.constant 0 : i32
            %dma_wait3A_172 = arith.constant 0 : i32
            %dma_wait3A_173 = tpu.memref_slice %arg9[%dma_wait3A_171, %dma_wait3A_172] : memref<50048x32xf32, #tpu.memory_space<vmem_shared>> -> memref<128x32xf32, #tpu.memory_space<vmem_shared>>
            tpu.wait_dma2 semaphore(%arg23 : memref<!tpu.dma_semaphore, #tpu.memory_space<semaphore_mem>>) src(%arg15 : memref<128x32xf32, #tpu.memory_space<vmem>>) dst(%dma_wait3A_173 : memref<128x32xf32, #tpu.memory_space<vmem_shared>>)
          } else {
          }
          %add3A_109 = arith.constant 2 : i32
          %add3A_110 = arith.addi %add3A_91, %add3A_109 : i32
          %lt3A_111 = arith.constant 40 : i32
          %lt3A_112 = arith.cmpi slt, %add3A_110, %lt3A_111 : i32
          %convert_element_type3A_113 = arith.extui %lt3A_112 : i1 to i32
          %cond3A_114 = arith.constant 0 : i32
          %cond3A_115 = arith.cmpi ne, %convert_element_type3A_113, %cond3A_114 : i32
          scf.if %cond3A_115 {
            %add3A_168 = arith.constant 2 : i32
            %add3A_169 = arith.addi %add3A_91, %add3A_168 : i32
            %dma_start3A_170 = arith.constant 0 : i32
            %dma_start3A_171 = tpu.memref_slice %arg10[%add3A_169, %dma_start3A_170] : memref<40x128xi32, #tpu.memory_space<vmem>> -> memref<1x128xi32, #tpu.memory_space<vmem>>
            %dma_start3A_172 = tpu.memref_squeeze %dma_start3A_171 : memref<1x128xi32, #tpu.memory_space<vmem>> -> memref<128xi32, #tpu.memory_space<vmem>>
            %dma_start3A_173 = arith.constant 0 : i32
            %dma_start3A_174 = arith.constant 0 : i32
            %dma_start3A_175 = tpu.memref_slice %arg2[%dma_start3A_173, %dma_start3A_174] : memref<50000x32xf32, #tpu.memory_space<hbm>> -> memref<50000x32xf32, #tpu.memory_space<hbm>>
            tpu.enqueue_indirect_dma source(%dma_start3A_175 : memref<50000x32xf32, #tpu.memory_space<hbm>>) target(%arg15 : memref<128x32xf32, #tpu.memory_space<vmem>>) offsets(%dma_start3A_172 : memref<128xi32, #tpu.memory_space<vmem>>) semaphore(%arg19 : memref<!tpu.dma_semaphore, #tpu.memory_space<semaphore_mem>>)
          } else {
          }
          %add3A_116 = arith.constant 2 : i32
          %add3A_117 = arith.addi %add3A_65, %add3A_116 : i32
          %dma_wait3A_118 = arith.constant 0 : i32
          %dma_wait3A_119 = arith.constant 0 : i32
          %dma_wait3A_120 = tpu.memref_slice %arg2[%dma_wait3A_118, %dma_wait3A_119] : memref<50000x32xf32, #tpu.memory_space<hbm>> -> memref<128x32xf32, #tpu.memory_space<hbm>>
          %dma_wait3A_121 = arith.constant 0 : i32
          %dma_wait3A_122 = arith.constant 0 : i32
          %dma_wait3A_123 = tpu.memref_slice %arg2[%dma_wait3A_121, %dma_wait3A_122] : memref<50000x32xf32, #tpu.memory_space<hbm>> -> memref<128x32xf32, #tpu.memory_space<hbm>>
          tpu.wait_dma2 semaphore(%arg18 : memref<!tpu.dma_semaphore, #tpu.memory_space<semaphore_mem>>) src(%dma_wait3A_123 : memref<128x32xf32, #tpu.memory_space<hbm>>) dst(%arg14 : memref<128x32xf32, #tpu.memory_space<vmem>>)
          %dma_start3A_124 = arith.constant 0 : i32
          %dma_start3A_125 = tpu.memref_slice %arg11[%add3A_117, %dma_start3A_124] : memref<40x128xi32, #tpu.memory_space<vmem>> -> memref<1x128xi32, #tpu.memory_space<vmem>>
          %dma_start3A_126 = tpu.memref_squeeze %dma_start3A_125 : memref<1x128xi32, #tpu.memory_space<vmem>> -> memref<128xi32, #tpu.memory_space<vmem>>
          %dma_start3A_127 = arith.constant 0 : i32
          %dma_start3A_128 = arith.constant 0 : i32
          %dma_start3A_129 = tpu.memref_slice %arg9[%dma_start3A_127, %dma_start3A_128] : memref<50048x32xf32, #tpu.memory_space<vmem_shared>> -> memref<50048x32xf32, #tpu.memory_space<vmem_shared>>
          tpu.enqueue_indirect_dma source(%arg14 : memref<128x32xf32, #tpu.memory_space<vmem>>) target(%dma_start3A_129 : memref<50048x32xf32, #tpu.memory_space<vmem_shared>>) offsets(%dma_start3A_126 : memref<128xi32, #tpu.memory_space<vmem>>) semaphore(%arg22 : memref<!tpu.dma_semaphore, #tpu.memory_space<semaphore_mem>>) {add = true}
          %ge3A_130 = arith.constant 2 : i32
          %ge3A_131 = arith.cmpi sge, %add3A_117, %ge3A_130 : i32
          %convert_element_type3A_132 = arith.extui %ge3A_131 : i1 to i32
          %cond3A_133 = arith.constant 0 : i32
          %cond3A_134 = arith.cmpi ne, %convert_element_type3A_132, %cond3A_133 : i32
          scf.if %cond3A_134 {
            %dma_wait3A_168 = arith.constant 0 : i32
            %dma_wait3A_169 = arith.constant 0 : i32
            %dma_wait3A_170 = tpu.memref_slice %arg9[%dma_wait3A_168, %dma_wait3A_169] : memref<50048x32xf32, #tpu.memory_space<vmem_shared>> -> memref<128x32xf32, #tpu.memory_space<vmem_shared>>
            %dma_wait3A_171 = arith.constant 0 : i32
            %dma_wait3A_172 = arith.constant 0 : i32
            %dma_wait3A_173 = tpu.memref_slice %arg9[%dma_wait3A_171, %dma_wait3A_172] : memref<50048x32xf32, #tpu.memory_space<vmem_shared>> -> memref<128x32xf32, #tpu.memory_space<vmem_shared>>
            tpu.wait_dma2 semaphore(%arg20 : memref<!tpu.dma_semaphore, #tpu.memory_space<semaphore_mem>>) src(%arg12 : memref<128x32xf32, #tpu.memory_space<vmem>>) dst(%dma_wait3A_173 : memref<128x32xf32, #tpu.memory_space<vmem_shared>>)
          } else {
          }
          %add3A_135 = arith.constant 2 : i32
          %add3A_136 = arith.addi %add3A_117, %add3A_135 : i32
          %lt3A_137 = arith.constant 40 : i32
          %lt3A_138 = arith.cmpi slt, %add3A_136, %lt3A_137 : i32
          %convert_element_type3A_139 = arith.extui %lt3A_138 : i1 to i32
          %cond3A_140 = arith.constant 0 : i32
          %cond3A_141 = arith.cmpi ne, %convert_element_type3A_139, %cond3A_140 : i32
          scf.if %cond3A_141 {
            %add3A_168 = arith.constant 2 : i32
            %add3A_169 = arith.addi %add3A_117, %add3A_168 : i32
            %dma_start3A_170 = arith.constant 0 : i32
            %dma_start3A_171 = tpu.memref_slice %arg10[%add3A_169, %dma_start3A_170] : memref<40x128xi32, #tpu.memory_space<vmem>> -> memref<1x128xi32, #tpu.memory_space<vmem>>
            %dma_start3A_172 = tpu.memref_squeeze %dma_start3A_171 : memref<1x128xi32, #tpu.memory_space<vmem>> -> memref<128xi32, #tpu.memory_space<vmem>>
            %dma_start3A_173 = arith.constant 0 : i32
            %dma_start3A_174 = arith.constant 0 : i32
            %dma_start3A_175 = tpu.memref_slice %arg2[%dma_start3A_173, %dma_start3A_174] : memref<50000x32xf32, #tpu.memory_space<hbm>> -> memref<50000x32xf32, #tpu.memory_space<hbm>>
            tpu.enqueue_indirect_dma source(%dma_start3A_175 : memref<50000x32xf32, #tpu.memory_space<hbm>>) target(%arg12 : memref<128x32xf32, #tpu.memory_space<vmem>>) offsets(%dma_start3A_172 : memref<128xi32, #tpu.memory_space<vmem>>) semaphore(%arg16 : memref<!tpu.dma_semaphore, #tpu.memory_space<semaphore_mem>>)
          } else {
          }
          %add3A_142 = arith.constant 3 : i32
          %add3A_143 = arith.addi %add3A_65, %add3A_142 : i32
          %dma_wait3A_144 = arith.constant 0 : i32
          %dma_wait3A_145 = arith.constant 0 : i32
          %dma_wait3A_146 = tpu.memref_slice %arg2[%dma_wait3A_144, %dma_wait3A_145] : memref<50000x32xf32, #tpu.memory_space<hbm>> -> memref<128x32xf32, #tpu.memory_space<hbm>>
          %dma_wait3A_147 = arith.constant 0 : i32
          %dma_wait3A_148 = arith.constant 0 : i32
          %dma_wait3A_149 = tpu.memref_slice %arg2[%dma_wait3A_147, %dma_wait3A_148] : memref<50000x32xf32, #tpu.memory_space<hbm>> -> memref<128x32xf32, #tpu.memory_space<hbm>>
          tpu.wait_dma2 semaphore(%arg19 : memref<!tpu.dma_semaphore, #tpu.memory_space<semaphore_mem>>) src(%dma_wait3A_149 : memref<128x32xf32, #tpu.memory_space<hbm>>) dst(%arg15 : memref<128x32xf32, #tpu.memory_space<vmem>>)
          %dma_start3A_150 = arith.constant 0 : i32
          %dma_start3A_151 = tpu.memref_slice %arg11[%add3A_143, %dma_start3A_150] : memref<40x128xi32, #tpu.memory_space<vmem>> -> memref<1x128xi32, #tpu.memory_space<vmem>>
          %dma_start3A_152 = tpu.memref_squeeze %dma_start3A_151 : memref<1x128xi32, #tpu.memory_space<vmem>> -> memref<128xi32, #tpu.memory_space<vmem>>
          %dma_start3A_153 = arith.constant 0 : i32
          %dma_start3A_154 = arith.constant 0 : i32
          %dma_start3A_155 = tpu.memref_slice %arg9[%dma_start3A_153, %dma_start3A_154] : memref<50048x32xf32, #tpu.memory_space<vmem_shared>> -> memref<50048x32xf32, #tpu.memory_space<vmem_shared>>
          tpu.enqueue_indirect_dma source(%arg15 : memref<128x32xf32, #tpu.memory_space<vmem>>) target(%dma_start3A_155 : memref<50048x32xf32, #tpu.memory_space<vmem_shared>>) offsets(%dma_start3A_152 : memref<128xi32, #tpu.memory_space<vmem>>) semaphore(%arg23 : memref<!tpu.dma_semaphore, #tpu.memory_space<semaphore_mem>>) {add = true}
          %ge3A_156 = arith.constant 2 : i32
          %ge3A_157 = arith.cmpi sge, %add3A_143, %ge3A_156 : i32
          %convert_element_type3A_158 = arith.extui %ge3A_157 : i1 to i32
          %cond3A_159 = arith.constant 0 : i32
          %cond3A_160 = arith.cmpi ne, %convert_element_type3A_158, %cond3A_159 : i32
          scf.if %cond3A_160 {
            %dma_wait3A_168 = arith.constant 0 : i32
            %dma_wait3A_169 = arith.constant 0 : i32
            %dma_wait3A_170 = tpu.memref_slice %arg9[%dma_wait3A_168, %dma_wait3A_169] : memref<50048x32xf32, #tpu.memory_space<vmem_shared>> -> memref<128x32xf32, #tpu.memory_space<vmem_shared>>
            %dma_wait3A_171 = arith.constant 0 : i32
            %dma_wait3A_172 = arith.constant 0 : i32
            %dma_wait3A_173 = tpu.memref_slice %arg9[%dma_wait3A_171, %dma_wait3A_172] : memref<50048x32xf32, #tpu.memory_space<vmem_shared>> -> memref<128x32xf32, #tpu.memory_space<vmem_shared>>
            tpu.wait_dma2 semaphore(%arg21 : memref<!tpu.dma_semaphore, #tpu.memory_space<semaphore_mem>>) src(%arg13 : memref<128x32xf32, #tpu.memory_space<vmem>>) dst(%dma_wait3A_173 : memref<128x32xf32, #tpu.memory_space<vmem_shared>>)
          } else {
          }
          %add3A_161 = arith.constant 2 : i32
          %add3A_162 = arith.addi %add3A_143, %add3A_161 : i32
          %lt3A_163 = arith.constant 40 : i32
          %lt3A_164 = arith.cmpi slt, %add3A_162, %lt3A_163 : i32
          %convert_element_type3A_165 = arith.extui %lt3A_164 : i1 to i32
          %cond3A_166 = arith.constant 0 : i32
          %cond3A_167 = arith.cmpi ne, %convert_element_type3A_165, %cond3A_166 : i32
          scf.if %cond3A_167 {
            %add3A_168 = arith.constant 2 : i32
            %add3A_169 = arith.addi %add3A_143, %add3A_168 : i32
            %dma_start3A_170 = arith.constant 0 : i32
            %dma_start3A_171 = tpu.memref_slice %arg10[%add3A_169, %dma_start3A_170] : memref<40x128xi32, #tpu.memory_space<vmem>> -> memref<1x128xi32, #tpu.memory_space<vmem>>
            %dma_start3A_172 = tpu.memref_squeeze %dma_start3A_171 : memref<1x128xi32, #tpu.memory_space<vmem>> -> memref<128xi32, #tpu.memory_space<vmem>>
            %dma_start3A_173 = arith.constant 0 : i32
            %dma_start3A_174 = arith.constant 0 : i32
            %dma_start3A_175 = tpu.memref_slice %arg2[%dma_start3A_173, %dma_start3A_174] : memref<50000x32xf32, #tpu.memory_space<hbm>> -> memref<50000x32xf32, #tpu.memory_space<hbm>>
            tpu.enqueue_indirect_dma source(%dma_start3A_175 : memref<50000x32xf32, #tpu.memory_space<hbm>>) target(%arg13 : memref<128x32xf32, #tpu.memory_space<vmem>>) offsets(%dma_start3A_172 : memref<128xi32, #tpu.memory_space<vmem>>) semaphore(%arg17 : memref<!tpu.dma_semaphore, #tpu.memory_space<semaphore_mem>>)
          } else {
          }
        }
        %scan3A_49 = arith.constant 10 : i32
        %dma_wait3A = arith.constant 0 : i32
        %dma_wait3A_50 = arith.constant 0 : i32
        %dma_wait3A_51 = tpu.memref_slice %arg9[%dma_wait3A, %dma_wait3A_50] : memref<50048x32xf32, #tpu.memory_space<vmem_shared>> -> memref<128x32xf32, #tpu.memory_space<vmem_shared>>
        %dma_wait3A_52 = arith.constant 0 : i32
        %dma_wait3A_53 = arith.constant 0 : i32
        %dma_wait3A_54 = tpu.memref_slice %arg9[%dma_wait3A_52, %dma_wait3A_53] : memref<50048x32xf32, #tpu.memory_space<vmem_shared>> -> memref<128x32xf32, #tpu.memory_space<vmem_shared>>
        tpu.wait_dma2 semaphore(%arg22 : memref<!tpu.dma_semaphore, #tpu.memory_space<semaphore_mem>>) src(%arg14 : memref<128x32xf32, #tpu.memory_space<vmem>>) dst(%dma_wait3A_54 : memref<128x32xf32, #tpu.memory_space<vmem_shared>>)
        %dma_wait3A_55 = arith.constant 0 : i32
        %dma_wait3A_56 = arith.constant 0 : i32
        %dma_wait3A_57 = tpu.memref_slice %arg9[%dma_wait3A_55, %dma_wait3A_56] : memref<50048x32xf32, #tpu.memory_space<vmem_shared>> -> memref<128x32xf32, #tpu.memory_space<vmem_shared>>
        %dma_wait3A_58 = arith.constant 0 : i32
        %dma_wait3A_59 = arith.constant 0 : i32
        %dma_wait3A_60 = tpu.memref_slice %arg9[%dma_wait3A_58, %dma_wait3A_59] : memref<50048x32xf32, #tpu.memory_space<vmem_shared>> -> memref<128x32xf32, #tpu.memory_space<vmem_shared>>
        tpu.wait_dma2 semaphore(%arg23 : memref<!tpu.dma_semaphore, #tpu.memory_space<semaphore_mem>>) src(%arg15 : memref<128x32xf32, #tpu.memory_space<vmem>>) dst(%dma_wait3A_60 : memref<128x32xf32, #tpu.memory_space<vmem_shared>>)
      }
      %scan3A_24 = arith.constant 10 : i32
    } else {
    }
    %eq3A_5 = arith.constant 1 : i32
    %eq3A_6 = arith.cmpi eq, %arg0, %eq3A_5 : i32
    %convert_element_type3A_7 = arith.extui %eq3A_6 : i1 to i32
    %cond3A_8 = arith.constant 0 : i32
    %cond3A_9 = arith.cmpi ne, %convert_element_type3A_7, %cond3A_8 : i32
    scf.if %cond3A_9 {
      %scan3A = arith.constant 0 : i32
      %scan3A_21 = arith.constant 10 : i32
      %scan3A_22 = arith.addi %scan3A, %scan3A_21 : i32
      %scan3A_23 = arith.constant 1 : i32
      scf.for %scan3A_25 = %scan3A to %scan3A_22 step %scan3A_23  : i32 {
        %mul3A_26 = arith.constant 1 : i32
        %mul3A_27 = arith.muli %scan3A_25, %mul3A_26 : i32
        %add3A = arith.constant 0 : i32
        %add3A_28 = arith.addi %add3A, %mul3A_27 : i32
        %mul3A_29 = arith.constant 40 : i32
        %mul3A_30 = arith.muli %add3A_28, %mul3A_29 : i32
        %add3A_31 = arith.addi %mul3A_2, %mul3A_30 : i32
        "tpu.region"() ({
          %run_scoped3A = tpu.sem_alloc : memref<!tpu.dma_semaphore, #tpu.memory_space<semaphore_mem>>
          %dma_start3A_61 = arith.constant 0 : i32
          %dma_start3A_62 = tpu.memref_slice %arg4[%add3A_31, %dma_start3A_61] : memref<6400x128xi32, #tpu.memory_space<hbm>> -> memref<40x128xi32, #tpu.memory_space<hbm>>
          %dma_start3A_63 = arith.constant 0 : i32
          %dma_start3A_64 = tpu.memref_slice %arg4[%add3A_31, %dma_start3A_63] : memref<6400x128xi32, #tpu.memory_space<hbm>> -> memref<40x128xi32, #tpu.memory_space<hbm>>
          tpu.enqueue_dma source(%dma_start3A_64 : memref<40x128xi32, #tpu.memory_space<hbm>>) target(%arg10 : memref<40x128xi32, #tpu.memory_space<vmem>>) target_semaphore(%run_scoped3A : memref<!tpu.dma_semaphore, #tpu.memory_space<semaphore_mem>>)
          %dma_wait3A_65 = arith.constant 0 : i32
          %dma_wait3A_66 = tpu.memref_slice %arg4[%add3A_31, %dma_wait3A_65] : memref<6400x128xi32, #tpu.memory_space<hbm>> -> memref<40x128xi32, #tpu.memory_space<hbm>>
          %dma_wait3A_67 = arith.constant 0 : i32
          %dma_wait3A_68 = tpu.memref_slice %arg4[%add3A_31, %dma_wait3A_67] : memref<6400x128xi32, #tpu.memory_space<hbm>> -> memref<40x128xi32, #tpu.memory_space<hbm>>
          tpu.wait_dma2 semaphore(%run_scoped3A : memref<!tpu.dma_semaphore, #tpu.memory_space<semaphore_mem>>) src(%dma_wait3A_68 : memref<40x128xi32, #tpu.memory_space<hbm>>) dst(%arg10 : memref<40x128xi32, #tpu.memory_space<vmem>>)
          tpu.yield
        }) : () -> ()
        "tpu.region"() ({
          %run_scoped3A = tpu.sem_alloc : memref<!tpu.dma_semaphore, #tpu.memory_space<semaphore_mem>>
          %dma_start3A_61 = arith.constant 0 : i32
          %dma_start3A_62 = tpu.memref_slice %arg5[%add3A_31, %dma_start3A_61] : memref<6400x128xi32, #tpu.memory_space<hbm>> -> memref<40x128xi32, #tpu.memory_space<hbm>>
          %dma_start3A_63 = arith.constant 0 : i32
          %dma_start3A_64 = tpu.memref_slice %arg5[%add3A_31, %dma_start3A_63] : memref<6400x128xi32, #tpu.memory_space<hbm>> -> memref<40x128xi32, #tpu.memory_space<hbm>>
          tpu.enqueue_dma source(%dma_start3A_64 : memref<40x128xi32, #tpu.memory_space<hbm>>) target(%arg11 : memref<40x128xi32, #tpu.memory_space<vmem>>) target_semaphore(%run_scoped3A : memref<!tpu.dma_semaphore, #tpu.memory_space<semaphore_mem>>)
          %dma_wait3A_65 = arith.constant 0 : i32
          %dma_wait3A_66 = tpu.memref_slice %arg5[%add3A_31, %dma_wait3A_65] : memref<6400x128xi32, #tpu.memory_space<hbm>> -> memref<40x128xi32, #tpu.memory_space<hbm>>
          %dma_wait3A_67 = arith.constant 0 : i32
          %dma_wait3A_68 = tpu.memref_slice %arg5[%add3A_31, %dma_wait3A_67] : memref<6400x128xi32, #tpu.memory_space<hbm>> -> memref<40x128xi32, #tpu.memory_space<hbm>>
          tpu.wait_dma2 semaphore(%run_scoped3A : memref<!tpu.dma_semaphore, #tpu.memory_space<semaphore_mem>>) src(%dma_wait3A_68 : memref<40x128xi32, #tpu.memory_space<hbm>>) dst(%arg11 : memref<40x128xi32, #tpu.memory_space<vmem>>)
          tpu.yield
        }) : () -> ()
        %dma_start3A = arith.constant 0 : i32
        %dma_start3A_32 = arith.constant 0 : i32
        %dma_start3A_33 = tpu.memref_slice %arg10[%dma_start3A, %dma_start3A_32] : memref<40x128xi32, #tpu.memory_space<vmem>> -> memref<1x128xi32, #tpu.memory_space<vmem>>
        %dma_start3A_34 = tpu.memref_squeeze %dma_start3A_33 : memref<1x128xi32, #tpu.memory_space<vmem>> -> memref<128xi32, #tpu.memory_space<vmem>>
        %dma_start3A_35 = arith.constant 0 : i32
        %dma_start3A_36 = arith.constant 0 : i32
        %dma_start3A_37 = tpu.memref_slice %arg3[%dma_start3A_35, %dma_start3A_36] : memref<50000x32xf32, #tpu.memory_space<hbm>> -> memref<50000x32xf32, #tpu.memory_space<hbm>>
        tpu.enqueue_indirect_dma source(%dma_start3A_37 : memref<50000x32xf32, #tpu.memory_space<hbm>>) target(%arg12 : memref<128x32xf32, #tpu.memory_space<vmem>>) offsets(%dma_start3A_34 : memref<128xi32, #tpu.memory_space<vmem>>) semaphore(%arg16 : memref<!tpu.dma_semaphore, #tpu.memory_space<semaphore_mem>>)
        %dma_start3A_38 = arith.constant 1 : i32
        %dma_start3A_39 = arith.constant 0 : i32
        %dma_start3A_40 = tpu.memref_slice %arg10[%dma_start3A_38, %dma_start3A_39] : memref<40x128xi32, #tpu.memory_space<vmem>> -> memref<1x128xi32, #tpu.memory_space<vmem>>
        %dma_start3A_41 = tpu.memref_squeeze %dma_start3A_40 : memref<1x128xi32, #tpu.memory_space<vmem>> -> memref<128xi32, #tpu.memory_space<vmem>>
        %dma_start3A_42 = arith.constant 0 : i32
        %dma_start3A_43 = arith.constant 0 : i32
        %dma_start3A_44 = tpu.memref_slice %arg3[%dma_start3A_42, %dma_start3A_43] : memref<50000x32xf32, #tpu.memory_space<hbm>> -> memref<50000x32xf32, #tpu.memory_space<hbm>>
        tpu.enqueue_indirect_dma source(%dma_start3A_44 : memref<50000x32xf32, #tpu.memory_space<hbm>>) target(%arg13 : memref<128x32xf32, #tpu.memory_space<vmem>>) offsets(%dma_start3A_41 : memref<128xi32, #tpu.memory_space<vmem>>) semaphore(%arg17 : memref<!tpu.dma_semaphore, #tpu.memory_space<semaphore_mem>>)
        %scan3A_45 = arith.constant 0 : i32
        %scan3A_46 = arith.constant 10 : i32
        %scan3A_47 = arith.addi %scan3A_45, %scan3A_46 : i32
        %scan3A_48 = arith.constant 1 : i32
        scf.for %scan3A_61 = %scan3A_45 to %scan3A_47 step %scan3A_48  : i32 {
          %mul3A_62 = arith.constant 4 : i32
          %mul3A_63 = arith.muli %scan3A_61, %mul3A_62 : i32
          %add3A_64 = arith.constant 0 : i32
          %add3A_65 = arith.addi %add3A_64, %mul3A_63 : i32
          %add3A_66 = arith.constant 0 : i32
          %add3A_67 = arith.addi %add3A_65, %add3A_66 : i32
          %dma_wait3A_68 = arith.constant 0 : i32
          %dma_wait3A_69 = arith.constant 0 : i32
          %dma_wait3A_70 = tpu.memref_slice %arg3[%dma_wait3A_68, %dma_wait3A_69] : memref<50000x32xf32, #tpu.memory_space<hbm>> -> memref<128x32xf32, #tpu.memory_space<hbm>>
          %dma_wait3A_71 = arith.constant 0 : i32
          %dma_wait3A_72 = arith.constant 0 : i32
          %dma_wait3A_73 = tpu.memref_slice %arg3[%dma_wait3A_71, %dma_wait3A_72] : memref<50000x32xf32, #tpu.memory_space<hbm>> -> memref<128x32xf32, #tpu.memory_space<hbm>>
          tpu.wait_dma2 semaphore(%arg16 : memref<!tpu.dma_semaphore, #tpu.memory_space<semaphore_mem>>) src(%dma_wait3A_73 : memref<128x32xf32, #tpu.memory_space<hbm>>) dst(%arg12 : memref<128x32xf32, #tpu.memory_space<vmem>>)
          %dma_start3A_74 = arith.constant 0 : i32
          %dma_start3A_75 = tpu.memref_slice %arg11[%add3A_67, %dma_start3A_74] : memref<40x128xi32, #tpu.memory_space<vmem>> -> memref<1x128xi32, #tpu.memory_space<vmem>>
          %dma_start3A_76 = tpu.memref_squeeze %dma_start3A_75 : memref<1x128xi32, #tpu.memory_space<vmem>> -> memref<128xi32, #tpu.memory_space<vmem>>
          %dma_start3A_77 = arith.constant 0 : i32
          %dma_start3A_78 = arith.constant 0 : i32
          %dma_start3A_79 = tpu.memref_slice %arg9[%dma_start3A_77, %dma_start3A_78] : memref<50048x32xf32, #tpu.memory_space<vmem_shared>> -> memref<50048x32xf32, #tpu.memory_space<vmem_shared>>
          tpu.enqueue_indirect_dma source(%arg12 : memref<128x32xf32, #tpu.memory_space<vmem>>) target(%dma_start3A_79 : memref<50048x32xf32, #tpu.memory_space<vmem_shared>>) offsets(%dma_start3A_76 : memref<128xi32, #tpu.memory_space<vmem>>) semaphore(%arg20 : memref<!tpu.dma_semaphore, #tpu.memory_space<semaphore_mem>>) {add = true}
          %ge3A = arith.constant 2 : i32
          %ge3A_80 = arith.cmpi sge, %add3A_67, %ge3A : i32
          %convert_element_type3A_81 = arith.extui %ge3A_80 : i1 to i32
          %cond3A_82 = arith.constant 0 : i32
          %cond3A_83 = arith.cmpi ne, %convert_element_type3A_81, %cond3A_82 : i32
          scf.if %cond3A_83 {
            %dma_wait3A_168 = arith.constant 0 : i32
            %dma_wait3A_169 = arith.constant 0 : i32
            %dma_wait3A_170 = tpu.memref_slice %arg9[%dma_wait3A_168, %dma_wait3A_169] : memref<50048x32xf32, #tpu.memory_space<vmem_shared>> -> memref<128x32xf32, #tpu.memory_space<vmem_shared>>
            %dma_wait3A_171 = arith.constant 0 : i32
            %dma_wait3A_172 = arith.constant 0 : i32
            %dma_wait3A_173 = tpu.memref_slice %arg9[%dma_wait3A_171, %dma_wait3A_172] : memref<50048x32xf32, #tpu.memory_space<vmem_shared>> -> memref<128x32xf32, #tpu.memory_space<vmem_shared>>
            tpu.wait_dma2 semaphore(%arg22 : memref<!tpu.dma_semaphore, #tpu.memory_space<semaphore_mem>>) src(%arg14 : memref<128x32xf32, #tpu.memory_space<vmem>>) dst(%dma_wait3A_173 : memref<128x32xf32, #tpu.memory_space<vmem_shared>>)
          } else {
          }
          %add3A_84 = arith.constant 2 : i32
          %add3A_85 = arith.addi %add3A_67, %add3A_84 : i32
          %lt3A = arith.constant 40 : i32
          %lt3A_86 = arith.cmpi slt, %add3A_85, %lt3A : i32
          %convert_element_type3A_87 = arith.extui %lt3A_86 : i1 to i32
          %cond3A_88 = arith.constant 0 : i32
          %cond3A_89 = arith.cmpi ne, %convert_element_type3A_87, %cond3A_88 : i32
          scf.if %cond3A_89 {
            %add3A_168 = arith.constant 2 : i32
            %add3A_169 = arith.addi %add3A_67, %add3A_168 : i32
            %dma_start3A_170 = arith.constant 0 : i32
            %dma_start3A_171 = tpu.memref_slice %arg10[%add3A_169, %dma_start3A_170] : memref<40x128xi32, #tpu.memory_space<vmem>> -> memref<1x128xi32, #tpu.memory_space<vmem>>
            %dma_start3A_172 = tpu.memref_squeeze %dma_start3A_171 : memref<1x128xi32, #tpu.memory_space<vmem>> -> memref<128xi32, #tpu.memory_space<vmem>>
            %dma_start3A_173 = arith.constant 0 : i32
            %dma_start3A_174 = arith.constant 0 : i32
            %dma_start3A_175 = tpu.memref_slice %arg3[%dma_start3A_173, %dma_start3A_174] : memref<50000x32xf32, #tpu.memory_space<hbm>> -> memref<50000x32xf32, #tpu.memory_space<hbm>>
            tpu.enqueue_indirect_dma source(%dma_start3A_175 : memref<50000x32xf32, #tpu.memory_space<hbm>>) target(%arg14 : memref<128x32xf32, #tpu.memory_space<vmem>>) offsets(%dma_start3A_172 : memref<128xi32, #tpu.memory_space<vmem>>) semaphore(%arg18 : memref<!tpu.dma_semaphore, #tpu.memory_space<semaphore_mem>>)
          } else {
          }
          %add3A_90 = arith.constant 1 : i32
          %add3A_91 = arith.addi %add3A_65, %add3A_90 : i32
          %dma_wait3A_92 = arith.constant 0 : i32
          %dma_wait3A_93 = arith.constant 0 : i32
          %dma_wait3A_94 = tpu.memref_slice %arg3[%dma_wait3A_92, %dma_wait3A_93] : memref<50000x32xf32, #tpu.memory_space<hbm>> -> memref<128x32xf32, #tpu.memory_space<hbm>>
          %dma_wait3A_95 = arith.constant 0 : i32
          %dma_wait3A_96 = arith.constant 0 : i32
          %dma_wait3A_97 = tpu.memref_slice %arg3[%dma_wait3A_95, %dma_wait3A_96] : memref<50000x32xf32, #tpu.memory_space<hbm>> -> memref<128x32xf32, #tpu.memory_space<hbm>>
          tpu.wait_dma2 semaphore(%arg17 : memref<!tpu.dma_semaphore, #tpu.memory_space<semaphore_mem>>) src(%dma_wait3A_97 : memref<128x32xf32, #tpu.memory_space<hbm>>) dst(%arg13 : memref<128x32xf32, #tpu.memory_space<vmem>>)
          %dma_start3A_98 = arith.constant 0 : i32
          %dma_start3A_99 = tpu.memref_slice %arg11[%add3A_91, %dma_start3A_98] : memref<40x128xi32, #tpu.memory_space<vmem>> -> memref<1x128xi32, #tpu.memory_space<vmem>>
          %dma_start3A_100 = tpu.memref_squeeze %dma_start3A_99 : memref<1x128xi32, #tpu.memory_space<vmem>> -> memref<128xi32, #tpu.memory_space<vmem>>
          %dma_start3A_101 = arith.constant 0 : i32
          %dma_start3A_102 = arith.constant 0 : i32
          %dma_start3A_103 = tpu.memref_slice %arg9[%dma_start3A_101, %dma_start3A_102] : memref<50048x32xf32, #tpu.memory_space<vmem_shared>> -> memref<50048x32xf32, #tpu.memory_space<vmem_shared>>
          tpu.enqueue_indirect_dma source(%arg13 : memref<128x32xf32, #tpu.memory_space<vmem>>) target(%dma_start3A_103 : memref<50048x32xf32, #tpu.memory_space<vmem_shared>>) offsets(%dma_start3A_100 : memref<128xi32, #tpu.memory_space<vmem>>) semaphore(%arg21 : memref<!tpu.dma_semaphore, #tpu.memory_space<semaphore_mem>>) {add = true}
          %ge3A_104 = arith.constant 2 : i32
          %ge3A_105 = arith.cmpi sge, %add3A_91, %ge3A_104 : i32
          %convert_element_type3A_106 = arith.extui %ge3A_105 : i1 to i32
          %cond3A_107 = arith.constant 0 : i32
          %cond3A_108 = arith.cmpi ne, %convert_element_type3A_106, %cond3A_107 : i32
          scf.if %cond3A_108 {
            %dma_wait3A_168 = arith.constant 0 : i32
            %dma_wait3A_169 = arith.constant 0 : i32
            %dma_wait3A_170 = tpu.memref_slice %arg9[%dma_wait3A_168, %dma_wait3A_169] : memref<50048x32xf32, #tpu.memory_space<vmem_shared>> -> memref<128x32xf32, #tpu.memory_space<vmem_shared>>
            %dma_wait3A_171 = arith.constant 0 : i32
            %dma_wait3A_172 = arith.constant 0 : i32
            %dma_wait3A_173 = tpu.memref_slice %arg9[%dma_wait3A_171, %dma_wait3A_172] : memref<50048x32xf32, #tpu.memory_space<vmem_shared>> -> memref<128x32xf32, #tpu.memory_space<vmem_shared>>
            tpu.wait_dma2 semaphore(%arg23 : memref<!tpu.dma_semaphore, #tpu.memory_space<semaphore_mem>>) src(%arg15 : memref<128x32xf32, #tpu.memory_space<vmem>>) dst(%dma_wait3A_173 : memref<128x32xf32, #tpu.memory_space<vmem_shared>>)
          } else {
          }
          %add3A_109 = arith.constant 2 : i32
          %add3A_110 = arith.addi %add3A_91, %add3A_109 : i32
          %lt3A_111 = arith.constant 40 : i32
          %lt3A_112 = arith.cmpi slt, %add3A_110, %lt3A_111 : i32
          %convert_element_type3A_113 = arith.extui %lt3A_112 : i1 to i32
          %cond3A_114 = arith.constant 0 : i32
          %cond3A_115 = arith.cmpi ne, %convert_element_type3A_113, %cond3A_114 : i32
          scf.if %cond3A_115 {
            %add3A_168 = arith.constant 2 : i32
            %add3A_169 = arith.addi %add3A_91, %add3A_168 : i32
            %dma_start3A_170 = arith.constant 0 : i32
            %dma_start3A_171 = tpu.memref_slice %arg10[%add3A_169, %dma_start3A_170] : memref<40x128xi32, #tpu.memory_space<vmem>> -> memref<1x128xi32, #tpu.memory_space<vmem>>
            %dma_start3A_172 = tpu.memref_squeeze %dma_start3A_171 : memref<1x128xi32, #tpu.memory_space<vmem>> -> memref<128xi32, #tpu.memory_space<vmem>>
            %dma_start3A_173 = arith.constant 0 : i32
            %dma_start3A_174 = arith.constant 0 : i32
            %dma_start3A_175 = tpu.memref_slice %arg3[%dma_start3A_173, %dma_start3A_174] : memref<50000x32xf32, #tpu.memory_space<hbm>> -> memref<50000x32xf32, #tpu.memory_space<hbm>>
            tpu.enqueue_indirect_dma source(%dma_start3A_175 : memref<50000x32xf32, #tpu.memory_space<hbm>>) target(%arg15 : memref<128x32xf32, #tpu.memory_space<vmem>>) offsets(%dma_start3A_172 : memref<128xi32, #tpu.memory_space<vmem>>) semaphore(%arg19 : memref<!tpu.dma_semaphore, #tpu.memory_space<semaphore_mem>>)
          } else {
          }
          %add3A_116 = arith.constant 2 : i32
          %add3A_117 = arith.addi %add3A_65, %add3A_116 : i32
          %dma_wait3A_118 = arith.constant 0 : i32
          %dma_wait3A_119 = arith.constant 0 : i32
          %dma_wait3A_120 = tpu.memref_slice %arg3[%dma_wait3A_118, %dma_wait3A_119] : memref<50000x32xf32, #tpu.memory_space<hbm>> -> memref<128x32xf32, #tpu.memory_space<hbm>>
          %dma_wait3A_121 = arith.constant 0 : i32
          %dma_wait3A_122 = arith.constant 0 : i32
          %dma_wait3A_123 = tpu.memref_slice %arg3[%dma_wait3A_121, %dma_wait3A_122] : memref<50000x32xf32, #tpu.memory_space<hbm>> -> memref<128x32xf32, #tpu.memory_space<hbm>>
          tpu.wait_dma2 semaphore(%arg18 : memref<!tpu.dma_semaphore, #tpu.memory_space<semaphore_mem>>) src(%dma_wait3A_123 : memref<128x32xf32, #tpu.memory_space<hbm>>) dst(%arg14 : memref<128x32xf32, #tpu.memory_space<vmem>>)
          %dma_start3A_124 = arith.constant 0 : i32
          %dma_start3A_125 = tpu.memref_slice %arg11[%add3A_117, %dma_start3A_124] : memref<40x128xi32, #tpu.memory_space<vmem>> -> memref<1x128xi32, #tpu.memory_space<vmem>>
          %dma_start3A_126 = tpu.memref_squeeze %dma_start3A_125 : memref<1x128xi32, #tpu.memory_space<vmem>> -> memref<128xi32, #tpu.memory_space<vmem>>
          %dma_start3A_127 = arith.constant 0 : i32
          %dma_start3A_128 = arith.constant 0 : i32
          %dma_start3A_129 = tpu.memref_slice %arg9[%dma_start3A_127, %dma_start3A_128] : memref<50048x32xf32, #tpu.memory_space<vmem_shared>> -> memref<50048x32xf32, #tpu.memory_space<vmem_shared>>
          tpu.enqueue_indirect_dma source(%arg14 : memref<128x32xf32, #tpu.memory_space<vmem>>) target(%dma_start3A_129 : memref<50048x32xf32, #tpu.memory_space<vmem_shared>>) offsets(%dma_start3A_126 : memref<128xi32, #tpu.memory_space<vmem>>) semaphore(%arg22 : memref<!tpu.dma_semaphore, #tpu.memory_space<semaphore_mem>>) {add = true}
          %ge3A_130 = arith.constant 2 : i32
          %ge3A_131 = arith.cmpi sge, %add3A_117, %ge3A_130 : i32
          %convert_element_type3A_132 = arith.extui %ge3A_131 : i1 to i32
          %cond3A_133 = arith.constant 0 : i32
          %cond3A_134 = arith.cmpi ne, %convert_element_type3A_132, %cond3A_133 : i32
          scf.if %cond3A_134 {
            %dma_wait3A_168 = arith.constant 0 : i32
            %dma_wait3A_169 = arith.constant 0 : i32
            %dma_wait3A_170 = tpu.memref_slice %arg9[%dma_wait3A_168, %dma_wait3A_169] : memref<50048x32xf32, #tpu.memory_space<vmem_shared>> -> memref<128x32xf32, #tpu.memory_space<vmem_shared>>
            %dma_wait3A_171 = arith.constant 0 : i32
            %dma_wait3A_172 = arith.constant 0 : i32
            %dma_wait3A_173 = tpu.memref_slice %arg9[%dma_wait3A_171, %dma_wait3A_172] : memref<50048x32xf32, #tpu.memory_space<vmem_shared>> -> memref<128x32xf32, #tpu.memory_space<vmem_shared>>
            tpu.wait_dma2 semaphore(%arg20 : memref<!tpu.dma_semaphore, #tpu.memory_space<semaphore_mem>>) src(%arg12 : memref<128x32xf32, #tpu.memory_space<vmem>>) dst(%dma_wait3A_173 : memref<128x32xf32, #tpu.memory_space<vmem_shared>>)
          } else {
          }
          %add3A_135 = arith.constant 2 : i32
          %add3A_136 = arith.addi %add3A_117, %add3A_135 : i32
          %lt3A_137 = arith.constant 40 : i32
          %lt3A_138 = arith.cmpi slt, %add3A_136, %lt3A_137 : i32
          %convert_element_type3A_139 = arith.extui %lt3A_138 : i1 to i32
          %cond3A_140 = arith.constant 0 : i32
          %cond3A_141 = arith.cmpi ne, %convert_element_type3A_139, %cond3A_140 : i32
          scf.if %cond3A_141 {
            %add3A_168 = arith.constant 2 : i32
            %add3A_169 = arith.addi %add3A_117, %add3A_168 : i32
            %dma_start3A_170 = arith.constant 0 : i32
            %dma_start3A_171 = tpu.memref_slice %arg10[%add3A_169, %dma_start3A_170] : memref<40x128xi32, #tpu.memory_space<vmem>> -> memref<1x128xi32, #tpu.memory_space<vmem>>
            %dma_start3A_172 = tpu.memref_squeeze %dma_start3A_171 : memref<1x128xi32, #tpu.memory_space<vmem>> -> memref<128xi32, #tpu.memory_space<vmem>>
            %dma_start3A_173 = arith.constant 0 : i32
            %dma_start3A_174 = arith.constant 0 : i32
            %dma_start3A_175 = tpu.memref_slice %arg3[%dma_start3A_173, %dma_start3A_174] : memref<50000x32xf32, #tpu.memory_space<hbm>> -> memref<50000x32xf32, #tpu.memory_space<hbm>>
            tpu.enqueue_indirect_dma source(%dma_start3A_175 : memref<50000x32xf32, #tpu.memory_space<hbm>>) target(%arg12 : memref<128x32xf32, #tpu.memory_space<vmem>>) offsets(%dma_start3A_172 : memref<128xi32, #tpu.memory_space<vmem>>) semaphore(%arg16 : memref<!tpu.dma_semaphore, #tpu.memory_space<semaphore_mem>>)
          } else {
          }
          %add3A_142 = arith.constant 3 : i32
          %add3A_143 = arith.addi %add3A_65, %add3A_142 : i32
          %dma_wait3A_144 = arith.constant 0 : i32
          %dma_wait3A_145 = arith.constant 0 : i32
          %dma_wait3A_146 = tpu.memref_slice %arg3[%dma_wait3A_144, %dma_wait3A_145] : memref<50000x32xf32, #tpu.memory_space<hbm>> -> memref<128x32xf32, #tpu.memory_space<hbm>>
          %dma_wait3A_147 = arith.constant 0 : i32
          %dma_wait3A_148 = arith.constant 0 : i32
          %dma_wait3A_149 = tpu.memref_slice %arg3[%dma_wait3A_147, %dma_wait3A_148] : memref<50000x32xf32, #tpu.memory_space<hbm>> -> memref<128x32xf32, #tpu.memory_space<hbm>>
          tpu.wait_dma2 semaphore(%arg19 : memref<!tpu.dma_semaphore, #tpu.memory_space<semaphore_mem>>) src(%dma_wait3A_149 : memref<128x32xf32, #tpu.memory_space<hbm>>) dst(%arg15 : memref<128x32xf32, #tpu.memory_space<vmem>>)
          %dma_start3A_150 = arith.constant 0 : i32
          %dma_start3A_151 = tpu.memref_slice %arg11[%add3A_143, %dma_start3A_150] : memref<40x128xi32, #tpu.memory_space<vmem>> -> memref<1x128xi32, #tpu.memory_space<vmem>>
          %dma_start3A_152 = tpu.memref_squeeze %dma_start3A_151 : memref<1x128xi32, #tpu.memory_space<vmem>> -> memref<128xi32, #tpu.memory_space<vmem>>
          %dma_start3A_153 = arith.constant 0 : i32
          %dma_start3A_154 = arith.constant 0 : i32
          %dma_start3A_155 = tpu.memref_slice %arg9[%dma_start3A_153, %dma_start3A_154] : memref<50048x32xf32, #tpu.memory_space<vmem_shared>> -> memref<50048x32xf32, #tpu.memory_space<vmem_shared>>
          tpu.enqueue_indirect_dma source(%arg15 : memref<128x32xf32, #tpu.memory_space<vmem>>) target(%dma_start3A_155 : memref<50048x32xf32, #tpu.memory_space<vmem_shared>>) offsets(%dma_start3A_152 : memref<128xi32, #tpu.memory_space<vmem>>) semaphore(%arg23 : memref<!tpu.dma_semaphore, #tpu.memory_space<semaphore_mem>>) {add = true}
          %ge3A_156 = arith.constant 2 : i32
          %ge3A_157 = arith.cmpi sge, %add3A_143, %ge3A_156 : i32
          %convert_element_type3A_158 = arith.extui %ge3A_157 : i1 to i32
          %cond3A_159 = arith.constant 0 : i32
          %cond3A_160 = arith.cmpi ne, %convert_element_type3A_158, %cond3A_159 : i32
          scf.if %cond3A_160 {
            %dma_wait3A_168 = arith.constant 0 : i32
            %dma_wait3A_169 = arith.constant 0 : i32
            %dma_wait3A_170 = tpu.memref_slice %arg9[%dma_wait3A_168, %dma_wait3A_169] : memref<50048x32xf32, #tpu.memory_space<vmem_shared>> -> memref<128x32xf32, #tpu.memory_space<vmem_shared>>
            %dma_wait3A_171 = arith.constant 0 : i32
            %dma_wait3A_172 = arith.constant 0 : i32
            %dma_wait3A_173 = tpu.memref_slice %arg9[%dma_wait3A_171, %dma_wait3A_172] : memref<50048x32xf32, #tpu.memory_space<vmem_shared>> -> memref<128x32xf32, #tpu.memory_space<vmem_shared>>
            tpu.wait_dma2 semaphore(%arg21 : memref<!tpu.dma_semaphore, #tpu.memory_space<semaphore_mem>>) src(%arg13 : memref<128x32xf32, #tpu.memory_space<vmem>>) dst(%dma_wait3A_173 : memref<128x32xf32, #tpu.memory_space<vmem_shared>>)
          } else {
          }
          %add3A_161 = arith.constant 2 : i32
          %add3A_162 = arith.addi %add3A_143, %add3A_161 : i32
          %lt3A_163 = arith.constant 40 : i32
          %lt3A_164 = arith.cmpi slt, %add3A_162, %lt3A_163 : i32
          %convert_element_type3A_165 = arith.extui %lt3A_164 : i1 to i32
          %cond3A_166 = arith.constant 0 : i32
          %cond3A_167 = arith.cmpi ne, %convert_element_type3A_165, %cond3A_166 : i32
          scf.if %cond3A_167 {
            %add3A_168 = arith.constant 2 : i32
            %add3A_169 = arith.addi %add3A_143, %add3A_168 : i32
            %dma_start3A_170 = arith.constant 0 : i32
            %dma_start3A_171 = tpu.memref_slice %arg10[%add3A_169, %dma_start3A_170] : memref<40x128xi32, #tpu.memory_space<vmem>> -> memref<1x128xi32, #tpu.memory_space<vmem>>
            %dma_start3A_172 = tpu.memref_squeeze %dma_start3A_171 : memref<1x128xi32, #tpu.memory_space<vmem>> -> memref<128xi32, #tpu.memory_space<vmem>>
            %dma_start3A_173 = arith.constant 0 : i32
            %dma_start3A_174 = arith.constant 0 : i32
            %dma_start3A_175 = tpu.memref_slice %arg3[%dma_start3A_173, %dma_start3A_174] : memref<50000x32xf32, #tpu.memory_space<hbm>> -> memref<50000x32xf32, #tpu.memory_space<hbm>>
            tpu.enqueue_indirect_dma source(%dma_start3A_175 : memref<50000x32xf32, #tpu.memory_space<hbm>>) target(%arg13 : memref<128x32xf32, #tpu.memory_space<vmem>>) offsets(%dma_start3A_172 : memref<128xi32, #tpu.memory_space<vmem>>) semaphore(%arg17 : memref<!tpu.dma_semaphore, #tpu.memory_space<semaphore_mem>>)
          } else {
          }
        }
        %scan3A_49 = arith.constant 10 : i32
        %dma_wait3A = arith.constant 0 : i32
        %dma_wait3A_50 = arith.constant 0 : i32
        %dma_wait3A_51 = tpu.memref_slice %arg9[%dma_wait3A, %dma_wait3A_50] : memref<50048x32xf32, #tpu.memory_space<vmem_shared>> -> memref<128x32xf32, #tpu.memory_space<vmem_shared>>
        %dma_wait3A_52 = arith.constant 0 : i32
        %dma_wait3A_53 = arith.constant 0 : i32
        %dma_wait3A_54 = tpu.memref_slice %arg9[%dma_wait3A_52, %dma_wait3A_53] : memref<50048x32xf32, #tpu.memory_space<vmem_shared>> -> memref<128x32xf32, #tpu.memory_space<vmem_shared>>
        tpu.wait_dma2 semaphore(%arg22 : memref<!tpu.dma_semaphore, #tpu.memory_space<semaphore_mem>>) src(%arg14 : memref<128x32xf32, #tpu.memory_space<vmem>>) dst(%dma_wait3A_54 : memref<128x32xf32, #tpu.memory_space<vmem_shared>>)
        %dma_wait3A_55 = arith.constant 0 : i32
        %dma_wait3A_56 = arith.constant 0 : i32
        %dma_wait3A_57 = tpu.memref_slice %arg9[%dma_wait3A_55, %dma_wait3A_56] : memref<50048x32xf32, #tpu.memory_space<vmem_shared>> -> memref<128x32xf32, #tpu.memory_space<vmem_shared>>
        %dma_wait3A_58 = arith.constant 0 : i32
        %dma_wait3A_59 = arith.constant 0 : i32
        %dma_wait3A_60 = tpu.memref_slice %arg9[%dma_wait3A_58, %dma_wait3A_59] : memref<50048x32xf32, #tpu.memory_space<vmem_shared>> -> memref<128x32xf32, #tpu.memory_space<vmem_shared>>
        tpu.wait_dma2 semaphore(%arg23 : memref<!tpu.dma_semaphore, #tpu.memory_space<semaphore_mem>>) src(%arg15 : memref<128x32xf32, #tpu.memory_space<vmem>>) dst(%dma_wait3A_60 : memref<128x32xf32, #tpu.memory_space<vmem_shared>>)
      }
      %scan3A_24 = arith.constant 10 : i32
    } else {
    }
    %barrier3A_10 = arith.constant 0 : index
    tpu.barrier barrier_id(%barrier3A_10)
    %eq3A_11 = arith.constant 0 : i32
    %eq3A_12 = arith.cmpi eq, %arg0, %eq3A_11 : i32
    %convert_element_type3A_13 = arith.extui %eq3A_12 : i1 to i32
    %cond3A_14 = arith.constant 0 : i32
    %cond3A_15 = arith.cmpi ne, %convert_element_type3A_13, %cond3A_14 : i32
    scf.if %cond3A_15 {
      "tpu.region"() ({
        %run_scoped3A = tpu.sem_alloc : memref<!tpu.dma_semaphore, #tpu.memory_space<semaphore_mem>>
        %dma_start3A = arith.constant 0 : i32
        %dma_start3A_21 = tpu.memref_slice %arg7[%mul3A_0, %dma_start3A] : memref<50048x32xf32, #tpu.memory_space<hbm>> -> memref<3128x32xf32, #tpu.memory_space<hbm>>
        %dma_start3A_22 = arith.constant 0 : i32
        %dma_start3A_23 = tpu.memref_slice %arg9[%mul3A_0, %dma_start3A_22] : memref<50048x32xf32, #tpu.memory_space<vmem_shared>> -> memref<3128x32xf32, #tpu.memory_space<vmem_shared>>
        tpu.enqueue_dma source(%dma_start3A_23 : memref<3128x32xf32, #tpu.memory_space<vmem_shared>>) target(%dma_start3A_21 : memref<3128x32xf32, #tpu.memory_space<hbm>>) target_semaphore(%run_scoped3A : memref<!tpu.dma_semaphore, #tpu.memory_space<semaphore_mem>>)
        %dma_wait3A = arith.constant 0 : i32
        %dma_wait3A_24 = tpu.memref_slice %arg7[%mul3A_0, %dma_wait3A] : memref<50048x32xf32, #tpu.memory_space<hbm>> -> memref<3128x32xf32, #tpu.memory_space<hbm>>
        %dma_wait3A_25 = arith.constant 0 : i32
        %dma_wait3A_26 = tpu.memref_slice %arg9[%mul3A_0, %dma_wait3A_25] : memref<50048x32xf32, #tpu.memory_space<vmem_shared>> -> memref<3128x32xf32, #tpu.memory_space<vmem_shared>>
        tpu.wait_dma2 semaphore(%run_scoped3A : memref<!tpu.dma_semaphore, #tpu.memory_space<semaphore_mem>>) src(%dma_wait3A_26 : memref<3128x32xf32, #tpu.memory_space<vmem_shared>>) dst(%dma_wait3A_24 : memref<3128x32xf32, #tpu.memory_space<hbm>>)
        tpu.yield
      }) : () -> ()
    } else {
    }
    %eq3A_16 = arith.constant 1 : i32
    %eq3A_17 = arith.cmpi eq, %arg0, %eq3A_16 : i32
    %convert_element_type3A_18 = arith.extui %eq3A_17 : i1 to i32
    %cond3A_19 = arith.constant 0 : i32
    %cond3A_20 = arith.cmpi ne, %convert_element_type3A_18, %cond3A_19 : i32
    scf.if %cond3A_20 {
      "tpu.region"() ({
        %run_scoped3A = tpu.sem_alloc : memref<!tpu.dma_semaphore, #tpu.memory_space<semaphore_mem>>
        %dma_start3A = arith.constant 0 : i32
        %dma_start3A_21 = tpu.memref_slice %arg8[%mul3A_0, %dma_start3A] : memref<50048x32xf32, #tpu.memory_space<hbm>> -> memref<3128x32xf32, #tpu.memory_space<hbm>>
        %dma_start3A_22 = arith.constant 0 : i32
        %dma_start3A_23 = tpu.memref_slice %arg9[%mul3A_0, %dma_start3A_22] : memref<50048x32xf32, #tpu.memory_space<vmem_shared>> -> memref<3128x32xf32, #tpu.memory_space<vmem_shared>>
        tpu.enqueue_dma source(%dma_start3A_23 : memref<3128x32xf32, #tpu.memory_space<vmem_shared>>) target(%dma_start3A_21 : memref<3128x32xf32, #tpu.memory_space<hbm>>) target_semaphore(%run_scoped3A : memref<!tpu.dma_semaphore, #tpu.memory_space<semaphore_mem>>)
        %dma_wait3A = arith.constant 0 : i32
        %dma_wait3A_24 = tpu.memref_slice %arg8[%mul3A_0, %dma_wait3A] : memref<50048x32xf32, #tpu.memory_space<hbm>> -> memref<3128x32xf32, #tpu.memory_space<hbm>>
        %dma_wait3A_25 = arith.constant 0 : i32
        %dma_wait3A_26 = tpu.memref_slice %arg9[%mul3A_0, %dma_wait3A_25] : memref<50048x32xf32, #tpu.memory_space<vmem_shared>> -> memref<3128x32xf32, #tpu.memory_space<vmem_shared>>
        tpu.wait_dma2 semaphore(%run_scoped3A : memref<!tpu.dma_semaphore, #tpu.memory_space<semaphore_mem>>) src(%dma_wait3A_26 : memref<3128x32xf32, #tpu.memory_space<vmem_shared>>) dst(%dma_wait3A_24 : memref<3128x32xf32, #tpu.memory_space<hbm>>)
        tpu.yield
      }) : () -> ()
    } else {
    }
    return
  }
}

#map = affine_map<(d0, d1) -> (0, 0)>
#map1 = affine_map<(d0, d1) -> (0, 0, 0)>
module attributes {stable_mosaic.version = 14 : i64} {
  func.func @_pool_body(%arg0: i32, %arg1: i32, %arg2: memref<50048x64xf32, #tpu.memory_space<hbm>>, %arg3: memref<391x1x128xi32, #tpu.memory_space<hbm>>, %arg4: memref<128x16xf32, #tpu.memory_space<hbm>>, %arg5: memref<520x64xf32, #tpu.memory_space<hbm>>, %arg6: memref<520x16xf32, #tpu.memory_space<hbm>>, %arg7: memref<520x64xf32, #tpu.memory_space<hbm>>, %arg8: memref<520x16xf32, #tpu.memory_space<hbm>>, %arg9: memref<520x64xf32, #tpu.memory_space<hbm>>, %arg10: memref<520x16xf32, #tpu.memory_space<hbm>>, %arg11: memref<520x64xf32, #tpu.memory_space<vmem_shared>>, %arg12: memref<520x16xf32, #tpu.memory_space<vmem_shared>>, %arg13: memref<1x128xi32, #tpu.memory_space<vmem>>, %arg14: memref<128x64xf32, #tpu.memory_space<vmem>>, %arg15: memref<128x16xf32, #tpu.memory_space<vmem>>) attributes {dimension_semantics = [#tpu.dimension_semantics<core_parallel>, #tpu.dimension_semantics<subcore_parallel>], iteration_bounds = array<i64: 2, 16>, scalar_prefetch = 0 : i64, scratch_operands = 5 : i64, tpu.core_type = #tpu.core_type<sc_vector_subcore>, window_params = [{transform_indices = #map}, {transform_indices = #map1}, {transform_indices = #map}, {transform_indices = #map}, {transform_indices = #map}, {transform_indices = #map}, {transform_indices = #map}, {transform_indices = #map}, {transform_indices = #map}]} {
    %mul3A = arith.constant 2 : i32
    %mul3A_0 = arith.muli %arg1, %mul3A : i32
    %add3A = arith.addi %mul3A_0, %arg0 : i32
    %eq3A = arith.constant 0 : i32
    %eq3A_1 = arith.cmpi eq, %arg1, %eq3A : i32
    %convert_element_type3A = arith.extui %eq3A_1 : i1 to i32
    %cond3A = arith.constant 0 : i32
    %cond3A_2 = arith.cmpi ne, %convert_element_type3A, %cond3A : i32
    scf.if %cond3A_2 {
      "tpu.region"() ({
        %run_scoped3A = tpu.sem_alloc : memref<!tpu.dma_semaphore, #tpu.memory_space<semaphore_mem>>
        tpu.enqueue_dma source(%arg5 : memref<520x64xf32, #tpu.memory_space<hbm>>) target(%arg11 : memref<520x64xf32, #tpu.memory_space<vmem_shared>>) target_semaphore(%run_scoped3A : memref<!tpu.dma_semaphore, #tpu.memory_space<semaphore_mem>>)
        tpu.wait_dma2 semaphore(%run_scoped3A : memref<!tpu.dma_semaphore, #tpu.memory_space<semaphore_mem>>) src(%arg5 : memref<520x64xf32, #tpu.memory_space<hbm>>) dst(%arg11 : memref<520x64xf32, #tpu.memory_space<vmem_shared>>)
        tpu.yield
      }) : () -> ()
      "tpu.region"() ({
        %run_scoped3A = tpu.sem_alloc : memref<!tpu.dma_semaphore, #tpu.memory_space<semaphore_mem>>
        tpu.enqueue_dma source(%arg6 : memref<520x16xf32, #tpu.memory_space<hbm>>) target(%arg12 : memref<520x16xf32, #tpu.memory_space<vmem_shared>>) target_semaphore(%run_scoped3A : memref<!tpu.dma_semaphore, #tpu.memory_space<semaphore_mem>>)
        tpu.wait_dma2 semaphore(%run_scoped3A : memref<!tpu.dma_semaphore, #tpu.memory_space<semaphore_mem>>) src(%arg6 : memref<520x16xf32, #tpu.memory_space<hbm>>) dst(%arg12 : memref<520x16xf32, #tpu.memory_space<vmem_shared>>)
        tpu.yield
      }) : () -> ()
    } else {
    }
    "tpu.region"() ({
      %run_scoped3A = tpu.sem_alloc : memref<!tpu.dma_semaphore, #tpu.memory_space<semaphore_mem>>
      tpu.enqueue_dma source(%arg4 : memref<128x16xf32, #tpu.memory_space<hbm>>) target(%arg15 : memref<128x16xf32, #tpu.memory_space<vmem>>) target_semaphore(%run_scoped3A : memref<!tpu.dma_semaphore, #tpu.memory_space<semaphore_mem>>)
      tpu.wait_dma2 semaphore(%run_scoped3A : memref<!tpu.dma_semaphore, #tpu.memory_space<semaphore_mem>>) src(%arg4 : memref<128x16xf32, #tpu.memory_space<hbm>>) dst(%arg15 : memref<128x16xf32, #tpu.memory_space<vmem>>)
      tpu.yield
    }) : () -> ()
    %barrier3A = arith.constant 0 : index
    tpu.barrier barrier_id(%barrier3A)
    %sub3A = arith.constant 391 : i32
    %sub3A_3 = arith.subi %sub3A, %add3A : i32
    %add3A_4 = arith.constant 32 : i32
    %add3A_5 = arith.addi %sub3A_3, %add3A_4 : i32
    %sub3A_6 = arith.constant 1 : i32
    %sub3A_7 = arith.subi %add3A_5, %sub3A_6 : i32
    %jit3A = arith.constant 32 : i32
    %div3A = arith.divsi %sub3A_7, %jit3A : i32
    %sign3A = arith.constant 0 : i32
    %sign3A_8 = arith.cmpi sgt, %sub3A_7, %sign3A : i32
    %sign3A_9 = arith.extui %sign3A_8 : i1 to i32
    %sign3A_10 = arith.constant 0 : i32
    %sign3A_11 = arith.cmpi slt, %sub3A_7, %sign3A_10 : i32
    %sign3A_12 = arith.extui %sign3A_11 : i1 to i32
    %sign3A_13 = arith.subi %sign3A_9, %sign3A_12 : i32
    %sign3A_14 = arith.constant 0 : i32
    %sign3A_15 = arith.cmpi sgt, %jit3A, %sign3A_14 : i32
    %sign3A_16 = arith.extui %sign3A_15 : i1 to i32
    %sign3A_17 = arith.constant 0 : i32
    %sign3A_18 = arith.cmpi slt, %jit3A, %sign3A_17 : i32
    %sign3A_19 = arith.extui %sign3A_18 : i1 to i32
    %sign3A_20 = arith.subi %sign3A_16, %sign3A_19 : i32
    %ne3A = arith.cmpi ne, %sign3A_13, %sign3A_20 : i32
    %rem3A = arith.remsi %sub3A_7, %jit3A : i32
    %ne3A_21 = arith.constant 0 : i32
    %ne3A_22 = arith.cmpi ne, %rem3A, %ne3A_21 : i32
    %and3A = arith.andi %ne3A, %ne3A_22 : i1
    %sub3A_23 = arith.constant 1 : i32
    %sub3A_24 = arith.subi %div3A, %sub3A_23 : i32
    %select_n3A = arith.select %and3A, %sub3A_24, %div3A : i32
    %sub3A_25 = arith.constant 0 : i32
    %sub3A_26 = arith.subi %select_n3A, %sub3A_25 : i32
    %sub3A_27 = arith.constant 1 : i32
    %sub3A_28 = arith.constant 1 : i32
    %sub3A_29 = arith.subi %sub3A_27, %sub3A_28 : i32
    %add3A_30 = arith.addi %sub3A_26, %sub3A_29 : i32
    %div3A_31 = arith.constant 1 : i32
    %div3A_32 = arith.divsi %add3A_30, %div3A_31 : i32
    %while3A = arith.constant 1 : i32
    %while3A_33 = arith.constant 0 : i32
    %while3A_34 = arith.constant 0 : i32
    %while3A_35 = arith.subi %div3A_32, %while3A_34 : i32
    %while3A_36 = arith.addi %while3A_34, %while3A_35 : i32
    %while3A_37 = arith.constant 1 : i32
    %while3A_38 = arith.divsi %while3A_35, %while3A_37 : i32
    %while3A_39 = arith.muli %while3A_38, %while3A_37 : i32
    %while3A_40 = arith.addi %while3A_34, %while3A_39 : i32
    %while3A_41 = arith.constant 1 : i32
    scf.for %while3A_60 = %while3A_34 to %while3A_40 step %while3A_41  : i32 {
      %mul3A_61 = arith.muli %while3A_60, %while3A : i32
      %add3A_62 = arith.addi %while3A_33, %mul3A_61 : i32
      %mul3A_63 = arith.constant 32 : i32
      %mul3A_64 = arith.muli %add3A_62, %mul3A_63 : i32
      %add3A_65 = arith.addi %add3A, %mul3A_64 : i32
      "tpu.region"() ({
        %run_scoped3A_69 = tpu.sem_alloc : memref<!tpu.dma_semaphore, #tpu.memory_space<semaphore_mem>>
        %dma_start3A = arith.constant 0 : i32
        %dma_start3A_70 = arith.constant 0 : i32
        %dma_start3A_71 = tpu.memref_slice %arg3[%add3A_65, %dma_start3A, %dma_start3A_70] : memref<391x1x128xi32, #tpu.memory_space<hbm>> -> memref<1x1x128xi32, #tpu.memory_space<hbm>>
        %dma_start3A_72 = tpu.memref_squeeze %dma_start3A_71 : memref<1x1x128xi32, #tpu.memory_space<hbm>> -> memref<1x128xi32, #tpu.memory_space<hbm>>
        %dma_start3A_73 = arith.constant 0 : i32
        %dma_start3A_74 = arith.constant 0 : i32
        %dma_start3A_75 = tpu.memref_slice %arg3[%add3A_65, %dma_start3A_73, %dma_start3A_74] : memref<391x1x128xi32, #tpu.memory_space<hbm>> -> memref<1x1x128xi32, #tpu.memory_space<hbm>>
        %dma_start3A_76 = tpu.memref_squeeze %dma_start3A_75 : memref<1x1x128xi32, #tpu.memory_space<hbm>> -> memref<1x128xi32, #tpu.memory_space<hbm>>
        tpu.enqueue_dma source(%dma_start3A_76 : memref<1x128xi32, #tpu.memory_space<hbm>>) target(%arg13 : memref<1x128xi32, #tpu.memory_space<vmem>>) target_semaphore(%run_scoped3A_69 : memref<!tpu.dma_semaphore, #tpu.memory_space<semaphore_mem>>)
        %dma_wait3A = arith.constant 0 : i32
        %dma_wait3A_77 = arith.constant 0 : i32
        %dma_wait3A_78 = tpu.memref_slice %arg3[%add3A_65, %dma_wait3A, %dma_wait3A_77] : memref<391x1x128xi32, #tpu.memory_space<hbm>> -> memref<1x1x128xi32, #tpu.memory_space<hbm>>
        %dma_wait3A_79 = tpu.memref_squeeze %dma_wait3A_78 : memref<1x1x128xi32, #tpu.memory_space<hbm>> -> memref<1x128xi32, #tpu.memory_space<hbm>>
        %dma_wait3A_80 = arith.constant 0 : i32
        %dma_wait3A_81 = arith.constant 0 : i32
        %dma_wait3A_82 = tpu.memref_slice %arg3[%add3A_65, %dma_wait3A_80, %dma_wait3A_81] : memref<391x1x128xi32, #tpu.memory_space<hbm>> -> memref<1x1x128xi32, #tpu.memory_space<hbm>>
        %dma_wait3A_83 = tpu.memref_squeeze %dma_wait3A_82 : memref<1x1x128xi32, #tpu.memory_space<hbm>> -> memref<1x128xi32, #tpu.memory_space<hbm>>
        tpu.wait_dma2 semaphore(%run_scoped3A_69 : memref<!tpu.dma_semaphore, #tpu.memory_space<semaphore_mem>>) src(%dma_wait3A_83 : memref<1x128xi32, #tpu.memory_space<hbm>>) dst(%arg13 : memref<1x128xi32, #tpu.memory_space<vmem>>)
        tpu.yield
      }) : () -> ()
      %mul3A_66 = arith.constant 128 : i32
      %mul3A_67 = arith.muli %add3A_65, %mul3A_66 : i32
      "tpu.region"() ({
        %run_scoped3A_69 = tpu.sem_alloc : memref<!tpu.dma_semaphore, #tpu.memory_space<semaphore_mem>>
        %dma_start3A = arith.constant 0 : i32
        %dma_start3A_70 = tpu.memref_slice %arg2[%mul3A_67, %dma_start3A] : memref<50048x64xf32, #tpu.memory_space<hbm>> -> memref<128x64xf32, #tpu.memory_space<hbm>>
        %dma_start3A_71 = arith.constant 0 : i32
        %dma_start3A_72 = tpu.memref_slice %arg2[%mul3A_67, %dma_start3A_71] : memref<50048x64xf32, #tpu.memory_space<hbm>> -> memref<128x64xf32, #tpu.memory_space<hbm>>
        tpu.enqueue_dma source(%dma_start3A_72 : memref<128x64xf32, #tpu.memory_space<hbm>>) target(%arg14 : memref<128x64xf32, #tpu.memory_space<vmem>>) target_semaphore(%run_scoped3A_69 : memref<!tpu.dma_semaphore, #tpu.memory_space<semaphore_mem>>)
        %dma_wait3A = arith.constant 0 : i32
        %dma_wait3A_73 = tpu.memref_slice %arg2[%mul3A_67, %dma_wait3A] : memref<50048x64xf32, #tpu.memory_space<hbm>> -> memref<128x64xf32, #tpu.memory_space<hbm>>
        %dma_wait3A_74 = arith.constant 0 : i32
        %dma_wait3A_75 = tpu.memref_slice %arg2[%mul3A_67, %dma_wait3A_74] : memref<50048x64xf32, #tpu.memory_space<hbm>> -> memref<128x64xf32, #tpu.memory_space<hbm>>
        tpu.wait_dma2 semaphore(%run_scoped3A_69 : memref<!tpu.dma_semaphore, #tpu.memory_space<semaphore_mem>>) src(%dma_wait3A_75 : memref<128x64xf32, #tpu.memory_space<hbm>>) dst(%arg14 : memref<128x64xf32, #tpu.memory_space<vmem>>)
        tpu.yield
      }) : () -> ()
      %run_scoped3A = arith.constant 0 : i32
      "tpu.region"() ({
        %run_scoped3A_69 = tpu.sem_alloc : memref<!tpu.dma_semaphore, #tpu.memory_space<semaphore_mem>>
        %dma_start3A = arith.constant 0 : i32
        %dma_start3A_70 = tpu.memref_slice %arg13[%run_scoped3A, %dma_start3A] : memref<1x128xi32, #tpu.memory_space<vmem>> -> memref<1x128xi32, #tpu.memory_space<vmem>>
        %dma_start3A_71 = tpu.memref_squeeze %dma_start3A_70 : memref<1x128xi32, #tpu.memory_space<vmem>> -> memref<128xi32, #tpu.memory_space<vmem>>
        %dma_start3A_72 = arith.constant 0 : i32
        %dma_start3A_73 = arith.constant 0 : i32
        %dma_start3A_74 = tpu.memref_slice %arg11[%dma_start3A_72, %dma_start3A_73] : memref<520x64xf32, #tpu.memory_space<vmem_shared>> -> memref<520x64xf32, #tpu.memory_space<vmem_shared>>
        tpu.enqueue_indirect_dma source(%arg14 : memref<128x64xf32, #tpu.memory_space<vmem>>) target(%dma_start3A_74 : memref<520x64xf32, #tpu.memory_space<vmem_shared>>) offsets(%dma_start3A_71 : memref<128xi32, #tpu.memory_space<vmem>>) semaphore(%run_scoped3A_69 : memref<!tpu.dma_semaphore, #tpu.memory_space<semaphore_mem>>) {add = true}
        %dma_wait3A = arith.constant 0 : i32
        %dma_wait3A_75 = tpu.memref_slice %arg13[%run_scoped3A, %dma_wait3A] : memref<1x128xi32, #tpu.memory_space<vmem>> -> memref<1x128xi32, #tpu.memory_space<vmem>>
        %dma_wait3A_76 = tpu.memref_squeeze %dma_wait3A_75 : memref<1x128xi32, #tpu.memory_space<vmem>> -> memref<128xi32, #tpu.memory_space<vmem>>
        %dma_wait3A_77 = arith.constant 0 : i32
        %dma_wait3A_78 = arith.constant 0 : i32
        %dma_wait3A_79 = tpu.memref_slice %arg11[%dma_wait3A_77, %dma_wait3A_78] : memref<520x64xf32, #tpu.memory_space<vmem_shared>> -> memref<520x64xf32, #tpu.memory_space<vmem_shared>>
        tpu.wait_indirect_dma semaphore(%run_scoped3A_69 : memref<!tpu.dma_semaphore, #tpu.memory_space<semaphore_mem>>) src(%arg14 : memref<128x64xf32, #tpu.memory_space<vmem>>) dst(%dma_wait3A_79 : memref<520x64xf32, #tpu.memory_space<vmem_shared>>)
        tpu.yield
      }) : () -> ()
      %run_scoped3A_68 = arith.constant 0 : i32
      "tpu.region"() ({
        %run_scoped3A_69 = tpu.sem_alloc : memref<!tpu.dma_semaphore, #tpu.memory_space<semaphore_mem>>
        %dma_start3A = arith.constant 0 : i32
        %dma_start3A_70 = tpu.memref_slice %arg13[%run_scoped3A_68, %dma_start3A] : memref<1x128xi32, #tpu.memory_space<vmem>> -> memref<1x128xi32, #tpu.memory_space<vmem>>
        %dma_start3A_71 = tpu.memref_squeeze %dma_start3A_70 : memref<1x128xi32, #tpu.memory_space<vmem>> -> memref<128xi32, #tpu.memory_space<vmem>>
        %dma_start3A_72 = arith.constant 0 : i32
        %dma_start3A_73 = arith.constant 0 : i32
        %dma_start3A_74 = tpu.memref_slice %arg12[%dma_start3A_72, %dma_start3A_73] : memref<520x16xf32, #tpu.memory_space<vmem_shared>> -> memref<520x16xf32, #tpu.memory_space<vmem_shared>>
        tpu.enqueue_indirect_dma source(%arg15 : memref<128x16xf32, #tpu.memory_space<vmem>>) target(%dma_start3A_74 : memref<520x16xf32, #tpu.memory_space<vmem_shared>>) offsets(%dma_start3A_71 : memref<128xi32, #tpu.memory_space<vmem>>) semaphore(%run_scoped3A_69 : memref<!tpu.dma_semaphore, #tpu.memory_space<semaphore_mem>>) {add = true}
        %dma_wait3A = arith.constant 0 : i32
        %dma_wait3A_75 = tpu.memref_slice %arg13[%run_scoped3A_68, %dma_wait3A] : memref<1x128xi32, #tpu.memory_space<vmem>> -> memref<1x128xi32, #tpu.memory_space<vmem>>
        %dma_wait3A_76 = tpu.memref_squeeze %dma_wait3A_75 : memref<1x128xi32, #tpu.memory_space<vmem>> -> memref<128xi32, #tpu.memory_space<vmem>>
        %dma_wait3A_77 = arith.constant 0 : i32
        %dma_wait3A_78 = arith.constant 0 : i32
        %dma_wait3A_79 = tpu.memref_slice %arg12[%dma_wait3A_77, %dma_wait3A_78] : memref<520x16xf32, #tpu.memory_space<vmem_shared>> -> memref<520x16xf32, #tpu.memory_space<vmem_shared>>
        tpu.wait_indirect_dma semaphore(%run_scoped3A_69 : memref<!tpu.dma_semaphore, #tpu.memory_space<semaphore_mem>>) src(%arg15 : memref<128x16xf32, #tpu.memory_space<vmem>>) dst(%dma_wait3A_79 : memref<520x16xf32, #tpu.memory_space<vmem_shared>>)
        tpu.yield
      }) : () -> ()
    }
    %while3A_42 = arith.constant 1 : i32
    scf.for %while3A_60 = %while3A_40 to %while3A_36 step %while3A_42  : i32 {
      %mul3A_61 = arith.muli %while3A_60, %while3A : i32
      %add3A_62 = arith.addi %while3A_33, %mul3A_61 : i32
      %mul3A_63 = arith.constant 32 : i32
      %mul3A_64 = arith.muli %add3A_62, %mul3A_63 : i32
      %add3A_65 = arith.addi %add3A, %mul3A_64 : i32
      "tpu.region"() ({
        %run_scoped3A_69 = tpu.sem_alloc : memref<!tpu.dma_semaphore, #tpu.memory_space<semaphore_mem>>
        %dma_start3A = arith.constant 0 : i32
        %dma_start3A_70 = arith.constant 0 : i32
        %dma_start3A_71 = tpu.memref_slice %arg3[%add3A_65, %dma_start3A, %dma_start3A_70] : memref<391x1x128xi32, #tpu.memory_space<hbm>> -> memref<1x1x128xi32, #tpu.memory_space<hbm>>
        %dma_start3A_72 = tpu.memref_squeeze %dma_start3A_71 : memref<1x1x128xi32, #tpu.memory_space<hbm>> -> memref<1x128xi32, #tpu.memory_space<hbm>>
        %dma_start3A_73 = arith.constant 0 : i32
        %dma_start3A_74 = arith.constant 0 : i32
        %dma_start3A_75 = tpu.memref_slice %arg3[%add3A_65, %dma_start3A_73, %dma_start3A_74] : memref<391x1x128xi32, #tpu.memory_space<hbm>> -> memref<1x1x128xi32, #tpu.memory_space<hbm>>
        %dma_start3A_76 = tpu.memref_squeeze %dma_start3A_75 : memref<1x1x128xi32, #tpu.memory_space<hbm>> -> memref<1x128xi32, #tpu.memory_space<hbm>>
        tpu.enqueue_dma source(%dma_start3A_76 : memref<1x128xi32, #tpu.memory_space<hbm>>) target(%arg13 : memref<1x128xi32, #tpu.memory_space<vmem>>) target_semaphore(%run_scoped3A_69 : memref<!tpu.dma_semaphore, #tpu.memory_space<semaphore_mem>>)
        %dma_wait3A = arith.constant 0 : i32
        %dma_wait3A_77 = arith.constant 0 : i32
        %dma_wait3A_78 = tpu.memref_slice %arg3[%add3A_65, %dma_wait3A, %dma_wait3A_77] : memref<391x1x128xi32, #tpu.memory_space<hbm>> -> memref<1x1x128xi32, #tpu.memory_space<hbm>>
        %dma_wait3A_79 = tpu.memref_squeeze %dma_wait3A_78 : memref<1x1x128xi32, #tpu.memory_space<hbm>> -> memref<1x128xi32, #tpu.memory_space<hbm>>
        %dma_wait3A_80 = arith.constant 0 : i32
        %dma_wait3A_81 = arith.constant 0 : i32
        %dma_wait3A_82 = tpu.memref_slice %arg3[%add3A_65, %dma_wait3A_80, %dma_wait3A_81] : memref<391x1x128xi32, #tpu.memory_space<hbm>> -> memref<1x1x128xi32, #tpu.memory_space<hbm>>
        %dma_wait3A_83 = tpu.memref_squeeze %dma_wait3A_82 : memref<1x1x128xi32, #tpu.memory_space<hbm>> -> memref<1x128xi32, #tpu.memory_space<hbm>>
        tpu.wait_dma2 semaphore(%run_scoped3A_69 : memref<!tpu.dma_semaphore, #tpu.memory_space<semaphore_mem>>) src(%dma_wait3A_83 : memref<1x128xi32, #tpu.memory_space<hbm>>) dst(%arg13 : memref<1x128xi32, #tpu.memory_space<vmem>>)
        tpu.yield
      }) : () -> ()
      %mul3A_66 = arith.constant 128 : i32
      %mul3A_67 = arith.muli %add3A_65, %mul3A_66 : i32
      "tpu.region"() ({
        %run_scoped3A_69 = tpu.sem_alloc : memref<!tpu.dma_semaphore, #tpu.memory_space<semaphore_mem>>
        %dma_start3A = arith.constant 0 : i32
        %dma_start3A_70 = tpu.memref_slice %arg2[%mul3A_67, %dma_start3A] : memref<50048x64xf32, #tpu.memory_space<hbm>> -> memref<128x64xf32, #tpu.memory_space<hbm>>
        %dma_start3A_71 = arith.constant 0 : i32
        %dma_start3A_72 = tpu.memref_slice %arg2[%mul3A_67, %dma_start3A_71] : memref<50048x64xf32, #tpu.memory_space<hbm>> -> memref<128x64xf32, #tpu.memory_space<hbm>>
        tpu.enqueue_dma source(%dma_start3A_72 : memref<128x64xf32, #tpu.memory_space<hbm>>) target(%arg14 : memref<128x64xf32, #tpu.memory_space<vmem>>) target_semaphore(%run_scoped3A_69 : memref<!tpu.dma_semaphore, #tpu.memory_space<semaphore_mem>>)
        %dma_wait3A = arith.constant 0 : i32
        %dma_wait3A_73 = tpu.memref_slice %arg2[%mul3A_67, %dma_wait3A] : memref<50048x64xf32, #tpu.memory_space<hbm>> -> memref<128x64xf32, #tpu.memory_space<hbm>>
        %dma_wait3A_74 = arith.constant 0 : i32
        %dma_wait3A_75 = tpu.memref_slice %arg2[%mul3A_67, %dma_wait3A_74] : memref<50048x64xf32, #tpu.memory_space<hbm>> -> memref<128x64xf32, #tpu.memory_space<hbm>>
        tpu.wait_dma2 semaphore(%run_scoped3A_69 : memref<!tpu.dma_semaphore, #tpu.memory_space<semaphore_mem>>) src(%dma_wait3A_75 : memref<128x64xf32, #tpu.memory_space<hbm>>) dst(%arg14 : memref<128x64xf32, #tpu.memory_space<vmem>>)
        tpu.yield
      }) : () -> ()
      %run_scoped3A = arith.constant 0 : i32
      "tpu.region"() ({
        %run_scoped3A_69 = tpu.sem_alloc : memref<!tpu.dma_semaphore, #tpu.memory_space<semaphore_mem>>
        %dma_start3A = arith.constant 0 : i32
        %dma_start3A_70 = tpu.memref_slice %arg13[%run_scoped3A, %dma_start3A] : memref<1x128xi32, #tpu.memory_space<vmem>> -> memref<1x128xi32, #tpu.memory_space<vmem>>
        %dma_start3A_71 = tpu.memref_squeeze %dma_start3A_70 : memref<1x128xi32, #tpu.memory_space<vmem>> -> memref<128xi32, #tpu.memory_space<vmem>>
        %dma_start3A_72 = arith.constant 0 : i32
        %dma_start3A_73 = arith.constant 0 : i32
        %dma_start3A_74 = tpu.memref_slice %arg11[%dma_start3A_72, %dma_start3A_73] : memref<520x64xf32, #tpu.memory_space<vmem_shared>> -> memref<520x64xf32, #tpu.memory_space<vmem_shared>>
        tpu.enqueue_indirect_dma source(%arg14 : memref<128x64xf32, #tpu.memory_space<vmem>>) target(%dma_start3A_74 : memref<520x64xf32, #tpu.memory_space<vmem_shared>>) offsets(%dma_start3A_71 : memref<128xi32, #tpu.memory_space<vmem>>) semaphore(%run_scoped3A_69 : memref<!tpu.dma_semaphore, #tpu.memory_space<semaphore_mem>>) {add = true}
        %dma_wait3A = arith.constant 0 : i32
        %dma_wait3A_75 = tpu.memref_slice %arg13[%run_scoped3A, %dma_wait3A] : memref<1x128xi32, #tpu.memory_space<vmem>> -> memref<1x128xi32, #tpu.memory_space<vmem>>
        %dma_wait3A_76 = tpu.memref_squeeze %dma_wait3A_75 : memref<1x128xi32, #tpu.memory_space<vmem>> -> memref<128xi32, #tpu.memory_space<vmem>>
        %dma_wait3A_77 = arith.constant 0 : i32
        %dma_wait3A_78 = arith.constant 0 : i32
        %dma_wait3A_79 = tpu.memref_slice %arg11[%dma_wait3A_77, %dma_wait3A_78] : memref<520x64xf32, #tpu.memory_space<vmem_shared>> -> memref<520x64xf32, #tpu.memory_space<vmem_shared>>
        tpu.wait_indirect_dma semaphore(%run_scoped3A_69 : memref<!tpu.dma_semaphore, #tpu.memory_space<semaphore_mem>>) src(%arg14 : memref<128x64xf32, #tpu.memory_space<vmem>>) dst(%dma_wait3A_79 : memref<520x64xf32, #tpu.memory_space<vmem_shared>>)
        tpu.yield
      }) : () -> ()
      %run_scoped3A_68 = arith.constant 0 : i32
      "tpu.region"() ({
        %run_scoped3A_69 = tpu.sem_alloc : memref<!tpu.dma_semaphore, #tpu.memory_space<semaphore_mem>>
        %dma_start3A = arith.constant 0 : i32
        %dma_start3A_70 = tpu.memref_slice %arg13[%run_scoped3A_68, %dma_start3A] : memref<1x128xi32, #tpu.memory_space<vmem>> -> memref<1x128xi32, #tpu.memory_space<vmem>>
        %dma_start3A_71 = tpu.memref_squeeze %dma_start3A_70 : memref<1x128xi32, #tpu.memory_space<vmem>> -> memref<128xi32, #tpu.memory_space<vmem>>
        %dma_start3A_72 = arith.constant 0 : i32
        %dma_start3A_73 = arith.constant 0 : i32
        %dma_start3A_74 = tpu.memref_slice %arg12[%dma_start3A_72, %dma_start3A_73] : memref<520x16xf32, #tpu.memory_space<vmem_shared>> -> memref<520x16xf32, #tpu.memory_space<vmem_shared>>
        tpu.enqueue_indirect_dma source(%arg15 : memref<128x16xf32, #tpu.memory_space<vmem>>) target(%dma_start3A_74 : memref<520x16xf32, #tpu.memory_space<vmem_shared>>) offsets(%dma_start3A_71 : memref<128xi32, #tpu.memory_space<vmem>>) semaphore(%run_scoped3A_69 : memref<!tpu.dma_semaphore, #tpu.memory_space<semaphore_mem>>) {add = true}
        %dma_wait3A = arith.constant 0 : i32
        %dma_wait3A_75 = tpu.memref_slice %arg13[%run_scoped3A_68, %dma_wait3A] : memref<1x128xi32, #tpu.memory_space<vmem>> -> memref<1x128xi32, #tpu.memory_space<vmem>>
        %dma_wait3A_76 = tpu.memref_squeeze %dma_wait3A_75 : memref<1x128xi32, #tpu.memory_space<vmem>> -> memref<128xi32, #tpu.memory_space<vmem>>
        %dma_wait3A_77 = arith.constant 0 : i32
        %dma_wait3A_78 = arith.constant 0 : i32
        %dma_wait3A_79 = tpu.memref_slice %arg12[%dma_wait3A_77, %dma_wait3A_78] : memref<520x16xf32, #tpu.memory_space<vmem_shared>> -> memref<520x16xf32, #tpu.memory_space<vmem_shared>>
        tpu.wait_indirect_dma semaphore(%run_scoped3A_69 : memref<!tpu.dma_semaphore, #tpu.memory_space<semaphore_mem>>) src(%arg15 : memref<128x16xf32, #tpu.memory_space<vmem>>) dst(%dma_wait3A_79 : memref<520x16xf32, #tpu.memory_space<vmem_shared>>)
        tpu.yield
      }) : () -> ()
    }
    %barrier3A_43 = arith.constant 0 : index
    tpu.barrier barrier_id(%barrier3A_43)
    %eq3A_44 = arith.constant 0 : i32
    %eq3A_45 = arith.cmpi eq, %arg1, %eq3A_44 : i32
    %eq3A_46 = arith.constant 0 : i32
    %eq3A_47 = arith.cmpi eq, %arg0, %eq3A_46 : i32
    %and3A_48 = arith.andi %eq3A_45, %eq3A_47 : i1
    %convert_element_type3A_49 = arith.extui %and3A_48 : i1 to i32
    %cond3A_50 = arith.constant 0 : i32
    %cond3A_51 = arith.cmpi ne, %convert_element_type3A_49, %cond3A_50 : i32
    scf.if %cond3A_51 {
      "tpu.region"() ({
        %run_scoped3A = tpu.sem_alloc : memref<!tpu.dma_semaphore, #tpu.memory_space<semaphore_mem>>
        tpu.enqueue_dma source(%arg11 : memref<520x64xf32, #tpu.memory_space<vmem_shared>>) target(%arg7 : memref<520x64xf32, #tpu.memory_space<hbm>>) target_semaphore(%run_scoped3A : memref<!tpu.dma_semaphore, #tpu.memory_space<semaphore_mem>>)
        tpu.wait_dma2 semaphore(%run_scoped3A : memref<!tpu.dma_semaphore, #tpu.memory_space<semaphore_mem>>) src(%arg11 : memref<520x64xf32, #tpu.memory_space<vmem_shared>>) dst(%arg7 : memref<520x64xf32, #tpu.memory_space<hbm>>)
        tpu.yield
      }) : () -> ()
      "tpu.region"() ({
        %run_scoped3A = tpu.sem_alloc : memref<!tpu.dma_semaphore, #tpu.memory_space<semaphore_mem>>
        tpu.enqueue_dma source(%arg12 : memref<520x16xf32, #tpu.memory_space<vmem_shared>>) target(%arg8 : memref<520x16xf32, #tpu.memory_space<hbm>>) target_semaphore(%run_scoped3A : memref<!tpu.dma_semaphore, #tpu.memory_space<semaphore_mem>>)
        tpu.wait_dma2 semaphore(%run_scoped3A : memref<!tpu.dma_semaphore, #tpu.memory_space<semaphore_mem>>) src(%arg12 : memref<520x16xf32, #tpu.memory_space<vmem_shared>>) dst(%arg8 : memref<520x16xf32, #tpu.memory_space<hbm>>)
        tpu.yield
      }) : () -> ()
    } else {
    }
    %eq3A_52 = arith.constant 0 : i32
    %eq3A_53 = arith.cmpi eq, %arg1, %eq3A_52 : i32
    %eq3A_54 = arith.constant 1 : i32
    %eq3A_55 = arith.cmpi eq, %arg0, %eq3A_54 : i32
    %and3A_56 = arith.andi %eq3A_53, %eq3A_55 : i1
    %convert_element_type3A_57 = arith.extui %and3A_56 : i1 to i32
    %cond3A_58 = arith.constant 0 : i32
    %cond3A_59 = arith.cmpi ne, %convert_element_type3A_57, %cond3A_58 : i32
    scf.if %cond3A_59 {
      "tpu.region"() ({
        %run_scoped3A = tpu.sem_alloc : memref<!tpu.dma_semaphore, #tpu.memory_space<semaphore_mem>>
        tpu.enqueue_dma source(%arg11 : memref<520x64xf32, #tpu.memory_space<vmem_shared>>) target(%arg9 : memref<520x64xf32, #tpu.memory_space<hbm>>) target_semaphore(%run_scoped3A : memref<!tpu.dma_semaphore, #tpu.memory_space<semaphore_mem>>)
        tpu.wait_dma2 semaphore(%run_scoped3A : memref<!tpu.dma_semaphore, #tpu.memory_space<semaphore_mem>>) src(%arg11 : memref<520x64xf32, #tpu.memory_space<vmem_shared>>) dst(%arg9 : memref<520x64xf32, #tpu.memory_space<hbm>>)
        tpu.yield
      }) : () -> ()
      "tpu.region"() ({
        %run_scoped3A = tpu.sem_alloc : memref<!tpu.dma_semaphore, #tpu.memory_space<semaphore_mem>>
        tpu.enqueue_dma source(%arg12 : memref<520x16xf32, #tpu.memory_space<vmem_shared>>) target(%arg10 : memref<520x16xf32, #tpu.memory_space<hbm>>) target_semaphore(%run_scoped3A : memref<!tpu.dma_semaphore, #tpu.memory_space<semaphore_mem>>)
        tpu.wait_dma2 semaphore(%run_scoped3A : memref<!tpu.dma_semaphore, #tpu.memory_space<semaphore_mem>>) src(%arg12 : memref<520x16xf32, #tpu.memory_space<vmem_shared>>) dst(%arg10 : memref<520x16xf32, #tpu.memory_space<hbm>>)
        tpu.yield
      }) : () -> ()
    } else {
    }
    return
  }
}

module attributes {stable_mosaic.version = 14 : i64} {
  func.func @_dense1_body(%arg0: i32, %arg1: memref<3128x16xf32, #tpu.memory_space<vmem>>, %arg2: memref<3128x16xf32, #tpu.memory_space<vmem>>, %arg3: memref<3128x4xf32, #tpu.memory_space<vmem>>, %arg4: memref<4x64xf32, #tpu.memory_space<vmem>>, %arg5: memref<4x64xf32, #tpu.memory_space<vmem>>, %arg6: memref<1x64xf32, #tpu.memory_space<vmem>>, %arg7: memref<3128x32xf32, #tpu.memory_space<vmem>>, %arg8: memref<3128x32xf32, #tpu.memory_space<vmem>>) attributes {dimension_semantics = [#tpu.dimension_semantics<arbitrary>], iteration_bounds = array<i64: 16>, scalar_prefetch = 0 : i64, scratch_operands = 0 : i64, tpu.core_type = #tpu.core_type<tc>, window_params = [{transform_indices = @transform_0, window_bounds = array<i64: 3128, 16>}, {transform_indices = @transform_1, window_bounds = array<i64: 3128, 16>}, {transform_indices = @transform_2, window_bounds = array<i64: 3128, 4>}, {pipeline_mode = #tpu.pipeline_mode<synchronous>, transform_indices = @transform_3, window_bounds = array<i64: 4, 64>}, {pipeline_mode = #tpu.pipeline_mode<synchronous>, transform_indices = @transform_4, window_bounds = array<i64: 4, 64>}, {pipeline_mode = #tpu.pipeline_mode<synchronous>, transform_indices = @transform_5, window_bounds = array<i64: 1, 64>}, {transform_indices = @transform_6, window_bounds = array<i64: 3128, 32>}, {transform_indices = @transform_7, window_bounds = array<i64: 3128, 32>}]} {
    %get3A = arith.constant 0 : index
    %get3A_0 = arith.constant 0 : index
    %get3A_1 = vector.load %arg1[%get3A, %get3A_0] : memref<3128x16xf32, #tpu.memory_space<vmem>>, vector<3128x16xf32>
    %get3A_2 = arith.constant 0 : index
    %get3A_3 = arith.constant 0 : index
    %get3A_4 = vector.load %arg2[%get3A_2, %get3A_3] : memref<3128x16xf32, #tpu.memory_space<vmem>>, vector<3128x16xf32>
    %add3A = arith.addf %get3A_1, %get3A_4 : vector<3128x16xf32>
    %slice3A = vector.extract_strided_slice %add3A {offsets = [0, 4], sizes = [3128, 1], strides = [1, 1]} : vector<3128x16xf32> to vector<3128x1xf32>
    %max3A = arith.constant 1.000000e+00 : f32
    %max3A_5 = vector.broadcast %max3A : f32 to vector<3128x1xf32>
    %max3A_6 = arith.maximumf %slice3A, %max3A_5 : vector<3128x1xf32>
    %div3A = arith.constant 1.000000e+00 : f32
    %div3A_7 = vector.broadcast %div3A : f32 to vector<3128x1xf32>
    %div3A_8 = arith.divf %div3A_7, %max3A_6 : vector<3128x1xf32>
    %slice3A_9 = vector.extract_strided_slice %add3A {offsets = [0, 0], sizes = [3128, 4], strides = [1, 1]} : vector<3128x16xf32> to vector<3128x4xf32>
    %mul3A = vector.broadcast %div3A_8 : vector<3128x1xf32> to vector<3128x4xf32>
    %mul3A_10 = arith.mulf %slice3A_9, %mul3A : vector<3128x4xf32>
    %get3A_11 = arith.constant 0 : index
    %get3A_12 = arith.constant 0 : index
    %get3A_13 = vector.load %arg4[%get3A_11, %get3A_12] : memref<4x64xf32, #tpu.memory_space<vmem>>, vector<4x64xf32>
    %dot_general3A = arith.constant dense<0.000000e+00> : vector<3128x64xf32>
    %dot_general3A_14 = tpu.matmul %mul3A_10, %get3A_13, %dot_general3A {dimension_numbers = #tpu.dot_dimension_numbers<[1], [0], [0], [1], [0, 0, 1, 1], [], []>, transpose_lhs_hint = false} : vector<3128x4xf32>, vector<4x64xf32>, vector<3128x64xf32> -> vector<3128x64xf32>
    %get3A_15 = arith.constant 0 : index
    %get3A_16 = arith.constant 0 : index
    %get3A_17 = vector.load %arg3[%get3A_15, %get3A_16] : memref<3128x4xf32, #tpu.memory_space<vmem>>, vector<3128x4xf32>
    %get3A_18 = arith.constant 0 : index
    %get3A_19 = arith.constant 0 : index
    %get3A_20 = vector.load %arg5[%get3A_18, %get3A_19] : memref<4x64xf32, #tpu.memory_space<vmem>>, vector<4x64xf32>
    %dot_general3A_21 = arith.constant dense<0.000000e+00> : vector<3128x64xf32>
    %dot_general3A_22 = tpu.matmul %get3A_17, %get3A_20, %dot_general3A_21 {dimension_numbers = #tpu.dot_dimension_numbers<[1], [0], [0], [1], [0, 0, 1, 1], [], []>, transpose_lhs_hint = false} : vector<3128x4xf32>, vector<4x64xf32>, vector<3128x64xf32> -> vector<3128x64xf32>
    %add3A_23 = arith.addf %dot_general3A_14, %dot_general3A_22 : vector<3128x64xf32>
    %get3A_24 = arith.constant 0 : index
    %get3A_25 = arith.constant 0 : index
    %get3A_26 = vector.load %arg6[%get3A_24, %get3A_25] : memref<1x64xf32, #tpu.memory_space<vmem>>, vector<1x64xf32>
    %add3A_27 = vector.broadcast %get3A_26 : vector<1x64xf32> to vector<3128x64xf32>
    %add3A_28 = arith.addf %add3A_23, %add3A_27 : vector<3128x64xf32>
    %max3A_29 = arith.constant 0.000000e+00 : f32
    %max3A_30 = vector.broadcast %max3A_29 : f32 to vector<3128x64xf32>
    %max3A_31 = arith.maximumf %add3A_28, %max3A_30 : vector<3128x64xf32>
    %slice3A_32 = vector.extract_strided_slice %max3A_31 {offsets = [0, 0], sizes = [3128, 32], strides = [1, 1]} : vector<3128x64xf32> to vector<3128x32xf32>
    %swap3A = arith.constant 0 : index
    %swap3A_33 = arith.constant 0 : index
    %swap3A_34 = vector.load %arg7[%swap3A, %swap3A_33] : memref<3128x32xf32, #tpu.memory_space<vmem>>, vector<3128x32xf32>
    tpu.vector_store %arg7[%swap3A, %swap3A_33], %slice3A_32 {strides = array<i32>} : memref<3128x32xf32, #tpu.memory_space<vmem>>, vector<3128x32xf32>,
    %slice3A_35 = vector.extract_strided_slice %max3A_31 {offsets = [0, 32], sizes = [3128, 32], strides = [1, 1]} : vector<3128x64xf32> to vector<3128x32xf32>
    %swap3A_36 = arith.constant 0 : index
    %swap3A_37 = arith.constant 0 : index
    %swap3A_38 = vector.load %arg8[%swap3A_36, %swap3A_37] : memref<3128x32xf32, #tpu.memory_space<vmem>>, vector<3128x32xf32>
    tpu.vector_store %arg8[%swap3A_36, %swap3A_37], %slice3A_35 {strides = array<i32>} : memref<3128x32xf32, #tpu.memory_space<vmem>>, vector<3128x32xf32>,
    return
  }
  func.func @transform_0(%arg0: i32) -> (i32, i32) {
    %c0_i32 = arith.constant 0 : i32
    %c0_i32_0 = arith.constant 0 : i32
    return %arg0, %c0_i32 : i32, i32
  }
  func.func @transform_1(%arg0: i32) -> (i32, i32) {
    %c0_i32 = arith.constant 0 : i32
    %c0_i32_0 = arith.constant 0 : i32
    return %arg0, %c0_i32 : i32, i32
  }
  func.func @transform_2(%arg0: i32) -> (i32, i32) {
    %c0_i32 = arith.constant 0 : i32
    %c0_i32_0 = arith.constant 0 : i32
    return %arg0, %c0_i32 : i32, i32
  }
  func.func @transform_3(%arg0: i32) -> (i32, i32) {
    %c0_i32 = arith.constant 0 : i32
    %c0_i32_0 = arith.constant 0 : i32
    %c0_i32_1 = arith.constant 0 : i32
    return %c0_i32, %c0_i32_0 : i32, i32
  }
  func.func @transform_4(%arg0: i32) -> (i32, i32) {
    %c0_i32 = arith.constant 0 : i32
    %c0_i32_0 = arith.constant 0 : i32
    %c0_i32_1 = arith.constant 0 : i32
    return %c0_i32, %c0_i32_0 : i32, i32
  }
  func.func @transform_5(%arg0: i32) -> (i32, i32) {
    %c0_i32 = arith.constant 0 : i32
    %c0_i32_0 = arith.constant 0 : i32
    %c0_i32_1 = arith.constant 0 : i32
    return %c0_i32, %c0_i32_0 : i32, i32
  }
  func.func @transform_6(%arg0: i32) -> (i32, i32) {
    %c0_i32 = arith.constant 0 : i32
    %c0_i32_0 = arith.constant 0 : i32
    return %arg0, %c0_i32 : i32, i32
  }
  func.func @transform_7(%arg0: i32) -> (i32, i32) {
    %c0_i32 = arith.constant 0 : i32
    %c0_i32_0 = arith.constant 0 : i32
    return %arg0, %c0_i32 : i32, i32
  }
}

module attributes {stable_mosaic.version = 14 : i64} {
  func.func @_dense23_body(%arg0: i32, %arg1: memref<3128x32xf32, #tpu.memory_space<vmem>>, %arg2: memref<3128x32xf32, #tpu.memory_space<vmem>>, %arg3: memref<3128x16xf32, #tpu.memory_space<vmem>>, %arg4: memref<3128x16xf32, #tpu.memory_space<vmem>>, %arg5: memref<3128x32xf32, #tpu.memory_space<vmem>>, %arg6: memref<3128x32xf32, #tpu.memory_space<vmem>>, %arg7: memref<32x64xf32, #tpu.memory_space<vmem>>, %arg8: memref<32x64xf32, #tpu.memory_space<vmem>>, %arg9: memref<32x64xf32, #tpu.memory_space<vmem>>, %arg10: memref<32x64xf32, #tpu.memory_space<vmem>>, %arg11: memref<1x64xf32, #tpu.memory_space<vmem>>, %arg12: memref<3128x32xf32, #tpu.memory_space<vmem>>, %arg13: memref<3128x32xf32, #tpu.memory_space<vmem>>) attributes {dimension_semantics = [#tpu.dimension_semantics<arbitrary>], iteration_bounds = array<i64: 16>, scalar_prefetch = 0 : i64, scratch_operands = 0 : i64, tpu.core_type = #tpu.core_type<tc>, window_params = [{transform_indices = @transform_0, window_bounds = array<i64: 3128, 32>}, {transform_indices = @transform_1, window_bounds = array<i64: 3128, 32>}, {transform_indices = @transform_2, window_bounds = array<i64: 3128, 16>}, {transform_indices = @transform_3, window_bounds = array<i64: 3128, 16>}, {transform_indices = @transform_4, window_bounds = array<i64: 3128, 32>}, {transform_indices = @transform_5, window_bounds = array<i64: 3128, 32>}, {pipeline_mode = #tpu.pipeline_mode<synchronous>, transform_indices = @transform_6, window_bounds = array<i64: 32, 64>}, {pipeline_mode = #tpu.pipeline_mode<synchronous>, transform_indices = @transform_7, window_bounds = array<i64: 32, 64>}, {pipeline_mode = #tpu.pipeline_mode<synchronous>, transform_indices = @transform_8, window_bounds = array<i64: 32, 64>}, {pipeline_mode = #tpu.pipeline_mode<synchronous>, transform_indices = @transform_9, window_bounds = array<i64: 32, 64>}, {pipeline_mode = #tpu.pipeline_mode<synchronous>, transform_indices = @transform_10, window_bounds = array<i64: 1, 64>}, {transform_indices = @transform_11, window_bounds = array<i64: 3128, 32>}, {transform_indices = @transform_12, window_bounds = array<i64: 3128, 32>}]} {
    %get3A = arith.constant 0 : index
    %get3A_0 = arith.constant 4 : index
    %get3A_1 = vector.load %arg3[%get3A, %get3A_0] : memref<3128x16xf32, #tpu.memory_space<vmem>>, vector<3128x1xf32>
    %get3A_2 = arith.constant 0 : index
    %get3A_3 = arith.constant 4 : index
    %get3A_4 = vector.load %arg4[%get3A_2, %get3A_3] : memref<3128x16xf32, #tpu.memory_space<vmem>>, vector<3128x1xf32>
    %add3A = arith.addf %get3A_1, %get3A_4 : vector<3128x1xf32>
    %max3A = arith.constant 1.000000e+00 : f32
    %max3A_5 = vector.broadcast %max3A : f32 to vector<3128x1xf32>
    %max3A_6 = arith.maximumf %add3A, %max3A_5 : vector<3128x1xf32>
    %div3A = arith.constant 1.000000e+00 : f32
    %div3A_7 = vector.broadcast %div3A : f32 to vector<3128x1xf32>
    %div3A_8 = arith.divf %div3A_7, %max3A_6 : vector<3128x1xf32>
    %get3A_9 = arith.constant 0 : index
    %get3A_10 = arith.constant 0 : index
    %get3A_11 = vector.load %arg1[%get3A_9, %get3A_10] : memref<3128x32xf32, #tpu.memory_space<vmem>>, vector<3128x32xf32>
    %mul3A = vector.broadcast %div3A_8 : vector<3128x1xf32> to vector<3128x32xf32>
    %mul3A_12 = arith.mulf %get3A_11, %mul3A : vector<3128x32xf32>
    %get3A_13 = arith.constant 0 : index
    %get3A_14 = arith.constant 0 : index
    %get3A_15 = vector.load %arg7[%get3A_13, %get3A_14] : memref<32x64xf32, #tpu.memory_space<vmem>>, vector<32x64xf32>
    %dot_general3A = arith.constant dense<0.000000e+00> : vector<3128x64xf32>
    %dot_general3A_16 = tpu.matmul %mul3A_12, %get3A_15, %dot_general3A {dimension_numbers = #tpu.dot_dimension_numbers<[1], [0], [0], [1], [0, 0, 1, 1], [], []>, transpose_lhs_hint = false} : vector<3128x32xf32>, vector<32x64xf32>, vector<3128x64xf32> -> vector<3128x64xf32>
    %get3A_17 = arith.constant 0 : index
    %get3A_18 = arith.constant 0 : index
    %get3A_19 = vector.load %arg2[%get3A_17, %get3A_18] : memref<3128x32xf32, #tpu.memory_space<vmem>>, vector<3128x32xf32>
    %mul3A_20 = vector.broadcast %div3A_8 : vector<3128x1xf32> to vector<3128x32xf32>
    %mul3A_21 = arith.mulf %get3A_19, %mul3A_20 : vector<3128x32xf32>
    %get3A_22 = arith.constant 0 : index
    %get3A_23 = arith.constant 0 : index
    %get3A_24 = vector.load %arg8[%get3A_22, %get3A_23] : memref<32x64xf32, #tpu.memory_space<vmem>>, vector<32x64xf32>
    %dot_general3A_25 = arith.constant dense<0.000000e+00> : vector<3128x64xf32>
    %dot_general3A_26 = tpu.matmul %mul3A_21, %get3A_24, %dot_general3A_25 {dimension_numbers = #tpu.dot_dimension_numbers<[1], [0], [0], [1], [0, 0, 1, 1], [], []>, transpose_lhs_hint = false} : vector<3128x32xf32>, vector<32x64xf32>, vector<3128x64xf32> -> vector<3128x64xf32>
    %add3A_27 = arith.addf %dot_general3A_16, %dot_general3A_26 : vector<3128x64xf32>
    %get3A_28 = arith.constant 0 : index
    %get3A_29 = arith.constant 0 : index
    %get3A_30 = vector.load %arg5[%get3A_28, %get3A_29] : memref<3128x32xf32, #tpu.memory_space<vmem>>, vector<3128x32xf32>
    %get3A_31 = arith.constant 0 : index
    %get3A_32 = arith.constant 0 : index
    %get3A_33 = vector.load %arg9[%get3A_31, %get3A_32] : memref<32x64xf32, #tpu.memory_space<vmem>>, vector<32x64xf32>
    %dot_general3A_34 = arith.constant dense<0.000000e+00> : vector<3128x64xf32>
    %dot_general3A_35 = tpu.matmul %get3A_30, %get3A_33, %dot_general3A_34 {dimension_numbers = #tpu.dot_dimension_numbers<[1], [0], [0], [1], [0, 0, 1, 1], [], []>, transpose_lhs_hint = false} : vector<3128x32xf32>, vector<32x64xf32>, vector<3128x64xf32> -> vector<3128x64xf32>
    %add3A_36 = arith.addf %add3A_27, %dot_general3A_35 : vector<3128x64xf32>
    %get3A_37 = arith.constant 0 : index
    %get3A_38 = arith.constant 0 : index
    %get3A_39 = vector.load %arg6[%get3A_37, %get3A_38] : memref<3128x32xf32, #tpu.memory_space<vmem>>, vector<3128x32xf32>
    %get3A_40 = arith.constant 0 : index
    %get3A_41 = arith.constant 0 : index
    %get3A_42 = vector.load %arg10[%get3A_40, %get3A_41] : memref<32x64xf32, #tpu.memory_space<vmem>>, vector<32x64xf32>
    %dot_general3A_43 = arith.constant dense<0.000000e+00> : vector<3128x64xf32>
    %dot_general3A_44 = tpu.matmul %get3A_39, %get3A_42, %dot_general3A_43 {dimension_numbers = #tpu.dot_dimension_numbers<[1], [0], [0], [1], [0, 0, 1, 1], [], []>, transpose_lhs_hint = false} : vector<3128x32xf32>, vector<32x64xf32>, vector<3128x64xf32> -> vector<3128x64xf32>
    %add3A_45 = arith.addf %add3A_36, %dot_general3A_44 : vector<3128x64xf32>
    %get3A_46 = arith.constant 0 : index
    %get3A_47 = arith.constant 0 : index
    %get3A_48 = vector.load %arg11[%get3A_46, %get3A_47] : memref<1x64xf32, #tpu.memory_space<vmem>>, vector<1x64xf32>
    %add3A_49 = vector.broadcast %get3A_48 : vector<1x64xf32> to vector<3128x64xf32>
    %add3A_50 = arith.addf %add3A_45, %add3A_49 : vector<3128x64xf32>
    %max3A_51 = arith.constant 0.000000e+00 : f32
    %max3A_52 = vector.broadcast %max3A_51 : f32 to vector<3128x64xf32>
    %max3A_53 = arith.maximumf %add3A_50, %max3A_52 : vector<3128x64xf32>
    %slice3A = vector.extract_strided_slice %max3A_53 {offsets = [0, 0], sizes = [3128, 32], strides = [1, 1]} : vector<3128x64xf32> to vector<3128x32xf32>
    %swap3A = arith.constant 0 : index
    %swap3A_54 = arith.constant 0 : index
    %swap3A_55 = vector.load %arg12[%swap3A, %swap3A_54] : memref<3128x32xf32, #tpu.memory_space<vmem>>, vector<3128x32xf32>
    tpu.vector_store %arg12[%swap3A, %swap3A_54], %slice3A {strides = array<i32>} : memref<3128x32xf32, #tpu.memory_space<vmem>>, vector<3128x32xf32>,
    %slice3A_56 = vector.extract_strided_slice %max3A_53 {offsets = [0, 32], sizes = [3128, 32], strides = [1, 1]} : vector<3128x64xf32> to vector<3128x32xf32>
    %swap3A_57 = arith.constant 0 : index
    %swap3A_58 = arith.constant 0 : index
    %swap3A_59 = vector.load %arg13[%swap3A_57, %swap3A_58] : memref<3128x32xf32, #tpu.memory_space<vmem>>, vector<3128x32xf32>
    tpu.vector_store %arg13[%swap3A_57, %swap3A_58], %slice3A_56 {strides = array<i32>} : memref<3128x32xf32, #tpu.memory_space<vmem>>, vector<3128x32xf32>,
    return
  }
  func.func @transform_0(%arg0: i32) -> (i32, i32) {
    %c0_i32 = arith.constant 0 : i32
    %c0_i32_0 = arith.constant 0 : i32
    return %arg0, %c0_i32 : i32, i32
  }
  func.func @transform_1(%arg0: i32) -> (i32, i32) {
    %c0_i32 = arith.constant 0 : i32
    %c0_i32_0 = arith.constant 0 : i32
    return %arg0, %c0_i32 : i32, i32
  }
  func.func @transform_2(%arg0: i32) -> (i32, i32) {
    %c0_i32 = arith.constant 0 : i32
    %c0_i32_0 = arith.constant 0 : i32
    return %arg0, %c0_i32 : i32, i32
  }
  func.func @transform_3(%arg0: i32) -> (i32, i32) {
    %c0_i32 = arith.constant 0 : i32
    %c0_i32_0 = arith.constant 0 : i32
    return %arg0, %c0_i32 : i32, i32
  }
  func.func @transform_4(%arg0: i32) -> (i32, i32) {
    %c0_i32 = arith.constant 0 : i32
    %c0_i32_0 = arith.constant 0 : i32
    return %arg0, %c0_i32 : i32, i32
  }
  func.func @transform_5(%arg0: i32) -> (i32, i32) {
    %c0_i32 = arith.constant 0 : i32
    %c0_i32_0 = arith.constant 0 : i32
    return %arg0, %c0_i32 : i32, i32
  }
  func.func @transform_6(%arg0: i32) -> (i32, i32) {
    %c0_i32 = arith.constant 0 : i32
    %c0_i32_0 = arith.constant 0 : i32
    %c0_i32_1 = arith.constant 0 : i32
    return %c0_i32, %c0_i32_0 : i32, i32
  }
  func.func @transform_7(%arg0: i32) -> (i32, i32) {
    %c0_i32 = arith.constant 0 : i32
    %c0_i32_0 = arith.constant 0 : i32
    %c0_i32_1 = arith.constant 0 : i32
    return %c0_i32, %c0_i32_0 : i32, i32
  }
  func.func @transform_8(%arg0: i32) -> (i32, i32) {
    %c0_i32 = arith.constant 0 : i32
    %c0_i32_0 = arith.constant 0 : i32
    %c0_i32_1 = arith.constant 0 : i32
    return %c0_i32, %c0_i32_0 : i32, i32
  }
  func.func @transform_9(%arg0: i32) -> (i32, i32) {
    %c0_i32 = arith.constant 0 : i32
    %c0_i32_0 = arith.constant 0 : i32
    %c0_i32_1 = arith.constant 0 : i32
    return %c0_i32, %c0_i32_0 : i32, i32
  }
  func.func @transform_10(%arg0: i32) -> (i32, i32) {
    %c0_i32 = arith.constant 0 : i32
    %c0_i32_0 = arith.constant 0 : i32
    %c0_i32_1 = arith.constant 0 : i32
    return %c0_i32, %c0_i32_0 : i32, i32
  }
  func.func @transform_11(%arg0: i32) -> (i32, i32) {
    %c0_i32 = arith.constant 0 : i32
    %c0_i32_0 = arith.constant 0 : i32
    return %arg0, %c0_i32 : i32, i32
  }
  func.func @transform_12(%arg0: i32) -> (i32, i32) {
    %c0_i32 = arith.constant 0 : i32
    %c0_i32_0 = arith.constant 0 : i32
    return %arg0, %c0_i32 : i32, i32
  }
}

module attributes {stable_mosaic.version = 14 : i64} {
  func.func @_dense23_body(%arg0: i32, %arg1: memref<3128x32xf32, #tpu.memory_space<vmem>>, %arg2: memref<3128x32xf32, #tpu.memory_space<vmem>>, %arg3: memref<3128x16xf32, #tpu.memory_space<vmem>>, %arg4: memref<3128x16xf32, #tpu.memory_space<vmem>>, %arg5: memref<3128x32xf32, #tpu.memory_space<vmem>>, %arg6: memref<3128x32xf32, #tpu.memory_space<vmem>>, %arg7: memref<32x64xf32, #tpu.memory_space<vmem>>, %arg8: memref<32x64xf32, #tpu.memory_space<vmem>>, %arg9: memref<32x64xf32, #tpu.memory_space<vmem>>, %arg10: memref<32x64xf32, #tpu.memory_space<vmem>>, %arg11: memref<1x64xf32, #tpu.memory_space<vmem>>, %arg12: memref<3128x64xf32, #tpu.memory_space<vmem>>) attributes {dimension_semantics = [#tpu.dimension_semantics<arbitrary>], iteration_bounds = array<i64: 16>, scalar_prefetch = 0 : i64, scratch_operands = 0 : i64, tpu.core_type = #tpu.core_type<tc>, window_params = [{transform_indices = @transform_0, window_bounds = array<i64: 3128, 32>}, {transform_indices = @transform_1, window_bounds = array<i64: 3128, 32>}, {transform_indices = @transform_2, window_bounds = array<i64: 3128, 16>}, {transform_indices = @transform_3, window_bounds = array<i64: 3128, 16>}, {transform_indices = @transform_4, window_bounds = array<i64: 3128, 32>}, {transform_indices = @transform_5, window_bounds = array<i64: 3128, 32>}, {pipeline_mode = #tpu.pipeline_mode<synchronous>, transform_indices = @transform_6, window_bounds = array<i64: 32, 64>}, {pipeline_mode = #tpu.pipeline_mode<synchronous>, transform_indices = @transform_7, window_bounds = array<i64: 32, 64>}, {pipeline_mode = #tpu.pipeline_mode<synchronous>, transform_indices = @transform_8, window_bounds = array<i64: 32, 64>}, {pipeline_mode = #tpu.pipeline_mode<synchronous>, transform_indices = @transform_9, window_bounds = array<i64: 32, 64>}, {pipeline_mode = #tpu.pipeline_mode<synchronous>, transform_indices = @transform_10, window_bounds = array<i64: 1, 64>}, {transform_indices = @transform_11, window_bounds = array<i64: 3128, 64>}]} {
    %get3A = arith.constant 0 : index
    %get3A_0 = arith.constant 4 : index
    %get3A_1 = vector.load %arg3[%get3A, %get3A_0] : memref<3128x16xf32, #tpu.memory_space<vmem>>, vector<3128x1xf32>
    %get3A_2 = arith.constant 0 : index
    %get3A_3 = arith.constant 4 : index
    %get3A_4 = vector.load %arg4[%get3A_2, %get3A_3] : memref<3128x16xf32, #tpu.memory_space<vmem>>, vector<3128x1xf32>
    %add3A = arith.addf %get3A_1, %get3A_4 : vector<3128x1xf32>
    %max3A = arith.constant 1.000000e+00 : f32
    %max3A_5 = vector.broadcast %max3A : f32 to vector<3128x1xf32>
    %max3A_6 = arith.maximumf %add3A, %max3A_5 : vector<3128x1xf32>
    %div3A = arith.constant 1.000000e+00 : f32
    %div3A_7 = vector.broadcast %div3A : f32 to vector<3128x1xf32>
    %div3A_8 = arith.divf %div3A_7, %max3A_6 : vector<3128x1xf32>
    %get3A_9 = arith.constant 0 : index
    %get3A_10 = arith.constant 0 : index
    %get3A_11 = vector.load %arg1[%get3A_9, %get3A_10] : memref<3128x32xf32, #tpu.memory_space<vmem>>, vector<3128x32xf32>
    %mul3A = vector.broadcast %div3A_8 : vector<3128x1xf32> to vector<3128x32xf32>
    %mul3A_12 = arith.mulf %get3A_11, %mul3A : vector<3128x32xf32>
    %get3A_13 = arith.constant 0 : index
    %get3A_14 = arith.constant 0 : index
    %get3A_15 = vector.load %arg7[%get3A_13, %get3A_14] : memref<32x64xf32, #tpu.memory_space<vmem>>, vector<32x64xf32>
    %dot_general3A = arith.constant dense<0.000000e+00> : vector<3128x64xf32>
    %dot_general3A_16 = tpu.matmul %mul3A_12, %get3A_15, %dot_general3A {dimension_numbers = #tpu.dot_dimension_numbers<[1], [0], [0], [1], [0, 0, 1, 1], [], []>, transpose_lhs_hint = false} : vector<3128x32xf32>, vector<32x64xf32>, vector<3128x64xf32> -> vector<3128x64xf32>
    %get3A_17 = arith.constant 0 : index
    %get3A_18 = arith.constant 0 : index
    %get3A_19 = vector.load %arg2[%get3A_17, %get3A_18] : memref<3128x32xf32, #tpu.memory_space<vmem>>, vector<3128x32xf32>
    %mul3A_20 = vector.broadcast %div3A_8 : vector<3128x1xf32> to vector<3128x32xf32>
    %mul3A_21 = arith.mulf %get3A_19, %mul3A_20 : vector<3128x32xf32>
    %get3A_22 = arith.constant 0 : index
    %get3A_23 = arith.constant 0 : index
    %get3A_24 = vector.load %arg8[%get3A_22, %get3A_23] : memref<32x64xf32, #tpu.memory_space<vmem>>, vector<32x64xf32>
    %dot_general3A_25 = arith.constant dense<0.000000e+00> : vector<3128x64xf32>
    %dot_general3A_26 = tpu.matmul %mul3A_21, %get3A_24, %dot_general3A_25 {dimension_numbers = #tpu.dot_dimension_numbers<[1], [0], [0], [1], [0, 0, 1, 1], [], []>, transpose_lhs_hint = false} : vector<3128x32xf32>, vector<32x64xf32>, vector<3128x64xf32> -> vector<3128x64xf32>
    %add3A_27 = arith.addf %dot_general3A_16, %dot_general3A_26 : vector<3128x64xf32>
    %get3A_28 = arith.constant 0 : index
    %get3A_29 = arith.constant 0 : index
    %get3A_30 = vector.load %arg5[%get3A_28, %get3A_29] : memref<3128x32xf32, #tpu.memory_space<vmem>>, vector<3128x32xf32>
    %get3A_31 = arith.constant 0 : index
    %get3A_32 = arith.constant 0 : index
    %get3A_33 = vector.load %arg9[%get3A_31, %get3A_32] : memref<32x64xf32, #tpu.memory_space<vmem>>, vector<32x64xf32>
    %dot_general3A_34 = arith.constant dense<0.000000e+00> : vector<3128x64xf32>
    %dot_general3A_35 = tpu.matmul %get3A_30, %get3A_33, %dot_general3A_34 {dimension_numbers = #tpu.dot_dimension_numbers<[1], [0], [0], [1], [0, 0, 1, 1], [], []>, transpose_lhs_hint = false} : vector<3128x32xf32>, vector<32x64xf32>, vector<3128x64xf32> -> vector<3128x64xf32>
    %add3A_36 = arith.addf %add3A_27, %dot_general3A_35 : vector<3128x64xf32>
    %get3A_37 = arith.constant 0 : index
    %get3A_38 = arith.constant 0 : index
    %get3A_39 = vector.load %arg6[%get3A_37, %get3A_38] : memref<3128x32xf32, #tpu.memory_space<vmem>>, vector<3128x32xf32>
    %get3A_40 = arith.constant 0 : index
    %get3A_41 = arith.constant 0 : index
    %get3A_42 = vector.load %arg10[%get3A_40, %get3A_41] : memref<32x64xf32, #tpu.memory_space<vmem>>, vector<32x64xf32>
    %dot_general3A_43 = arith.constant dense<0.000000e+00> : vector<3128x64xf32>
    %dot_general3A_44 = tpu.matmul %get3A_39, %get3A_42, %dot_general3A_43 {dimension_numbers = #tpu.dot_dimension_numbers<[1], [0], [0], [1], [0, 0, 1, 1], [], []>, transpose_lhs_hint = false} : vector<3128x32xf32>, vector<32x64xf32>, vector<3128x64xf32> -> vector<3128x64xf32>
    %add3A_45 = arith.addf %add3A_36, %dot_general3A_44 : vector<3128x64xf32>
    %get3A_46 = arith.constant 0 : index
    %get3A_47 = arith.constant 0 : index
    %get3A_48 = vector.load %arg11[%get3A_46, %get3A_47] : memref<1x64xf32, #tpu.memory_space<vmem>>, vector<1x64xf32>
    %add3A_49 = vector.broadcast %get3A_48 : vector<1x64xf32> to vector<3128x64xf32>
    %add3A_50 = arith.addf %add3A_45, %add3A_49 : vector<3128x64xf32>
    %swap3A = arith.constant 0 : index
    %swap3A_51 = arith.constant 0 : index
    %swap3A_52 = vector.load %arg12[%swap3A, %swap3A_51] : memref<3128x64xf32, #tpu.memory_space<vmem>>, vector<3128x64xf32>
    tpu.vector_store %arg12[%swap3A, %swap3A_51], %add3A_50 {strides = array<i32>} : memref<3128x64xf32, #tpu.memory_space<vmem>>, vector<3128x64xf32>,
    return
  }
  func.func @transform_0(%arg0: i32) -> (i32, i32) {
    %c0_i32 = arith.constant 0 : i32
    %c0_i32_0 = arith.constant 0 : i32
    return %arg0, %c0_i32 : i32, i32
  }
  func.func @transform_1(%arg0: i32) -> (i32, i32) {
    %c0_i32 = arith.constant 0 : i32
    %c0_i32_0 = arith.constant 0 : i32
    return %arg0, %c0_i32 : i32, i32
  }
  func.func @transform_2(%arg0: i32) -> (i32, i32) {
    %c0_i32 = arith.constant 0 : i32
    %c0_i32_0 = arith.constant 0 : i32
    return %arg0, %c0_i32 : i32, i32
  }
  func.func @transform_3(%arg0: i32) -> (i32, i32) {
    %c0_i32 = arith.constant 0 : i32
    %c0_i32_0 = arith.constant 0 : i32
    return %arg0, %c0_i32 : i32, i32
  }
  func.func @transform_4(%arg0: i32) -> (i32, i32) {
    %c0_i32 = arith.constant 0 : i32
    %c0_i32_0 = arith.constant 0 : i32
    return %arg0, %c0_i32 : i32, i32
  }
  func.func @transform_5(%arg0: i32) -> (i32, i32) {
    %c0_i32 = arith.constant 0 : i32
    %c0_i32_0 = arith.constant 0 : i32
    return %arg0, %c0_i32 : i32, i32
  }
  func.func @transform_6(%arg0: i32) -> (i32, i32) {
    %c0_i32 = arith.constant 0 : i32
    %c0_i32_0 = arith.constant 0 : i32
    %c0_i32_1 = arith.constant 0 : i32
    return %c0_i32, %c0_i32_0 : i32, i32
  }
  func.func @transform_7(%arg0: i32) -> (i32, i32) {
    %c0_i32 = arith.constant 0 : i32
    %c0_i32_0 = arith.constant 0 : i32
    %c0_i32_1 = arith.constant 0 : i32
    return %c0_i32, %c0_i32_0 : i32, i32
  }
  func.func @transform_8(%arg0: i32) -> (i32, i32) {
    %c0_i32 = arith.constant 0 : i32
    %c0_i32_0 = arith.constant 0 : i32
    %c0_i32_1 = arith.constant 0 : i32
    return %c0_i32, %c0_i32_0 : i32, i32
  }
  func.func @transform_9(%arg0: i32) -> (i32, i32) {
    %c0_i32 = arith.constant 0 : i32
    %c0_i32_0 = arith.constant 0 : i32
    %c0_i32_1 = arith.constant 0 : i32
    return %c0_i32, %c0_i32_0 : i32, i32
  }
  func.func @transform_10(%arg0: i32) -> (i32, i32) {
    %c0_i32 = arith.constant 0 : i32
    %c0_i32_0 = arith.constant 0 : i32
    %c0_i32_1 = arith.constant 0 : i32
    return %c0_i32, %c0_i32_0 : i32, i32
  }
  func.func @transform_11(%arg0: i32) -> (i32, i32) {
    %c0_i32 = arith.constant 0 : i32
    %c0_i32_0 = arith.constant 0 : i32
    return %arg0, %c0_i32 : i32, i32
  }
}

module attributes {stable_mosaic.version = 14 : i64} {
  func.func @_head_body(%arg0: i32, %arg1: memref<520x64xf32, #tpu.memory_space<vmem>>, %arg2: memref<520x64xf32, #tpu.memory_space<vmem>>, %arg3: memref<520x16xf32, #tpu.memory_space<vmem>>, %arg4: memref<520x16xf32, #tpu.memory_space<vmem>>, %arg5: memref<512x3xf32, #tpu.memory_space<vmem>>, %arg6: memref<64x6xf32, #tpu.memory_space<vmem>>, %arg7: memref<1x6xf32, #tpu.memory_space<vmem>>, %arg8: memref<6x512xf32, #tpu.memory_space<vmem>>, %arg9: memref<3x512xf32, #tpu.memory_space<vmem>>, %arg10: memref<1x512xf32, #tpu.memory_space<vmem>>, %arg11: memref<1x512xf32, #tpu.memory_space<vmem>>, %arg12: memref<1x512xf32, #tpu.memory_space<vmem>>, %arg13: memref<512x128xf32, #tpu.memory_space<vmem>>, %arg14: memref<1x128xf32, #tpu.memory_space<vmem>>, %arg15: memref<1x128xf32, #tpu.memory_space<vmem>>, %arg16: memref<1x128xf32, #tpu.memory_space<vmem>>, %arg17: memref<128x64xf32, #tpu.memory_space<vmem>>, %arg18: memref<1x64xf32, #tpu.memory_space<vmem>>, %arg19: memref<1x64xf32, #tpu.memory_space<vmem>>, %arg20: memref<1x64xf32, #tpu.memory_space<vmem>>, %arg21: memref<64x5xf32, #tpu.memory_space<vmem>>, %arg22: memref<1x5xf32, #tpu.memory_space<vmem>>, %arg23: memref<512x6xf32, #tpu.memory_space<vmem>>, %arg24: memref<512x5xf32, #tpu.memory_space<vmem>>) attributes {dimension_semantics = [#tpu.dimension_semantics<arbitrary>], iteration_bounds = array<i64: 1>, scalar_prefetch = 0 : i64, scratch_operands = 0 : i64, tpu.core_type = #tpu.core_type<tc>, window_params = [{pipeline_mode = #tpu.pipeline_mode<synchronous>, transform_indices = @transform_0, window_bounds = array<i64: 520, 64>}, {pipeline_mode = #tpu.pipeline_mode<synchronous>, transform_indices = @transform_1, window_bounds = array<i64: 520, 64>}, {pipeline_mode = #tpu.pipeline_mode<synchronous>, transform_indices = @transform_2, window_bounds = array<i64: 520, 16>}, {pipeline_mode = #tpu.pipeline_mode<synchronous>, transform_indices = @transform_3, window_bounds = array<i64: 520, 16>}, {pipeline_mode = #tpu.pipeline_mode<synchronous>, transform_indices = @transform_4, window_bounds = array<i64: 512, 3>}, {pipeline_mode = #tpu.pipeline_mode<synchronous>, transform_indices = @transform_5, window_bounds = array<i64: 64, 6>}, {pipeline_mode = #tpu.pipeline_mode<synchronous>, transform_indices = @transform_6, window_bounds = array<i64: 1, 6>}, {pipeline_mode = #tpu.pipeline_mode<synchronous>, transform_indices = @transform_7, window_bounds = array<i64: 6, 512>}, {pipeline_mode = #tpu.pipeline_mode<synchronous>, transform_indices = @transform_8, window_bounds = array<i64: 3, 512>}, {pipeline_mode = #tpu.pipeline_mode<synchronous>, transform_indices = @transform_9, window_bounds = array<i64: 1, 512>}, {pipeline_mode = #tpu.pipeline_mode<synchronous>, transform_indices = @transform_10, window_bounds = array<i64: 1, 512>}, {pipeline_mode = #tpu.pipeline_mode<synchronous>, transform_indices = @transform_11, window_bounds = array<i64: 1, 512>}, {pipeline_mode = #tpu.pipeline_mode<synchronous>, transform_indices = @transform_12, window_bounds = array<i64: 512, 128>}, {pipeline_mode = #tpu.pipeline_mode<synchronous>, transform_indices = @transform_13, window_bounds = array<i64: 1, 128>}, {pipeline_mode = #tpu.pipeline_mode<synchronous>, transform_indices = @transform_14, window_bounds = array<i64: 1, 128>}, {pipeline_mode = #tpu.pipeline_mode<synchronous>, transform_indices = @transform_15, window_bounds = array<i64: 1, 128>}, {pipeline_mode = #tpu.pipeline_mode<synchronous>, transform_indices = @transform_16, window_bounds = array<i64: 128, 64>}, {pipeline_mode = #tpu.pipeline_mode<synchronous>, transform_indices = @transform_17, window_bounds = array<i64: 1, 64>}, {pipeline_mode = #tpu.pipeline_mode<synchronous>, transform_indices = @transform_18, window_bounds = array<i64: 1, 64>}, {pipeline_mode = #tpu.pipeline_mode<synchronous>, transform_indices = @transform_19, window_bounds = array<i64: 1, 64>}, {pipeline_mode = #tpu.pipeline_mode<synchronous>, transform_indices = @transform_20, window_bounds = array<i64: 64, 5>}, {pipeline_mode = #tpu.pipeline_mode<synchronous>, transform_indices = @transform_21, window_bounds = array<i64: 1, 5>}, {pipeline_mode = #tpu.pipeline_mode<synchronous>, transform_indices = @transform_22, window_bounds = array<i64: 512, 6>}, {pipeline_mode = #tpu.pipeline_mode<synchronous>, transform_indices = @transform_23, window_bounds = array<i64: 512, 5>}]} {
    %get3A = arith.constant 0 : index
    %get3A_0 = arith.constant 0 : index
    %get3A_1 = vector.load %arg1[%get3A, %get3A_0] : memref<520x64xf32, #tpu.memory_space<vmem>>, vector<520x64xf32>
    %get3A_2 = arith.constant 0 : index
    %get3A_3 = arith.constant 0 : index
    %get3A_4 = vector.load %arg2[%get3A_2, %get3A_3] : memref<520x64xf32, #tpu.memory_space<vmem>>, vector<520x64xf32>
    %add3A = arith.addf %get3A_1, %get3A_4 : vector<520x64xf32>
    %get3A_5 = arith.constant 0 : index
    %get3A_6 = arith.constant 0 : index
    %get3A_7 = vector.load %arg3[%get3A_5, %get3A_6] : memref<520x16xf32, #tpu.memory_space<vmem>>, vector<520x1xf32>
    %get3A_8 = arith.constant 0 : index
    %get3A_9 = arith.constant 0 : index
    %get3A_10 = vector.load %arg4[%get3A_8, %get3A_9] : memref<520x16xf32, #tpu.memory_space<vmem>>, vector<520x1xf32>
    %add3A_11 = arith.addf %get3A_7, %get3A_10 : vector<520x1xf32>
    %slice3A = vector.extract_strided_slice %add3A {offsets = [0, 0], sizes = [512, 64], strides = [1, 1]} : vector<520x64xf32> to vector<512x64xf32>
    %slice3A_12 = vector.extract_strided_slice %add3A_11 {offsets = [0, 0], sizes = [512, 1], strides = [1, 1]} : vector<520x1xf32> to vector<512x1xf32>
    %max3A = arith.constant 1.000000e+00 : f32
    %max3A_13 = vector.broadcast %max3A : f32 to vector<512x1xf32>
    %max3A_14 = arith.maximumf %slice3A_12, %max3A_13 : vector<512x1xf32>
    %div3A = vector.broadcast %max3A_14 : vector<512x1xf32> to vector<512x64xf32>
    %div3A_15 = arith.divf %slice3A, %div3A : vector<512x64xf32>
    %get3A_16 = arith.constant 0 : index
    %get3A_17 = arith.constant 0 : index
    %get3A_18 = vector.load %arg6[%get3A_16, %get3A_17] : memref<64x6xf32, #tpu.memory_space<vmem>>, vector<64x6xf32>
    %dot_general3A = arith.constant dense<0.000000e+00> : vector<512x6xf32>
    %dot_general3A_19 = tpu.matmul %div3A_15, %get3A_18, %dot_general3A {dimension_numbers = #tpu.dot_dimension_numbers<[1], [0], [0], [1], [0, 0, 1, 1], [], []>, transpose_lhs_hint = false} : vector<512x64xf32>, vector<64x6xf32>, vector<512x6xf32> -> vector<512x6xf32>
    %get3A_20 = arith.constant 0 : index
    %get3A_21 = arith.constant 0 : index
    %get3A_22 = vector.load %arg7[%get3A_20, %get3A_21] : memref<1x6xf32, #tpu.memory_space<vmem>>, vector<1x6xf32>
    %add3A_23 = vector.broadcast %get3A_22 : vector<1x6xf32> to vector<512x6xf32>
    %add3A_24 = arith.addf %dot_general3A_19, %add3A_23 : vector<512x6xf32>
    %mul3A = arith.mulf %add3A_24, %add3A_24 : vector<512x6xf32>
    %reduce_sum3A = arith.constant dense<0.000000e+00> : vector<512xf32>
    %reduce_sum3A_25 = vector.multi_reduction <add>, %mul3A, %reduce_sum3A [1] : vector<512x6xf32> to vector<512xf32>
    %broadcast_in_dim3A = vector.shape_cast %reduce_sum3A_25 : vector<512xf32> to vector<512x1xf32>
    %sqrt3A = math.sqrt %broadcast_in_dim3A : vector<512x1xf32>
    %max3A_26 = arith.constant 9.99999996E-13 : f32
    %max3A_27 = vector.broadcast %max3A_26 : f32 to vector<512x1xf32>
    %max3A_28 = arith.maximumf %sqrt3A, %max3A_27 : vector<512x1xf32>
    %div3A_29 = vector.broadcast %max3A_28 : vector<512x1xf32> to vector<512x6xf32>
    %div3A_30 = arith.divf %add3A_24, %div3A_29 : vector<512x6xf32>
    %swap3A = arith.constant 0 : index
    %swap3A_31 = arith.constant 0 : index
    %swap3A_32 = vector.load %arg23[%swap3A, %swap3A_31] : memref<512x6xf32, #tpu.memory_space<vmem>>, vector<512x6xf32>
    tpu.vector_store %arg23[%swap3A, %swap3A_31], %div3A_30 {strides = array<i32>} : memref<512x6xf32, #tpu.memory_space<vmem>>, vector<512x6xf32>,
    %abs3A = math.absf %div3A_30 : vector<512x6xf32>
    %get3A_33 = arith.constant 0 : index
    %get3A_34 = arith.constant 0 : index
    %get3A_35 = vector.load %arg8[%get3A_33, %get3A_34] : memref<6x512xf32, #tpu.memory_space<vmem>>, vector<6x512xf32>
    %dot_general3A_36 = arith.constant dense<0.000000e+00> : vector<512x512xf32>
    %dot_general3A_37 = tpu.matmul %abs3A, %get3A_35, %dot_general3A_36 {dimension_numbers = #tpu.dot_dimension_numbers<[1], [0], [0], [1], [0, 0, 1, 1], [], []>, transpose_lhs_hint = false} : vector<512x6xf32>, vector<6x512xf32>, vector<512x512xf32> -> vector<512x512xf32>
    %get3A_38 = arith.constant 0 : index
    %get3A_39 = arith.constant 0 : index
    %get3A_40 = vector.load %arg5[%get3A_38, %get3A_39] : memref<512x3xf32, #tpu.memory_space<vmem>>, vector<512x3xf32>
    %get3A_41 = arith.constant 0 : index
    %get3A_42 = arith.constant 0 : index
    %get3A_43 = vector.load %arg9[%get3A_41, %get3A_42] : memref<3x512xf32, #tpu.memory_space<vmem>>, vector<3x512xf32>
    %dot_general3A_44 = arith.constant dense<0.000000e+00> : vector<512x512xf32>
    %dot_general3A_45 = tpu.matmul %get3A_40, %get3A_43, %dot_general3A_44 {dimension_numbers = #tpu.dot_dimension_numbers<[1], [0], [0], [1], [0, 0, 1, 1], [], []>, transpose_lhs_hint = false} : vector<512x3xf32>, vector<3x512xf32>, vector<512x512xf32> -> vector<512x512xf32>
    %add3A_46 = arith.addf %dot_general3A_37, %dot_general3A_45 : vector<512x512xf32>
    %get3A_47 = arith.constant 0 : index
    %get3A_48 = arith.constant 0 : index
    %get3A_49 = vector.load %arg10[%get3A_47, %get3A_48] : memref<1x512xf32, #tpu.memory_space<vmem>>, vector<1x512xf32>
    %add3A_50 = vector.broadcast %get3A_49 : vector<1x512xf32> to vector<512x512xf32>
    %add3A_51 = arith.addf %add3A_46, %add3A_50 : vector<512x512xf32>
    %get3A_52 = arith.constant 0 : index
    %get3A_53 = arith.constant 0 : index
    %get3A_54 = vector.load %arg11[%get3A_52, %get3A_53] : memref<1x512xf32, #tpu.memory_space<vmem>>, vector<1x512xf32>
    %get3A_55 = arith.constant 0 : index
    %get3A_56 = arith.constant 0 : index
    %get3A_57 = vector.load %arg12[%get3A_55, %get3A_56] : memref<1x512xf32, #tpu.memory_space<vmem>>, vector<1x512xf32>
    %reduce_sum3A_58 = arith.constant dense<0.000000e+00> : vector<512xf32>
    %reduce_sum3A_59 = vector.multi_reduction <add>, %add3A_51, %reduce_sum3A_58 [0] : vector<512x512xf32> to vector<512xf32>
    %broadcast_in_dim3A_60 = vector.shape_cast %reduce_sum3A_59 : vector<512xf32> to vector<1x512xf32>
    %div3A_61 = arith.constant 5.120000e+02 : f32
    %div3A_62 = vector.broadcast %div3A_61 : f32 to vector<1x512xf32>
    %div3A_63 = arith.divf %broadcast_in_dim3A_60, %div3A_62 : vector<1x512xf32>
    %sub3A = vector.broadcast %div3A_63 : vector<1x512xf32> to vector<512x512xf32>
    %sub3A_64 = arith.subf %add3A_51, %sub3A : vector<512x512xf32>
    %mul3A_65 = arith.mulf %sub3A_64, %sub3A_64 : vector<512x512xf32>
    %reduce_sum3A_66 = arith.constant dense<0.000000e+00> : vector<512xf32>
    %reduce_sum3A_67 = vector.multi_reduction <add>, %mul3A_65, %reduce_sum3A_66 [0] : vector<512x512xf32> to vector<512xf32>
    %broadcast_in_dim3A_68 = vector.shape_cast %reduce_sum3A_67 : vector<512xf32> to vector<1x512xf32>
    %div3A_69 = arith.constant 5.120000e+02 : f32
    %div3A_70 = vector.broadcast %div3A_69 : f32 to vector<1x512xf32>
    %div3A_71 = arith.divf %broadcast_in_dim3A_68, %div3A_70 : vector<1x512xf32>
    %mul3A_72 = vector.broadcast %get3A_54 : vector<1x512xf32> to vector<512x512xf32>
    %mul3A_73 = arith.mulf %mul3A_72, %sub3A_64 : vector<512x512xf32>
    %add3A_74 = arith.constant 9.99999974E-6 : f32
    %add3A_75 = vector.broadcast %add3A_74 : f32 to vector<1x512xf32>
    %add3A_76 = arith.addf %div3A_71, %add3A_75 : vector<1x512xf32>
    %sqrt3A_77 = math.sqrt %add3A_76 : vector<1x512xf32>
    %div3A_78 = vector.broadcast %sqrt3A_77 : vector<1x512xf32> to vector<512x512xf32>
    %div3A_79 = arith.divf %mul3A_73, %div3A_78 : vector<512x512xf32>
    %add3A_80 = vector.broadcast %get3A_57 : vector<1x512xf32> to vector<512x512xf32>
    %add3A_81 = arith.addf %div3A_79, %add3A_80 : vector<512x512xf32>
    %max3A_82 = arith.constant 0.000000e+00 : f32
    %max3A_83 = vector.broadcast %max3A_82 : f32 to vector<512x512xf32>
    %max3A_84 = arith.maximumf %add3A_81, %max3A_83 : vector<512x512xf32>
    %get3A_85 = arith.constant 0 : index
    %get3A_86 = arith.constant 0 : index
    %get3A_87 = vector.load %arg13[%get3A_85, %get3A_86] : memref<512x128xf32, #tpu.memory_space<vmem>>, vector<512x128xf32>
    %dot_general3A_88 = arith.constant dense<0.000000e+00> : vector<512x128xf32>
    %dot_general3A_89 = tpu.matmul %max3A_84, %get3A_87, %dot_general3A_88 {dimension_numbers = #tpu.dot_dimension_numbers<[1], [0], [0], [1], [0, 0, 1, 1], [], []>, transpose_lhs_hint = false} : vector<512x512xf32>, vector<512x128xf32>, vector<512x128xf32> -> vector<512x128xf32>
    %get3A_90 = arith.constant 0 : index
    %get3A_91 = arith.constant 0 : index
    %get3A_92 = vector.load %arg14[%get3A_90, %get3A_91] : memref<1x128xf32, #tpu.memory_space<vmem>>, vector<1x128xf32>
    %add3A_93 = vector.broadcast %get3A_92 : vector<1x128xf32> to vector<512x128xf32>
    %add3A_94 = arith.addf %dot_general3A_89, %add3A_93 : vector<512x128xf32>
    %get3A_95 = arith.constant 0 : index
    %get3A_96 = arith.constant 0 : index
    %get3A_97 = vector.load %arg15[%get3A_95, %get3A_96] : memref<1x128xf32, #tpu.memory_space<vmem>>, vector<1x128xf32>
    %get3A_98 = arith.constant 0 : index
    %get3A_99 = arith.constant 0 : index
    %get3A_100 = vector.load %arg16[%get3A_98, %get3A_99] : memref<1x128xf32, #tpu.memory_space<vmem>>, vector<1x128xf32>
    %reduce_sum3A_101 = arith.constant dense<0.000000e+00> : vector<128xf32>
    %reduce_sum3A_102 = vector.multi_reduction <add>, %add3A_94, %reduce_sum3A_101 [0] : vector<512x128xf32> to vector<128xf32>
    %broadcast_in_dim3A_103 = vector.shape_cast %reduce_sum3A_102 : vector<128xf32> to vector<1x128xf32>
    %div3A_104 = arith.constant 5.120000e+02 : f32
    %div3A_105 = vector.broadcast %div3A_104 : f32 to vector<1x128xf32>
    %div3A_106 = arith.divf %broadcast_in_dim3A_103, %div3A_105 : vector<1x128xf32>
    %sub3A_107 = vector.broadcast %div3A_106 : vector<1x128xf32> to vector<512x128xf32>
    %sub3A_108 = arith.subf %add3A_94, %sub3A_107 : vector<512x128xf32>
    %mul3A_109 = arith.mulf %sub3A_108, %sub3A_108 : vector<512x128xf32>
    %reduce_sum3A_110 = arith.constant dense<0.000000e+00> : vector<128xf32>
    %reduce_sum3A_111 = vector.multi_reduction <add>, %mul3A_109, %reduce_sum3A_110 [0] : vector<512x128xf32> to vector<128xf32>
    %broadcast_in_dim3A_112 = vector.shape_cast %reduce_sum3A_111 : vector<128xf32> to vector<1x128xf32>
    %div3A_113 = arith.constant 5.120000e+02 : f32
    %div3A_114 = vector.broadcast %div3A_113 : f32 to vector<1x128xf32>
    %div3A_115 = arith.divf %broadcast_in_dim3A_112, %div3A_114 : vector<1x128xf32>
    %mul3A_116 = vector.broadcast %get3A_97 : vector<1x128xf32> to vector<512x128xf32>
    %mul3A_117 = arith.mulf %mul3A_116, %sub3A_108 : vector<512x128xf32>
    %add3A_118 = arith.constant 9.99999974E-6 : f32
    %add3A_119 = vector.broadcast %add3A_118 : f32 to vector<1x128xf32>
    %add3A_120 = arith.addf %div3A_115, %add3A_119 : vector<1x128xf32>
    %sqrt3A_121 = math.sqrt %add3A_120 : vector<1x128xf32>
    %div3A_122 = vector.broadcast %sqrt3A_121 : vector<1x128xf32> to vector<512x128xf32>
    %div3A_123 = arith.divf %mul3A_117, %div3A_122 : vector<512x128xf32>
    %add3A_124 = vector.broadcast %get3A_100 : vector<1x128xf32> to vector<512x128xf32>
    %add3A_125 = arith.addf %div3A_123, %add3A_124 : vector<512x128xf32>
    %max3A_126 = arith.constant 0.000000e+00 : f32
    %max3A_127 = vector.broadcast %max3A_126 : f32 to vector<512x128xf32>
    %max3A_128 = arith.maximumf %add3A_125, %max3A_127 : vector<512x128xf32>
    %get3A_129 = arith.constant 0 : index
    %get3A_130 = arith.constant 0 : index
    %get3A_131 = vector.load %arg17[%get3A_129, %get3A_130] : memref<128x64xf32, #tpu.memory_space<vmem>>, vector<128x64xf32>
    %dot_general3A_132 = arith.constant dense<0.000000e+00> : vector<512x64xf32>
    %dot_general3A_133 = tpu.matmul %max3A_128, %get3A_131, %dot_general3A_132 {dimension_numbers = #tpu.dot_dimension_numbers<[1], [0], [0], [1], [0, 0, 1, 1], [], []>, transpose_lhs_hint = false} : vector<512x128xf32>, vector<128x64xf32>, vector<512x64xf32> -> vector<512x64xf32>
    %get3A_134 = arith.constant 0 : index
    %get3A_135 = arith.constant 0 : index
    %get3A_136 = vector.load %arg18[%get3A_134, %get3A_135] : memref<1x64xf32, #tpu.memory_space<vmem>>, vector<1x64xf32>
    %add3A_137 = vector.broadcast %get3A_136 : vector<1x64xf32> to vector<512x64xf32>
    %add3A_138 = arith.addf %dot_general3A_133, %add3A_137 : vector<512x64xf32>
    %get3A_139 = arith.constant 0 : index
    %get3A_140 = arith.constant 0 : index
    %get3A_141 = vector.load %arg19[%get3A_139, %get3A_140] : memref<1x64xf32, #tpu.memory_space<vmem>>, vector<1x64xf32>
    %get3A_142 = arith.constant 0 : index
    %get3A_143 = arith.constant 0 : index
    %get3A_144 = vector.load %arg20[%get3A_142, %get3A_143] : memref<1x64xf32, #tpu.memory_space<vmem>>, vector<1x64xf32>
    %reduce_sum3A_145 = arith.constant dense<0.000000e+00> : vector<64xf32>
    %reduce_sum3A_146 = vector.multi_reduction <add>, %add3A_138, %reduce_sum3A_145 [0] : vector<512x64xf32> to vector<64xf32>
    %broadcast_in_dim3A_147 = vector.shape_cast %reduce_sum3A_146 : vector<64xf32> to vector<1x64xf32>
    %div3A_148 = arith.constant 5.120000e+02 : f32
    %div3A_149 = vector.broadcast %div3A_148 : f32 to vector<1x64xf32>
    %div3A_150 = arith.divf %broadcast_in_dim3A_147, %div3A_149 : vector<1x64xf32>
    %sub3A_151 = vector.broadcast %div3A_150 : vector<1x64xf32> to vector<512x64xf32>
    %sub3A_152 = arith.subf %add3A_138, %sub3A_151 : vector<512x64xf32>
    %mul3A_153 = arith.mulf %sub3A_152, %sub3A_152 : vector<512x64xf32>
    %reduce_sum3A_154 = arith.constant dense<0.000000e+00> : vector<64xf32>
    %reduce_sum3A_155 = vector.multi_reduction <add>, %mul3A_153, %reduce_sum3A_154 [0] : vector<512x64xf32> to vector<64xf32>
    %broadcast_in_dim3A_156 = vector.shape_cast %reduce_sum3A_155 : vector<64xf32> to vector<1x64xf32>
    %div3A_157 = arith.constant 5.120000e+02 : f32
    %div3A_158 = vector.broadcast %div3A_157 : f32 to vector<1x64xf32>
    %div3A_159 = arith.divf %broadcast_in_dim3A_156, %div3A_158 : vector<1x64xf32>
    %mul3A_160 = vector.broadcast %get3A_141 : vector<1x64xf32> to vector<512x64xf32>
    %mul3A_161 = arith.mulf %mul3A_160, %sub3A_152 : vector<512x64xf32>
    %add3A_162 = arith.constant 9.99999974E-6 : f32
    %add3A_163 = vector.broadcast %add3A_162 : f32 to vector<1x64xf32>
    %add3A_164 = arith.addf %div3A_159, %add3A_163 : vector<1x64xf32>
    %sqrt3A_165 = math.sqrt %add3A_164 : vector<1x64xf32>
    %div3A_166 = vector.broadcast %sqrt3A_165 : vector<1x64xf32> to vector<512x64xf32>
    %div3A_167 = arith.divf %mul3A_161, %div3A_166 : vector<512x64xf32>
    %add3A_168 = vector.broadcast %get3A_144 : vector<1x64xf32> to vector<512x64xf32>
    %add3A_169 = arith.addf %div3A_167, %add3A_168 : vector<512x64xf32>
    %max3A_170 = arith.constant 0.000000e+00 : f32
    %max3A_171 = vector.broadcast %max3A_170 : f32 to vector<512x64xf32>
    %max3A_172 = arith.maximumf %add3A_169, %max3A_171 : vector<512x64xf32>
    %get3A_173 = arith.constant 0 : index
    %get3A_174 = arith.constant 0 : index
    %get3A_175 = vector.load %arg21[%get3A_173, %get3A_174] : memref<64x5xf32, #tpu.memory_space<vmem>>, vector<64x5xf32>
    %dot_general3A_176 = arith.constant dense<0.000000e+00> : vector<512x5xf32>
    %dot_general3A_177 = tpu.matmul %max3A_172, %get3A_175, %dot_general3A_176 {dimension_numbers = #tpu.dot_dimension_numbers<[1], [0], [0], [1], [0, 0, 1, 1], [], []>, transpose_lhs_hint = false} : vector<512x64xf32>, vector<64x5xf32>, vector<512x5xf32> -> vector<512x5xf32>
    %get3A_178 = arith.constant 0 : index
    %get3A_179 = arith.constant 0 : index
    %get3A_180 = vector.load %arg22[%get3A_178, %get3A_179] : memref<1x5xf32, #tpu.memory_space<vmem>>, vector<1x5xf32>
    %add3A_181 = vector.broadcast %get3A_180 : vector<1x5xf32> to vector<512x5xf32>
    %add3A_182 = arith.addf %dot_general3A_177, %add3A_181 : vector<512x5xf32>
    %swap3A_183 = arith.constant 0 : index
    %swap3A_184 = arith.constant 0 : index
    %swap3A_185 = vector.load %arg24[%swap3A_183, %swap3A_184] : memref<512x5xf32, #tpu.memory_space<vmem>>, vector<512x5xf32>
    tpu.vector_store %arg24[%swap3A_183, %swap3A_184], %add3A_182 {strides = array<i32>} : memref<512x5xf32, #tpu.memory_space<vmem>>, vector<512x5xf32>,
    return
  }
  func.func @transform_0(%arg0: i32) -> (i32, i32) {
    %c0_i32 = arith.constant 0 : i32
    %c0_i32_0 = arith.constant 0 : i32
    %c0_i32_1 = arith.constant 0 : i32
    return %c0_i32, %c0_i32_0 : i32, i32
  }
  func.func @transform_1(%arg0: i32) -> (i32, i32) {
    %c0_i32 = arith.constant 0 : i32
    %c0_i32_0 = arith.constant 0 : i32
    %c0_i32_1 = arith.constant 0 : i32
    return %c0_i32, %c0_i32_0 : i32, i32
  }
  func.func @transform_2(%arg0: i32) -> (i32, i32) {
    %c0_i32 = arith.constant 0 : i32
    %c0_i32_0 = arith.constant 0 : i32
    %c0_i32_1 = arith.constant 0 : i32
    return %c0_i32, %c0_i32_0 : i32, i32
  }
  func.func @transform_3(%arg0: i32) -> (i32, i32) {
    %c0_i32 = arith.constant 0 : i32
    %c0_i32_0 = arith.constant 0 : i32
    %c0_i32_1 = arith.constant 0 : i32
    return %c0_i32, %c0_i32_0 : i32, i32
  }
  func.func @transform_4(%arg0: i32) -> (i32, i32) {
    %c0_i32 = arith.constant 0 : i32
    %c0_i32_0 = arith.constant 0 : i32
    %c0_i32_1 = arith.constant 0 : i32
    return %c0_i32, %c0_i32_0 : i32, i32
  }
  func.func @transform_5(%arg0: i32) -> (i32, i32) {
    %c0_i32 = arith.constant 0 : i32
    %c0_i32_0 = arith.constant 0 : i32
    %c0_i32_1 = arith.constant 0 : i32
    return %c0_i32, %c0_i32_0 : i32, i32
  }
  func.func @transform_6(%arg0: i32) -> (i32, i32) {
    %c0_i32 = arith.constant 0 : i32
    %c0_i32_0 = arith.constant 0 : i32
    %c0_i32_1 = arith.constant 0 : i32
    return %c0_i32, %c0_i32_0 : i32, i32
  }
  func.func @transform_7(%arg0: i32) -> (i32, i32) {
    %c0_i32 = arith.constant 0 : i32
    %c0_i32_0 = arith.constant 0 : i32
    %c0_i32_1 = arith.constant 0 : i32
    return %c0_i32, %c0_i32_0 : i32, i32
  }
  func.func @transform_8(%arg0: i32) -> (i32, i32) {
    %c0_i32 = arith.constant 0 : i32
    %c0_i32_0 = arith.constant 0 : i32
    %c0_i32_1 = arith.constant 0 : i32
    return %c0_i32, %c0_i32_0 : i32, i32
  }
  func.func @transform_9(%arg0: i32) -> (i32, i32) {
    %c0_i32 = arith.constant 0 : i32
    %c0_i32_0 = arith.constant 0 : i32
    %c0_i32_1 = arith.constant 0 : i32
    return %c0_i32, %c0_i32_0 : i32, i32
  }
  func.func @transform_10(%arg0: i32) -> (i32, i32) {
    %c0_i32 = arith.constant 0 : i32
    %c0_i32_0 = arith.constant 0 : i32
    %c0_i32_1 = arith.constant 0 : i32
    return %c0_i32, %c0_i32_0 : i32, i32
  }
  func.func @transform_11(%arg0: i32) -> (i32, i32) {
    %c0_i32 = arith.constant 0 : i32
    %c0_i32_0 = arith.constant 0 : i32
    %c0_i32_1 = arith.constant 0 : i32
    return %c0_i32, %c0_i32_0 : i32, i32
  }
  func.func @transform_12(%arg0: i32) -> (i32, i32) {
    %c0_i32 = arith.constant 0 : i32
    %c0_i32_0 = arith.constant 0 : i32
    %c0_i32_1 = arith.constant 0 : i32
    return %c0_i32, %c0_i32_0 : i32, i32
  }
  func.func @transform_13(%arg0: i32) -> (i32, i32) {
    %c0_i32 = arith.constant 0 : i32
    %c0_i32_0 = arith.constant 0 : i32
    %c0_i32_1 = arith.constant 0 : i32
    return %c0_i32, %c0_i32_0 : i32, i32
  }
  func.func @transform_14(%arg0: i32) -> (i32, i32) {
    %c0_i32 = arith.constant 0 : i32
    %c0_i32_0 = arith.constant 0 : i32
    %c0_i32_1 = arith.constant 0 : i32
    return %c0_i32, %c0_i32_0 : i32, i32
  }
  func.func @transform_15(%arg0: i32) -> (i32, i32) {
    %c0_i32 = arith.constant 0 : i32
    %c0_i32_0 = arith.constant 0 : i32
    %c0_i32_1 = arith.constant 0 : i32
    return %c0_i32, %c0_i32_0 : i32, i32
  }
  func.func @transform_16(%arg0: i32) -> (i32, i32) {
    %c0_i32 = arith.constant 0 : i32
    %c0_i32_0 = arith.constant 0 : i32
    %c0_i32_1 = arith.constant 0 : i32
    return %c0_i32, %c0_i32_0 : i32, i32
  }
  func.func @transform_17(%arg0: i32) -> (i32, i32) {
    %c0_i32 = arith.constant 0 : i32
    %c0_i32_0 = arith.constant 0 : i32
    %c0_i32_1 = arith.constant 0 : i32
    return %c0_i32, %c0_i32_0 : i32, i32
  }
  func.func @transform_18(%arg0: i32) -> (i32, i32) {
    %c0_i32 = arith.constant 0 : i32
    %c0_i32_0 = arith.constant 0 : i32
    %c0_i32_1 = arith.constant 0 : i32
    return %c0_i32, %c0_i32_0 : i32, i32
  }
  func.func @transform_19(%arg0: i32) -> (i32, i32) {
    %c0_i32 = arith.constant 0 : i32
    %c0_i32_0 = arith.constant 0 : i32
    %c0_i32_1 = arith.constant 0 : i32
    return %c0_i32, %c0_i32_0 : i32, i32
  }
  func.func @transform_20(%arg0: i32) -> (i32, i32) {
    %c0_i32 = arith.constant 0 : i32
    %c0_i32_0 = arith.constant 0 : i32
    %c0_i32_1 = arith.constant 0 : i32
    return %c0_i32, %c0_i32_0 : i32, i32
  }
  func.func @transform_21(%arg0: i32) -> (i32, i32) {
    %c0_i32 = arith.constant 0 : i32
    %c0_i32_0 = arith.constant 0 : i32
    %c0_i32_1 = arith.constant 0 : i32
    return %c0_i32, %c0_i32_0 : i32, i32
  }
  func.func @transform_22(%arg0: i32) -> (i32, i32) {
    %c0_i32 = arith.constant 0 : i32
    %c0_i32_0 = arith.constant 0 : i32
    %c0_i32_1 = arith.constant 0 : i32
    return %c0_i32, %c0_i32_0 : i32, i32
  }
  func.func @transform_23(%arg0: i32) -> (i32, i32) {
    %c0_i32 = arith.constant 0 : i32
    %c0_i32_0 = arith.constant 0 : i32
    %c0_i32_1 = arith.constant 0 : i32
    return %c0_i32, %c0_i32_0 : i32, i32
  }
}

</mosaic_0001>

<sc_bundles>
// kernel: gather_offload_async_start.1
scs
__scs_entry_jumppad:
0x0: {  	(pc) =	sbr.rel $0x88, $3  }
0x1: {  	(tag) =	ssettag $0x0;
	lr =	simm.s32 $0x1  }
0x2: {  	[smem:$0x3F84] =	sst lr;
	_ =	strace $0xD0000000  }
0x3: {  	_ = 	snop  }
0x4: {  	_ = 	snop  }
0x5: {  	_ = 	snop  }
0x6: {  	_ = 	snop  }
0x7: {  	_ = 	snop  }
__scs_overlays_trampoline_lowered:
0x8: {  	[smem:$0x3F93] =	sst s0  }
0x9: {  	[smem:$0x3F94] =	sst s1  }
0xa: {  	[smem:$0x3F95] =	sst s2  }
0xb: {  	[smem:$0x3F96] =	sst s3  }
0xc: {  	[smem:$0x3F97] =	sst s4  }
0xd: {  	[smem:$0x3F98] =	sst s5  }
0xe: {  	[smem:$0x3F99] =	sst s6  }
0xf: {  	[smem:$0x3F9A] =	sst s7  }
0x10: {  	[smem:$0x3F9B] =	sst s8  }
0x11: {  	[smem:$0x3F9C] =	sst s9;
	s0 =	simm.s32 @!p0 $0x0  }
0x12: {  	s1 =	sld [smem:$0x3F82];
	s0 =	simm.s32 @p0 $0x1  }
0x13: {  	[smem:$0x3F9D] =	sst s0;
	s0 =	simm.s32 @!p1 $0x0  }
0x14: {  	s2 =	sld [smem:$0x3F81];
	s0 =	simm.s32 @p1 $0x1  }
0x15: {  	[smem:$0x3F9E] =	sst s0;
	s0 =	simm.s32 @!p2 $0x0  }
0x16: {  	s3 =	sld [smem:$0x3FDB];
	s0 =	simm.s32 @p2 $0x1  }
0x17: {  	s4 =	simm.s32 $0x1BF5;
	[smem:$0x3FA0] =	sst s0  }
0x18: {  	s0 =	sld [smem:$0x3F83];
	_ =	swait.ge [sflag:s4], $0x0  }
0x19: {  	s7 =	sld [smem:$0x3F84]  }
0x1a: {  	s8 =	sadd.s32 $0xFFFFE003, lr  }
0x1b: {  	s9 =	sadd.s32 $0xFFFFFEF7, lr;
	s5 =	simm.s32 $0xFFFFFFFF;
	p2 =	slt.u32 s8, $0xFFFFF086  }
0x1c: {  	p1 =	slt.u32 s9, $0xF7A;
	s5 =	simm.s32 @!p2 $0x0  }
0x1d: {  	s5 =	simm.s32 @p1 $0x1;
	p0 =	seq.s32 s7, s2  }
0x1e: {  	s7 =	smul.u32 @!p0 $0xF7A, s2;
	p2 =	seq.s32 @!p0 s5, $0x0  }
0x1f: {  	s9 =	smul.u32 $0xF7A, s1;
	s8 =	simm.s32 @!p0 $0x1BF5;
	p2 =	por !p2, p0  }
0x20: {  	[sflag:s8] =	ssyncset.s32 @!p0 $0xFFFFF086;
	s6 =	sadd.s32 @!p0 s3, s7;
	s7 =	simm.s32 @!p0 $0x108  }
0x21: {  	s3 =	sadd.s32 s3, s9;
	s6 =	sadd.s32 @!p0 $0x88, s6;
	s7 =	simm.s32 @p2 $0x1082  }
0x22: {  	[simem:s7], [sflag:s8] =	dma.local @!p0 [hbm:s6], $0xF7A  }
0x23: {  	s9 =	sor.u32 $0xD0000000, s2;
	s6 =	simm.s32 $0x108;
	_ =	swait.ge @!p0 [sflag:s8], $0x0  }
0x24: {  	s3 =	sadd.s32 $0x88, s3;
	s6 =	simm.s32 @!p1 $0x1082;
	[sflag:s4] =	ssyncset.s32 $0xFFFFF086  }
0x25: {  	[simem:s6], [sflag:s4] =	dma.local [hbm:s3], $0xF7A  }
0x26: {  	[smem:$0x3F84] =	sst s1;
	(tag) =	ssettag s2;
	_ =	strace s9  }
0x27: {  	s1 =	sld [smem:$0x3F94]  }
0x28: {  	s2 =	sld [smem:$0x3F95]  }
0x29: {  	s4 =	sld [smem:$0x3F97]  }
0x2a: {  	p0 =	seq.s32 s5, $0x0;
	s5 =	sld [smem:$0x3F98]  }
0x2b: {  	s6 =	sld [smem:$0x3F99]  }
0x2c: {  	s7 =	sld [smem:$0x3F9A]  }
0x2d: {  	s3 =	simm.s32 $0x108;
	s8 =	sld [smem:$0x3F9B]  }
0x2e: {  	s3 =	simm.s32 @!p0 $0x1082;
	s9 =	sld [smem:$0x3F9C]  }
0x2f: {  	lr =	sadd.s32 s0, s3;
	s0 =	sld [smem:$0x3F93]  }
0x30: {  	s3 =	sld [smem:$0x3F96]  }
0x31: {  	[smem:$0x3F9F] =	sst s10  }
0x32: {  	s10 =	sld [smem:$0x3F9D];
	_ =	sdelay $0x3  }
0x33: {  	p0 =	seq.s32 s10, $0x1;
	s10 =	sld [smem:$0x3F9F];
	_ =	sdelay $0x3  }
0x34: {  	[smem:$0x3F9F] =	sst s10  }
0x35: {  	s10 =	sld [smem:$0x3F9E];
	_ =	sdelay $0x3  }
0x36: {  	p1 =	seq.s32 s10, $0x1;
	s10 =	sld [smem:$0x3F9F];
	_ =	sdelay $0x3  }
0x37: {  	[smem:$0x3F9F] =	sst s10  }
0x38: {  	s10 =	sld [smem:$0x3FA0]  }
0x39: {  	_ = 	snop;
	(pc) =	sbr.ind lr, $3  }
0x3a: {  	_ = 	snop  }
0x3b: {  	_ = 	snop  }
0x3c: {  	p2 =	seq.s32 s10, $0x1;
	s10 =	sld [smem:$0x3F9F]  }
0x3d: {  	_ =	shalt  }
0x3e: {  	_ =	shalt  }
0x3f: {  	_ =	shalt  }
0x40: {  	_ =	shalt  }
0x41: {  	_ =	shalt  }
0x42: {  	_ =	shalt  }
0x43: {  	_ =	shalt  }
0x44: {  	_ =	shalt  }
0x45: {  	_ =	shalt  }
0x46: {  	_ =	shalt  }
0x47: {  	_ =	shalt  }
0x48: {  	_ =	shalt  }
0x49: {  	_ =	shalt  }
0x4a: {  	_ =	shalt  }
0x4b: {  	_ =	shalt  }
0x4c: {  	_ =	shalt  }
0x4d: {  	_ =	shalt  }
0x4e: {  	_ =	shalt  }
0x4f: {  	_ =	shalt  }
0x50: {  	_ =	shalt  }
0x51: {  	_ =	shalt  }
0x52: {  	_ =	shalt  }
0x53: {  	_ =	shalt  }
0x54: {  	_ =	shalt  }
0x55: {  	_ =	shalt  }
0x56: {  	_ =	shalt  }
0x57: {  	_ =	shalt  }
0x58: {  	_ =	shalt  }
0x59: {  	_ =	shalt  }
0x5a: {  	_ =	shalt  }
0x5b: {  	_ =	shalt  }
0x5c: {  	_ =	shalt  }
0x5d: {  	_ =	shalt  }
0x5e: {  	_ =	shalt  }
0x5f: {  	_ =	shalt  }
0x60: {  	_ =	shalt  }
0x61: {  	_ =	shalt  }
0x62: {  	_ =	shalt  }
0x63: {  	_ =	shalt  }
0x64: {  	_ =	shalt  }
0x65: {  	_ =	shalt  }
0x66: {  	_ =	shalt  }
0x67: {  	_ =	shalt  }
0x68: {  	_ =	shalt  }
0x69: {  	_ =	shalt  }
0x6a: {  	_ =	shalt  }
0x6b: {  	_ =	shalt  }
0x6c: {  	_ =	shalt  }
0x6d: {  	_ =	shalt  }
0x6e: {  	_ =	shalt  }
0x6f: {  	_ =	shalt  }
0x70: {  	_ =	shalt  }
0x71: {  	_ =	shalt  }
0x72: {  	_ =	shalt  }
0x73: {  	_ =	shalt  }
0x74: {  	_ =	shalt  }
0x75: {  	_ =	shalt  }
0x76: {  	_ =	shalt  }
0x77: {  	_ =	shalt  }
0x78: {  	_ =	shalt  }
0x79: {  	_ =	shalt  }
0x7a: {  	_ =	shalt  }
0x7b: {  	_ =	shalt  }
0x7c: {  	_ =	shalt  }
0x7d: {  	_ =	shalt  }
0x7e: {  	_ =	shalt  }
0x7f: {  	_ =	shalt  }
0x80: {  	_ =	shalt  }
0x81: {  	_ =	shalt  }
0x82: {  	_ =	shalt  }
0x83: {  	_ =	shalt  }
0x84: {  	_ =	shalt  }
0x85: {  	_ =	shalt  }
0x86: {  	_ =	shalt  }
0x87: {  	_ =	shalt  }
.Lfunc_end0:
.L_simem_size_0:
called_computation.1_lowered:
.L_overlay_start_0:
0x88: {  	s2 =	sld [smem:$0x3FD9]  }
0x89: {  	s3 =	sld [smem:$0x3FFE];
	_ =	sdelay $0x1  }
0x8a: {  	s1 =	srdreg.scid  }
0x8b: {  	s0 =	sand.u32 $0x1, s1  }
0x8c: {  	s16 =	sshll.u32 s0, $0xA;
	s2 =	sadd.s32 s3, s2  }
0x8d: {  	s2 =	sadd.s32 s2, s16  }
0x8e: {  	[smem:$0x3FAB] =	sst s2  }
0x8f: {  	_ = 	snop  }
0x90: {  	(tm) =	ssettm $0x1  }
0x91: {  	s17 =	sld [smem:$0x3FFB];
	_ =	sdelay $0x3  }
0x92: {  	_ =	strace s17  }
0x93: {  	s2 =	sld [smem:$0x3FFC];
	_ =	sdelay $0x3  }
0x94: {  	_ =	strace s2  }
0x95: {  	s2 =	sld [smem:$0x3FFD];
	_ =	sdelay $0x3  }
0x96: {  	_ =	strace s2  }
0x97: {  	_ =	strace $0x8FFFFFFF  }
0x98: {  	s18 =	sld [smem:$0x3FDB];
	_ =	sdelay $0x1  }
0x99: {  	s19 =	simm.s32 $_scs_section_size  }
0x9a: {  	s4 =	simm.s32 $_size__tile_overlayer_lowered;
	s5 =	simm.s32 $_tile_overlayer_lowered  }
0x9b: {  	s22 =	simm.s32 $0x1BFF;
	s21 =	sshll.u32 s5, $0x1;
	s2 =	sadd.s32 s19, s18  }
0x9c: {  	s6 =	simm.s32 $0x0;
	s20 =	sshll.u32 s4, $0x1;
	s4 =	sadd.s32 s21, s2  }
0x9d: {  	[timem:s6], [sflag:s22] =	dma.local [hbm:s4], s20  }
0x9e: {  	_ =	swait.ge [sflag:s22], s20  }
0x9f: {  	s3 =	ssub.s32 $0x0, s20;
	[sflag:s22] =	ssyncset.done $0x0  }
0xa0: {  	[sflag:s22] =	ssyncadd.s32 s3;
	_ =	sdelay $0x1  }
0xa1: {  	s23 =	simm.s32 $0x1B8B  }
0xa2: {  	_ =	swait.ge [sflag:s23], $0x1  }
0xa3: {  	[sflag:s23] =	ssyncset.done $0x0  }
0xa4: {  	s25 =	simm.s32 $0x1B8E;
	s24 =	sld [smem:$0x3FFE];
	[sflag:s23] =	ssyncadd.s32 $0xFFFFFFFF  }
0xa5: {  	s26 =	simm.s32 $execute0_lowered;
	[smem:$0x3FD2] =	sst s25  }
0xa6: {  	s4 =	sshll.u32 s26, $0x1;
	_ =	strace $0x80000046;
	[dreg:$0x1] =	wrdreg $0xFFFFFFFF  }
0xa7: {  	s28 =	simm.s32 $_size_execute0_lowered;
	s2 =	sadd.s32 s2, s4;
	[dreg:$0x0] =	wrdreg $0x0  }
0xa8: {  	s4 =	sshll.u32 s28, $0x1;
	[dreg:$0x2] =	wrdreg s2  }
0xa9: {  	[dreg:$0x3] =	wrdreg s4  }
0xaa: {  	[dreg:$0x4] =	wrdreg $0xC0  }
0xab: {  	_ =	task [dreg:s6], $0x5FFFF  }
0xac: {  	[dreg:$0x1] =	wrdreg $0xFFFFFFFF  }
0xad: {  	[dreg:$0x0] =	wrdreg $0x60  }
0xae: {  	[dreg:$0x2] =	wrdreg s24  }
0xaf: {  	[dreg:$0x3] =	wrdreg $0xA  }
0xb0: {  	_ =	task.clear_ibuf [dreg:s6], $0x4FFFF;
	_ =	strace $0x90000046  }
0xb1: {  	s29 =	simm.s32 $0xA;
	_ =	strace $0x80000048  }
0xb2: {  	_ =	swait.ge [sflag:s29], $0x1  }
0xb3: {  	[sflag:s29] =	ssyncadd.s32 $0xFFFFFFFF  }
0xb4: {  	_ =	strace $0x90000048  }
0xb5: {  	_ =	sfence  }
0xb6: {  	s30 =	sld [smem:$0x0];
	_ =	sdelay $0x2  }
0xb7: {  	s31 =	sshll.u32 s1, $0xD;
	s1 =	sshrl.u32 s1, $0x2  }
0xb8: {  	s3 =	sand.u32 $0x4000, s31;
	s1 =	sadd.s32 s1, s30  }
0xb9: {  	s0 =	sor.u32 s3, s0;
	s1 =	sshll.u32 s1, $0x11  }
0xba: {  	s0 =	sor.u32 s1, s0  }
0xbb: {  	s0 =	sadd.s32 $0x8F2B, s0  }
0xbc: {  	[sflag:s0] =	ssyncadd.remote.s32 $0x1  }
0xbd: {  	_ =	sfence.sel $0xFFFF  }
0xbe: {  	[dreg:$0x0] =	wrdreg $0xFFFFFFFF;
	(pc) =	sbr.abs _section_cstart, $3  }
0xbf: {  	[dreg:$0x1] =	wrdreg $0xFFFFFFFF  }
0xc0: {  	_ =	task.clear_ibuf [dreg:s6], $0x2FFFF;
	_ =	strace $0x9FFFFFFF  }
0xc1: {  	(tm) =	ssettm $0x7FFFFFFF  }
tec
execute0_lowered:
.L_overlay_start_1:
0x0: {  	(tag) =	ssettag $0x1  }
0x1: {  	s0 =	srdreg.scid  }
0x2: {  	s1 =	sshll.u32 s0, $0x4  }
0x3: {  	s0 =	stileid.u32;
	s1 =	sand.u32 $0x10, s1  }
0x4: {  	s1 =	sor.u32 s0, s1  }
0x5: {  	s2 =	smin.u32 s1, $0x8  }
0x6: {  	s2 =	sadd.s32 s1, s2  }
0x7: {  	p0 =	slt.u32 s1, $0x8;
	s1 =	simm.s32 $0x140;
	s2 =	smul.u32 $0xA0, s2  }
0x8: {  	s1 =	simm.s32 @!p0 $0xA0  }
0x9: {  	s1 =	sadd.s32 s1, s2  }
0xa: {  	s3 =	smin.u32 s1, $0x1900  }
0xb: {  	s7 =	ssub.s32 s3, s2  }
0xc: {  	p0 =	sgt.s32 s7, $0x0  }
0xd: {  	s7 =	simm.s32 @!p0 $0x0  }
0xe: {  	s31 =	smul.u32 $0xCCCD, s7  }
0xf: {  	s9 =	rddreg [dreg:$0x0];
	s6 =	simm.s32 $0x1;
	s11 =	simm.s32 $0x3  }
0x10: {  	s13 =	simm.s32 $0x0;
	s12 =	simm.s32 $0x0;
	s8 =	sshrl.u32 s31, $0x17  }
0x11: {  	s4 =	sadd.s32 $0x6600, s9;
	s5 =	sadd.s32 $0x6200, s9;
	s10 =	smul.u32 $0xA0, s8  }
.Ltmp0:
0x12: {  	s9 =	sadd.s32 $0x38600, s9;
	s1 =	rddreg [dreg:$0x1];
	(pc) =	sbr.rel .LBB2_1-.Ltmp0, $4  }
0x13: {  	_ =	strace $0x80000047;
	p0 =	sne.s32 s7, s10;
	s10 =	simm.s32 $0x1  }
0x14: {  	[sflag:s6] =	ssyncpa.u1 $0x0;
	s7 =	simm.s32 $0x2;
	s10 =	simm.s32 @!p0 $0x0  }
0x15: {  	[sflag:s7] =	ssyncpa.u1 $0x0;
	p0 =	por $0x0, $0x0;
	s8 =	sadd.s32 s8, s10  }
0x16: {  	vm0 =	vmmov $0xff;
	vm1 =	vcmask $0x3F20;
	[sflag:s11] =	ssyncpa.u1 $0x0;
	s11 =	smov.u32 s2;
	s10 =	sadd.s32 $0x1, s8  }
.LBB2_6:
0x17: {  	[hbm:s17] =	stream.linear.scatter [tilespmem:s14], [sflag:$0x3], $0x400, $0x38;
	[tilespmem:$0xA140] =	vst v63  }
.LBB2_7:
0x18: {  	s13 =	sadd.s32 $0xA0, s11  }
0x19: {  	s15 =	smov.u32 s2;
	p2 =	slt.s32 s13, s3  }
0x1a: {  	s15 =	smov.u32 @p2 s13;
	p2 =	sne.s32 s12, s10  }
.Ltmp1:
0x1b: {  	p1 =	slt.u32 s12, $0x2;
	(pc) =	sbr.rel @!p2 .LBB2_8-.Ltmp1, $4  }
0x1c: {  	s14 =	simm.s32 @!p1 $0x3  }
0x1d: {  	s16 =	sadd.s32 $0x1, s12;
	_ =	swait.ge @!p1 [sflag:s14], $0x5000  }
0x1e: {  	p0 =	por !p0, !p0;
	s13 =	smov.u32 s11;
	[sflag:s14] =	ssyncset.done @!p1 $0x0  }
0x1f: {  	s12 =	smov.u32 s16;
	s11 =	smov.u32 s15;
	[sflag:s14] =	ssyncadd.s32 @!p1 $0xFFFFB000  }
.LBB2_1:
0x20: {  	p1 =	sge.u32 s12, s8  }
0x21: {  	s14 =	sxor.u32 @!p1 $0xFFFFFFFF, s12  }
0x22: {  	s14 =	sand.u32 @!p1 $0x1, s14  }
0x23: {  	s14 =	smul.u32 @!p1 $0x280, s14  }
0x24: {  	s31 =	sadd.s32 $0xFFFFFFFF, s12;
	s15 =	sshrl.u32 @!p1 s11, $0x3  }
0x25: {  	s16 =	sand.u32 @!p1 $0x7, s11;
	s15 =	sadd.s32 @!p1 s5, s15;
	s14 =	sshrl.u32 @!p1 s14, $0x2  }
0x26: {  	[tilespmem:s14], [sflag:$0x2] =	stream.linear.gather @!p1 [hbm4b:s15+s16], $0xA0, $0x38;
	[tilespmem:$0xA140] =	vst v63  }
0x27: {  	p1 =	sge.u32 s31, s8  }
.Ltmp2:
0x28: {  	_ = 	snop;
	(pc) =	sbr.rel @p1 .LBB2_7-.Ltmp2, $1  }
0x29: {  	_ =	sdelay $0x3  }
0x2a: {  	s14 =	simm.s32 $0x1  }
0x2b: {  	s14 =	simm.s32 @!p0 $0x0  }
0x2c: {  	s15 =	smul.u32 $0x280, s14  }
0x2d: {  	_ =	swait.ge [sflag:s7], $0xA0  }
0x2e: {  	[sflag:s7] =	ssyncset.done $0x0;
	s16 =	sshrl.u32 s15, $0x2  }
0x2f: {  	[sflag:s7] =	ssyncadd.s32 $0xFFFFFF60;
	s15 =	sadd.s32 $0x0, s16  }
0x30: {  	v0 =	vld.msk [tilespmem:s15+$0x0 ss:$0x1], $0xffff;
	_ =	sdelay $0x4  }
0x31: {  	vm2 =	vgt.s32 v0, $0x0  }
0x32: {  	v0 =	vnsel vm2, $0x0, v0  }
0x33: {  	v0 =	vmin.u32 v0, $0x18FF  }
0x34: {  	v0 =	vshll.u32 v0, $0x4  }
0x35: {  	s14 =	smul.u32 $0x14000, s14;
	_ =	sdelay $0x1  }
0x36: {  	s14 =	sshrl.u32 s14, $0x2  }
0x37: {  	s14 =	sor.u32 $0x140, s14  }
0x38: {  	[tilespmem:s14], [sflag:$0x1] =	stream.indirect_vreg.gather [hbm:s4], $0x80, v0, vm0, $0x38;
	[tilespmem:$0xA140] =	vst v63  }
0x39: {  	s17 =	sadd.s32 $0x10, s16;
	s15 =	sadd.s32 $0x400, s14  }
0x3a: {  	[tilespmem:s15], [sflag:$0x1] =	stream.indirect_vreg.gather [hbm:s4], $0x80, v0, vm1, $0x38;
	[tilespmem:$0xA140] =	vst v63  }
0x3b: {  	s18 =	simm.s32 $0x80;
	v0 =	vld.msk [tilespmem:s17+$0x0 ss:$0x1], $0xffff;
	s17 =	smov.u32 s14  }
.LBB2_3:
0x3c: {  	p1 =	sne.s32 s18, $0x240;
	_ =	sdelay $0x4  }
0x3d: {  	vm2 =	vgt.s32 v0, $0x0  }
0x3e: {  	v0 =	vnsel vm2, $0x0, v0  }
0x3f: {  	v0 =	vmin.u32 v0, $0x18FF  }
0x40: {  	v0 =	vshll.u32 v0, $0x4;
	_ =	sdelay $0x3  }
.Ltmp3:
0x41: {  	s19 =	sshra.s32 s18, $0x2;
	s17 =	sadd.s32 $0x800, s17;
	(pc) =	sbr.rel @p1 .LBB2_3-.Ltmp3, $4  }
0x42: {  	[tilespmem:s17], [sflag:$0x1] =	stream.indirect_vreg.gather [hbm:s4], $0x80, v0, vm0, $0x38;
	[tilespmem:$0xA140] =	vst v63  }
0x43: {  	s19 =	sadd.s32 s19, s16;
	s20 =	sadd.s32 $0x400, s17  }
0x44: {  	[tilespmem:s20], [sflag:$0x1] =	stream.indirect_vreg.gather [hbm:s4], $0x80, v0, vm1, $0x38;
	[tilespmem:$0xA140] =	vst v63  }
0x45: {  	s18 =	sadd.s32 $0x40, s18;
	v0 =	vld.msk [tilespmem:s19+$0x0 ss:$0x1], $0xffff  }
0x46: {  	_ =	sdelay $0x3  }
0x47: {  	vm2 =	vgt.s32 v0, $0x0  }
0x48: {  	v0 =	vnsel vm2, $0x0, v0  }
0x49: {  	v0 =	vmin.u32 v0, $0x18FF  }
0x4a: {  	v0 =	vshll.u32 v0, $0x4;
	_ =	sdelay $0x3  }
0x4b: {  	s16 =	sadd.s32 $0x800, s17  }
0x4c: {  	[tilespmem:s16], [sflag:$0x1] =	stream.indirect_vreg.gather [hbm:s4], $0x80, v0, vm0, $0x38;
	[tilespmem:$0xA140] =	vst v63  }
0x4d: {  	s16 =	sadd.s32 $0x400, s16  }
0x4e: {  	[tilespmem:s16], [sflag:$0x1] =	stream.indirect_vreg.gather [hbm:s4], $0x80, v0, vm1, $0x38;
	[tilespmem:$0xA140] =	vst v63  }
0x4f: {  	s13 =	sshll.u32 s13, $0x4;
	_ =	swait.ge [sflag:s6], $0x5000  }
0x50: {  	s13 =	sadd.s32 s13, s9;
	[sflag:s6] =	ssyncset.done $0x0  }
0x51: {  	s17 =	sadd.s32 $0x0, s13;
	s16 =	simm.s32 $0x80;
	[sflag:s6] =	ssyncadd.s32 $0xFFFFB000  }
.LBB2_5:
0x52: {  	[hbm:s17] =	stream.linear.scatter [tilespmem:s14], [sflag:$0x3], $0x400, $0x38;
	[tilespmem:$0xA140] =	vst v63  }
0x53: {  	s17 =	smov.u32 s16;
	s14 =	smov.u32 s15;
	p1 =	sne.s32 s16, $0x980  }
.Ltmp4:
0x54: {  	s16 =	sadd.s32 $0x80, s16;
	(pc) =	sbr.rel @p1 .LBB2_5-.Ltmp4, $2  }
0x55: {  	_ =	sdelay $0x2  }
0x56: {  	s15 =	sadd.s32 $0x400, s15;
	s17 =	sadd.s32 s17, s13  }
.Ltmp5:
0x57: {  	_ = 	snop;
	(pc) =	sbr.rel .LBB2_6-.Ltmp5, $1  }
0x58: {  	_ =	sdelay $0x3  }
.LBB2_8:
0x59: {  	_ =	sfence.sel $0x180000  }
0x5a: {  	s2 =	simm.s32 $0x2;
	[bflag:$0x0] =	sbarrier.arrive $0xFFFF  }
0x5b: {  	s30 =	simm.s32 $0x3;
	[sflag:s2] =	ssyncpa.u1 $0x1  }
0x5c: {  	s31 =	simm.s32 $0x1;
	[sflag:s30] =	ssyncpa.u1 $0x1  }
0x5d: {  	[sflag:s31] =	ssyncpa.u1 $0x1  }
0x5e: {  	p0 =	sne.s32 s0, $0x0;
	_ =	strace $0x90000047  }
0x5f: {  	s0 =	sadd.s32 @!p0 $0x100000, s1;
	[bflag:$0x2] =	sbarrier.arrive $0xFFFF  }
0x60: {  	[sflag:s0] =	ssyncadd.tile.s32 @!p0 $0x1;
	_ =	shalt  }
.Lfunc_end2:
_tile_overlayer_lowered:
.L_overlay_start_2:
0x61: {  	(tag) =	ssettag $0x2  }
0x62: {  	s0 =	rddreg [dreg:$0x0];
	s2 =	stileid.u32  }
0x63: {  	s1 =	rddreg [dreg:$0x1];
	p0 =	sne.s32 s2, $0x0  }
0x64: {  	s3 =	rddreg [dreg:$0x2];
	[bflag:$0x3] =	sbarrier.arrive $0xFFFF;
	s2 =	simm.s32 @!p0 $0x1C01  }
0x65: {  	[timem:s3], [sflag:s2] =	dma.local @!p0 [hbm:s0], s1  }
0x66: {  	s0 =	simm.s32 @!p0 $0x1  }
0x67: {  	_ =	swait.ge @!p0 [sflag:s0], s1  }
0x68: {  	s1 =	ssub.s32 @!p0 $0x0, s1;
	[sflag:s0] =	ssyncset.done @!p0 $0x0  }
0x69: {  	[sflag:s0] =	ssyncadd.s32 @!p0 s1  }
0x6a: {  	[bflag:$0x3] =	sbarrier.arrive $0xFFFF  }
0x6b: {  	_ =	shalt  }

// kernel: gather_offload_async_start
scs
__scs_entry_jumppad:
0x0: {  	(pc) =	sbr.rel $0x88, $3  }
0x1: {  	(tag) =	ssettag $0x0;
	lr =	simm.s32 $0x1  }
0x2: {  	[smem:$0x3F84] =	sst lr;
	_ =	strace $0xD0000000  }
0x3: {  	_ = 	snop  }
0x4: {  	_ = 	snop  }
0x5: {  	_ = 	snop  }
0x6: {  	_ = 	snop  }
0x7: {  	_ = 	snop  }
__scs_overlays_trampoline_lowered:
0x8: {  	[smem:$0x3F93] =	sst s0  }
0x9: {  	[smem:$0x3F94] =	sst s1  }
0xa: {  	[smem:$0x3F95] =	sst s2  }
0xb: {  	[smem:$0x3F96] =	sst s3  }
0xc: {  	[smem:$0x3F97] =	sst s4  }
0xd: {  	[smem:$0x3F98] =	sst s5  }
0xe: {  	[smem:$0x3F99] =	sst s6  }
0xf: {  	[smem:$0x3F9A] =	sst s7  }
0x10: {  	[smem:$0x3F9B] =	sst s8  }
0x11: {  	[smem:$0x3F9C] =	sst s9;
	s0 =	simm.s32 @!p0 $0x0  }
0x12: {  	s1 =	sld [smem:$0x3F82];
	s0 =	simm.s32 @p0 $0x1  }
0x13: {  	[smem:$0x3F9D] =	sst s0;
	s0 =	simm.s32 @!p1 $0x0  }
0x14: {  	s2 =	sld [smem:$0x3F81];
	s0 =	simm.s32 @p1 $0x1  }
0x15: {  	[smem:$0x3F9E] =	sst s0;
	s0 =	simm.s32 @!p2 $0x0  }
0x16: {  	s3 =	sld [smem:$0x3FDB];
	s0 =	simm.s32 @p2 $0x1  }
0x17: {  	s4 =	simm.s32 $0x1BF5;
	[smem:$0x3FA0] =	sst s0  }
0x18: {  	s0 =	sld [smem:$0x3F83];
	_ =	swait.ge [sflag:s4], $0x0  }
0x19: {  	s7 =	sld [smem:$0x3F84]  }
0x1a: {  	s8 =	sadd.s32 $0xFFFFE003, lr  }
0x1b: {  	s9 =	sadd.s32 $0xFFFFFEF7, lr;
	s5 =	simm.s32 $0xFFFFFFFF;
	p2 =	slt.u32 s8, $0xFFFFF086  }
0x1c: {  	p1 =	slt.u32 s9, $0xF7A;
	s5 =	simm.s32 @!p2 $0x0  }
0x1d: {  	s5 =	simm.s32 @p1 $0x1;
	p0 =	seq.s32 s7, s2  }
0x1e: {  	s7 =	smul.u32 @!p0 $0xF7A, s2;
	p2 =	seq.s32 @!p0 s5, $0x0  }
0x1f: {  	s9 =	smul.u32 $0xF7A, s1;
	s8 =	simm.s32 @!p0 $0x1BF5;
	p2 =	por !p2, p0  }
0x20: {  	[sflag:s8] =	ssyncset.s32 @!p0 $0xFFFFF086;
	s6 =	sadd.s32 @!p0 s3, s7;
	s7 =	simm.s32 @!p0 $0x108  }
0x21: {  	s3 =	sadd.s32 s3, s9;
	s6 =	sadd.s32 @!p0 $0x88, s6;
	s7 =	simm.s32 @p2 $0x1082  }
0x22: {  	[simem:s7], [sflag:s8] =	dma.local @!p0 [hbm:s6], $0xF7A  }
0x23: {  	s9 =	sor.u32 $0xD0000000, s2;
	s6 =	simm.s32 $0x108;
	_ =	swait.ge @!p0 [sflag:s8], $0x0  }
0x24: {  	s3 =	sadd.s32 $0x88, s3;
	s6 =	simm.s32 @!p1 $0x1082;
	[sflag:s4] =	ssyncset.s32 $0xFFFFF086  }
0x25: {  	[simem:s6], [sflag:s4] =	dma.local [hbm:s3], $0xF7A  }
0x26: {  	[smem:$0x3F84] =	sst s1;
	(tag) =	ssettag s2;
	_ =	strace s9  }
0x27: {  	s1 =	sld [smem:$0x3F94]  }
0x28: {  	s2 =	sld [smem:$0x3F95]  }
0x29: {  	s4 =	sld [smem:$0x3F97]  }
0x2a: {  	p0 =	seq.s32 s5, $0x0;
	s5 =	sld [smem:$0x3F98]  }
0x2b: {  	s6 =	sld [smem:$0x3F99]  }
0x2c: {  	s7 =	sld [smem:$0x3F9A]  }
0x2d: {  	s3 =	simm.s32 $0x108;
	s8 =	sld [smem:$0x3F9B]  }
0x2e: {  	s3 =	simm.s32 @!p0 $0x1082;
	s9 =	sld [smem:$0x3F9C]  }
0x2f: {  	lr =	sadd.s32 s0, s3;
	s0 =	sld [smem:$0x3F93]  }
0x30: {  	s3 =	sld [smem:$0x3F96]  }
0x31: {  	[smem:$0x3F9F] =	sst s10  }
0x32: {  	s10 =	sld [smem:$0x3F9D];
	_ =	sdelay $0x3  }
0x33: {  	p0 =	seq.s32 s10, $0x1;
	s10 =	sld [smem:$0x3F9F];
	_ =	sdelay $0x3  }
0x34: {  	[smem:$0x3F9F] =	sst s10  }
0x35: {  	s10 =	sld [smem:$0x3F9E];
	_ =	sdelay $0x3  }
0x36: {  	p1 =	seq.s32 s10, $0x1;
	s10 =	sld [smem:$0x3F9F];
	_ =	sdelay $0x3  }
0x37: {  	[smem:$0x3F9F] =	sst s10  }
0x38: {  	s10 =	sld [smem:$0x3FA0]  }
0x39: {  	_ = 	snop;
	(pc) =	sbr.ind lr, $3  }
0x3a: {  	_ = 	snop  }
0x3b: {  	_ = 	snop  }
0x3c: {  	p2 =	seq.s32 s10, $0x1;
	s10 =	sld [smem:$0x3F9F]  }
0x3d: {  	_ =	shalt  }
0x3e: {  	_ =	shalt  }
0x3f: {  	_ =	shalt  }
0x40: {  	_ =	shalt  }
0x41: {  	_ =	shalt  }
0x42: {  	_ =	shalt  }
0x43: {  	_ =	shalt  }
0x44: {  	_ =	shalt  }
0x45: {  	_ =	shalt  }
0x46: {  	_ =	shalt  }
0x47: {  	_ =	shalt  }
0x48: {  	_ =	shalt  }
0x49: {  	_ =	shalt  }
0x4a: {  	_ =	shalt  }
0x4b: {  	_ =	shalt  }
0x4c: {  	_ =	shalt  }
0x4d: {  	_ =	shalt  }
0x4e: {  	_ =	shalt  }
0x4f: {  	_ =	shalt  }
0x50: {  	_ =	shalt  }
0x51: {  	_ =	shalt  }
0x52: {  	_ =	shalt  }
0x53: {  	_ =	shalt  }
0x54: {  	_ =	shalt  }
0x55: {  	_ =	shalt  }
0x56: {  	_ =	shalt  }
0x57: {  	_ =	shalt  }
0x58: {  	_ =	shalt  }
0x59: {  	_ =	shalt  }
0x5a: {  	_ =	shalt  }
0x5b: {  	_ =	shalt  }
0x5c: {  	_ =	shalt  }
0x5d: {  	_ =	shalt  }
0x5e: {  	_ =	shalt  }
0x5f: {  	_ =	shalt  }
0x60: {  	_ =	shalt  }
0x61: {  	_ =	shalt  }
0x62: {  	_ =	shalt  }
0x63: {  	_ =	shalt  }
0x64: {  	_ =	shalt  }
0x65: {  	_ =	shalt  }
0x66: {  	_ =	shalt  }
0x67: {  	_ =	shalt  }
0x68: {  	_ =	shalt  }
0x69: {  	_ =	shalt  }
0x6a: {  	_ =	shalt  }
0x6b: {  	_ =	shalt  }
0x6c: {  	_ =	shalt  }
0x6d: {  	_ =	shalt  }
0x6e: {  	_ =	shalt  }
0x6f: {  	_ =	shalt  }
0x70: {  	_ =	shalt  }
0x71: {  	_ =	shalt  }
0x72: {  	_ =	shalt  }
0x73: {  	_ =	shalt  }
0x74: {  	_ =	shalt  }
0x75: {  	_ =	shalt  }
0x76: {  	_ =	shalt  }
0x77: {  	_ =	shalt  }
0x78: {  	_ =	shalt  }
0x79: {  	_ =	shalt  }
0x7a: {  	_ =	shalt  }
0x7b: {  	_ =	shalt  }
0x7c: {  	_ =	shalt  }
0x7d: {  	_ =	shalt  }
0x7e: {  	_ =	shalt  }
0x7f: {  	_ =	shalt  }
0x80: {  	_ =	shalt  }
0x81: {  	_ =	shalt  }
0x82: {  	_ =	shalt  }
0x83: {  	_ =	shalt  }
0x84: {  	_ =	shalt  }
0x85: {  	_ =	shalt  }
0x86: {  	_ =	shalt  }
0x87: {  	_ =	shalt  }
.Lfunc_end0:
.L_simem_size_0:
called_computation_lowered:
.L_overlay_start_0:
0x88: {  	s2 =	sld [smem:$0x3FD9]  }
0x89: {  	s3 =	sld [smem:$0x3FFE];
	_ =	sdelay $0x1  }
0x8a: {  	s1 =	srdreg.scid  }
0x8b: {  	s0 =	sand.u32 $0x1, s1  }
0x8c: {  	s17 =	sshll.u32 s0, $0xA;
	s2 =	sadd.s32 s3, s2  }
0x8d: {  	s2 =	sadd.s32 s2, s17  }
0x8e: {  	[smem:$0x3FAB] =	sst s2  }
0x8f: {  	_ = 	snop  }
0x90: {  	(tm) =	ssettm $0x1  }
0x91: {  	s18 =	sld [smem:$0x3FFB];
	_ =	sdelay $0x3  }
0x92: {  	_ =	strace s18  }
0x93: {  	s2 =	sld [smem:$0x3FFC];
	_ =	sdelay $0x3  }
0x94: {  	_ =	strace s2  }
0x95: {  	s2 =	sld [smem:$0x3FFD];
	_ =	sdelay $0x3  }
0x96: {  	_ =	strace s2  }
0x97: {  	_ =	strace $0x8FFFFFFF  }
0x98: {  	s19 =	sld [smem:$0x3FDB];
	_ =	sdelay $0x1  }
0x99: {  	s20 =	simm.s32 $_scs_section_size  }
0x9a: {  	s4 =	simm.s32 $_size__tile_overlayer_lowered;
	s5 =	simm.s32 $_tile_overlayer_lowered  }
0x9b: {  	s6 =	simm.s32 $0x1BFF;
	s21 =	sshll.u32 s5, $0x1;
	s3 =	sadd.s32 s20, s19  }
0x9c: {  	s22 =	simm.s32 $0x0;
	s4 =	sshll.u32 s4, $0x1;
	s5 =	sadd.s32 s21, s3  }
0x9d: {  	[timem:s22], [sflag:s6] =	dma.local [hbm:s5], s4  }
0x9e: {  	_ =	swait.ge [sflag:s6], s4  }
0x9f: {  	s4 =	ssub.s32 $0x0, s4;
	[sflag:s6] =	ssyncset.done $0x0  }
0xa0: {  	[sflag:s6] =	ssyncadd.s32 s4;
	_ =	sdelay $0x1  }
0xa1: {  	s23 =	simm.s32 $0x1B8B  }
0xa2: {  	_ =	swait.ge [sflag:s23], $0x1  }
0xa3: {  	[sflag:s23] =	ssyncset.done $0x0  }
0xa4: {  	[sflag:s23] =	ssyncadd.s32 $0xFFFFFFFF  }
0xa5: {  	s4 =	sld [smem:$0x0]  }
0xa6: {  	s5 =	sand.u32 $0xFFFFFFFE, s1  }
0xa7: {  	p0 =	sne.s32 s1, s5  }
0xa8: {  	s5 =	sshll.u32 @p0 s5, $0xE  }
0xa9: {  	s5 =	sadd.s32 @p0 $0x11B8D, s5;
	s6 =	sshll.u32 @p0 s4, $0x11  }
0xaa: {  	s5 =	sor.u32 @p0 s6, s5  }
0xab: {  	[sflag:s5] =	ssyncadd.remote.s32 @p0 $0x1;
	_ =	sdelay $0x1  }
0xac: {  	s5 =	simm.s32 @p0 $0x1B8D  }
0xad: {  	_ =	swait.eq @p0 [sflag:s5], $0x1  }
0xae: {  	[sflag:s5] =	ssyncadd.s32 @p0 $0xFFFFFFFF  }
0xaf: {  	s6 =	sshll.u32 @!p0 s1, $0xE  }
0xb0: {  	s6 =	sor.u32 @!p0 $0x4000, s6;
	s5 =	simm.s32 @!p0 $0x1B8D  }
0xb1: {  	s4 =	sshll.u32 @!p0 s4, $0x11;
	s6 =	sadd.s32 @!p0 $0x11B8D, s6;
	_ =	swait.eq @!p0 [sflag:s5], $0x1  }
0xb2: {  	s4 =	sor.u32 @!p0 s4, s6;
	[sflag:s5] =	ssyncadd.s32 @!p0 $0xFFFFFFFF  }
0xb3: {  	s25 =	simm.s32 $0x1B8E;
	s24 =	sld [smem:$0x3FFE];
	[sflag:s4] =	ssyncadd.remote.s32 @!p0 $0x1  }
0xb4: {  	s26 =	simm.s32 $execute0_lowered;
	[smem:$0x3FD2] =	sst s25  }
0xb5: {  	s5 =	sshll.u32 s26, $0x1;
	_ =	strace $0x80000049;
	[dreg:$0x1] =	wrdreg $0xFFFFFFFF  }
0xb6: {  	s28 =	simm.s32 $_size_execute0_lowered;
	s3 =	sadd.s32 s3, s5;
	[dreg:$0x0] =	wrdreg $0x0  }
0xb7: {  	s5 =	sshll.u32 s28, $0x1;
	[dreg:$0x2] =	wrdreg s3  }
0xb8: {  	[dreg:$0x3] =	wrdreg s5  }
0xb9: {  	[dreg:$0x4] =	wrdreg $0xC0  }
0xba: {  	_ =	task [dreg:s22], $0x5FFFF  }
0xbb: {  	[dreg:$0x1] =	wrdreg $0xFFFFFFFF  }
0xbc: {  	[dreg:$0x0] =	wrdreg $0x60  }
0xbd: {  	[dreg:$0x2] =	wrdreg s24  }
0xbe: {  	[dreg:$0x3] =	wrdreg $0x9  }
0xbf: {  	_ =	task.clear_ibuf [dreg:s22], $0x4FFFF;
	_ =	strace $0x90000049  }
0xc0: {  	s29 =	simm.s32 $0x9;
	_ =	strace $0x8000004B  }
0xc1: {  	_ =	swait.ge [sflag:s29], $0x1  }
0xc2: {  	[sflag:s29] =	ssyncadd.s32 $0xFFFFFFFF  }
0xc3: {  	_ =	strace $0x9000004B  }
0xc4: {  	_ =	sfence  }
0xc5: {  	s30 =	sld [smem:$0x0];
	_ =	sdelay $0x2  }
0xc6: {  	s31 =	sshll.u32 s1, $0xD;
	s1 =	sshrl.u32 s1, $0x2  }
0xc7: {  	s4 =	sand.u32 $0x4000, s31;
	s1 =	sadd.s32 s1, s30  }
0xc8: {  	s0 =	sor.u32 s4, s0;
	s1 =	sshll.u32 s1, $0x11  }
0xc9: {  	s0 =	sor.u32 s1, s0  }
0xca: {  	s0 =	sadd.s32 $0x8F2B, s0  }
0xcb: {  	[sflag:s0] =	ssyncadd.remote.s32 $0x1  }
0xcc: {  	_ =	sfence.sel $0xFFFF  }
0xcd: {  	[dreg:$0x0] =	wrdreg $0xFFFFFFFF;
	(pc) =	sbr.abs _section_cstart, $3  }
0xce: {  	[dreg:$0x1] =	wrdreg $0xFFFFFFFF  }
0xcf: {  	_ =	task.clear_ibuf [dreg:s22], $0x2FFFF;
	_ =	strace $0x9FFFFFFF  }
0xd0: {  	(tm) =	ssettm $0x7FFFFFFF  }
0xd1: {  	_ =	shalt  }
tec
execute0_lowered:
.L_overlay_start_1:
0x0: {  	(tag) =	ssettag $0x1  }
0x1: {  	s0 =	srdreg.scid  }
0x2: {  	s1 =	sshll.u32 s0, $0x4  }
0x3: {  	s0 =	stileid.u32;
	s1 =	sand.u32 $0x10, s1  }
0x4: {  	s1 =	sor.u32 s0, s1  }
0x5: {  	s2 =	smin.u32 s1, $0x8  }
0x6: {  	s2 =	sadd.s32 s1, s2  }
0x7: {  	p0 =	slt.u32 s1, $0x8;
	s1 =	simm.s32 $0x140;
	s2 =	smul.u32 $0xA0, s2  }
0x8: {  	s1 =	simm.s32 @!p0 $0xA0  }
0x9: {  	s1 =	sadd.s32 s1, s2  }
0xa: {  	s3 =	smin.u32 s1, $0x1900  }
0xb: {  	s7 =	ssub.s32 s3, s2  }
0xc: {  	p0 =	sgt.s32 s7, $0x0  }
0xd: {  	s7 =	simm.s32 @!p0 $0x0  }
0xe: {  	s31 =	smul.u32 $0xCCCD, s7  }
0xf: {  	s9 =	rddreg [dreg:$0x0];
	s6 =	simm.s32 $0x1;
	s11 =	simm.s32 $0x3  }
0x10: {  	s13 =	simm.s32 $0x0;
	s12 =	simm.s32 $0x0;
	s8 =	sshrl.u32 s31, $0x17  }
0x11: {  	s4 =	sadd.s32 $0x1F600, s9;
	s5 =	sadd.s32 $0x6200, s9;
	s10 =	smul.u32 $0xA0, s8  }
.Ltmp0:
0x12: {  	s9 =	sadd.s32 $0x51600, s9;
	s1 =	rddreg [dreg:$0x1];
	(pc) =	sbr.rel .LBB2_1-.Ltmp0, $4  }
0x13: {  	_ =	strace $0x8000004A;
	p0 =	sne.s32 s7, s10;
	s10 =	simm.s32 $0x1  }
0x14: {  	[sflag:s6] =	ssyncpa.u1 $0x0;
	s7 =	simm.s32 $0x2;
	s10 =	simm.s32 @!p0 $0x0  }
0x15: {  	[sflag:s7] =	ssyncpa.u1 $0x0;
	p0 =	por $0x0, $0x0;
	s8 =	sadd.s32 s8, s10  }
0x16: {  	vm0 =	vmmov $0xff;
	vm1 =	vcmask $0x3F20;
	[sflag:s11] =	ssyncpa.u1 $0x0;
	s11 =	smov.u32 s2;
	s10 =	sadd.s32 $0x1, s8  }
.LBB2_6:
0x17: {  	[hbm:s17] =	stream.linear.scatter [tilespmem:s14], [sflag:$0x3], $0x400, $0x38;
	[tilespmem:$0xA140] =	vst v63  }
.LBB2_7:
0x18: {  	s13 =	sadd.s32 $0xA0, s11  }
0x19: {  	s15 =	smov.u32 s2;
	p2 =	slt.s32 s13, s3  }
0x1a: {  	s15 =	smov.u32 @p2 s13;
	p2 =	sne.s32 s12, s10  }
.Ltmp1:
0x1b: {  	p1 =	slt.u32 s12, $0x2;
	(pc) =	sbr.rel @!p2 .LBB2_8-.Ltmp1, $4  }
0x1c: {  	s14 =	simm.s32 @!p1 $0x3  }
0x1d: {  	s16 =	sadd.s32 $0x1, s12;
	_ =	swait.ge @!p1 [sflag:s14], $0x5000  }
0x1e: {  	p0 =	por !p0, !p0;
	s13 =	smov.u32 s11;
	[sflag:s14] =	ssyncset.done @!p1 $0x0  }
0x1f: {  	s12 =	smov.u32 s16;
	s11 =	smov.u32 s15;
	[sflag:s14] =	ssyncadd.s32 @!p1 $0xFFFFB000  }
.LBB2_1:
0x20: {  	p1 =	sge.u32 s12, s8  }
0x21: {  	s14 =	sxor.u32 @!p1 $0xFFFFFFFF, s12  }
0x22: {  	s14 =	sand.u32 @!p1 $0x1, s14  }
0x23: {  	s14 =	smul.u32 @!p1 $0x280, s14  }
0x24: {  	s31 =	sadd.s32 $0xFFFFFFFF, s12;
	s15 =	sshrl.u32 @!p1 s11, $0x3  }
0x25: {  	s16 =	sand.u32 @!p1 $0x7, s11;
	s15 =	sadd.s32 @!p1 s5, s15;
	s14 =	sshrl.u32 @!p1 s14, $0x2  }
0x26: {  	[tilespmem:s14], [sflag:$0x2] =	stream.linear.gather @!p1 [hbm4b:s15+s16], $0xA0, $0x38;
	[tilespmem:$0xA140] =	vst v63  }
0x27: {  	p1 =	sge.u32 s31, s8  }
.Ltmp2:
0x28: {  	_ = 	snop;
	(pc) =	sbr.rel @p1 .LBB2_7-.Ltmp2, $1  }
0x29: {  	_ =	sdelay $0x3  }
0x2a: {  	s14 =	simm.s32 $0x1  }
0x2b: {  	s14 =	simm.s32 @!p0 $0x0  }
0x2c: {  	s15 =	smul.u32 $0x280, s14  }
0x2d: {  	_ =	swait.ge [sflag:s7], $0xA0  }
0x2e: {  	[sflag:s7] =	ssyncset.done $0x0;
	s16 =	sshrl.u32 s15, $0x2  }
0x2f: {  	[sflag:s7] =	ssyncadd.s32 $0xFFFFFF60;
	s15 =	sadd.s32 $0x0, s16  }
0x30: {  	v0 =	vld.msk [tilespmem:s15+$0x0 ss:$0x1], $0xffff;
	_ =	sdelay $0x4  }
0x31: {  	vm2 =	vgt.s32 v0, $0x0  }
0x32: {  	v0 =	vnsel vm2, $0x0, v0  }
0x33: {  	v0 =	vmin.u32 v0, $0x18FF  }
0x34: {  	v0 =	vshll.u32 v0, $0x4  }
0x35: {  	s14 =	smul.u32 $0x14000, s14;
	_ =	sdelay $0x1  }
0x36: {  	s14 =	sshrl.u32 s14, $0x2  }
0x37: {  	s14 =	sor.u32 $0x140, s14  }
0x38: {  	[tilespmem:s14], [sflag:$0x1] =	stream.indirect_vreg.gather [hbm:s4], $0x80, v0, vm0, $0x38;
	[tilespmem:$0xA140] =	vst v63  }
0x39: {  	s17 =	sadd.s32 $0x10, s16;
	s15 =	sadd.s32 $0x400, s14  }
0x3a: {  	[tilespmem:s15], [sflag:$0x1] =	stream.indirect_vreg.gather [hbm:s4], $0x80, v0, vm1, $0x38;
	[tilespmem:$0xA140] =	vst v63  }
0x3b: {  	s18 =	simm.s32 $0x80;
	v0 =	vld.msk [tilespmem:s17+$0x0 ss:$0x1], $0xffff;
	s17 =	smov.u32 s14  }
.LBB2_3:
0x3c: {  	p1 =	sne.s32 s18, $0x240;
	_ =	sdelay $0x4  }
0x3d: {  	vm2 =	vgt.s32 v0, $0x0  }
0x3e: {  	v0 =	vnsel vm2, $0x0, v0  }
0x3f: {  	v0 =	vmin.u32 v0, $0x18FF  }
0x40: {  	v0 =	vshll.u32 v0, $0x4;
	_ =	sdelay $0x3  }
.Ltmp3:
0x41: {  	s19 =	sshra.s32 s18, $0x2;
	s17 =	sadd.s32 $0x800, s17;
	(pc) =	sbr.rel @p1 .LBB2_3-.Ltmp3, $4  }
0x42: {  	[tilespmem:s17], [sflag:$0x1] =	stream.indirect_vreg.gather [hbm:s4], $0x80, v0, vm0, $0x38;
	[tilespmem:$0xA140] =	vst v63  }
0x43: {  	s19 =	sadd.s32 s19, s16;
	s20 =	sadd.s32 $0x400, s17  }
0x44: {  	[tilespmem:s20], [sflag:$0x1] =	stream.indirect_vreg.gather [hbm:s4], $0x80, v0, vm1, $0x38;
	[tilespmem:$0xA140] =	vst v63  }
0x45: {  	s18 =	sadd.s32 $0x40, s18;
	v0 =	vld.msk [tilespmem:s19+$0x0 ss:$0x1], $0xffff  }
0x46: {  	_ =	sdelay $0x3  }
0x47: {  	vm2 =	vgt.s32 v0, $0x0  }
0x48: {  	v0 =	vnsel vm2, $0x0, v0  }
0x49: {  	v0 =	vmin.u32 v0, $0x18FF  }
0x4a: {  	v0 =	vshll.u32 v0, $0x4;
	_ =	sdelay $0x3  }
0x4b: {  	s16 =	sadd.s32 $0x800, s17  }
0x4c: {  	[tilespmem:s16], [sflag:$0x1] =	stream.indirect_vreg.gather [hbm:s4], $0x80, v0, vm0, $0x38;
	[tilespmem:$0xA140] =	vst v63  }
0x4d: {  	s16 =	sadd.s32 $0x400, s16  }
0x4e: {  	[tilespmem:s16], [sflag:$0x1] =	stream.indirect_vreg.gather [hbm:s4], $0x80, v0, vm1, $0x38;
	[tilespmem:$0xA140] =	vst v63  }
0x4f: {  	s13 =	sshll.u32 s13, $0x4;
	_ =	swait.ge [sflag:s6], $0x5000  }
0x50: {  	s13 =	sadd.s32 s13, s9;
	[sflag:s6] =	ssyncset.done $0x0  }
0x51: {  	s17 =	sadd.s32 $0x0, s13;
	s16 =	simm.s32 $0x80;
	[sflag:s6] =	ssyncadd.s32 $0xFFFFB000  }
.LBB2_5:
0x52: {  	[hbm:s17] =	stream.linear.scatter [tilespmem:s14], [sflag:$0x3], $0x400, $0x38;
	[tilespmem:$0xA140] =	vst v63  }
0x53: {  	s17 =	smov.u32 s16;
	s14 =	smov.u32 s15;
	p1 =	sne.s32 s16, $0x980  }
.Ltmp4:
0x54: {  	s16 =	sadd.s32 $0x80, s16;
	(pc) =	sbr.rel @p1 .LBB2_5-.Ltmp4, $2  }
0x55: {  	_ =	sdelay $0x2  }
0x56: {  	s15 =	sadd.s32 $0x400, s15;
	s17 =	sadd.s32 s17, s13  }
.Ltmp5:
0x57: {  	_ = 	snop;
	(pc) =	sbr.rel .LBB2_6-.Ltmp5, $1  }
0x58: {  	_ =	sdelay $0x3  }
.LBB2_8:
0x59: {  	_ =	sfence.sel $0x180000  }
0x5a: {  	s2 =	simm.s32 $0x2;
	[bflag:$0x0] =	sbarrier.arrive $0xFFFF  }
0x5b: {  	s30 =	simm.s32 $0x3;
	[sflag:s2] =	ssyncpa.u1 $0x1  }
0x5c: {  	s31 =	simm.s32 $0x1;
	[sflag:s30] =	ssyncpa.u1 $0x1  }
0x5d: {  	[sflag:s31] =	ssyncpa.u1 $0x1  }
0x5e: {  	p0 =	sne.s32 s0, $0x0;
	_ =	strace $0x9000004A  }
0x5f: {  	s0 =	sadd.s32 @!p0 $0x100000, s1;
	[bflag:$0x2] =	sbarrier.arrive $0xFFFF  }
0x60: {  	[sflag:s0] =	ssyncadd.tile.s32 @!p0 $0x1;
	_ =	shalt  }
.Lfunc_end2:
_tile_overlayer_lowered:
.L_overlay_start_2:
0x61: {  	(tag) =	ssettag $0x2  }
0x62: {  	s0 =	rddreg [dreg:$0x0];
	s2 =	stileid.u32  }
0x63: {  	s1 =	rddreg [dreg:$0x1];
	p0 =	sne.s32 s2, $0x0  }
0x64: {  	s3 =	rddreg [dreg:$0x2];
	[bflag:$0x3] =	sbarrier.arrive $0xFFFF;
	s2 =	simm.s32 @!p0 $0x1C01  }
0x65: {  	[timem:s3], [sflag:s2] =	dma.local @!p0 [hbm:s0], s1  }
0x66: {  	s0 =	simm.s32 @!p0 $0x1  }
0x67: {  	_ =	swait.ge @!p0 [sflag:s0], s1  }
0x68: {  	s1 =	ssub.s32 @!p0 $0x0, s1;
	[sflag:s0] =	ssyncset.done @!p0 $0x0  }
0x69: {  	[sflag:s0] =	ssyncadd.s32 @!p0 s1  }
0x6a: {  	[bflag:$0x3] =	sbarrier.arrive $0xFFFF  }
0x6b: {  	_ =	shalt  }

// kernel: kernel.10.cloned.1.call-start
scs
__scs_entry_jumppad:
0x0: {  	(pc) =	sbr.rel $0x88, $3  }
0x1: {  	(tag) =	ssettag $0x0;
	lr =	simm.s32 $0x1  }
0x2: {  	[smem:$0x3F84] =	sst lr;
	_ =	strace $0xD0000000  }
0x3: {  	_ = 	snop  }
0x4: {  	_ = 	snop  }
0x5: {  	_ = 	snop  }
0x6: {  	_ = 	snop  }
0x7: {  	_ = 	snop  }
__scs_overlays_trampoline_lowered:
0x8: {  	[smem:$0x3F93] =	sst s0  }
0x9: {  	[smem:$0x3F94] =	sst s1  }
0xa: {  	[smem:$0x3F95] =	sst s2  }
0xb: {  	[smem:$0x3F96] =	sst s3  }
0xc: {  	[smem:$0x3F97] =	sst s4  }
0xd: {  	[smem:$0x3F98] =	sst s5  }
0xe: {  	[smem:$0x3F99] =	sst s6  }
0xf: {  	[smem:$0x3F9A] =	sst s7  }
0x10: {  	[smem:$0x3F9B] =	sst s8  }
0x11: {  	[smem:$0x3F9C] =	sst s9;
	s0 =	simm.s32 @!p0 $0x0  }
0x12: {  	s1 =	sld [smem:$0x3F82];
	s0 =	simm.s32 @p0 $0x1  }
0x13: {  	[smem:$0x3F9D] =	sst s0;
	s0 =	simm.s32 @!p1 $0x0  }
0x14: {  	s2 =	sld [smem:$0x3F81];
	s0 =	simm.s32 @p1 $0x1  }
0x15: {  	[smem:$0x3F9E] =	sst s0;
	s0 =	simm.s32 @!p2 $0x0  }
0x16: {  	s3 =	sld [smem:$0x3FDB];
	s0 =	simm.s32 @p2 $0x1  }
0x17: {  	s4 =	simm.s32 $0x1BF5;
	[smem:$0x3FA0] =	sst s0  }
0x18: {  	s0 =	sld [smem:$0x3F83];
	_ =	swait.ge [sflag:s4], $0x0  }
0x19: {  	s7 =	sld [smem:$0x3F84]  }
0x1a: {  	s8 =	sadd.s32 $0xFFFFE003, lr  }
0x1b: {  	s9 =	sadd.s32 $0xFFFFFEF7, lr;
	s5 =	simm.s32 $0xFFFFFFFF;
	p2 =	slt.u32 s8, $0xFFFFF086  }
0x1c: {  	p1 =	slt.u32 s9, $0xF7A;
	s5 =	simm.s32 @!p2 $0x0  }
0x1d: {  	s5 =	simm.s32 @p1 $0x1;
	p0 =	seq.s32 s7, s2  }
0x1e: {  	s7 =	smul.u32 @!p0 $0xF7A, s2;
	p2 =	seq.s32 @!p0 s5, $0x0  }
0x1f: {  	s9 =	smul.u32 $0xF7A, s1;
	s8 =	simm.s32 @!p0 $0x1BF5;
	p2 =	por !p2, p0  }
0x20: {  	[sflag:s8] =	ssyncset.s32 @!p0 $0xFFFFF086;
	s6 =	sadd.s32 @!p0 s3, s7;
	s7 =	simm.s32 @!p0 $0x108  }
0x21: {  	s3 =	sadd.s32 s3, s9;
	s6 =	sadd.s32 @!p0 $0x88, s6;
	s7 =	simm.s32 @p2 $0x1082  }
0x22: {  	[simem:s7], [sflag:s8] =	dma.local @!p0 [hbm:s6], $0xF7A  }
0x23: {  	s9 =	sor.u32 $0xD0000000, s2;
	s6 =	simm.s32 $0x108;
	_ =	swait.ge @!p0 [sflag:s8], $0x0  }
0x24: {  	s3 =	sadd.s32 $0x88, s3;
	s6 =	simm.s32 @!p1 $0x1082;
	[sflag:s4] =	ssyncset.s32 $0xFFFFF086  }
0x25: {  	[simem:s6], [sflag:s4] =	dma.local [hbm:s3], $0xF7A  }
0x26: {  	[smem:$0x3F84] =	sst s1;
	(tag) =	ssettag s2;
	_ =	strace s9  }
0x27: {  	s1 =	sld [smem:$0x3F94]  }
0x28: {  	s2 =	sld [smem:$0x3F95]  }
0x29: {  	s4 =	sld [smem:$0x3F97]  }
0x2a: {  	p0 =	seq.s32 s5, $0x0;
	s5 =	sld [smem:$0x3F98]  }
0x2b: {  	s6 =	sld [smem:$0x3F99]  }
0x2c: {  	s7 =	sld [smem:$0x3F9A]  }
0x2d: {  	s3 =	simm.s32 $0x108;
	s8 =	sld [smem:$0x3F9B]  }
0x2e: {  	s3 =	simm.s32 @!p0 $0x1082;
	s9 =	sld [smem:$0x3F9C]  }
0x2f: {  	lr =	sadd.s32 s0, s3;
	s0 =	sld [smem:$0x3F93]  }
0x30: {  	s3 =	sld [smem:$0x3F96]  }
0x31: {  	[smem:$0x3F9F] =	sst s10  }
0x32: {  	s10 =	sld [smem:$0x3F9D];
	_ =	sdelay $0x3  }
0x33: {  	p0 =	seq.s32 s10, $0x1;
	s10 =	sld [smem:$0x3F9F];
	_ =	sdelay $0x3  }
0x34: {  	[smem:$0x3F9F] =	sst s10  }
0x35: {  	s10 =	sld [smem:$0x3F9E];
	_ =	sdelay $0x3  }
0x36: {  	p1 =	seq.s32 s10, $0x1;
	s10 =	sld [smem:$0x3F9F];
	_ =	sdelay $0x3  }
0x37: {  	[smem:$0x3F9F] =	sst s10  }
0x38: {  	s10 =	sld [smem:$0x3FA0]  }
0x39: {  	_ = 	snop;
	(pc) =	sbr.ind lr, $3  }
0x3a: {  	_ = 	snop  }
0x3b: {  	_ = 	snop  }
0x3c: {  	p2 =	seq.s32 s10, $0x1;
	s10 =	sld [smem:$0x3F9F]  }
0x3d: {  	_ =	shalt  }
0x3e: {  	_ =	shalt  }
0x3f: {  	_ =	shalt  }
0x40: {  	_ =	shalt  }
0x41: {  	_ =	shalt  }
0x42: {  	_ =	shalt  }
0x43: {  	_ =	shalt  }
0x44: {  	_ =	shalt  }
0x45: {  	_ =	shalt  }
0x46: {  	_ =	shalt  }
0x47: {  	_ =	shalt  }
0x48: {  	_ =	shalt  }
0x49: {  	_ =	shalt  }
0x4a: {  	_ =	shalt  }
0x4b: {  	_ =	shalt  }
0x4c: {  	_ =	shalt  }
0x4d: {  	_ =	shalt  }
0x4e: {  	_ =	shalt  }
0x4f: {  	_ =	shalt  }
0x50: {  	_ =	shalt  }
0x51: {  	_ =	shalt  }
0x52: {  	_ =	shalt  }
0x53: {  	_ =	shalt  }
0x54: {  	_ =	shalt  }
0x55: {  	_ =	shalt  }
0x56: {  	_ =	shalt  }
0x57: {  	_ =	shalt  }
0x58: {  	_ =	shalt  }
0x59: {  	_ =	shalt  }
0x5a: {  	_ =	shalt  }
0x5b: {  	_ =	shalt  }
0x5c: {  	_ =	shalt  }
0x5d: {  	_ =	shalt  }
0x5e: {  	_ =	shalt  }
0x5f: {  	_ =	shalt  }
0x60: {  	_ =	shalt  }
0x61: {  	_ =	shalt  }
0x62: {  	_ =	shalt  }
0x63: {  	_ =	shalt  }
0x64: {  	_ =	shalt  }
0x65: {  	_ =	shalt  }
0x66: {  	_ =	shalt  }
0x67: {  	_ =	shalt  }
0x68: {  	_ =	shalt  }
0x69: {  	_ =	shalt  }
0x6a: {  	_ =	shalt  }
0x6b: {  	_ =	shalt  }
0x6c: {  	_ =	shalt  }
0x6d: {  	_ =	shalt  }
0x6e: {  	_ =	shalt  }
0x6f: {  	_ =	shalt  }
0x70: {  	_ =	shalt  }
0x71: {  	_ =	shalt  }
0x72: {  	_ =	shalt  }
0x73: {  	_ =	shalt  }
0x74: {  	_ =	shalt  }
0x75: {  	_ =	shalt  }
0x76: {  	_ =	shalt  }
0x77: {  	_ =	shalt  }
0x78: {  	_ =	shalt  }
0x79: {  	_ =	shalt  }
0x7a: {  	_ =	shalt  }
0x7b: {  	_ =	shalt  }
0x7c: {  	_ =	shalt  }
0x7d: {  	_ =	shalt  }
0x7e: {  	_ =	shalt  }
0x7f: {  	_ =	shalt  }
0x80: {  	_ =	shalt  }
0x81: {  	_ =	shalt  }
0x82: {  	_ =	shalt  }
0x83: {  	_ =	shalt  }
0x84: {  	_ =	shalt  }
0x85: {  	_ =	shalt  }
0x86: {  	_ =	shalt  }
0x87: {  	_ =	shalt  }
.Lfunc_end0:
.L_simem_size_0:
called_computation.2_lowered:
.L_overlay_start_0:
0x88: {  	s2 =	sld [smem:$0x3FD9]  }
0x89: {  	s3 =	sld [smem:$0x3FFE];
	_ =	sdelay $0x1  }
0x8a: {  	s1 =	srdreg.scid  }
0x8b: {  	s0 =	sand.u32 $0x1, s1  }
0x8c: {  	s16 =	sshll.u32 s0, $0xA;
	s2 =	sadd.s32 s3, s2  }
0x8d: {  	s2 =	sadd.s32 s2, s16  }
0x8e: {  	[smem:$0x3FAB] =	sst s2  }
0x8f: {  	_ = 	snop  }
0x90: {  	(tm) =	ssettm $0x1  }
0x91: {  	s17 =	sld [smem:$0x3FFB];
	_ =	sdelay $0x3  }
0x92: {  	_ =	strace s17  }
0x93: {  	s2 =	sld [smem:$0x3FFC];
	_ =	sdelay $0x3  }
0x94: {  	_ =	strace s2  }
0x95: {  	s2 =	sld [smem:$0x3FFD];
	_ =	sdelay $0x3  }
0x96: {  	_ =	strace s2  }
0x97: {  	_ =	strace $0x8FFFFFFF  }
0x98: {  	s18 =	sld [smem:$0x3FDB];
	_ =	sdelay $0x1  }
0x99: {  	s19 =	simm.s32 $_scs_section_size  }
0x9a: {  	s4 =	simm.s32 $_size__tile_overlayer_lowered;
	s5 =	simm.s32 $_tile_overlayer_lowered  }
0x9b: {  	s22 =	simm.s32 $0x1BFF;
	s21 =	sshll.u32 s5, $0x1;
	s2 =	sadd.s32 s19, s18  }
0x9c: {  	s6 =	simm.s32 $0x0;
	s20 =	sshll.u32 s4, $0x1;
	s4 =	sadd.s32 s21, s2  }
0x9d: {  	[timem:s6], [sflag:s22] =	dma.local [hbm:s4], s20  }
0x9e: {  	_ =	swait.ge [sflag:s22], s20  }
0x9f: {  	s3 =	ssub.s32 $0x0, s20;
	[sflag:s22] =	ssyncset.done $0x0  }
0xa0: {  	[sflag:s22] =	ssyncadd.s32 s3;
	_ =	sdelay $0x1  }
0xa1: {  	s23 =	simm.s32 $0x1B8B  }
0xa2: {  	_ =	swait.ge [sflag:s23], $0x1  }
0xa3: {  	[sflag:s23] =	ssyncset.done $0x0  }
0xa4: {  	s25 =	simm.s32 $0x1B8E;
	s24 =	sld [smem:$0x3FFE];
	[sflag:s23] =	ssyncadd.s32 $0xFFFFFFFF  }
0xa5: {  	s26 =	simm.s32 $execute0_lowered;
	[smem:$0x3FD2] =	sst s25  }
0xa6: {  	s4 =	sshll.u32 s26, $0x1;
	_ =	strace $0x8000004C;
	[dreg:$0x1] =	wrdreg $0xFFFFFFFF  }
0xa7: {  	s28 =	simm.s32 $_size_execute0_lowered;
	s2 =	sadd.s32 s2, s4;
	[dreg:$0x0] =	wrdreg $0x0  }
0xa8: {  	s4 =	sshll.u32 s28, $0x1;
	[dreg:$0x2] =	wrdreg s2  }
0xa9: {  	[dreg:$0x3] =	wrdreg s4  }
0xaa: {  	[dreg:$0x4] =	wrdreg $0xC0  }
0xab: {  	_ =	task [dreg:s6], $0x5FFFF  }
0xac: {  	[dreg:$0x1] =	wrdreg $0xFFFFFFFF  }
0xad: {  	[dreg:$0x0] =	wrdreg $0x60  }
0xae: {  	[dreg:$0x2] =	wrdreg s24  }
0xaf: {  	[dreg:$0x3] =	wrdreg $0x0  }
0xb0: {  	[dreg:$0x4] =	wrdreg $0x9  }
0xb1: {  	_ =	task.clear_ibuf [dreg:s6], $0x5FFFF;
	_ =	strace $0x9000004C  }
0xb2: {  	s29 =	simm.s32 $0x9;
	_ =	strace $0x8000004E  }
0xb3: {  	_ =	swait.ge [sflag:s29], $0x1  }
0xb4: {  	[sflag:s29] =	ssyncadd.s32 $0xFFFFFFFF  }
0xb5: {  	_ =	strace $0x9000004E  }
0xb6: {  	_ =	sfence  }
0xb7: {  	s30 =	sld [smem:$0x0];
	_ =	sdelay $0x2  }
0xb8: {  	s31 =	sshll.u32 s1, $0xD;
	s1 =	sshrl.u32 s1, $0x2  }
0xb9: {  	s3 =	sand.u32 $0x4000, s31;
	s1 =	sadd.s32 s1, s30  }
0xba: {  	s0 =	sor.u32 s3, s0;
	s1 =	sshll.u32 s1, $0x11  }
0xbb: {  	s0 =	sor.u32 s1, s0  }
0xbc: {  	s0 =	sadd.s32 $0x8F2B, s0  }
0xbd: {  	[sflag:s0] =	ssyncadd.remote.s32 $0x1  }
0xbe: {  	_ =	sfence.sel $0xFFFF  }
0xbf: {  	[dreg:$0x0] =	wrdreg $0xFFFFFFFF;
	(pc) =	sbr.abs _section_cstart, $3  }
0xc0: {  	[dreg:$0x1] =	wrdreg $0xFFFFFFFF  }
0xc1: {  	_ =	task.clear_ibuf [dreg:s6], $0x2FFFF;
	_ =	strace $0x9FFFFFFF  }
0xc2: {  	(tm) =	ssettm $0x7FFFFFFF  }
0xc3: {  	_ =	shalt  }
tec
execute0_lowered:
.L_overlay_start_1:
0x0: {  	(tag) =	ssettag $0x1  }
0x1: {  	s0 =	rddreg [dreg:$0x0]  }
0x2: {  	s2 =	rddreg [dreg:$0x1];
	s9 =	simm.s32 $0x0;
	s8 =	stileid.u32  }
0x3: {  	s3 =	srdreg.scid;
	s13 =	simm.s32 $0x11;
	s16 =	simm.s32 $0x80  }
0x4: {  	s17 =	simm.s32 $0xEB80;
	s19 =	simm.s32 $0xF380;
	s28 =	simm.s32 $0x11380  }
0x5: {  	s29 =	simm.s32 $0x3;
	s30 =	simm.s32 $0x11B80;
	s31 =	simm.s32 $0x4  }
0x6: {  	s10 =	simm.s32 $0x7;
	s11 =	simm.s32 $0xB;
	s12 =	simm.s32 $0xC  }
0x7: {  	s18 =	simm.s32 $0xF;
	s20 =	simm.s32 $0x10;
	[smem:$0x7FF] =	sst s9  }
0x8: {  	s1 =	smul.u32 $0xC380, s8;
	s4 =	sadd.s32 $0x6A600, s0;
	s5 =	sadd.s32 $0x51600, s0  }
0x9: {  	s3 =	sand.u32 $0x1, s3;
	s21 =	sadd.s32 $0x38600, s0;
	s7 =	sshll.u32 s8, $0x1  }
0xa: {  	s25 =	sshll.u32 s8, $0x6;
	_ =	strace $0x8000004D;
	[dreg:$0x4] =	wrdreg s5  }
0xb: {  	s8 =	simm.s32 $0x8;
	[dreg:$0x5] =	wrdreg s21;
	s6 =	ssub.s32 $0x2, s3  }
0xc: {  	s24 =	sor.u32 s3, s7;
	p0 =	seq.s32 s3, $0x1;
	s3 =	simm.s32 $0x1EA00  }
0xd: {  	s14 =	sor.u32 $0x1C11, s25;
	s21 =	simm.s32 $0xFB80;
	s25 =	simm.s32 $0x10B80  }
0xe: {  	s7 =	simm.s32 $0x9;
	s22 =	sshrl.u32 s1, $0x3;
	s23 =	sshrl.u32 s6, $0x1  }
0xf: {  	s1 =	sadd.s32 s1, s2;
	[dreg:$0x7] =	wrdreg s14;
	s0 =	sadd.s32 s22, s0  }
0x10: {  	s5 =	ssub.s32 s6, s23;
	s6 =	smul.u32 $0xC8, s24;
	s26 =	sadd.s32 $0x6200, s0  }
.Ltmp0:
0x11: {  	s3 =	simm.s32 @!p0 $0x82E00;
	[dreg:$0x6] =	wrdreg s26;
	(pc) =	sbr.rel .LBB2_1-.Ltmp0, $4  }
0x12: {  	s23 =	simm.s32 $0x10380;
	s5 =	smax.u32 s5, $0x1;
	[dreg:$0x8] =	wrdreg s6  }
0x13: {  	s24 =	simm.s32 $0x1;
	s0 =	sadd.s32 s3, s0;
	[dreg:$0x9] =	wrdreg s5  }
0x14: {  	[dreg:$0xa] =	wrdreg s0;
	s5 =	sshrl.u32 s1, $0x3;
	s26 =	simm.s32 $0x2  }
0x15: {  	s0 =	simm.s32 $0x12380;
	s1 =	simm.s32 $0x5;
	[dreg:$0xb] =	wrdreg s5  }
.LBB2_6:
0x16: {  	[bflag:$0x0] =	sbarrier.arrive $0xFFFF  }
0x17: {  	s14 =	rddreg [dreg:$0x7]  }
0x18: {  	s3 =	rddreg [dreg:$0xa]  }
0x19: {  	s5 =	rddreg [dreg:$0xb]  }
0x1a: {  	[hbm:s3], [sflag:s14] =	dma.local [spmem:s5], $0x1870  }
0x1b: {  	_ =	swait.ge [sflag:s13], $0x1870  }
0x1c: {  	s9 =	rddreg [dreg:$0x3]  }
0x1d: {  	s22 =	rddreg [dreg:$0x9];
	s9 =	sadd.s32 $0x1, s9  }
0x1e: {  	p0 =	sne.s32 s9, s22  }
.Ltmp1:
0x1f: {  	_ = 	snop;
	(pc) =	sbr.rel @!p0 .LBB2_7-.Ltmp1, $3  }
0x20: {  	_ =	sdelay $0x1  }
0x21: {  	[sflag:s13] =	ssyncset.done $0x0  }
0x22: {  	[sflag:s13] =	ssyncadd.s32 $0xFFFFE790  }
.LBB2_1:
0x23: {  	[dreg:$0x3] =	wrdreg s9  }
0x24: {  	s3 =	rddreg [dreg:$0x6]  }
0x25: {  	[spmem:s5], [sflag:s14] =	dma.local [hbm:s3], $0x1870  }
.Ltmp2:
0x26: {  	_ =	swait.ge [sflag:s13], $0x1870;
	(pc) =	sbr.rel .LBB2_2-.Ltmp2, $4  }
0x27: {  	[sflag:s13] =	ssyncset.done $0x0  }
0x28: {  	[sflag:s13] =	ssyncadd.s32 $0xFFFFE790  }
0x29: {  	[bflag:$0x0] =	sbarrier.arrive $0xFFFF  }
0x2a: {  	s22 =	simm.s32 $0x0  }
.LBB2_5:
0x2b: {  	_ =	swait.ge [sflag:s8], $0x800  }
0x2c: {  	[sflag:s8] =	ssyncset.done $0x0  }
0x2d: {  	[sflag:s8] =	ssyncadd.s32 $0xFFFFF800  }
0x2e: {  	[spmem:s2] =	stream.indirect.scatter.add.f32 [tilespmem:s0], [sflag:$0x10], $0x10, s9, s16, $0xb8;
	[tilespmem:$0x12B80] =	vst v63  }
0x2f: {  	_ =	swait.ge [sflag:s12], $0x800  }
0x30: {  	[sflag:s12] =	ssyncset.done $0x0  }
0x31: {  	s3 =	simm.s32 $0xD;
	[sflag:s12] =	ssyncadd.s32 $0xFFFFF800  }
0x32: {  	_ =	swait.ge [sflag:s3], $0x800  }
0x33: {  	[sflag:s3] =	ssyncset.done $0x0  }
0x34: {  	s15 =	simm.s32 $0xE;
	[sflag:s3] =	ssyncadd.s32 $0xFFFFF800  }
0x35: {  	_ =	swait.ge [sflag:s15], $0x800  }
0x36: {  	[sflag:s15] =	ssyncset.done $0x0  }
0x37: {  	s22 =	sadd.s32 $0x1, s22;
	[sflag:s15] =	ssyncadd.s32 $0xFFFFF800  }
0x38: {  	p0 =	sne.s32 s22, $0x5;
	_ =	swait.ge [sflag:s18], $0x800  }
.Ltmp3:
0x39: {  	[sflag:s18] =	ssyncset.done $0x0;
	(pc) =	sbr.rel @!p0 .LBB2_6-.Ltmp3, $4  }
0x3a: {  	[sflag:s18] =	ssyncadd.s32 $0xFFFFF800  }
0x3b: {  	_ =	swait.ge [sflag:s20], $0x800  }
0x3c: {  	[sflag:s20] =	ssyncset.done $0x0  }
0x3d: {  	[sflag:s20] =	ssyncadd.s32 $0xFFFFF800  }
.LBB2_2:
0x3e: {  	s5 =	smul.u32 $0x28, s22  }
0x3f: {  	s3 =	rddreg [dreg:$0x8]  }
0x40: {  	s5 =	sadd.s32 s3, s5  }
0x41: {  	s6 =	sshll.u32 s5, $0x4;
	s5 =	rddreg [dreg:$0x4]  }
0x42: {  	s14 =	simm.s32 $0xC380;
	s9 =	sadd.s32 s5, s6;
	s5 =	simm.s32 $0x0  }
0x43: {  	[tilespmem:s14], [sflag:$0x11] =	stream.linear.gather [hbm4b:s9+s5], $0x1400, $0x38;
	[tilespmem:$0x12B80] =	vst v63  }
0x44: {  	_ =	swait.ge [sflag:s13], $0x1400  }
0x45: {  	[sflag:s13] =	ssyncset.done $0x0;
	s9 =	rddreg [dreg:$0x5]  }
0x46: {  	s15 =	simm.s32 $0xD780;
	[sflag:s13] =	ssyncadd.s32 $0xFFFFEC00;
	s6 =	sadd.s32 s9, s6  }
0x47: {  	[tilespmem:s15], [sflag:$0x11] =	stream.linear.gather [hbm4b:s6+s5], $0x1400, $0x38;
	[tilespmem:$0x12B80] =	vst v63  }
0x48: {  	_ =	swait.ge [sflag:s13], $0x1400  }
0x49: {  	[sflag:s13] =	ssyncset.done $0x0  }
0x4a: {  	[sflag:s13] =	ssyncadd.s32 $0xFFFFEC00  }
0x4b: {  	[tilespmem:s17], [sflag:$0x1] =	stream.indirect.gather [hbm4b:s4+s16], $0x10, s14, s16, $0xb8;
	[tilespmem:$0x12B80] =	vst v63  }
0x4c: {  	s9 =	simm.s32 $0xC400  }
0x4d: {  	[tilespmem:s19], [sflag:$0x2] =	stream.indirect.gather [hbm4b:s4+s16], $0x10, s9, s16, $0xb8;
	[tilespmem:$0x12B80] =	vst v63  }
0x4e: {  	s14 =	simm.s32 $0xC480  }
0x4f: {  	[tilespmem:s21], [sflag:$0x3] =	stream.indirect.gather [hbm4b:s4+s16], $0x10, s14, s16, $0xb8;
	[tilespmem:$0x12B80] =	vst v63  }
0x50: {  	s15 =	simm.s32 $0xC500  }
0x51: {  	[tilespmem:s23], [sflag:$0x4] =	stream.indirect.gather [hbm4b:s4+s16], $0x10, s15, s16, $0xb8;
	[tilespmem:$0x12B80] =	vst v63  }
.LBB2_3:
0x52: {  	_ =	swait.ge [sflag:s24], $0x800  }
0x53: {  	s6 =	sshra.s32 s5, $0x2;
	[sflag:s24] =	ssyncset.done $0x0  }
0x54: {  	p0 =	seq.s32 s5, $0x0;
	s9 =	sadd.s32 $0xD780, s6;
	[sflag:s24] =	ssyncadd.s32 $0xFFFFF800  }
0x55: {  	[spmem:s2] =	stream.indirect.scatter.add.f32 [tilespmem:s17], [sflag:$0x9], $0x10, s9, s16, $0xb8;
	[tilespmem:$0x12B80] =	vst v63  }
0x56: {  	s9 =	simm.s32 @!p0 $0xD  }
0x57: {  	_ =	swait.ge @!p0 [sflag:s9], $0x800  }
0x58: {  	[sflag:s9] =	ssyncset.done @!p0 $0x0  }
0x59: {  	s3 =	sadd.s32 $0xC580, s6;
	[sflag:s9] =	ssyncadd.s32 @!p0 $0xFFFFF800  }
0x5a: {  	[tilespmem:s25], [sflag:$0x5] =	stream.indirect.gather [hbm4b:s4+s16], $0x10, s3, s16, $0xb8;
	[tilespmem:$0x12B80] =	vst v63  }
0x5b: {  	_ =	swait.ge [sflag:s26], $0x800  }
0x5c: {  	[sflag:s26] =	ssyncset.done $0x0  }
0x5d: {  	s14 =	sadd.s32 $0xD800, s6;
	s9 =	simm.s32 @!p0 $0xE;
	[sflag:s26] =	ssyncadd.s32 $0xFFFFF800  }
0x5e: {  	[spmem:s2] =	stream.indirect.scatter.add.f32 [tilespmem:s19], [sflag:$0xA], $0x10, s14, s16, $0xb8;
	[tilespmem:$0x12B80] =	vst v63  }
0x5f: {  	_ =	swait.ge @!p0 [sflag:s9], $0x800  }
0x60: {  	[sflag:s9] =	ssyncset.done @!p0 $0x0  }
0x61: {  	s15 =	sadd.s32 $0xC600, s6;
	[sflag:s9] =	ssyncadd.s32 @!p0 $0xFFFFF800  }
0x62: {  	[tilespmem:s28], [sflag:$0x6] =	stream.indirect.gather [hbm4b:s4+s16], $0x10, s15, s16, $0xb8;
	[tilespmem:$0x12B80] =	vst v63  }
0x63: {  	_ =	swait.ge [sflag:s29], $0x800  }
0x64: {  	[sflag:s29] =	ssyncset.done $0x0  }
0x65: {  	s3 =	sadd.s32 $0xD880, s6;
	s9 =	simm.s32 @!p0 $0xF;
	[sflag:s29] =	ssyncadd.s32 $0xFFFFF800  }
0x66: {  	[spmem:s2] =	stream.indirect.scatter.add.f32 [tilespmem:s21], [sflag:$0xB], $0x10, s3, s16, $0xb8;
	[tilespmem:$0x12B80] =	vst v63  }
0x67: {  	_ =	swait.ge @!p0 [sflag:s9], $0x800  }
0x68: {  	[sflag:s9] =	ssyncset.done @!p0 $0x0  }
0x69: {  	s14 =	sadd.s32 $0xC680, s6;
	[sflag:s9] =	ssyncadd.s32 @!p0 $0xFFFFF800  }
0x6a: {  	[tilespmem:s30], [sflag:$0x7] =	stream.indirect.gather [hbm4b:s4+s16], $0x10, s14, s16, $0xb8;
	[tilespmem:$0x12B80] =	vst v63  }
0x6b: {  	_ =	swait.ge [sflag:s31], $0x800  }
0x6c: {  	[sflag:s31] =	ssyncset.done $0x0  }
0x6d: {  	s15 =	sadd.s32 $0xD900, s6;
	s9 =	simm.s32 @!p0 $0x10;
	[sflag:s31] =	ssyncadd.s32 $0xFFFFF800  }
0x6e: {  	[spmem:s2] =	stream.indirect.scatter.add.f32 [tilespmem:s23], [sflag:$0xC], $0x10, s15, s16, $0xb8;
	[tilespmem:$0x12B80] =	vst v63  }
0x6f: {  	_ =	swait.ge @!p0 [sflag:s9], $0x800  }
0x70: {  	[sflag:s9] =	ssyncset.done @!p0 $0x0  }
0x71: {  	s3 =	sadd.s32 $0xC700, s6;
	[sflag:s9] =	ssyncadd.s32 @!p0 $0xFFFFF800  }
0x72: {  	[tilespmem:s0], [sflag:$0x8] =	stream.indirect.gather [hbm4b:s4+s16], $0x10, s3, s16, $0xb8;
	[tilespmem:$0x12B80] =	vst v63  }
0x73: {  	_ =	swait.ge [sflag:s1], $0x800  }
0x74: {  	[sflag:s1] =	ssyncset.done $0x0  }
0x75: {  	s14 =	sadd.s32 $0xD980, s6;
	[sflag:s1] =	ssyncadd.s32 $0xFFFFF800  }
0x76: {  	[spmem:s2] =	stream.indirect.scatter.add.f32 [tilespmem:s25], [sflag:$0xD], $0x10, s14, s16, $0xb8;
	[tilespmem:$0x12B80] =	vst v63  }
0x77: {  	_ =	swait.ge [sflag:s7], $0x800  }
0x78: {  	p0 =	seq.s32 s5, $0x4000;
	[sflag:s7] =	ssyncset.done $0x0  }
0x79: {  	s9 =	simm.s32 @p0 $0x6;
	[sflag:s7] =	ssyncadd.s32 $0xFFFFF800  }
0x7a: {  	_ =	swait.ge @p0 [sflag:s9], $0x800  }
0x7b: {  	[sflag:s9] =	ssyncset.done @p0 $0x0  }
0x7c: {  	[sflag:s9] =	ssyncadd.s32 @p0 $0xFFFFF800;
	s9 =	sshra.s32 @p0 s5, $0x2  }
0x7d: {  	s3 =	simm.s32 @p0 $0x11380;
	s14 =	simm.s32 @p0 $0x80;
	s9 =	sadd.s32 @p0 $0xDA00, s9  }
0x7e: {  	[spmem:s2] =	stream.indirect.scatter.add.f32 @p0 [tilespmem:s3], [sflag:$0xE], $0x10, s9, s14, $0xb8;
	[tilespmem:$0x12B80] =	vst v63  }
0x7f: {  	s3 =	simm.s32 @p0 $0xA  }
0x80: {  	_ =	swait.ge @p0 [sflag:s3], $0x800  }
0x81: {  	[sflag:s3] =	ssyncset.done @p0 $0x0  }
0x82: {  	[sflag:s3] =	ssyncadd.s32 @p0 $0xFFFFF800;
	s3 =	sshra.s32 @!p0 s5, $0x2  }
0x83: {  	s15 =	simm.s32 @!p0 $0xEB80;
	s14 =	simm.s32 @!p0 $0x80;
	s9 =	sadd.s32 @!p0 $0xC780, s3  }
0x84: {  	[tilespmem:s15], [sflag:$0x1] =	stream.indirect.gather @!p0 [hbm4b:s4+s14], $0x10, s9, s14, $0xb8;
	[tilespmem:$0x12B80] =	vst v63  }
0x85: {  	s9 =	simm.s32 @!p0 $0x6  }
0x86: {  	_ =	swait.ge @!p0 [sflag:s9], $0x800  }
0x87: {  	[sflag:s9] =	ssyncset.done @!p0 $0x0  }
0x88: {  	s15 =	simm.s32 @!p0 $0x11380;
	[sflag:s9] =	ssyncadd.s32 @!p0 $0xFFFFF800;
	s9 =	sadd.s32 @!p0 $0xDA00, s3  }
0x89: {  	[spmem:s2] =	stream.indirect.scatter.add.f32 @!p0 [tilespmem:s15], [sflag:$0xE], $0x10, s9, s14, $0xb8;
	[tilespmem:$0x12B80] =	vst v63  }
0x8a: {  	s9 =	simm.s32 @!p0 $0xA  }
0x8b: {  	_ =	swait.ge @!p0 [sflag:s9], $0x800  }
0x8c: {  	[sflag:s9] =	ssyncset.done @!p0 $0x0  }
0x8d: {  	s3 =	sadd.s32 @!p0 $0xC800, s3;
	[sflag:s9] =	ssyncadd.s32 @!p0 $0xFFFFF800;
	s9 =	simm.s32 @!p0 $0xF380  }
0x8e: {  	[tilespmem:s9], [sflag:$0x2] =	stream.indirect.gather @!p0 [hbm4b:s4+s14], $0x10, s3, s14, $0xb8;
	[tilespmem:$0x12B80] =	vst v63  }
0x8f: {  	_ =	swait.ge [sflag:s10], $0x800  }
0x90: {  	[sflag:s10] =	ssyncset.done $0x0  }
.Ltmp4:
0x91: {  	s15 =	sadd.s32 $0xDA80, s6;
	[sflag:s10] =	ssyncadd.s32 $0xFFFFF800;
	(pc) =	sbr.rel @p0 .LBB2_5-.Ltmp4, $4  }
0x92: {  	[spmem:s2] =	stream.indirect.scatter.add.f32 [tilespmem:s30], [sflag:$0xF], $0x10, s15, s16, $0xb8;
	[tilespmem:$0x12B80] =	vst v63  }
0x93: {  	_ =	swait.ge [sflag:s11], $0x800  }
0x94: {  	[sflag:s11] =	ssyncset.done $0x0  }
0x95: {  	s9 =	sadd.s32 $0xDB00, s6;
	[sflag:s11] =	ssyncadd.s32 $0xFFFFF800  }
0x96: {  	s3 =	sadd.s32 $0xC880, s6  }
0x97: {  	[tilespmem:s21], [sflag:$0x3] =	stream.indirect.gather [hbm4b:s4+s16], $0x10, s3, s16, $0xb8;
	[tilespmem:$0x12B80] =	vst v63  }
0x98: {  	_ =	swait.ge [sflag:s8], $0x800  }
0x99: {  	[sflag:s8] =	ssyncset.done $0x0  }
0x9a: {  	[sflag:s8] =	ssyncadd.s32 $0xFFFFF800  }
0x9b: {  	[spmem:s2] =	stream.indirect.scatter.add.f32 [tilespmem:s0], [sflag:$0x10], $0x10, s9, s16, $0xb8;
	[tilespmem:$0x12B80] =	vst v63  }
.Ltmp5:
0x9c: {  	_ = 	snop;
	(pc) =	sbr.rel .LBB2_3-.Ltmp5, $4  }
0x9d: {  	_ =	swait.ge [sflag:s12], $0x800  }
0x9e: {  	[sflag:s12] =	ssyncset.done $0x0  }
0x9f: {  	s15 =	sadd.s32 $0xC900, s6;
	s5 =	sadd.s32 $0x1000, s5;
	[sflag:s12] =	ssyncadd.s32 $0xFFFFF800  }
0xa0: {  	[tilespmem:s23], [sflag:$0x4] =	stream.indirect.gather [hbm4b:s4+s16], $0x10, s15, s16, $0xb8;
	[tilespmem:$0x12B80] =	vst v63  }
.LBB2_7:
0xa1: {  	_ =	sfence.sel $0x180000  }
0xa2: {  	[bflag:$0x0] =	sbarrier.arrive $0xFFFF  }
0xa3: {  	_ =	strace $0x9000004D  }
0xa4: {  	s0 =	stileid.u32;
	[bflag:$0x2] =	sbarrier.arrive $0xFFFF  }
0xa5: {  	p0 =	sne.s32 s0, $0x0;
	s0 =	rddreg [dreg:$0x2]  }
0xa6: {  	s0 =	sadd.s32 @!p0 $0x100000, s0  }
0xa7: {  	[sflag:s0] =	ssyncadd.tile.s32 @!p0 $0x1;
	_ =	shalt  }
.Lfunc_end2:
_tile_overlayer_lowered:
.L_overlay_start_2:
0xa8: {  	(tag) =	ssettag $0x2  }
0xa9: {  	s0 =	rddreg [dreg:$0x0];
	s2 =	stileid.u32  }
0xaa: {  	s1 =	rddreg [dreg:$0x1];
	p0 =	sne.s32 s2, $0x0  }
0xab: {  	s3 =	rddreg [dreg:$0x2];
	[bflag:$0x3] =	sbarrier.arrive $0xFFFF;
	s2 =	simm.s32 @!p0 $0x1C11  }
0xac: {  	[timem:s3], [sflag:s2] =	dma.local @!p0 [hbm:s0], s1  }
0xad: {  	s0 =	simm.s32 @!p0 $0x11  }
0xae: {  	_ =	swait.ge @!p0 [sflag:s0], s1  }
0xaf: {  	s1 =	ssub.s32 @!p0 $0x0, s1;
	[sflag:s0] =	ssyncset.done @!p0 $0x0  }
0xb0: {  	[sflag:s0] =	ssyncadd.s32 @!p0 s1  }
0xb1: {  	[bflag:$0x3] =	sbarrier.arrive $0xFFFF  }
0xb2: {  	_ =	shalt  }

// kernel: kernel.13.cloned.1.call-start
scs
__scs_entry_jumppad:
0x0: {  	(pc) =	sbr.rel $0x88, $3  }
0x1: {  	(tag) =	ssettag $0x0;
	lr =	simm.s32 $0x1  }
0x2: {  	[smem:$0x3F84] =	sst lr;
	_ =	strace $0xD0000000  }
0x3: {  	_ = 	snop  }
0x4: {  	_ = 	snop  }
0x5: {  	_ = 	snop  }
0x6: {  	_ = 	snop  }
0x7: {  	_ = 	snop  }
__scs_overlays_trampoline_lowered:
0x8: {  	[smem:$0x3F93] =	sst s0  }
0x9: {  	[smem:$0x3F94] =	sst s1  }
0xa: {  	[smem:$0x3F95] =	sst s2  }
0xb: {  	[smem:$0x3F96] =	sst s3  }
0xc: {  	[smem:$0x3F97] =	sst s4  }
0xd: {  	[smem:$0x3F98] =	sst s5  }
0xe: {  	[smem:$0x3F99] =	sst s6  }
0xf: {  	[smem:$0x3F9A] =	sst s7  }
0x10: {  	[smem:$0x3F9B] =	sst s8  }
0x11: {  	[smem:$0x3F9C] =	sst s9;
	s0 =	simm.s32 @!p0 $0x0  }
0x12: {  	s1 =	sld [smem:$0x3F82];
	s0 =	simm.s32 @p0 $0x1  }
0x13: {  	[smem:$0x3F9D] =	sst s0;
	s0 =	simm.s32 @!p1 $0x0  }
0x14: {  	s2 =	sld [smem:$0x3F81];
	s0 =	simm.s32 @p1 $0x1  }
0x15: {  	[smem:$0x3F9E] =	sst s0;
	s0 =	simm.s32 @!p2 $0x0  }
0x16: {  	s3 =	sld [smem:$0x3FDB];
	s0 =	simm.s32 @p2 $0x1  }
0x17: {  	s4 =	simm.s32 $0x1BF5;
	[smem:$0x3FA0] =	sst s0  }
0x18: {  	s0 =	sld [smem:$0x3F83];
	_ =	swait.ge [sflag:s4], $0x0  }
0x19: {  	s7 =	sld [smem:$0x3F84]  }
0x1a: {  	s8 =	sadd.s32 $0xFFFFE003, lr  }
0x1b: {  	s9 =	sadd.s32 $0xFFFFFEF7, lr;
	s5 =	simm.s32 $0xFFFFFFFF;
	p2 =	slt.u32 s8, $0xFFFFF086  }
0x1c: {  	p1 =	slt.u32 s9, $0xF7A;
	s5 =	simm.s32 @!p2 $0x0  }
0x1d: {  	s5 =	simm.s32 @p1 $0x1;
	p0 =	seq.s32 s7, s2  }
0x1e: {  	s7 =	smul.u32 @!p0 $0xF7A, s2;
	p2 =	seq.s32 @!p0 s5, $0x0  }
0x1f: {  	s9 =	smul.u32 $0xF7A, s1;
	s8 =	simm.s32 @!p0 $0x1BF5;
	p2 =	por !p2, p0  }
0x20: {  	[sflag:s8] =	ssyncset.s32 @!p0 $0xFFFFF086;
	s6 =	sadd.s32 @!p0 s3, s7;
	s7 =	simm.s32 @!p0 $0x108  }
0x21: {  	s3 =	sadd.s32 s3, s9;
	s6 =	sadd.s32 @!p0 $0x88, s6;
	s7 =	simm.s32 @p2 $0x1082  }
0x22: {  	[simem:s7], [sflag:s8] =	dma.local @!p0 [hbm:s6], $0xF7A  }
0x23: {  	s9 =	sor.u32 $0xD0000000, s2;
	s6 =	simm.s32 $0x108;
	_ =	swait.ge @!p0 [sflag:s8], $0x0  }
0x24: {  	s3 =	sadd.s32 $0x88, s3;
	s6 =	simm.s32 @!p1 $0x1082;
	[sflag:s4] =	ssyncset.s32 $0xFFFFF086  }
0x25: {  	[simem:s6], [sflag:s4] =	dma.local [hbm:s3], $0xF7A  }
0x26: {  	[smem:$0x3F84] =	sst s1;
	(tag) =	ssettag s2;
	_ =	strace s9  }
0x27: {  	s1 =	sld [smem:$0x3F94]  }
0x28: {  	s2 =	sld [smem:$0x3F95]  }
0x29: {  	s4 =	sld [smem:$0x3F97]  }
0x2a: {  	p0 =	seq.s32 s5, $0x0;
	s5 =	sld [smem:$0x3F98]  }
0x2b: {  	s6 =	sld [smem:$0x3F99]  }
0x2c: {  	s7 =	sld [smem:$0x3F9A]  }
0x2d: {  	s3 =	simm.s32 $0x108;
	s8 =	sld [smem:$0x3F9B]  }
0x2e: {  	s3 =	simm.s32 @!p0 $0x1082;
	s9 =	sld [smem:$0x3F9C]  }
0x2f: {  	lr =	sadd.s32 s0, s3;
	s0 =	sld [smem:$0x3F93]  }
0x30: {  	s3 =	sld [smem:$0x3F96]  }
0x31: {  	[smem:$0x3F9F] =	sst s10  }
0x32: {  	s10 =	sld [smem:$0x3F9D];
	_ =	sdelay $0x3  }
0x33: {  	p0 =	seq.s32 s10, $0x1;
	s10 =	sld [smem:$0x3F9F];
	_ =	sdelay $0x3  }
0x34: {  	[smem:$0x3F9F] =	sst s10  }
0x35: {  	s10 =	sld [smem:$0x3F9E];
	_ =	sdelay $0x3  }
0x36: {  	p1 =	seq.s32 s10, $0x1;
	s10 =	sld [smem:$0x3F9F];
	_ =	sdelay $0x3  }
0x37: {  	[smem:$0x3F9F] =	sst s10  }
0x38: {  	s10 =	sld [smem:$0x3FA0]  }
0x39: {  	_ = 	snop;
	(pc) =	sbr.ind lr, $3  }
0x3a: {  	_ = 	snop  }
0x3b: {  	_ = 	snop  }
0x3c: {  	p2 =	seq.s32 s10, $0x1;
	s10 =	sld [smem:$0x3F9F]  }
0x3d: {  	_ =	shalt  }
0x3e: {  	_ =	shalt  }
0x3f: {  	_ =	shalt  }
0x40: {  	_ =	shalt  }
0x41: {  	_ =	shalt  }
0x42: {  	_ =	shalt  }
0x43: {  	_ =	shalt  }
0x44: {  	_ =	shalt  }
0x45: {  	_ =	shalt  }
0x46: {  	_ =	shalt  }
0x47: {  	_ =	shalt  }
0x48: {  	_ =	shalt  }
0x49: {  	_ =	shalt  }
0x4a: {  	_ =	shalt  }
0x4b: {  	_ =	shalt  }
0x4c: {  	_ =	shalt  }
0x4d: {  	_ =	shalt  }
0x4e: {  	_ =	shalt  }
0x4f: {  	_ =	shalt  }
0x50: {  	_ =	shalt  }
0x51: {  	_ =	shalt  }
0x52: {  	_ =	shalt  }
0x53: {  	_ =	shalt  }
0x54: {  	_ =	shalt  }
0x55: {  	_ =	shalt  }
0x56: {  	_ =	shalt  }
0x57: {  	_ =	shalt  }
0x58: {  	_ =	shalt  }
0x59: {  	_ =	shalt  }
0x5a: {  	_ =	shalt  }
0x5b: {  	_ =	shalt  }
0x5c: {  	_ =	shalt  }
0x5d: {  	_ =	shalt  }
0x5e: {  	_ =	shalt  }
0x5f: {  	_ =	shalt  }
0x60: {  	_ =	shalt  }
0x61: {  	_ =	shalt  }
0x62: {  	_ =	shalt  }
0x63: {  	_ =	shalt  }
0x64: {  	_ =	shalt  }
0x65: {  	_ =	shalt  }
0x66: {  	_ =	shalt  }
0x67: {  	_ =	shalt  }
0x68: {  	_ =	shalt  }
0x69: {  	_ =	shalt  }
0x6a: {  	_ =	shalt  }
0x6b: {  	_ =	shalt  }
0x6c: {  	_ =	shalt  }
0x6d: {  	_ =	shalt  }
0x6e: {  	_ =	shalt  }
0x6f: {  	_ =	shalt  }
0x70: {  	_ =	shalt  }
0x71: {  	_ =	shalt  }
0x72: {  	_ =	shalt  }
0x73: {  	_ =	shalt  }
0x74: {  	_ =	shalt  }
0x75: {  	_ =	shalt  }
0x76: {  	_ =	shalt  }
0x77: {  	_ =	shalt  }
0x78: {  	_ =	shalt  }
0x79: {  	_ =	shalt  }
0x7a: {  	_ =	shalt  }
0x7b: {  	_ =	shalt  }
0x7c: {  	_ =	shalt  }
0x7d: {  	_ =	shalt  }
0x7e: {  	_ =	shalt  }
0x7f: {  	_ =	shalt  }
0x80: {  	_ =	shalt  }
0x81: {  	_ =	shalt  }
0x82: {  	_ =	shalt  }
0x83: {  	_ =	shalt  }
0x84: {  	_ =	shalt  }
0x85: {  	_ =	shalt  }
0x86: {  	_ =	shalt  }
0x87: {  	_ =	shalt  }
.Lfunc_end0:
.L_simem_size_0:
called_computation.3_lowered:
.L_overlay_start_0:
0x88: {  	s2 =	sld [smem:$0x3FD9]  }
0x89: {  	s3 =	sld [smem:$0x3FFE];
	_ =	sdelay $0x1  }
0x8a: {  	s1 =	srdreg.scid  }
0x8b: {  	s0 =	sand.u32 $0x1, s1  }
0x8c: {  	s16 =	sshll.u32 s0, $0xA;
	s2 =	sadd.s32 s3, s2  }
0x8d: {  	s2 =	sadd.s32 s2, s16  }
0x8e: {  	[smem:$0x3FAB] =	sst s2  }
0x8f: {  	_ = 	snop  }
0x90: {  	(tm) =	ssettm $0x1  }
0x91: {  	s17 =	sld [smem:$0x3FFB];
	_ =	sdelay $0x3  }
0x92: {  	_ =	strace s17  }
0x93: {  	s2 =	sld [smem:$0x3FFC];
	_ =	sdelay $0x3  }
0x94: {  	_ =	strace s2  }
0x95: {  	s2 =	sld [smem:$0x3FFD];
	_ =	sdelay $0x3  }
0x96: {  	_ =	strace s2  }
0x97: {  	_ =	strace $0x8FFFFFFF  }
0x98: {  	s18 =	sld [smem:$0x3FDB];
	_ =	sdelay $0x1  }
0x99: {  	s19 =	simm.s32 $_scs_section_size  }
0x9a: {  	s4 =	simm.s32 $_size__tile_overlayer_lowered;
	s5 =	simm.s32 $_tile_overlayer_lowered  }
0x9b: {  	s22 =	simm.s32 $0x1BFF;
	s21 =	sshll.u32 s5, $0x1;
	s2 =	sadd.s32 s19, s18  }
0x9c: {  	s6 =	simm.s32 $0x0;
	s20 =	sshll.u32 s4, $0x1;
	s4 =	sadd.s32 s21, s2  }
0x9d: {  	[timem:s6], [sflag:s22] =	dma.local [hbm:s4], s20  }
0x9e: {  	_ =	swait.ge [sflag:s22], s20  }
0x9f: {  	s3 =	ssub.s32 $0x0, s20;
	[sflag:s22] =	ssyncset.done $0x0  }
0xa0: {  	[sflag:s22] =	ssyncadd.s32 s3;
	_ =	sdelay $0x1  }
0xa1: {  	s23 =	simm.s32 $0x1B8B  }
0xa2: {  	_ =	swait.ge [sflag:s23], $0x1  }
0xa3: {  	[sflag:s23] =	ssyncset.done $0x0  }
0xa4: {  	s25 =	simm.s32 $0x1B8E;
	s24 =	sld [smem:$0x3FFE];
	[sflag:s23] =	ssyncadd.s32 $0xFFFFFFFF  }
0xa5: {  	s26 =	simm.s32 $execute0_lowered;
	[smem:$0x3FD2] =	sst s25  }
0xa6: {  	s4 =	sshll.u32 s26, $0x1;
	_ =	strace $0x8000004F;
	[dreg:$0x1] =	wrdreg $0xFFFFFFFF  }
0xa7: {  	s28 =	simm.s32 $_size_execute0_lowered;
	s2 =	sadd.s32 s2, s4;
	[dreg:$0x0] =	wrdreg $0x0  }
0xa8: {  	s4 =	sshll.u32 s28, $0x1;
	[dreg:$0x2] =	wrdreg s2  }
0xa9: {  	[dreg:$0x3] =	wrdreg s4  }
0xaa: {  	[dreg:$0x4] =	wrdreg $0xC0  }
0xab: {  	_ =	task [dreg:s6], $0x5FFFF  }
0xac: {  	[dreg:$0x1] =	wrdreg $0xFFFFFFFF  }
0xad: {  	[dreg:$0x0] =	wrdreg $0x60  }
0xae: {  	[dreg:$0x2] =	wrdreg s24  }
0xaf: {  	[dreg:$0x3] =	wrdreg $0x0  }
0xb0: {  	[dreg:$0x4] =	wrdreg $0x9  }
0xb1: {  	_ =	task.clear_ibuf [dreg:s6], $0x5FFFF;
	_ =	strace $0x9000004F  }
0xb2: {  	s29 =	simm.s32 $0x9;
	_ =	strace $0x80000051  }
0xb3: {  	_ =	swait.ge [sflag:s29], $0x1  }
0xb4: {  	[sflag:s29] =	ssyncadd.s32 $0xFFFFFFFF  }
0xb5: {  	_ =	strace $0x90000051  }
0xb6: {  	_ =	sfence  }
0xb7: {  	s30 =	sld [smem:$0x0];
	_ =	sdelay $0x2  }
0xb8: {  	s31 =	sshll.u32 s1, $0xD;
	s1 =	sshrl.u32 s1, $0x2  }
0xb9: {  	s3 =	sand.u32 $0x4000, s31;
	s1 =	sadd.s32 s1, s30  }
0xba: {  	s0 =	sor.u32 s3, s0;
	s1 =	sshll.u32 s1, $0x11  }
0xbb: {  	s0 =	sor.u32 s1, s0  }
0xbc: {  	s0 =	sadd.s32 $0x8F2B, s0  }
0xbd: {  	[sflag:s0] =	ssyncadd.remote.s32 $0x1  }
0xbe: {  	_ =	sfence.sel $0xFFFF  }
0xbf: {  	[dreg:$0x0] =	wrdreg $0xFFFFFFFF;
	(pc) =	sbr.abs _section_cstart, $3  }
0xc0: {  	[dreg:$0x1] =	wrdreg $0xFFFFFFFF  }
0xc1: {  	_ =	task.clear_ibuf [dreg:s6], $0x2FFFF;
	_ =	strace $0x9FFFFFFF  }
0xc2: {  	(tm) =	ssettm $0x7FFFFFFF  }
0xc3: {  	_ =	shalt  }
tec
execute0_lowered:
.L_overlay_start_1:
0x0: {  	(tag) =	ssettag $0x1  }
0x1: {  	s0 =	rddreg [dreg:$0x0]  }
0x2: {  	s2 =	rddreg [dreg:$0x1]  }
0x3: {  	s21 =	simm.s32 $0x0;
	s10 =	stileid.u32;
	s3 =	srdreg.scid  }
0x4: {  	s16 =	simm.s32 $0x9;
	s17 =	simm.s32 $0x18700;
	s18 =	simm.s32 $0x19B00  }
0x5: {  	s19 =	simm.s32 $0x80;
	s20 =	simm.s32 $0x1AF00;
	s22 =	simm.s32 $0x1BF00  }
0x6: {  	s23 =	simm.s32 $0x1;
	s25 =	simm.s32 $0x1CF00;
	s30 =	simm.s32 $0x1DF00  }
0x7: {  	s31 =	simm.s32 $0x3;
	s14 =	simm.s32 $0x18980;
	s12 =	simm.s32 $0x7  }
0x8: {  	s15 =	simm.s32 $0x8;
	[smem:$0x7FF] =	sst s21;
	s1 =	smul.u32 $0x18700, s10  }
0x9: {  	s4 =	sadd.s32 $0x6A600, s0;
	s5 =	sadd.s32 $0x6200, s0;
	s6 =	sadd.s32 $0x51600, s0  }
0xa: {  	s3 =	sand.u32 $0x1, s3;
	s8 =	sadd.s32 $0x38600, s0;
	s11 =	sadd.s32 $0xFD000, s0  }
0xb: {  	s29 =	sshll.u32 s10, $0x6;
	s13 =	smul.u32 $0x190, s10;
	s10 =	simm.s32 $0x4  }
0xc: {  	_ =	strace $0x80000050;
	s9 =	ssub.s32 $0x2, s3;
	[dreg:$0x5] =	wrdreg s11  }
0xd: {  	s24 =	sor.u32 $0x1C09, s29;
	p0 =	sne.s32 s3, $0x0;
	s11 =	simm.s32 $0x6  }
0xe: {  	s7 =	sshrl.u32 s1, $0x3;
	s26 =	sshrl.u32 s9, $0x1;
	[dreg:$0x8] =	wrdreg s24  }
0xf: {  	s1 =	sadd.s32 s1, s2;
	[dreg:$0x4] =	wrdreg s7;
	s7 =	sadd.s32 s7, s0  }
.Ltmp0:
0x10: {  	s0 =	sadd.s32 $0xCC200, s0;
	s28 =	sshrl.u32 s1, $0x3;
	(pc) =	sbr.rel .LBB2_1-.Ltmp0, $4  }
0x11: {  	s1 =	simm.s32 $0x5;
	[dreg:$0x6] =	wrdreg s0;
	s0 =	ssub.s32 s9, s26  }
0x12: {  	s7 =	sadd.s32 $0x9B400, s7;
	s26 =	simm.s32 $0x2;
	[dreg:$0xa] =	wrdreg s28  }
0x13: {  	s9 =	simm.s32 $0x18900;
	[dreg:$0x7] =	wrdreg s7;
	s0 =	smax.u32 s0, $0x1  }
0x14: {  	s7 =	simm.s32 $0x19C80;
	[dreg:$0x9] =	wrdreg s0;
	s0 =	simm.s32 $0x19C00  }
.LBB2_11:
0x15: {  	s3 =	rddreg [dreg:$0x6]  }
0x16: {  	s21 =	rddreg [dreg:$0x3]  }
.LBB2_12:
0x17: {  	s24 =	rddreg [dreg:$0x4];
	[bflag:$0x0] =	sbarrier.arrive $0xFFFF  }
0x18: {  	s3 =	sadd.s32 s3, s24;
	s24 =	rddreg [dreg:$0x8]  }
0x19: {  	s28 =	rddreg [dreg:$0xa]  }
0x1a: {  	[hbm:s3], [sflag:s24] =	dma.local [spmem:s28], $0x30E0  }
0x1b: {  	_ =	swait.ge [sflag:s16], $0x30E0  }
0x1c: {  	s21 =	sadd.s32 $0x1, s21;
	s29 =	rddreg [dreg:$0x9]  }
0x1d: {  	p1 =	sne.s32 s21, s29  }
.Ltmp1:
0x1e: {  	_ = 	snop;
	(pc) =	sbr.rel @!p1 .LBB2_13-.Ltmp1, $3  }
0x1f: {  	_ =	sdelay $0x1  }
0x20: {  	[sflag:s16] =	ssyncset.done $0x0  }
0x21: {  	[sflag:s16] =	ssyncadd.s32 $0xFFFFCF20  }
.LBB2_1:
0x22: {  	[dreg:$0x3] =	wrdreg s21  }
0x23: {  	s3 =	rddreg [dreg:$0x7]  }
0x24: {  	[spmem:s28], [sflag:s24] =	dma.local [hbm:s3], $0x30E0  }
.Ltmp2:
0x25: {  	_ =	swait.ge [sflag:s16], $0x30E0;
	(pc) =	sbr.rel @p0 .LBB2_7-.Ltmp2, $4  }
.Ltmp3:
0x26: {  	[sflag:s16] =	ssyncset.done $0x0;
	(pc) =	sbr.rel @!p0 .LBB2_2-.Ltmp3, $4  }
0x27: {  	[sflag:s16] =	ssyncadd.s32 $0xFFFFCF20  }
0x28: {  	[bflag:$0x0] =	sbarrier.arrive $0xFFFF  }
0x29: {  	s21 =	simm.s32 $0x0;
	s3 =	simm.s32 $0x0  }
0x2a: {  	_ = 	snop  }
.LBB2_5:
0x2b: {  	_ =	swait.ge [sflag:s10], $0x1000  }
0x2c: {  	[sflag:s10] =	ssyncset.done $0x0  }
0x2d: {  	[sflag:s10] =	ssyncadd.s32 $0xFFFFF000  }
0x2e: {  	[spmem:s2] =	stream.indirect.scatter.add.f32 [tilespmem:s30], [sflag:$0x8], $0x20, s28, s19, $0xb8;
	[tilespmem:$0x1EF00] =	vst v63  }
0x2f: {  	_ =	swait.ge [sflag:s11], $0x1000  }
0x30: {  	[sflag:s11] =	ssyncset.done $0x0  }
0x31: {  	s3 =	sadd.s32 $0x1, s3;
	[sflag:s11] =	ssyncadd.s32 $0xFFFFF000  }
0x32: {  	p1 =	seq.s32 s3, $0xA;
	_ =	swait.ge [sflag:s12], $0x1000  }
.Ltmp4:
0x33: {  	[sflag:s12] =	ssyncset.done $0x0;
	(pc) =	sbr.rel @p1 .LBB2_6-.Ltmp4, $4  }
0x34: {  	[sflag:s12] =	ssyncadd.s32 $0xFFFFF000  }
0x35: {  	_ =	swait.ge [sflag:s15], $0x1000  }
0x36: {  	[sflag:s15] =	ssyncset.done $0x0  }
0x37: {  	[sflag:s15] =	ssyncadd.s32 $0xFFFFF000  }
.LBB2_2:
0x38: {  	s21 =	smul.u32 $0x28, s3;
	_ =	sdelay $0x1  }
0x39: {  	s21 =	sadd.s32 s13, s21  }
0x3a: {  	s24 =	sshll.u32 s21, $0x4  }
0x3b: {  	s21 =	simm.s32 $0x0;
	s28 =	sadd.s32 s6, s24  }
0x3c: {  	[tilespmem:s17], [sflag:$0x9] =	stream.linear.gather [hbm4b:s28+s21], $0x1400, $0x38;
	[tilespmem:$0x1EF00] =	vst v63  }
0x3d: {  	_ =	swait.ge [sflag:s16], $0x1400  }
0x3e: {  	[sflag:s16] =	ssyncset.done $0x0  }
0x3f: {  	s24 =	sadd.s32 s8, s24;
	[sflag:s16] =	ssyncadd.s32 $0xFFFFEC00  }
0x40: {  	[tilespmem:s18], [sflag:$0x9] =	stream.linear.gather [hbm4b:s24+s21], $0x1400, $0x38;
	[tilespmem:$0x1EF00] =	vst v63  }
0x41: {  	_ =	swait.ge [sflag:s16], $0x1400  }
0x42: {  	[sflag:s16] =	ssyncset.done $0x0  }
0x43: {  	[sflag:s16] =	ssyncadd.s32 $0xFFFFEC00  }
0x44: {  	[tilespmem:s20], [sflag:$0x1] =	stream.indirect.gather [hbm4b:s4+s19], $0x20, s17, s19, $0xb8;
	[tilespmem:$0x1EF00] =	vst v63  }
0x45: {  	s28 =	simm.s32 $0x18780  }
0x46: {  	[tilespmem:s22], [sflag:$0x2] =	stream.indirect.gather [hbm4b:s4+s19], $0x20, s28, s19, $0xb8;
	[tilespmem:$0x1EF00] =	vst v63  }
0x47: {  	_ =	swait.ge [sflag:s23], $0x1000  }
0x48: {  	[sflag:s23] =	ssyncset.done $0x0  }
0x49: {  	[sflag:s23] =	ssyncadd.s32 $0xFFFFF000  }
0x4a: {  	[spmem:s2] =	stream.indirect.scatter.add.f32 [tilespmem:s20], [sflag:$0x5], $0x20, s18, s19, $0xb8;
	[tilespmem:$0x1EF00] =	vst v63  }
0x4b: {  	s29 =	simm.s32 $0x18800  }
0x4c: {  	[tilespmem:s25], [sflag:$0x3] =	stream.indirect.gather [hbm4b:s4+s19], $0x20, s29, s19, $0xb8;
	[tilespmem:$0x1EF00] =	vst v63  }
0x4d: {  	_ =	swait.ge [sflag:s26], $0x1000  }
0x4e: {  	[sflag:s26] =	ssyncset.done $0x0  }
0x4f: {  	s28 =	simm.s32 $0x19B80;
	[sflag:s26] =	ssyncadd.s32 $0xFFFFF000  }
0x50: {  	[spmem:s2] =	stream.indirect.scatter.add.f32 [tilespmem:s22], [sflag:$0x6], $0x20, s28, s19, $0xb8;
	[tilespmem:$0x1EF00] =	vst v63  }
0x51: {  	s29 =	simm.s32 $0x18880  }
0x52: {  	[tilespmem:s30], [sflag:$0x4] =	stream.indirect.gather [hbm4b:s4+s19], $0x20, s29, s19, $0xb8;
	[tilespmem:$0x1EF00] =	vst v63  }
0x53: {  	_ =	swait.ge [sflag:s31], $0x1000  }
0x54: {  	[sflag:s31] =	ssyncset.done $0x0  }
0x55: {  	[sflag:s31] =	ssyncadd.s32 $0xFFFFF000  }
0x56: {  	[spmem:s2] =	stream.indirect.scatter.add.f32 [tilespmem:s25], [sflag:$0x7], $0x20, s0, s19, $0xb8;
	[tilespmem:$0x1EF00] =	vst v63  }
0x57: {  	_ =	swait.ge [sflag:s1], $0x1000  }
0x58: {  	[sflag:s1] =	ssyncset.done $0x0  }
0x59: {  	[sflag:s1] =	ssyncadd.s32 $0xFFFFF000  }
0x5a: {  	[tilespmem:s20], [sflag:$0x1] =	stream.indirect.gather [hbm4b:s4+s19], $0x20, s9, s19, $0xb8;
	[tilespmem:$0x1EF00] =	vst v63  }
0x5b: {  	_ =	swait.ge [sflag:s10], $0x1000  }
0x5c: {  	[sflag:s10] =	ssyncset.done $0x0  }
0x5d: {  	[sflag:s10] =	ssyncadd.s32 $0xFFFFF000  }
0x5e: {  	[spmem:s2] =	stream.indirect.scatter.add.f32 [tilespmem:s30], [sflag:$0x8], $0x20, s7, s19, $0xb8;
	[tilespmem:$0x1EF00] =	vst v63  }
0x5f: {  	_ =	swait.ge [sflag:s11], $0x1000  }
0x60: {  	[sflag:s11] =	ssyncset.done $0x0  }
0x61: {  	[sflag:s11] =	ssyncadd.s32 $0xFFFFF000  }
0x62: {  	[tilespmem:s22], [sflag:$0x2] =	stream.indirect.gather [hbm4b:s4+s19], $0x20, s14, s19, $0xb8;
	[tilespmem:$0x1EF00] =	vst v63  }
.LBB2_3:
0x63: {  	_ =	swait.ge [sflag:s23], $0x1000  }
0x64: {  	s24 =	sshra.s32 s21, $0x2;
	[sflag:s23] =	ssyncset.done $0x0  }
0x65: {  	s28 =	sadd.s32 $0x19D00, s24;
	[sflag:s23] =	ssyncadd.s32 $0xFFFFF000  }
0x66: {  	[spmem:s2] =	stream.indirect.scatter.add.f32 [tilespmem:s20], [sflag:$0x5], $0x20, s28, s19, $0xb8;
	[tilespmem:$0x1EF00] =	vst v63  }
0x67: {  	_ =	swait.ge [sflag:s12], $0x1000  }
0x68: {  	[sflag:s12] =	ssyncset.done $0x0  }
0x69: {  	s28 =	sadd.s32 $0x18A00, s24;
	[sflag:s12] =	ssyncadd.s32 $0xFFFFF000  }
0x6a: {  	[tilespmem:s25], [sflag:$0x3] =	stream.indirect.gather [hbm4b:s4+s19], $0x20, s28, s19, $0xb8;
	[tilespmem:$0x1EF00] =	vst v63  }
0x6b: {  	_ =	swait.ge [sflag:s26], $0x1000  }
0x6c: {  	[sflag:s26] =	ssyncset.done $0x0  }
0x6d: {  	s28 =	sadd.s32 $0x19D80, s24;
	[sflag:s26] =	ssyncadd.s32 $0xFFFFF000  }
0x6e: {  	[spmem:s2] =	stream.indirect.scatter.add.f32 [tilespmem:s22], [sflag:$0x6], $0x20, s28, s19, $0xb8;
	[tilespmem:$0x1EF00] =	vst v63  }
0x6f: {  	_ =	swait.ge [sflag:s15], $0x1000  }
0x70: {  	[sflag:s15] =	ssyncset.done $0x0  }
0x71: {  	s28 =	sadd.s32 $0x18A80, s24;
	[sflag:s15] =	ssyncadd.s32 $0xFFFFF000  }
0x72: {  	[tilespmem:s30], [sflag:$0x4] =	stream.indirect.gather [hbm4b:s4+s19], $0x20, s28, s19, $0xb8;
	[tilespmem:$0x1EF00] =	vst v63  }
0x73: {  	_ =	swait.ge [sflag:s31], $0x1000  }
0x74: {  	p1 =	seq.s32 s21, $0x4000;
	[sflag:s31] =	ssyncset.done $0x0  }
.Ltmp5:
0x75: {  	s28 =	sadd.s32 $0x19E00, s24;
	[sflag:s31] =	ssyncadd.s32 $0xFFFFF000;
	(pc) =	sbr.rel @p1 .LBB2_5-.Ltmp5, $4  }
0x76: {  	[spmem:s2] =	stream.indirect.scatter.add.f32 [tilespmem:s25], [sflag:$0x7], $0x20, s28, s19, $0xb8;
	[tilespmem:$0x1EF00] =	vst v63  }
0x77: {  	_ =	swait.ge [sflag:s1], $0x1000  }
0x78: {  	[sflag:s1] =	ssyncset.done $0x0  }
0x79: {  	s28 =	sadd.s32 $0x19E80, s24;
	[sflag:s1] =	ssyncadd.s32 $0xFFFFF000  }
0x7a: {  	s29 =	sadd.s32 $0x18B00, s24  }
0x7b: {  	[tilespmem:s20], [sflag:$0x1] =	stream.indirect.gather [hbm4b:s4+s19], $0x20, s29, s19, $0xb8;
	[tilespmem:$0x1EF00] =	vst v63  }
0x7c: {  	_ =	swait.ge [sflag:s10], $0x1000  }
0x7d: {  	[sflag:s10] =	ssyncset.done $0x0  }
0x7e: {  	[sflag:s10] =	ssyncadd.s32 $0xFFFFF000  }
0x7f: {  	[spmem:s2] =	stream.indirect.scatter.add.f32 [tilespmem:s30], [sflag:$0x8], $0x20, s28, s19, $0xb8;
	[tilespmem:$0x1EF00] =	vst v63  }
.Ltmp6:
0x80: {  	_ = 	snop;
	(pc) =	sbr.rel .LBB2_3-.Ltmp6, $4  }
0x81: {  	_ =	swait.ge [sflag:s11], $0x1000  }
0x82: {  	[sflag:s11] =	ssyncset.done $0x0  }
0x83: {  	s21 =	sadd.s32 $0x800, s21;
	s29 =	sadd.s32 $0x18B80, s24;
	[sflag:s11] =	ssyncadd.s32 $0xFFFFF000  }
0x84: {  	[tilespmem:s22], [sflag:$0x2] =	stream.indirect.gather [hbm4b:s4+s19], $0x20, s29, s19, $0xb8;
	[tilespmem:$0x1EF00] =	vst v63  }
.LBB2_10:
0x85: {  	_ =	swait.ge [sflag:s10], $0x1000  }
0x86: {  	[sflag:s10] =	ssyncset.done $0x0  }
0x87: {  	[sflag:s10] =	ssyncadd.s32 $0xFFFFF000  }
0x88: {  	[spmem:s2] =	stream.indirect.scatter.add.f32 [tilespmem:s30], [sflag:$0x8], $0x20, s28, s19, $0xb8;
	[tilespmem:$0x1EF00] =	vst v63  }
0x89: {  	_ =	swait.ge [sflag:s11], $0x1000  }
0x8a: {  	[sflag:s11] =	ssyncset.done $0x0  }
0x8b: {  	s21 =	sadd.s32 $0x1, s21;
	[sflag:s11] =	ssyncadd.s32 $0xFFFFF000  }
0x8c: {  	p1 =	sne.s32 s21, $0xA;
	_ =	swait.ge [sflag:s12], $0x1000  }
.Ltmp7:
0x8d: {  	[sflag:s12] =	ssyncset.done $0x0;
	(pc) =	sbr.rel @!p1 .LBB2_11-.Ltmp7, $4  }
0x8e: {  	[sflag:s12] =	ssyncadd.s32 $0xFFFFF000  }
0x8f: {  	_ =	swait.ge [sflag:s15], $0x1000  }
0x90: {  	[sflag:s15] =	ssyncset.done $0x0  }
0x91: {  	[sflag:s15] =	ssyncadd.s32 $0xFFFFF000  }
.LBB2_7:
0x92: {  	s3 =	smul.u32 $0x28, s21;
	_ =	sdelay $0x1  }
0x93: {  	s3 =	sadd.s32 s13, s3  }
0x94: {  	s24 =	sshll.u32 s3, $0x4  }
0x95: {  	s3 =	simm.s32 $0x0;
	s28 =	sadd.s32 s6, s24  }
0x96: {  	[tilespmem:s17], [sflag:$0x9] =	stream.linear.gather [hbm4b:s28+s3], $0x1400, $0x38;
	[tilespmem:$0x1EF00] =	vst v63  }
0x97: {  	_ =	swait.ge [sflag:s16], $0x1400  }
0x98: {  	[sflag:s16] =	ssyncset.done $0x0  }
0x99: {  	s24 =	sadd.s32 s8, s24;
	[sflag:s16] =	ssyncadd.s32 $0xFFFFEC00  }
0x9a: {  	[tilespmem:s18], [sflag:$0x9] =	stream.linear.gather [hbm4b:s24+s3], $0x1400, $0x38;
	[tilespmem:$0x1EF00] =	vst v63  }
0x9b: {  	_ =	swait.ge [sflag:s16], $0x1400  }
0x9c: {  	[sflag:s16] =	ssyncset.done $0x0  }
0x9d: {  	[sflag:s16] =	ssyncadd.s32 $0xFFFFEC00  }
0x9e: {  	[tilespmem:s20], [sflag:$0x1] =	stream.indirect.gather [hbm4b:s5+s19], $0x20, s17, s19, $0xb8;
	[tilespmem:$0x1EF00] =	vst v63  }
0x9f: {  	s28 =	simm.s32 $0x18780  }
0xa0: {  	[tilespmem:s22], [sflag:$0x2] =	stream.indirect.gather [hbm4b:s5+s19], $0x20, s28, s19, $0xb8;
	[tilespmem:$0x1EF00] =	vst v63  }
0xa1: {  	_ =	swait.ge [sflag:s23], $0x1000  }
0xa2: {  	[sflag:s23] =	ssyncset.done $0x0  }
0xa3: {  	[sflag:s23] =	ssyncadd.s32 $0xFFFFF000  }
0xa4: {  	[spmem:s2] =	stream.indirect.scatter.add.f32 [tilespmem:s20], [sflag:$0x5], $0x20, s18, s19, $0xb8;
	[tilespmem:$0x1EF00] =	vst v63  }
0xa5: {  	s29 =	simm.s32 $0x18800  }
0xa6: {  	[tilespmem:s25], [sflag:$0x3] =	stream.indirect.gather [hbm4b:s5+s19], $0x20, s29, s19, $0xb8;
	[tilespmem:$0x1EF00] =	vst v63  }
0xa7: {  	_ =	swait.ge [sflag:s26], $0x1000  }
0xa8: {  	[sflag:s26] =	ssyncset.done $0x0  }
0xa9: {  	s28 =	simm.s32 $0x19B80;
	[sflag:s26] =	ssyncadd.s32 $0xFFFFF000  }
0xaa: {  	[spmem:s2] =	stream.indirect.scatter.add.f32 [tilespmem:s22], [sflag:$0x6], $0x20, s28, s19, $0xb8;
	[tilespmem:$0x1EF00] =	vst v63  }
0xab: {  	s29 =	simm.s32 $0x18880  }
0xac: {  	[tilespmem:s30], [sflag:$0x4] =	stream.indirect.gather [hbm4b:s5+s19], $0x20, s29, s19, $0xb8;
	[tilespmem:$0x1EF00] =	vst v63  }
0xad: {  	_ =	swait.ge [sflag:s31], $0x1000  }
0xae: {  	[sflag:s31] =	ssyncset.done $0x0  }
0xaf: {  	[sflag:s31] =	ssyncadd.s32 $0xFFFFF000  }
0xb0: {  	[spmem:s2] =	stream.indirect.scatter.add.f32 [tilespmem:s25], [sflag:$0x7], $0x20, s0, s19, $0xb8;
	[tilespmem:$0x1EF00] =	vst v63  }
0xb1: {  	_ =	swait.ge [sflag:s1], $0x1000  }
0xb2: {  	[sflag:s1] =	ssyncset.done $0x0  }
0xb3: {  	[sflag:s1] =	ssyncadd.s32 $0xFFFFF000  }
0xb4: {  	[tilespmem:s20], [sflag:$0x1] =	stream.indirect.gather [hbm4b:s5+s19], $0x20, s9, s19, $0xb8;
	[tilespmem:$0x1EF00] =	vst v63  }
0xb5: {  	_ =	swait.ge [sflag:s10], $0x1000  }
0xb6: {  	[sflag:s10] =	ssyncset.done $0x0  }
0xb7: {  	[sflag:s10] =	ssyncadd.s32 $0xFFFFF000  }
0xb8: {  	[spmem:s2] =	stream.indirect.scatter.add.f32 [tilespmem:s30], [sflag:$0x8], $0x20, s7, s19, $0xb8;
	[tilespmem:$0x1EF00] =	vst v63  }
0xb9: {  	_ =	swait.ge [sflag:s11], $0x1000  }
0xba: {  	[sflag:s11] =	ssyncset.done $0x0  }
0xbb: {  	[sflag:s11] =	ssyncadd.s32 $0xFFFFF000  }
0xbc: {  	[tilespmem:s22], [sflag:$0x2] =	stream.indirect.gather [hbm4b:s5+s19], $0x20, s14, s19, $0xb8;
	[tilespmem:$0x1EF00] =	vst v63  }
.LBB2_8:
0xbd: {  	_ =	swait.ge [sflag:s23], $0x1000  }
0xbe: {  	s24 =	sshra.s32 s3, $0x2;
	[sflag:s23] =	ssyncset.done $0x0  }
0xbf: {  	s28 =	sadd.s32 $0x19D00, s24;
	[sflag:s23] =	ssyncadd.s32 $0xFFFFF000  }
0xc0: {  	[spmem:s2] =	stream.indirect.scatter.add.f32 [tilespmem:s20], [sflag:$0x5], $0x20, s28, s19, $0xb8;
	[tilespmem:$0x1EF00] =	vst v63  }
0xc1: {  	_ =	swait.ge [sflag:s12], $0x1000  }
0xc2: {  	[sflag:s12] =	ssyncset.done $0x0  }
0xc3: {  	s28 =	sadd.s32 $0x18A00, s24;
	[sflag:s12] =	ssyncadd.s32 $0xFFFFF000  }
0xc4: {  	[tilespmem:s25], [sflag:$0x3] =	stream.indirect.gather [hbm4b:s5+s19], $0x20, s28, s19, $0xb8;
	[tilespmem:$0x1EF00] =	vst v63  }
0xc5: {  	_ =	swait.ge [sflag:s26], $0x1000  }
0xc6: {  	[sflag:s26] =	ssyncset.done $0x0  }
0xc7: {  	s28 =	sadd.s32 $0x19D80, s24;
	[sflag:s26] =	ssyncadd.s32 $0xFFFFF000  }
0xc8: {  	[spmem:s2] =	stream.indirect.scatter.add.f32 [tilespmem:s22], [sflag:$0x6], $0x20, s28, s19, $0xb8;
	[tilespmem:$0x1EF00] =	vst v63  }
0xc9: {  	_ =	swait.ge [sflag:s15], $0x1000  }
0xca: {  	[sflag:s15] =	ssyncset.done $0x0  }
0xcb: {  	s28 =	sadd.s32 $0x18A80, s24;
	[sflag:s15] =	ssyncadd.s32 $0xFFFFF000  }
0xcc: {  	[tilespmem:s30], [sflag:$0x4] =	stream.indirect.gather [hbm4b:s5+s19], $0x20, s28, s19, $0xb8;
	[tilespmem:$0x1EF00] =	vst v63  }
0xcd: {  	_ =	swait.ge [sflag:s31], $0x1000  }
0xce: {  	p1 =	seq.s32 s3, $0x4000;
	[sflag:s31] =	ssyncset.done $0x0  }
.Ltmp8:
0xcf: {  	s28 =	sadd.s32 $0x19E00, s24;
	[sflag:s31] =	ssyncadd.s32 $0xFFFFF000;
	(pc) =	sbr.rel @p1 .LBB2_10-.Ltmp8, $4  }
0xd0: {  	[spmem:s2] =	stream.indirect.scatter.add.f32 [tilespmem:s25], [sflag:$0x7], $0x20, s28, s19, $0xb8;
	[tilespmem:$0x1EF00] =	vst v63  }
0xd1: {  	_ =	swait.ge [sflag:s1], $0x1000  }
0xd2: {  	[sflag:s1] =	ssyncset.done $0x0  }
0xd3: {  	s28 =	sadd.s32 $0x19E80, s24;
	[sflag:s1] =	ssyncadd.s32 $0xFFFFF000  }
0xd4: {  	s29 =	sadd.s32 $0x18B00, s24  }
0xd5: {  	[tilespmem:s20], [sflag:$0x1] =	stream.indirect.gather [hbm4b:s5+s19], $0x20, s29, s19, $0xb8;
	[tilespmem:$0x1EF00] =	vst v63  }
0xd6: {  	_ =	swait.ge [sflag:s10], $0x1000  }
0xd7: {  	[sflag:s10] =	ssyncset.done $0x0  }
0xd8: {  	[sflag:s10] =	ssyncadd.s32 $0xFFFFF000  }
0xd9: {  	[spmem:s2] =	stream.indirect.scatter.add.f32 [tilespmem:s30], [sflag:$0x8], $0x20, s28, s19, $0xb8;
	[tilespmem:$0x1EF00] =	vst v63  }
.Ltmp9:
0xda: {  	_ = 	snop;
	(pc) =	sbr.rel .LBB2_8-.Ltmp9, $4  }
0xdb: {  	_ =	swait.ge [sflag:s11], $0x1000  }
0xdc: {  	[sflag:s11] =	ssyncset.done $0x0  }
0xdd: {  	s3 =	sadd.s32 $0x800, s3;
	s29 =	sadd.s32 $0x18B80, s24;
	[sflag:s11] =	ssyncadd.s32 $0xFFFFF000  }
0xde: {  	[tilespmem:s22], [sflag:$0x2] =	stream.indirect.gather [hbm4b:s5+s19], $0x20, s29, s19, $0xb8;
	[tilespmem:$0x1EF00] =	vst v63  }
.LBB2_6:
.Ltmp10:
0xdf: {  	(pc) =	sbr.rel .LBB2_12-.Ltmp10, $3  }
0xe0: {  	_ =	sdelay $0x1  }
0xe1: {  	s3 =	rddreg [dreg:$0x5]  }
0xe2: {  	s21 =	rddreg [dreg:$0x3]  }
.LBB2_13:
0xe3: {  	_ =	sfence.sel $0x180000  }
0xe4: {  	[bflag:$0x0] =	sbarrier.arrive $0xFFFF  }
0xe5: {  	_ =	strace $0x90000050  }
0xe6: {  	s0 =	stileid.u32;
	[bflag:$0x2] =	sbarrier.arrive $0xFFFF  }
0xe7: {  	p0 =	sne.s32 s0, $0x0;
	s0 =	rddreg [dreg:$0x2]  }
0xe8: {  	s0 =	sadd.s32 @!p0 $0x100000, s0  }
0xe9: {  	[sflag:s0] =	ssyncadd.tile.s32 @!p0 $0x1;
	_ =	shalt  }
.Lfunc_end2:
_tile_overlayer_lowered:
.L_overlay_start_2:
0xea: {  	(tag) =	ssettag $0x2  }
0xeb: {  	s0 =	rddreg [dreg:$0x0];
	s2 =	stileid.u32  }
0xec: {  	s1 =	rddreg [dreg:$0x1];
	p0 =	sne.s32 s2, $0x0  }
0xed: {  	s3 =	rddreg [dreg:$0x2];
	[bflag:$0x3] =	sbarrier.arrive $0xFFFF;
	s2 =	simm.s32 @!p0 $0x1C09  }
0xee: {  	[timem:s3], [sflag:s2] =	dma.local @!p0 [hbm:s0], s1  }
0xef: {  	s0 =	simm.s32 @!p0 $0x9  }
0xf0: {  	_ =	swait.ge @!p0 [sflag:s0], s1  }
0xf1: {  	s1 =	ssub.s32 @!p0 $0x0, s1;
	[sflag:s0] =	ssyncset.done @!p0 $0x0  }
0xf2: {  	[sflag:s0] =	ssyncadd.s32 @!p0 s1  }
0xf3: {  	[bflag:$0x3] =	sbarrier.arrive $0xFFFF  }
0xf4: {  	_ =	shalt  }

// kernel: kernel.16.cloned.1.call-start
scs
__scs_entry_jumppad:
0x0: {  	(pc) =	sbr.rel $0x88, $3  }
0x1: {  	(tag) =	ssettag $0x0;
	lr =	simm.s32 $0x1  }
0x2: {  	[smem:$0x3F84] =	sst lr;
	_ =	strace $0xD0000000  }
0x3: {  	_ = 	snop  }
0x4: {  	_ = 	snop  }
0x5: {  	_ = 	snop  }
0x6: {  	_ = 	snop  }
0x7: {  	_ = 	snop  }
__scs_overlays_trampoline_lowered:
0x8: {  	[smem:$0x3F93] =	sst s0  }
0x9: {  	[smem:$0x3F94] =	sst s1  }
0xa: {  	[smem:$0x3F95] =	sst s2  }
0xb: {  	[smem:$0x3F96] =	sst s3  }
0xc: {  	[smem:$0x3F97] =	sst s4  }
0xd: {  	[smem:$0x3F98] =	sst s5  }
0xe: {  	[smem:$0x3F99] =	sst s6  }
0xf: {  	[smem:$0x3F9A] =	sst s7  }
0x10: {  	[smem:$0x3F9B] =	sst s8  }
0x11: {  	[smem:$0x3F9C] =	sst s9;
	s0 =	simm.s32 @!p0 $0x0  }
0x12: {  	s1 =	sld [smem:$0x3F82];
	s0 =	simm.s32 @p0 $0x1  }
0x13: {  	[smem:$0x3F9D] =	sst s0;
	s0 =	simm.s32 @!p1 $0x0  }
0x14: {  	s2 =	sld [smem:$0x3F81];
	s0 =	simm.s32 @p1 $0x1  }
0x15: {  	[smem:$0x3F9E] =	sst s0;
	s0 =	simm.s32 @!p2 $0x0  }
0x16: {  	s3 =	sld [smem:$0x3FDB];
	s0 =	simm.s32 @p2 $0x1  }
0x17: {  	s4 =	simm.s32 $0x1BF5;
	[smem:$0x3FA0] =	sst s0  }
0x18: {  	s0 =	sld [smem:$0x3F83];
	_ =	swait.ge [sflag:s4], $0x0  }
0x19: {  	s7 =	sld [smem:$0x3F84]  }
0x1a: {  	s8 =	sadd.s32 $0xFFFFE003, lr  }
0x1b: {  	s9 =	sadd.s32 $0xFFFFFEF7, lr;
	s5 =	simm.s32 $0xFFFFFFFF;
	p2 =	slt.u32 s8, $0xFFFFF086  }
0x1c: {  	p1 =	slt.u32 s9, $0xF7A;
	s5 =	simm.s32 @!p2 $0x0  }
0x1d: {  	s5 =	simm.s32 @p1 $0x1;
	p0 =	seq.s32 s7, s2  }
0x1e: {  	s7 =	smul.u32 @!p0 $0xF7A, s2;
	p2 =	seq.s32 @!p0 s5, $0x0  }
0x1f: {  	s9 =	smul.u32 $0xF7A, s1;
	s8 =	simm.s32 @!p0 $0x1BF5;
	p2 =	por !p2, p0  }
0x20: {  	[sflag:s8] =	ssyncset.s32 @!p0 $0xFFFFF086;
	s6 =	sadd.s32 @!p0 s3, s7;
	s7 =	simm.s32 @!p0 $0x108  }
0x21: {  	s3 =	sadd.s32 s3, s9;
	s6 =	sadd.s32 @!p0 $0x88, s6;
	s7 =	simm.s32 @p2 $0x1082  }
0x22: {  	[simem:s7], [sflag:s8] =	dma.local @!p0 [hbm:s6], $0xF7A  }
0x23: {  	s9 =	sor.u32 $0xD0000000, s2;
	s6 =	simm.s32 $0x108;
	_ =	swait.ge @!p0 [sflag:s8], $0x0  }
0x24: {  	s3 =	sadd.s32 $0x88, s3;
	s6 =	simm.s32 @!p1 $0x1082;
	[sflag:s4] =	ssyncset.s32 $0xFFFFF086  }
0x25: {  	[simem:s6], [sflag:s4] =	dma.local [hbm:s3], $0xF7A  }
0x26: {  	[smem:$0x3F84] =	sst s1;
	(tag) =	ssettag s2;
	_ =	strace s9  }
0x27: {  	s1 =	sld [smem:$0x3F94]  }
0x28: {  	s2 =	sld [smem:$0x3F95]  }
0x29: {  	s4 =	sld [smem:$0x3F97]  }
0x2a: {  	p0 =	seq.s32 s5, $0x0;
	s5 =	sld [smem:$0x3F98]  }
0x2b: {  	s6 =	sld [smem:$0x3F99]  }
0x2c: {  	s7 =	sld [smem:$0x3F9A]  }
0x2d: {  	s3 =	simm.s32 $0x108;
	s8 =	sld [smem:$0x3F9B]  }
0x2e: {  	s3 =	simm.s32 @!p0 $0x1082;
	s9 =	sld [smem:$0x3F9C]  }
0x2f: {  	lr =	sadd.s32 s0, s3;
	s0 =	sld [smem:$0x3F93]  }
0x30: {  	s3 =	sld [smem:$0x3F96]  }
0x31: {  	[smem:$0x3F9F] =	sst s10  }
0x32: {  	s10 =	sld [smem:$0x3F9D];
	_ =	sdelay $0x3  }
0x33: {  	p0 =	seq.s32 s10, $0x1;
	s10 =	sld [smem:$0x3F9F];
	_ =	sdelay $0x3  }
0x34: {  	[smem:$0x3F9F] =	sst s10  }
0x35: {  	s10 =	sld [smem:$0x3F9E];
	_ =	sdelay $0x3  }
0x36: {  	p1 =	seq.s32 s10, $0x1;
	s10 =	sld [smem:$0x3F9F];
	_ =	sdelay $0x3  }
0x37: {  	[smem:$0x3F9F] =	sst s10  }
0x38: {  	s10 =	sld [smem:$0x3FA0]  }
0x39: {  	_ = 	snop;
	(pc) =	sbr.ind lr, $3  }
0x3a: {  	_ = 	snop  }
0x3b: {  	_ = 	snop  }
0x3c: {  	p2 =	seq.s32 s10, $0x1;
	s10 =	sld [smem:$0x3F9F]  }
0x3d: {  	_ =	shalt  }
0x3e: {  	_ =	shalt  }
0x3f: {  	_ =	shalt  }
0x40: {  	_ =	shalt  }
0x41: {  	_ =	shalt  }
0x42: {  	_ =	shalt  }
0x43: {  	_ =	shalt  }
0x44: {  	_ =	shalt  }
0x45: {  	_ =	shalt  }
0x46: {  	_ =	shalt  }
0x47: {  	_ =	shalt  }
0x48: {  	_ =	shalt  }
0x49: {  	_ =	shalt  }
0x4a: {  	_ =	shalt  }
0x4b: {  	_ =	shalt  }
0x4c: {  	_ =	shalt  }
0x4d: {  	_ =	shalt  }
0x4e: {  	_ =	shalt  }
0x4f: {  	_ =	shalt  }
0x50: {  	_ =	shalt  }
0x51: {  	_ =	shalt  }
0x52: {  	_ =	shalt  }
0x53: {  	_ =	shalt  }
0x54: {  	_ =	shalt  }
0x55: {  	_ =	shalt  }
0x56: {  	_ =	shalt  }
0x57: {  	_ =	shalt  }
0x58: {  	_ =	shalt  }
0x59: {  	_ =	shalt  }
0x5a: {  	_ =	shalt  }
0x5b: {  	_ =	shalt  }
0x5c: {  	_ =	shalt  }
0x5d: {  	_ =	shalt  }
0x5e: {  	_ =	shalt  }
0x5f: {  	_ =	shalt  }
0x60: {  	_ =	shalt  }
0x61: {  	_ =	shalt  }
0x62: {  	_ =	shalt  }
0x63: {  	_ =	shalt  }
0x64: {  	_ =	shalt  }
0x65: {  	_ =	shalt  }
0x66: {  	_ =	shalt  }
0x67: {  	_ =	shalt  }
0x68: {  	_ =	shalt  }
0x69: {  	_ =	shalt  }
0x6a: {  	_ =	shalt  }
0x6b: {  	_ =	shalt  }
0x6c: {  	_ =	shalt  }
0x6d: {  	_ =	shalt  }
0x6e: {  	_ =	shalt  }
0x6f: {  	_ =	shalt  }
0x70: {  	_ =	shalt  }
0x71: {  	_ =	shalt  }
0x72: {  	_ =	shalt  }
0x73: {  	_ =	shalt  }
0x74: {  	_ =	shalt  }
0x75: {  	_ =	shalt  }
0x76: {  	_ =	shalt  }
0x77: {  	_ =	shalt  }
0x78: {  	_ =	shalt  }
0x79: {  	_ =	shalt  }
0x7a: {  	_ =	shalt  }
0x7b: {  	_ =	shalt  }
0x7c: {  	_ =	shalt  }
0x7d: {  	_ =	shalt  }
0x7e: {  	_ =	shalt  }
0x7f: {  	_ =	shalt  }
0x80: {  	_ =	shalt  }
0x81: {  	_ =	shalt  }
0x82: {  	_ =	shalt  }
0x83: {  	_ =	shalt  }
0x84: {  	_ =	shalt  }
0x85: {  	_ =	shalt  }
0x86: {  	_ =	shalt  }
0x87: {  	_ =	shalt  }
.Lfunc_end0:
.L_simem_size_0:
called_computation.4_lowered:
.L_overlay_start_0:
0x88: {  	s2 =	sld [smem:$0x3FD9]  }
0x89: {  	s3 =	sld [smem:$0x3FFE];
	_ =	sdelay $0x1  }
0x8a: {  	s1 =	srdreg.scid  }
0x8b: {  	s0 =	sand.u32 $0x1, s1  }
0x8c: {  	s16 =	sshll.u32 s0, $0xA;
	s2 =	sadd.s32 s3, s2  }
0x8d: {  	s2 =	sadd.s32 s2, s16  }
0x8e: {  	[smem:$0x3FAB] =	sst s2  }
0x8f: {  	_ = 	snop  }
0x90: {  	(tm) =	ssettm $0x1  }
0x91: {  	s17 =	sld [smem:$0x3FFB];
	_ =	sdelay $0x3  }
0x92: {  	_ =	strace s17  }
0x93: {  	s2 =	sld [smem:$0x3FFC];
	_ =	sdelay $0x3  }
0x94: {  	_ =	strace s2  }
0x95: {  	s2 =	sld [smem:$0x3FFD];
	_ =	sdelay $0x3  }
0x96: {  	_ =	strace s2  }
0x97: {  	_ =	strace $0x8FFFFFFF  }
0x98: {  	s18 =	sld [smem:$0x3FDB];
	_ =	sdelay $0x1  }
0x99: {  	s19 =	simm.s32 $_scs_section_size  }
0x9a: {  	s4 =	simm.s32 $_size__tile_overlayer_lowered;
	s5 =	simm.s32 $_tile_overlayer_lowered  }
0x9b: {  	s22 =	simm.s32 $0x1BFF;
	s21 =	sshll.u32 s5, $0x1;
	s2 =	sadd.s32 s19, s18  }
0x9c: {  	s6 =	simm.s32 $0x0;
	s20 =	sshll.u32 s4, $0x1;
	s4 =	sadd.s32 s21, s2  }
0x9d: {  	[timem:s6], [sflag:s22] =	dma.local [hbm:s4], s20  }
0x9e: {  	_ =	swait.ge [sflag:s22], s20  }
0x9f: {  	s3 =	ssub.s32 $0x0, s20;
	[sflag:s22] =	ssyncset.done $0x0  }
0xa0: {  	[sflag:s22] =	ssyncadd.s32 s3;
	_ =	sdelay $0x1  }
0xa1: {  	s23 =	simm.s32 $0x1B8B  }
0xa2: {  	_ =	swait.ge [sflag:s23], $0x1  }
0xa3: {  	[sflag:s23] =	ssyncset.done $0x0  }
0xa4: {  	s25 =	simm.s32 $0x1B8E;
	s24 =	sld [smem:$0x3FFE];
	[sflag:s23] =	ssyncadd.s32 $0xFFFFFFFF  }
0xa5: {  	s26 =	simm.s32 $execute0_lowered;
	[smem:$0x3FD2] =	sst s25  }
0xa6: {  	s4 =	sshll.u32 s26, $0x1;
	_ =	strace $0x80000052;
	[dreg:$0x1] =	wrdreg $0xFFFFFFFF  }
0xa7: {  	s28 =	simm.s32 $_size_execute0_lowered;
	s2 =	sadd.s32 s2, s4;
	[dreg:$0x0] =	wrdreg $0x0  }
0xa8: {  	s4 =	sshll.u32 s28, $0x1;
	[dreg:$0x2] =	wrdreg s2  }
0xa9: {  	[dreg:$0x3] =	wrdreg s4  }
0xaa: {  	[dreg:$0x4] =	wrdreg $0xC0  }
0xab: {  	_ =	task [dreg:s6], $0x5FFFF  }
0xac: {  	[dreg:$0x1] =	wrdreg $0xFFFFFFFF  }
0xad: {  	[dreg:$0x0] =	wrdreg $0x60  }
0xae: {  	[dreg:$0x2] =	wrdreg s24  }
0xaf: {  	[dreg:$0x3] =	wrdreg $0x0  }
0xb0: {  	[dreg:$0x4] =	wrdreg $0x9  }
0xb1: {  	_ =	task.clear_ibuf [dreg:s6], $0x5FFFF;
	_ =	strace $0x90000052  }
0xb2: {  	s29 =	simm.s32 $0x9;
	_ =	strace $0x80000054  }
0xb3: {  	_ =	swait.ge [sflag:s29], $0x1  }
0xb4: {  	[sflag:s29] =	ssyncadd.s32 $0xFFFFFFFF  }
0xb5: {  	_ =	strace $0x90000054  }
0xb6: {  	_ =	sfence  }
0xb7: {  	s30 =	sld [smem:$0x0];
	_ =	sdelay $0x2  }
0xb8: {  	s31 =	sshll.u32 s1, $0xD;
	s1 =	sshrl.u32 s1, $0x2  }
0xb9: {  	s3 =	sand.u32 $0x4000, s31;
	s1 =	sadd.s32 s1, s30  }
0xba: {  	s0 =	sor.u32 s3, s0;
	s1 =	sshll.u32 s1, $0x11  }
0xbb: {  	s0 =	sor.u32 s1, s0  }
0xbc: {  	s0 =	sadd.s32 $0x8F2B, s0  }
0xbd: {  	[sflag:s0] =	ssyncadd.remote.s32 $0x1  }
0xbe: {  	_ =	sfence.sel $0xFFFF  }
0xbf: {  	[dreg:$0x0] =	wrdreg $0xFFFFFFFF;
	(pc) =	sbr.abs _section_cstart, $3  }
0xc0: {  	[dreg:$0x1] =	wrdreg $0xFFFFFFFF  }
0xc1: {  	_ =	task.clear_ibuf [dreg:s6], $0x2FFFF;
	_ =	strace $0x9FFFFFFF  }
0xc2: {  	(tm) =	ssettm $0x7FFFFFFF  }
0xc3: {  	_ =	shalt  }
tec
execute0_lowered:
.L_overlay_start_1:
0x0: {  	(tag) =	ssettag $0x1  }
0x1: {  	s0 =	rddreg [dreg:$0x0]  }
0x2: {  	s2 =	rddreg [dreg:$0x1]  }
0x3: {  	s21 =	simm.s32 $0x0;
	s10 =	stileid.u32;
	s3 =	srdreg.scid  }
0x4: {  	s16 =	simm.s32 $0x9;
	s17 =	simm.s32 $0x18700;
	s18 =	simm.s32 $0x19B00  }
0x5: {  	s19 =	simm.s32 $0x80;
	s20 =	simm.s32 $0x1AF00;
	s22 =	simm.s32 $0x1BF00  }
0x6: {  	s23 =	simm.s32 $0x1;
	s25 =	simm.s32 $0x1CF00;
	s30 =	simm.s32 $0x1DF00  }
0x7: {  	s31 =	simm.s32 $0x3;
	s14 =	simm.s32 $0x18980;
	s12 =	simm.s32 $0x7  }
0x8: {  	s15 =	simm.s32 $0x8;
	[smem:$0x7FF] =	sst s21;
	s1 =	smul.u32 $0x18700, s10  }
0x9: {  	s4 =	sadd.s32 $0x6200, s0;
	s5 =	sadd.s32 $0x6A600, s0;
	s6 =	sadd.s32 $0x51600, s0  }
0xa: {  	s3 =	sand.u32 $0x1, s3;
	s8 =	sadd.s32 $0x38600, s0;
	s11 =	sadd.s32 $0xFD000, s0  }
0xb: {  	s29 =	sshll.u32 s10, $0x6;
	s13 =	smul.u32 $0x190, s10;
	s10 =	simm.s32 $0x4  }
0xc: {  	_ =	strace $0x80000053;
	s9 =	ssub.s32 $0x2, s3;
	[dreg:$0x5] =	wrdreg s11  }
0xd: {  	s24 =	sor.u32 $0x1C09, s29;
	p0 =	sne.s32 s3, $0x0;
	s11 =	simm.s32 $0x6  }
0xe: {  	s7 =	sshrl.u32 s1, $0x3;
	s26 =	sshrl.u32 s9, $0x1;
	[dreg:$0x8] =	wrdreg s24  }
0xf: {  	s1 =	sadd.s32 s1, s2;
	[dreg:$0x4] =	wrdreg s7;
	s7 =	sadd.s32 s7, s0  }
.Ltmp0:
0x10: {  	s0 =	sadd.s32 $0xCC200, s0;
	s28 =	sshrl.u32 s1, $0x3;
	(pc) =	sbr.rel .LBB2_1-.Ltmp0, $4  }
0x11: {  	s1 =	simm.s32 $0x5;
	[dreg:$0x6] =	wrdreg s0;
	s0 =	ssub.s32 s9, s26  }
0x12: {  	s7 =	sadd.s32 $0x9B400, s7;
	s26 =	simm.s32 $0x2;
	[dreg:$0xa] =	wrdreg s28  }
0x13: {  	s9 =	simm.s32 $0x18900;
	[dreg:$0x7] =	wrdreg s7;
	s0 =	smax.u32 s0, $0x1  }
0x14: {  	s7 =	simm.s32 $0x19C80;
	[dreg:$0x9] =	wrdreg s0;
	s0 =	simm.s32 $0x19C00  }
.LBB2_11:
0x15: {  	s3 =	rddreg [dreg:$0x6]  }
0x16: {  	s21 =	rddreg [dreg:$0x3]  }
.LBB2_12:
0x17: {  	s24 =	rddreg [dreg:$0x4];
	[bflag:$0x0] =	sbarrier.arrive $0xFFFF  }
0x18: {  	s3 =	sadd.s32 s3, s24;
	s24 =	rddreg [dreg:$0x8]  }
0x19: {  	s28 =	rddreg [dreg:$0xa]  }
0x1a: {  	[hbm:s3], [sflag:s24] =	dma.local [spmem:s28], $0x30E0  }
0x1b: {  	_ =	swait.ge [sflag:s16], $0x30E0  }
0x1c: {  	s21 =	sadd.s32 $0x1, s21;
	s29 =	rddreg [dreg:$0x9]  }
0x1d: {  	p1 =	sne.s32 s21, s29  }
.Ltmp1:
0x1e: {  	_ = 	snop;
	(pc) =	sbr.rel @!p1 .LBB2_13-.Ltmp1, $3  }
0x1f: {  	_ =	sdelay $0x1  }
0x20: {  	[sflag:s16] =	ssyncset.done $0x0  }
0x21: {  	[sflag:s16] =	ssyncadd.s32 $0xFFFFCF20  }
.LBB2_1:
0x22: {  	[dreg:$0x3] =	wrdreg s21  }
0x23: {  	s3 =	rddreg [dreg:$0x7]  }
0x24: {  	[spmem:s28], [sflag:s24] =	dma.local [hbm:s3], $0x30E0  }
.Ltmp2:
0x25: {  	_ =	swait.ge [sflag:s16], $0x30E0;
	(pc) =	sbr.rel @p0 .LBB2_7-.Ltmp2, $4  }
.Ltmp3:
0x26: {  	[sflag:s16] =	ssyncset.done $0x0;
	(pc) =	sbr.rel @!p0 .LBB2_2-.Ltmp3, $4  }
0x27: {  	[sflag:s16] =	ssyncadd.s32 $0xFFFFCF20  }
0x28: {  	[bflag:$0x0] =	sbarrier.arrive $0xFFFF  }
0x29: {  	s21 =	simm.s32 $0x0;
	s3 =	simm.s32 $0x0  }
0x2a: {  	_ = 	snop  }
.LBB2_5:
0x2b: {  	_ =	swait.ge [sflag:s10], $0x1000  }
0x2c: {  	[sflag:s10] =	ssyncset.done $0x0  }
0x2d: {  	[sflag:s10] =	ssyncadd.s32 $0xFFFFF000  }
0x2e: {  	[spmem:s2] =	stream.indirect.scatter.add.f32 [tilespmem:s30], [sflag:$0x8], $0x20, s28, s19, $0xb8;
	[tilespmem:$0x1EF00] =	vst v63  }
0x2f: {  	_ =	swait.ge [sflag:s11], $0x1000  }
0x30: {  	[sflag:s11] =	ssyncset.done $0x0  }
0x31: {  	s3 =	sadd.s32 $0x1, s3;
	[sflag:s11] =	ssyncadd.s32 $0xFFFFF000  }
0x32: {  	p1 =	seq.s32 s3, $0xA;
	_ =	swait.ge [sflag:s12], $0x1000  }
.Ltmp4:
0x33: {  	[sflag:s12] =	ssyncset.done $0x0;
	(pc) =	sbr.rel @p1 .LBB2_6-.Ltmp4, $4  }
0x34: {  	[sflag:s12] =	ssyncadd.s32 $0xFFFFF000  }
0x35: {  	_ =	swait.ge [sflag:s15], $0x1000  }
0x36: {  	[sflag:s15] =	ssyncset.done $0x0  }
0x37: {  	[sflag:s15] =	ssyncadd.s32 $0xFFFFF000  }
.LBB2_2:
0x38: {  	s21 =	smul.u32 $0x28, s3;
	_ =	sdelay $0x1  }
0x39: {  	s21 =	sadd.s32 s13, s21  }
0x3a: {  	s24 =	sshll.u32 s21, $0x4  }
0x3b: {  	s21 =	simm.s32 $0x0;
	s28 =	sadd.s32 s6, s24  }
0x3c: {  	[tilespmem:s17], [sflag:$0x9] =	stream.linear.gather [hbm4b:s28+s21], $0x1400, $0x38;
	[tilespmem:$0x1EF00] =	vst v63  }
0x3d: {  	_ =	swait.ge [sflag:s16], $0x1400  }
0x3e: {  	[sflag:s16] =	ssyncset.done $0x0  }
0x3f: {  	s24 =	sadd.s32 s8, s24;
	[sflag:s16] =	ssyncadd.s32 $0xFFFFEC00  }
0x40: {  	[tilespmem:s18], [sflag:$0x9] =	stream.linear.gather [hbm4b:s24+s21], $0x1400, $0x38;
	[tilespmem:$0x1EF00] =	vst v63  }
0x41: {  	_ =	swait.ge [sflag:s16], $0x1400  }
0x42: {  	[sflag:s16] =	ssyncset.done $0x0  }
0x43: {  	[sflag:s16] =	ssyncadd.s32 $0xFFFFEC00  }
0x44: {  	[tilespmem:s20], [sflag:$0x1] =	stream.indirect.gather [hbm4b:s4+s19], $0x20, s17, s19, $0xb8;
	[tilespmem:$0x1EF00] =	vst v63  }
0x45: {  	s28 =	simm.s32 $0x18780  }
0x46: {  	[tilespmem:s22], [sflag:$0x2] =	stream.indirect.gather [hbm4b:s4+s19], $0x20, s28, s19, $0xb8;
	[tilespmem:$0x1EF00] =	vst v63  }
0x47: {  	_ =	swait.ge [sflag:s23], $0x1000  }
0x48: {  	[sflag:s23] =	ssyncset.done $0x0  }
0x49: {  	[sflag:s23] =	ssyncadd.s32 $0xFFFFF000  }
0x4a: {  	[spmem:s2] =	stream.indirect.scatter.add.f32 [tilespmem:s20], [sflag:$0x5], $0x20, s18, s19, $0xb8;
	[tilespmem:$0x1EF00] =	vst v63  }
0x4b: {  	s29 =	simm.s32 $0x18800  }
0x4c: {  	[tilespmem:s25], [sflag:$0x3] =	stream.indirect.gather [hbm4b:s4+s19], $0x20, s29, s19, $0xb8;
	[tilespmem:$0x1EF00] =	vst v63  }
0x4d: {  	_ =	swait.ge [sflag:s26], $0x1000  }
0x4e: {  	[sflag:s26] =	ssyncset.done $0x0  }
0x4f: {  	s28 =	simm.s32 $0x19B80;
	[sflag:s26] =	ssyncadd.s32 $0xFFFFF000  }
0x50: {  	[spmem:s2] =	stream.indirect.scatter.add.f32 [tilespmem:s22], [sflag:$0x6], $0x20, s28, s19, $0xb8;
	[tilespmem:$0x1EF00] =	vst v63  }
0x51: {  	s29 =	simm.s32 $0x18880  }
0x52: {  	[tilespmem:s30], [sflag:$0x4] =	stream.indirect.gather [hbm4b:s4+s19], $0x20, s29, s19, $0xb8;
	[tilespmem:$0x1EF00] =	vst v63  }
0x53: {  	_ =	swait.ge [sflag:s31], $0x1000  }
0x54: {  	[sflag:s31] =	ssyncset.done $0x0  }
0x55: {  	[sflag:s31] =	ssyncadd.s32 $0xFFFFF000  }
0x56: {  	[spmem:s2] =	stream.indirect.scatter.add.f32 [tilespmem:s25], [sflag:$0x7], $0x20, s0, s19, $0xb8;
	[tilespmem:$0x1EF00] =	vst v63  }
0x57: {  	_ =	swait.ge [sflag:s1], $0x1000  }
0x58: {  	[sflag:s1] =	ssyncset.done $0x0  }
0x59: {  	[sflag:s1] =	ssyncadd.s32 $0xFFFFF000  }
0x5a: {  	[tilespmem:s20], [sflag:$0x1] =	stream.indirect.gather [hbm4b:s4+s19], $0x20, s9, s19, $0xb8;
	[tilespmem:$0x1EF00] =	vst v63  }
0x5b: {  	_ =	swait.ge [sflag:s10], $0x1000  }
0x5c: {  	[sflag:s10] =	ssyncset.done $0x0  }
0x5d: {  	[sflag:s10] =	ssyncadd.s32 $0xFFFFF000  }
0x5e: {  	[spmem:s2] =	stream.indirect.scatter.add.f32 [tilespmem:s30], [sflag:$0x8], $0x20, s7, s19, $0xb8;
	[tilespmem:$0x1EF00] =	vst v63  }
0x5f: {  	_ =	swait.ge [sflag:s11], $0x1000  }
0x60: {  	[sflag:s11] =	ssyncset.done $0x0  }
0x61: {  	[sflag:s11] =	ssyncadd.s32 $0xFFFFF000  }
0x62: {  	[tilespmem:s22], [sflag:$0x2] =	stream.indirect.gather [hbm4b:s4+s19], $0x20, s14, s19, $0xb8;
	[tilespmem:$0x1EF00] =	vst v63  }
.LBB2_3:
0x63: {  	_ =	swait.ge [sflag:s23], $0x1000  }
0x64: {  	s24 =	sshra.s32 s21, $0x2;
	[sflag:s23] =	ssyncset.done $0x0  }
0x65: {  	s28 =	sadd.s32 $0x19D00, s24;
	[sflag:s23] =	ssyncadd.s32 $0xFFFFF000  }
0x66: {  	[spmem:s2] =	stream.indirect.scatter.add.f32 [tilespmem:s20], [sflag:$0x5], $0x20, s28, s19, $0xb8;
	[tilespmem:$0x1EF00] =	vst v63  }
0x67: {  	_ =	swait.ge [sflag:s12], $0x1000  }
0x68: {  	[sflag:s12] =	ssyncset.done $0x0  }
0x69: {  	s28 =	sadd.s32 $0x18A00, s24;
	[sflag:s12] =	ssyncadd.s32 $0xFFFFF000  }
0x6a: {  	[tilespmem:s25], [sflag:$0x3] =	stream.indirect.gather [hbm4b:s4+s19], $0x20, s28, s19, $0xb8;
	[tilespmem:$0x1EF00] =	vst v63  }
0x6b: {  	_ =	swait.ge [sflag:s26], $0x1000  }
0x6c: {  	[sflag:s26] =	ssyncset.done $0x0  }
0x6d: {  	s28 =	sadd.s32 $0x19D80, s24;
	[sflag:s26] =	ssyncadd.s32 $0xFFFFF000  }
0x6e: {  	[spmem:s2] =	stream.indirect.scatter.add.f32 [tilespmem:s22], [sflag:$0x6], $0x20, s28, s19, $0xb8;
	[tilespmem:$0x1EF00] =	vst v63  }
0x6f: {  	_ =	swait.ge [sflag:s15], $0x1000  }
0x70: {  	[sflag:s15] =	ssyncset.done $0x0  }
0x71: {  	s28 =	sadd.s32 $0x18A80, s24;
	[sflag:s15] =	ssyncadd.s32 $0xFFFFF000  }
0x72: {  	[tilespmem:s30], [sflag:$0x4] =	stream.indirect.gather [hbm4b:s4+s19], $0x20, s28, s19, $0xb8;
	[tilespmem:$0x1EF00] =	vst v63  }
0x73: {  	_ =	swait.ge [sflag:s31], $0x1000  }
0x74: {  	p1 =	seq.s32 s21, $0x4000;
	[sflag:s31] =	ssyncset.done $0x0  }
.Ltmp5:
0x75: {  	s28 =	sadd.s32 $0x19E00, s24;
	[sflag:s31] =	ssyncadd.s32 $0xFFFFF000;
	(pc) =	sbr.rel @p1 .LBB2_5-.Ltmp5, $4  }
0x76: {  	[spmem:s2] =	stream.indirect.scatter.add.f32 [tilespmem:s25], [sflag:$0x7], $0x20, s28, s19, $0xb8;
	[tilespmem:$0x1EF00] =	vst v63  }
0x77: {  	_ =	swait.ge [sflag:s1], $0x1000  }
0x78: {  	[sflag:s1] =	ssyncset.done $0x0  }
0x79: {  	s28 =	sadd.s32 $0x19E80, s24;
	[sflag:s1] =	ssyncadd.s32 $0xFFFFF000  }
0x7a: {  	s29 =	sadd.s32 $0x18B00, s24  }
0x7b: {  	[tilespmem:s20], [sflag:$0x1] =	stream.indirect.gather [hbm4b:s4+s19], $0x20, s29, s19, $0xb8;
	[tilespmem:$0x1EF00] =	vst v63  }
0x7c: {  	_ =	swait.ge [sflag:s10], $0x1000  }
0x7d: {  	[sflag:s10] =	ssyncset.done $0x0  }
0x7e: {  	[sflag:s10] =	ssyncadd.s32 $0xFFFFF000  }
0x7f: {  	[spmem:s2] =	stream.indirect.scatter.add.f32 [tilespmem:s30], [sflag:$0x8], $0x20, s28, s19, $0xb8;
	[tilespmem:$0x1EF00] =	vst v63  }
.Ltmp6:
0x80: {  	_ = 	snop;
	(pc) =	sbr.rel .LBB2_3-.Ltmp6, $4  }
0x81: {  	_ =	swait.ge [sflag:s11], $0x1000  }
0x82: {  	[sflag:s11] =	ssyncset.done $0x0  }
0x83: {  	s21 =	sadd.s32 $0x800, s21;
	s29 =	sadd.s32 $0x18B80, s24;
	[sflag:s11] =	ssyncadd.s32 $0xFFFFF000  }
0x84: {  	[tilespmem:s22], [sflag:$0x2] =	stream.indirect.gather [hbm4b:s4+s19], $0x20, s29, s19, $0xb8;
	[tilespmem:$0x1EF00] =	vst v63  }
.LBB2_10:
0x85: {  	_ =	swait.ge [sflag:s10], $0x1000  }
0x86: {  	[sflag:s10] =	ssyncset.done $0x0  }
0x87: {  	[sflag:s10] =	ssyncadd.s32 $0xFFFFF000  }
0x88: {  	[spmem:s2] =	stream.indirect.scatter.add.f32 [tilespmem:s30], [sflag:$0x8], $0x20, s28, s19, $0xb8;
	[tilespmem:$0x1EF00] =	vst v63  }
0x89: {  	_ =	swait.ge [sflag:s11], $0x1000  }
0x8a: {  	[sflag:s11] =	ssyncset.done $0x0  }
0x8b: {  	s21 =	sadd.s32 $0x1, s21;
	[sflag:s11] =	ssyncadd.s32 $0xFFFFF000  }
0x8c: {  	p1 =	sne.s32 s21, $0xA;
	_ =	swait.ge [sflag:s12], $0x1000  }
.Ltmp7:
0x8d: {  	[sflag:s12] =	ssyncset.done $0x0;
	(pc) =	sbr.rel @!p1 .LBB2_11-.Ltmp7, $4  }
0x8e: {  	[sflag:s12] =	ssyncadd.s32 $0xFFFFF000  }
0x8f: {  	_ =	swait.ge [sflag:s15], $0x1000  }
0x90: {  	[sflag:s15] =	ssyncset.done $0x0  }
0x91: {  	[sflag:s15] =	ssyncadd.s32 $0xFFFFF000  }
.LBB2_7:
0x92: {  	s3 =	smul.u32 $0x28, s21;
	_ =	sdelay $0x1  }
0x93: {  	s3 =	sadd.s32 s13, s3  }
0x94: {  	s24 =	sshll.u32 s3, $0x4  }
0x95: {  	s3 =	simm.s32 $0x0;
	s28 =	sadd.s32 s6, s24  }
0x96: {  	[tilespmem:s17], [sflag:$0x9] =	stream.linear.gather [hbm4b:s28+s3], $0x1400, $0x38;
	[tilespmem:$0x1EF00] =	vst v63  }
0x97: {  	_ =	swait.ge [sflag:s16], $0x1400  }
0x98: {  	[sflag:s16] =	ssyncset.done $0x0  }
0x99: {  	s24 =	sadd.s32 s8, s24;
	[sflag:s16] =	ssyncadd.s32 $0xFFFFEC00  }
0x9a: {  	[tilespmem:s18], [sflag:$0x9] =	stream.linear.gather [hbm4b:s24+s3], $0x1400, $0x38;
	[tilespmem:$0x1EF00] =	vst v63  }
0x9b: {  	_ =	swait.ge [sflag:s16], $0x1400  }
0x9c: {  	[sflag:s16] =	ssyncset.done $0x0  }
0x9d: {  	[sflag:s16] =	ssyncadd.s32 $0xFFFFEC00  }
0x9e: {  	[tilespmem:s20], [sflag:$0x1] =	stream.indirect.gather [hbm4b:s5+s19], $0x20, s17, s19, $0xb8;
	[tilespmem:$0x1EF00] =	vst v63  }
0x9f: {  	s28 =	simm.s32 $0x18780  }
0xa0: {  	[tilespmem:s22], [sflag:$0x2] =	stream.indirect.gather [hbm4b:s5+s19], $0x20, s28, s19, $0xb8;
	[tilespmem:$0x1EF00] =	vst v63  }
0xa1: {  	_ =	swait.ge [sflag:s23], $0x1000  }
0xa2: {  	[sflag:s23] =	ssyncset.done $0x0  }
0xa3: {  	[sflag:s23] =	ssyncadd.s32 $0xFFFFF000  }
0xa4: {  	[spmem:s2] =	stream.indirect.scatter.add.f32 [tilespmem:s20], [sflag:$0x5], $0x20, s18, s19, $0xb8;
	[tilespmem:$0x1EF00] =	vst v63  }
0xa5: {  	s29 =	simm.s32 $0x18800  }
0xa6: {  	[tilespmem:s25], [sflag:$0x3] =	stream.indirect.gather [hbm4b:s5+s19], $0x20, s29, s19, $0xb8;
	[tilespmem:$0x1EF00] =	vst v63  }
0xa7: {  	_ =	swait.ge [sflag:s26], $0x1000  }
0xa8: {  	[sflag:s26] =	ssyncset.done $0x0  }
0xa9: {  	s28 =	simm.s32 $0x19B80;
	[sflag:s26] =	ssyncadd.s32 $0xFFFFF000  }
0xaa: {  	[spmem:s2] =	stream.indirect.scatter.add.f32 [tilespmem:s22], [sflag:$0x6], $0x20, s28, s19, $0xb8;
	[tilespmem:$0x1EF00] =	vst v63  }
0xab: {  	s29 =	simm.s32 $0x18880  }
0xac: {  	[tilespmem:s30], [sflag:$0x4] =	stream.indirect.gather [hbm4b:s5+s19], $0x20, s29, s19, $0xb8;
	[tilespmem:$0x1EF00] =	vst v63  }
0xad: {  	_ =	swait.ge [sflag:s31], $0x1000  }
0xae: {  	[sflag:s31] =	ssyncset.done $0x0  }
0xaf: {  	[sflag:s31] =	ssyncadd.s32 $0xFFFFF000  }
0xb0: {  	[spmem:s2] =	stream.indirect.scatter.add.f32 [tilespmem:s25], [sflag:$0x7], $0x20, s0, s19, $0xb8;
	[tilespmem:$0x1EF00] =	vst v63  }
0xb1: {  	_ =	swait.ge [sflag:s1], $0x1000  }
0xb2: {  	[sflag:s1] =	ssyncset.done $0x0  }
0xb3: {  	[sflag:s1] =	ssyncadd.s32 $0xFFFFF000  }
0xb4: {  	[tilespmem:s20], [sflag:$0x1] =	stream.indirect.gather [hbm4b:s5+s19], $0x20, s9, s19, $0xb8;
	[tilespmem:$0x1EF00] =	vst v63  }
0xb5: {  	_ =	swait.ge [sflag:s10], $0x1000  }
0xb6: {  	[sflag:s10] =	ssyncset.done $0x0  }
0xb7: {  	[sflag:s10] =	ssyncadd.s32 $0xFFFFF000  }
0xb8: {  	[spmem:s2] =	stream.indirect.scatter.add.f32 [tilespmem:s30], [sflag:$0x8], $0x20, s7, s19, $0xb8;
	[tilespmem:$0x1EF00] =	vst v63  }
0xb9: {  	_ =	swait.ge [sflag:s11], $0x1000  }
0xba: {  	[sflag:s11] =	ssyncset.done $0x0  }
0xbb: {  	[sflag:s11] =	ssyncadd.s32 $0xFFFFF000  }
0xbc: {  	[tilespmem:s22], [sflag:$0x2] =	stream.indirect.gather [hbm4b:s5+s19], $0x20, s14, s19, $0xb8;
	[tilespmem:$0x1EF00] =	vst v63  }
.LBB2_8:
0xbd: {  	_ =	swait.ge [sflag:s23], $0x1000  }
0xbe: {  	s24 =	sshra.s32 s3, $0x2;
	[sflag:s23] =	ssyncset.done $0x0  }
0xbf: {  	s28 =	sadd.s32 $0x19D00, s24;
	[sflag:s23] =	ssyncadd.s32 $0xFFFFF000  }
0xc0: {  	[spmem:s2] =	stream.indirect.scatter.add.f32 [tilespmem:s20], [sflag:$0x5], $0x20, s28, s19, $0xb8;
	[tilespmem:$0x1EF00] =	vst v63  }
0xc1: {  	_ =	swait.ge [sflag:s12], $0x1000  }
0xc2: {  	[sflag:s12] =	ssyncset.done $0x0  }
0xc3: {  	s28 =	sadd.s32 $0x18A00, s24;
	[sflag:s12] =	ssyncadd.s32 $0xFFFFF000  }
0xc4: {  	[tilespmem:s25], [sflag:$0x3] =	stream.indirect.gather [hbm4b:s5+s19], $0x20, s28, s19, $0xb8;
	[tilespmem:$0x1EF00] =	vst v63  }
0xc5: {  	_ =	swait.ge [sflag:s26], $0x1000  }
0xc6: {  	[sflag:s26] =	ssyncset.done $0x0  }
0xc7: {  	s28 =	sadd.s32 $0x19D80, s24;
	[sflag:s26] =	ssyncadd.s32 $0xFFFFF000  }
0xc8: {  	[spmem:s2] =	stream.indirect.scatter.add.f32 [tilespmem:s22], [sflag:$0x6], $0x20, s28, s19, $0xb8;
	[tilespmem:$0x1EF00] =	vst v63  }
0xc9: {  	_ =	swait.ge [sflag:s15], $0x1000  }
0xca: {  	[sflag:s15] =	ssyncset.done $0x0  }
0xcb: {  	s28 =	sadd.s32 $0x18A80, s24;
	[sflag:s15] =	ssyncadd.s32 $0xFFFFF000  }
0xcc: {  	[tilespmem:s30], [sflag:$0x4] =	stream.indirect.gather [hbm4b:s5+s19], $0x20, s28, s19, $0xb8;
	[tilespmem:$0x1EF00] =	vst v63  }
0xcd: {  	_ =	swait.ge [sflag:s31], $0x1000  }
0xce: {  	p1 =	seq.s32 s3, $0x4000;
	[sflag:s31] =	ssyncset.done $0x0  }
.Ltmp8:
0xcf: {  	s28 =	sadd.s32 $0x19E00, s24;
	[sflag:s31] =	ssyncadd.s32 $0xFFFFF000;
	(pc) =	sbr.rel @p1 .LBB2_10-.Ltmp8, $4  }
0xd0: {  	[spmem:s2] =	stream.indirect.scatter.add.f32 [tilespmem:s25], [sflag:$0x7], $0x20, s28, s19, $0xb8;
	[tilespmem:$0x1EF00] =	vst v63  }
0xd1: {  	_ =	swait.ge [sflag:s1], $0x1000  }
0xd2: {  	[sflag:s1] =	ssyncset.done $0x0  }
0xd3: {  	s28 =	sadd.s32 $0x19E80, s24;
	[sflag:s1] =	ssyncadd.s32 $0xFFFFF000  }
0xd4: {  	s29 =	sadd.s32 $0x18B00, s24  }
0xd5: {  	[tilespmem:s20], [sflag:$0x1] =	stream.indirect.gather [hbm4b:s5+s19], $0x20, s29, s19, $0xb8;
	[tilespmem:$0x1EF00] =	vst v63  }
0xd6: {  	_ =	swait.ge [sflag:s10], $0x1000  }
0xd7: {  	[sflag:s10] =	ssyncset.done $0x0  }
0xd8: {  	[sflag:s10] =	ssyncadd.s32 $0xFFFFF000  }
0xd9: {  	[spmem:s2] =	stream.indirect.scatter.add.f32 [tilespmem:s30], [sflag:$0x8], $0x20, s28, s19, $0xb8;
	[tilespmem:$0x1EF00] =	vst v63  }
.Ltmp9:
0xda: {  	_ = 	snop;
	(pc) =	sbr.rel .LBB2_8-.Ltmp9, $4  }
0xdb: {  	_ =	swait.ge [sflag:s11], $0x1000  }
0xdc: {  	[sflag:s11] =	ssyncset.done $0x0  }
0xdd: {  	s3 =	sadd.s32 $0x800, s3;
	s29 =	sadd.s32 $0x18B80, s24;
	[sflag:s11] =	ssyncadd.s32 $0xFFFFF000  }
0xde: {  	[tilespmem:s22], [sflag:$0x2] =	stream.indirect.gather [hbm4b:s5+s19], $0x20, s29, s19, $0xb8;
	[tilespmem:$0x1EF00] =	vst v63  }
.LBB2_6:
.Ltmp10:
0xdf: {  	(pc) =	sbr.rel .LBB2_12-.Ltmp10, $3  }
0xe0: {  	_ =	sdelay $0x1  }
0xe1: {  	s3 =	rddreg [dreg:$0x5]  }
0xe2: {  	s21 =	rddreg [dreg:$0x3]  }
.LBB2_13:
0xe3: {  	_ =	sfence.sel $0x180000  }
0xe4: {  	[bflag:$0x0] =	sbarrier.arrive $0xFFFF  }
0xe5: {  	_ =	strace $0x90000053  }
0xe6: {  	s0 =	stileid.u32;
	[bflag:$0x2] =	sbarrier.arrive $0xFFFF  }
0xe7: {  	p0 =	sne.s32 s0, $0x0;
	s0 =	rddreg [dreg:$0x2]  }
0xe8: {  	s0 =	sadd.s32 @!p0 $0x100000, s0  }
0xe9: {  	[sflag:s0] =	ssyncadd.tile.s32 @!p0 $0x1;
	_ =	shalt  }
.Lfunc_end2:
_tile_overlayer_lowered:
.L_overlay_start_2:
0xea: {  	(tag) =	ssettag $0x2  }
0xeb: {  	s0 =	rddreg [dreg:$0x0];
	s2 =	stileid.u32  }
0xec: {  	s1 =	rddreg [dreg:$0x1];
	p0 =	sne.s32 s2, $0x0  }
0xed: {  	s3 =	rddreg [dreg:$0x2];
	[bflag:$0x3] =	sbarrier.arrive $0xFFFF;
	s2 =	simm.s32 @!p0 $0x1C09  }
0xee: {  	[timem:s3], [sflag:s2] =	dma.local @!p0 [hbm:s0], s1  }
0xef: {  	s0 =	simm.s32 @!p0 $0x9  }
0xf0: {  	_ =	swait.ge @!p0 [sflag:s0], s1  }
0xf1: {  	s1 =	ssub.s32 @!p0 $0x0, s1;
	[sflag:s0] =	ssyncset.done @!p0 $0x0  }
0xf2: {  	[sflag:s0] =	ssyncadd.s32 @!p0 s1  }
0xf3: {  	[bflag:$0x3] =	sbarrier.arrive $0xFFFF  }
0xf4: {  	_ =	shalt  }

// kernel: kernel.19.cloned.1.call-start
scs
__scs_entry_jumppad:
0x0: {  	(pc) =	sbr.rel $0x88, $3  }
0x1: {  	(tag) =	ssettag $0x0;
	lr =	simm.s32 $0x1  }
0x2: {  	[smem:$0x3F84] =	sst lr;
	_ =	strace $0xD0000000  }
0x3: {  	_ = 	snop  }
0x4: {  	_ = 	snop  }
0x5: {  	_ = 	snop  }
0x6: {  	_ = 	snop  }
0x7: {  	_ = 	snop  }
__scs_overlays_trampoline_lowered:
0x8: {  	[smem:$0x3F93] =	sst s0  }
0x9: {  	[smem:$0x3F94] =	sst s1  }
0xa: {  	[smem:$0x3F95] =	sst s2  }
0xb: {  	[smem:$0x3F96] =	sst s3  }
0xc: {  	[smem:$0x3F97] =	sst s4  }
0xd: {  	[smem:$0x3F98] =	sst s5  }
0xe: {  	[smem:$0x3F99] =	sst s6  }
0xf: {  	[smem:$0x3F9A] =	sst s7  }
0x10: {  	[smem:$0x3F9B] =	sst s8  }
0x11: {  	[smem:$0x3F9C] =	sst s9;
	s0 =	simm.s32 @!p0 $0x0  }
0x12: {  	s1 =	sld [smem:$0x3F82];
	s0 =	simm.s32 @p0 $0x1  }
0x13: {  	[smem:$0x3F9D] =	sst s0;
	s0 =	simm.s32 @!p1 $0x0  }
0x14: {  	s2 =	sld [smem:$0x3F81];
	s0 =	simm.s32 @p1 $0x1  }
0x15: {  	[smem:$0x3F9E] =	sst s0;
	s0 =	simm.s32 @!p2 $0x0  }
0x16: {  	s3 =	sld [smem:$0x3FDB];
	s0 =	simm.s32 @p2 $0x1  }
0x17: {  	s4 =	simm.s32 $0x1BF5;
	[smem:$0x3FA0] =	sst s0  }
0x18: {  	s0 =	sld [smem:$0x3F83];
	_ =	swait.ge [sflag:s4], $0x0  }
0x19: {  	s7 =	sld [smem:$0x3F84]  }
0x1a: {  	s8 =	sadd.s32 $0xFFFFE003, lr  }
0x1b: {  	s9 =	sadd.s32 $0xFFFFFEF7, lr;
	s5 =	simm.s32 $0xFFFFFFFF;
	p2 =	slt.u32 s8, $0xFFFFF086  }
0x1c: {  	p1 =	slt.u32 s9, $0xF7A;
	s5 =	simm.s32 @!p2 $0x0  }
0x1d: {  	s5 =	simm.s32 @p1 $0x1;
	p0 =	seq.s32 s7, s2  }
0x1e: {  	s7 =	smul.u32 @!p0 $0xF7A, s2;
	p2 =	seq.s32 @!p0 s5, $0x0  }
0x1f: {  	s9 =	smul.u32 $0xF7A, s1;
	s8 =	simm.s32 @!p0 $0x1BF5;
	p2 =	por !p2, p0  }
0x20: {  	[sflag:s8] =	ssyncset.s32 @!p0 $0xFFFFF086;
	s6 =	sadd.s32 @!p0 s3, s7;
	s7 =	simm.s32 @!p0 $0x108  }
0x21: {  	s3 =	sadd.s32 s3, s9;
	s6 =	sadd.s32 @!p0 $0x88, s6;
	s7 =	simm.s32 @p2 $0x1082  }
0x22: {  	[simem:s7], [sflag:s8] =	dma.local @!p0 [hbm:s6], $0xF7A  }
0x23: {  	s9 =	sor.u32 $0xD0000000, s2;
	s6 =	simm.s32 $0x108;
	_ =	swait.ge @!p0 [sflag:s8], $0x0  }
0x24: {  	s3 =	sadd.s32 $0x88, s3;
	s6 =	simm.s32 @!p1 $0x1082;
	[sflag:s4] =	ssyncset.s32 $0xFFFFF086  }
0x25: {  	[simem:s6], [sflag:s4] =	dma.local [hbm:s3], $0xF7A  }
0x26: {  	[smem:$0x3F84] =	sst s1;
	(tag) =	ssettag s2;
	_ =	strace s9  }
0x27: {  	s1 =	sld [smem:$0x3F94]  }
0x28: {  	s2 =	sld [smem:$0x3F95]  }
0x29: {  	s4 =	sld [smem:$0x3F97]  }
0x2a: {  	p0 =	seq.s32 s5, $0x0;
	s5 =	sld [smem:$0x3F98]  }
0x2b: {  	s6 =	sld [smem:$0x3F99]  }
0x2c: {  	s7 =	sld [smem:$0x3F9A]  }
0x2d: {  	s3 =	simm.s32 $0x108;
	s8 =	sld [smem:$0x3F9B]  }
0x2e: {  	s3 =	simm.s32 @!p0 $0x1082;
	s9 =	sld [smem:$0x3F9C]  }
0x2f: {  	lr =	sadd.s32 s0, s3;
	s0 =	sld [smem:$0x3F93]  }
0x30: {  	s3 =	sld [smem:$0x3F96]  }
0x31: {  	[smem:$0x3F9F] =	sst s10  }
0x32: {  	s10 =	sld [smem:$0x3F9D];
	_ =	sdelay $0x3  }
0x33: {  	p0 =	seq.s32 s10, $0x1;
	s10 =	sld [smem:$0x3F9F];
	_ =	sdelay $0x3  }
0x34: {  	[smem:$0x3F9F] =	sst s10  }
0x35: {  	s10 =	sld [smem:$0x3F9E];
	_ =	sdelay $0x3  }
0x36: {  	p1 =	seq.s32 s10, $0x1;
	s10 =	sld [smem:$0x3F9F];
	_ =	sdelay $0x3  }
0x37: {  	[smem:$0x3F9F] =	sst s10  }
0x38: {  	s10 =	sld [smem:$0x3FA0]  }
0x39: {  	_ = 	snop;
	(pc) =	sbr.ind lr, $3  }
0x3a: {  	_ = 	snop  }
0x3b: {  	_ = 	snop  }
0x3c: {  	p2 =	seq.s32 s10, $0x1;
	s10 =	sld [smem:$0x3F9F]  }
0x3d: {  	_ =	shalt  }
0x3e: {  	_ =	shalt  }
0x3f: {  	_ =	shalt  }
0x40: {  	_ =	shalt  }
0x41: {  	_ =	shalt  }
0x42: {  	_ =	shalt  }
0x43: {  	_ =	shalt  }
0x44: {  	_ =	shalt  }
0x45: {  	_ =	shalt  }
0x46: {  	_ =	shalt  }
0x47: {  	_ =	shalt  }
0x48: {  	_ =	shalt  }
0x49: {  	_ =	shalt  }
0x4a: {  	_ =	shalt  }
0x4b: {  	_ =	shalt  }
0x4c: {  	_ =	shalt  }
0x4d: {  	_ =	shalt  }
0x4e: {  	_ =	shalt  }
0x4f: {  	_ =	shalt  }
0x50: {  	_ =	shalt  }
0x51: {  	_ =	shalt  }
0x52: {  	_ =	shalt  }
0x53: {  	_ =	shalt  }
0x54: {  	_ =	shalt  }
0x55: {  	_ =	shalt  }
0x56: {  	_ =	shalt  }
0x57: {  	_ =	shalt  }
0x58: {  	_ =	shalt  }
0x59: {  	_ =	shalt  }
0x5a: {  	_ =	shalt  }
0x5b: {  	_ =	shalt  }
0x5c: {  	_ =	shalt  }
0x5d: {  	_ =	shalt  }
0x5e: {  	_ =	shalt  }
0x5f: {  	_ =	shalt  }
0x60: {  	_ =	shalt  }
0x61: {  	_ =	shalt  }
0x62: {  	_ =	shalt  }
0x63: {  	_ =	shalt  }
0x64: {  	_ =	shalt  }
0x65: {  	_ =	shalt  }
0x66: {  	_ =	shalt  }
0x67: {  	_ =	shalt  }
0x68: {  	_ =	shalt  }
0x69: {  	_ =	shalt  }
0x6a: {  	_ =	shalt  }
0x6b: {  	_ =	shalt  }
0x6c: {  	_ =	shalt  }
0x6d: {  	_ =	shalt  }
0x6e: {  	_ =	shalt  }
0x6f: {  	_ =	shalt  }
0x70: {  	_ =	shalt  }
0x71: {  	_ =	shalt  }
0x72: {  	_ =	shalt  }
0x73: {  	_ =	shalt  }
0x74: {  	_ =	shalt  }
0x75: {  	_ =	shalt  }
0x76: {  	_ =	shalt  }
0x77: {  	_ =	shalt  }
0x78: {  	_ =	shalt  }
0x79: {  	_ =	shalt  }
0x7a: {  	_ =	shalt  }
0x7b: {  	_ =	shalt  }
0x7c: {  	_ =	shalt  }
0x7d: {  	_ =	shalt  }
0x7e: {  	_ =	shalt  }
0x7f: {  	_ =	shalt  }
0x80: {  	_ =	shalt  }
0x81: {  	_ =	shalt  }
0x82: {  	_ =	shalt  }
0x83: {  	_ =	shalt  }
0x84: {  	_ =	shalt  }
0x85: {  	_ =	shalt  }
0x86: {  	_ =	shalt  }
0x87: {  	_ =	shalt  }
.Lfunc_end0:
.L_simem_size_0:
called_computation.5_lowered:
.L_overlay_start_0:
0x88: {  	s2 =	sld [smem:$0x3FD9]  }
0x89: {  	s3 =	sld [smem:$0x3FFE];
	_ =	sdelay $0x1  }
0x8a: {  	s1 =	srdreg.scid  }
0x8b: {  	s0 =	sand.u32 $0x1, s1  }
0x8c: {  	s14 =	sshll.u32 s0, $0xA;
	s2 =	sadd.s32 s3, s2  }
0x8d: {  	s2 =	sadd.s32 s2, s14  }
0x8e: {  	[smem:$0x3FAB] =	sst s2  }
0x8f: {  	_ = 	snop  }
0x90: {  	s2 =	sld [smem:$0x3FD0];
	_ =	sdelay $0x2  }
0x91: {  	s15 =	simm.s32 $0xB;
	s4 =	simm.s32 $0x10  }
0x92: {  	[smem:s4], [sflag:s15] =	dma.local [hbm:s2], $0x1  }
0x93: {  	_ =	swait.eq [sflag:s15], $0x1  }
0x94: {  	[sflag:s15] =	ssyncset.done $0x0  }
0x95: {  	[sflag:s15] =	ssyncadd.s32 $0xFFFFFFFF  }
0x96: {  	s16 =	sld [smem:$0x11];
	(tm) =	ssettm $0x1  }
0x97: {  	s17 =	sld [smem:$0x3FFB];
	_ =	sdelay $0x3  }
0x98: {  	_ =	strace s17  }
0x99: {  	s3 =	sld [smem:$0x3FFC];
	_ =	sdelay $0x3  }
0x9a: {  	_ =	strace s3  }
0x9b: {  	s3 =	sld [smem:$0x3FFD];
	_ =	sdelay $0x3  }
0x9c: {  	_ =	strace s3  }
0x9d: {  	_ =	strace $0x8FFFFFFF  }
0x9e: {  	s18 =	sld [smem:$0x3FDB];
	_ =	sdelay $0x1  }
0x9f: {  	s19 =	simm.s32 $_scs_section_size  }
0xa0: {  	s5 =	simm.s32 $_size__tile_overlayer_lowered;
	s6 =	simm.s32 $_tile_overlayer_lowered  }
0xa1: {  	s22 =	simm.s32 $0x1BFF;
	s21 =	sshll.u32 s6, $0x1;
	s3 =	sadd.s32 s19, s18  }
0xa2: {  	s7 =	simm.s32 $0x0;
	s20 =	sshll.u32 s5, $0x1;
	s5 =	sadd.s32 s21, s3  }
0xa3: {  	[timem:s7], [sflag:s22] =	dma.local [hbm:s5], s20  }
0xa4: {  	_ =	swait.ge [sflag:s22], s20  }
0xa5: {  	s4 =	ssub.s32 $0x0, s20;
	[sflag:s22] =	ssyncset.done $0x0  }
0xa6: {  	[sflag:s22] =	ssyncadd.s32 s4;
	_ =	sdelay $0x1  }
0xa7: {  	s23 =	simm.s32 $0x1B8B  }
0xa8: {  	_ =	swait.ge [sflag:s23], $0x1  }
0xa9: {  	[sflag:s23] =	ssyncset.done $0x0  }
0xaa: {  	s25 =	simm.s32 $0x1B8E;
	s24 =	sld [smem:$0x3FFE];
	[sflag:s23] =	ssyncadd.s32 $0xFFFFFFFF  }
0xab: {  	s26 =	simm.s32 $execute0_lowered;
	[smem:$0x3FD2] =	sst s25  }
0xac: {  	s5 =	sshll.u32 s26, $0x1;
	_ =	strace $0x80000055;
	[dreg:$0x1] =	wrdreg $0xFFFFFFFF  }
0xad: {  	s28 =	simm.s32 $_size_execute0_lowered;
	s3 =	sadd.s32 s3, s5;
	[dreg:$0x0] =	wrdreg $0x0  }
0xae: {  	s5 =	sshll.u32 s28, $0x1;
	[dreg:$0x2] =	wrdreg s3  }
0xaf: {  	[dreg:$0x3] =	wrdreg s5  }
0xb0: {  	[dreg:$0x4] =	wrdreg $0xC0  }
0xb1: {  	_ =	task [dreg:s7], $0x5FFFF  }
0xb2: {  	[dreg:$0x1] =	wrdreg $0xFFFFFFFF  }
0xb3: {  	[dreg:$0x0] =	wrdreg $0x60  }
0xb4: {  	[dreg:$0x2] =	wrdreg s24  }
0xb5: {  	[dreg:$0x3] =	wrdreg s16  }
0xb6: {  	[dreg:$0x4] =	wrdreg $0x0  }
0xb7: {  	[dreg:$0x5] =	wrdreg $0x8200  }
0xb8: {  	[dreg:$0x6] =	wrdreg $0x9  }
0xb9: {  	_ =	task.clear_ibuf [dreg:s7], $0x7FFFF;
	_ =	strace $0x90000055  }
0xba: {  	s29 =	simm.s32 $0x9;
	_ =	strace $0x80000057  }
0xbb: {  	_ =	swait.ge [sflag:s29], $0x1  }
0xbc: {  	[sflag:s29] =	ssyncadd.s32 $0xFFFFFFFF  }
0xbd: {  	_ =	strace $0x90000057  }
0xbe: {  	_ =	sfence  }
0xbf: {  	s30 =	sld [smem:$0x0];
	_ =	sdelay $0x2  }
0xc0: {  	s31 =	sshll.u32 s1, $0xD;
	s1 =	sshrl.u32 s1, $0x2  }
0xc1: {  	s3 =	sand.u32 $0x4000, s31;
	s1 =	sadd.s32 s1, s30  }
0xc2: {  	s0 =	sor.u32 s3, s0;
	s1 =	sshll.u32 s1, $0x11  }
0xc3: {  	s0 =	sor.u32 s1, s0  }
0xc4: {  	s0 =	sadd.s32 $0x8F2B, s0  }
0xc5: {  	[sflag:s0] =	ssyncadd.remote.s32 $0x1  }
0xc6: {  	_ =	sfence.sel $0xFFFF  }
0xc7: {  	[dreg:$0x0] =	wrdreg $0xFFFFFFFF;
	(pc) =	sbr.abs _section_cstart, $3  }
0xc8: {  	[dreg:$0x1] =	wrdreg $0xFFFFFFFF  }
0xc9: {  	_ =	task.clear_ibuf [dreg:s7], $0x2FFFF;
	_ =	strace $0x9FFFFFFF  }
0xca: {  	(tm) =	ssettm $0x7FFFFFFF  }
0xcb: {  	_ =	shalt  }
tec
execute0_lowered:
.L_overlay_start_1:
0x0: {  	(tag) =	ssettag $0x1  }
0x1: {  	s12 =	rddreg [dreg:$0x0]  }
0x2: {  	s1 =	rddreg [dreg:$0x1]  }
0x3: {  	s2 =	rddreg [dreg:$0x2]  }
0x4: {  	s3 =	rddreg [dreg:$0x3]  }
0x5: {  	s0 =	rddreg [dreg:$0x4]  }
0x6: {  	s4 =	simm.s32 $0x0;
	s13 =	srdreg.scid;
	s23 =	stileid.u32  }
0x7: {  	s19 =	simm.s32 $0x2AA8;
	s20 =	simm.s32 $0x1;
	s22 =	simm.s32 $0xAA8  }
0x8: {  	s25 =	simm.s32 $0x0;
	[smem:$0x7FF] =	sst s4;
	s5 =	sadd.s32 $0x6200, s12  }
0x9: {  	s6 =	sadd.s32 $0x12DE00, s12;
	s7 =	sadd.s32 $0x67E00, s12;
	s8 =	sadd.s32 $0x69000, s12  }
0xa: {  	s9 =	sadd.s32 $0x6B400, s12;
	s10 =	sadd.s32 $0x69C00, s12;
	s11 =	sadd.s32 $0x6A200, s12  }
0xb: {  	s16 =	sand.u32 $0x1, s13;
	s12 =	sadd.s32 $0x69600, s12;
	p0 =	seq.s32 s23, $0x0  }
0xc: {  	s30 =	sshll.u32 s23, $0x1;
	s15 =	sshll.u32 s23, $0x8;
	s31 =	sshll.u32 s23, $0xB  }
0xd: {  	_ =	strace $0x80000056;
	s13 =	ssub.s32 $0x2, s16;
	p1 =	seq.s32 s16, $0x1  }
0xe: {  	s21 =	sor.u32 s16, s23;
	s17 =	sshll.u32 s16, $0x7;
	s14 =	sshrl.u32 s13, $0x1  }
0xf: {  	p0 =	por !p0, !p1;
	s15 =	sor.u32 s17, s15;
	p1 =	sne.s32 s23, $0x0  }
0x10: {  	p2 =	sne.s32 s21, $0x0;
	s21 =	simm.s32 $0xA28;
	s13 =	ssub.s32 s13, s14  }
0x11: {  	p0 =	por !p0, !p0;
	s14 =	sor.u32 s30, s16;
	s16 =	sshll.u32 s16, $0xA  }
0x12: {  	s17 =	sshrl.u32 @!p1 s2, $0x3;
	s18 =	sshrl.u32 @!p1 s3, $0x3;
	s24 =	sshll.u32 @!p2 s23, $0x6  }
0x13: {  	s23 =	simm.s32 $0x80;
	s14 =	ssub.s32 $0x1A6, s14;
	s13 =	smax.u32 s13, $0x1  }
0x14: {  	s16 =	sor.u32 s16, s31;
	s24 =	sor.u32 @!p2 $0x1C01, s24;
	s14 =	sshrl.u32 s14, $0x5  }
.LBB2_1:
0x15: {  	s26 =	simm.s32 @!p1 $0x1C01;
	s28 =	simm.s32 @!p1 $0x1  }
0x16: {  	[spmem:s17], [sflag:s26] =	dma.local @!p1 [hbm:s7], $0x1040  }
0x17: {  	_ =	swait.ge @!p1 [sflag:s28], $0x1040  }
0x18: {  	[sflag:s28] =	ssyncset.done @!p1 $0x0  }
0x19: {  	[sflag:s28] =	ssyncadd.s32 @!p1 $0xFFFFEFC0  }
0x1a: {  	[spmem:s18], [sflag:s26] =	dma.local @!p1 [hbm:s8], $0x410  }
0x1b: {  	_ =	swait.ge @!p1 [sflag:s28], $0x410  }
0x1c: {  	[sflag:s28] =	ssyncset.done @!p1 $0x0  }
0x1d: {  	p4 =	sne.s32 s14, $0x1;
	[sflag:s28] =	ssyncadd.s32 @!p1 $0xFFFFFBF0  }
0x1e: {  	[tilespmem:s19], [sflag:$0x1] =	stream.linear.gather [hbm4b:s1+s4], $0x800, $0x38;
	[tilespmem:$0x32A8] =	vst v63  }
.Ltmp0:
0x1f: {  	_ =	swait.ge [sflag:s20], $0x800;
	(pc) =	sbr.rel @!p4 .LBB2_2-.Ltmp0, $4  }
0x20: {  	[sflag:s20] =	ssyncset.done $0x0  }
0x21: {  	[sflag:s20] =	ssyncadd.s32 $0xFFFFF800  }
0x22: {  	[bflag:$0x0] =	sbarrier.arrive $0xFFFF  }
0x23: {  	s30 =	sshrl.u32 s15, $0x3;
	p3 =	por $0x0, $0x0;
	s26 =	sadd.s32 $0xFFFFFFFF, s14  }
0x24: {  	s28 =	sadd.s32 s6, s30  }
0x25: {  	[tilespmem:s21], [sflag:$0x1] =	stream.linear.gather [hbm4b:s28+s4], $0x80, $0x38;
	[tilespmem:$0x32A8] =	vst v63  }
0x26: {  	_ =	swait.ge [sflag:s20], $0x80  }
0x27: {  	s28 =	sand.u32 $0x1FFFFC00, s16;
	[sflag:s20] =	ssyncset.done $0x0  }
0x28: {  	s28 =	sadd.s32 s5, s28;
	[sflag:s20] =	ssyncadd.s32 $0xFFFFFF80  }
0x29: {  	[tilespmem:s22], [sflag:$0x1] =	stream.linear.gather [hbm4b:s28+s4], $0x2000, $0x38;
	[tilespmem:$0x32A8] =	vst v63  }
0x2a: {  	_ =	swait.ge [sflag:s20], $0x2000  }
0x2b: {  	[sflag:s20] =	ssyncset.done $0x0  }
0x2c: {  	[sflag:s20] =	ssyncadd.s32 $0xFFFFE000  }
0x2d: {  	[spmem:s2] =	stream.indirect.scatter.add.f32 [tilespmem:s22], [sflag:$0x1], $0x40, s21, s23, $0xb8;
	[tilespmem:$0x32A8] =	vst v63  }
0x2e: {  	p4 =	sne.s32 s26, $0x1;
	_ =	swait.ge [sflag:s20], $0x2000  }
.Ltmp1:
0x2f: {  	[sflag:s20] =	ssyncset.done $0x0;
	(pc) =	sbr.rel @!p4 .LBB2_4-.Ltmp1, $4  }
0x30: {  	s29 =	sadd.s32 $0x1000, s15;
	[sflag:s20] =	ssyncadd.s32 $0xFFFFE000  }
0x31: {  	[spmem:s3] =	stream.indirect.scatter.add.f32 [tilespmem:s19], [sflag:$0x1], $0x10, s21, s23, $0xb8;
	[tilespmem:$0x32A8] =	vst v63  }
0x32: {  	p3 =	por $0x1, $0x1;
	s30 =	sshrl.u32 s29, $0x3;
	_ =	swait.ge [sflag:s20], $0x800  }
0x33: {  	s28 =	sadd.s32 $0xFFFFFFFF, s26;
	s26 =	smov.u32 s16;
	[sflag:s20] =	ssyncset.done $0x0  }
.LBB2_5:
0x34: {  	s30 =	sadd.s32 s6, s30;
	[sflag:s20] =	ssyncadd.s32 $0xFFFFF800;
	s26 =	sadd.s32 $0x8000, s26  }
0x35: {  	[tilespmem:s21], [sflag:$0x1] =	stream.linear.gather [hbm4b:s30+s4], $0x80, $0x38;
	[tilespmem:$0x32A8] =	vst v63  }
0x36: {  	p4 =	sne.s32 s28, $0x1;
	s28 =	sadd.s32 $0xFFFFFFFF, s28;
	_ =	swait.ge [sflag:s20], $0x80  }
0x37: {  	s30 =	sand.u32 $0x1FFFFC00, s26;
	[sflag:s20] =	ssyncset.done $0x0  }
0x38: {  	s30 =	sadd.s32 s5, s30;
	[sflag:s20] =	ssyncadd.s32 $0xFFFFFF80  }
0x39: {  	[tilespmem:s22], [sflag:$0x1] =	stream.linear.gather [hbm4b:s30+s4], $0x2000, $0x38;
	[tilespmem:$0x32A8] =	vst v63  }
0x3a: {  	_ =	swait.ge [sflag:s20], $0x2000  }
0x3b: {  	[sflag:s20] =	ssyncset.done $0x0  }
0x3c: {  	[sflag:s20] =	ssyncadd.s32 $0xFFFFE000  }
0x3d: {  	[spmem:s2] =	stream.indirect.scatter.add.f32 [tilespmem:s22], [sflag:$0x1], $0x40, s21, s23, $0xb8;
	[tilespmem:$0x32A8] =	vst v63  }
0x3e: {  	_ =	swait.ge [sflag:s20], $0x2000  }
.Ltmp2:
0x3f: {  	[sflag:s20] =	ssyncset.done $0x0;
	(pc) =	sbr.rel @p4 .LBB2_5-.Ltmp2, $4  }
0x40: {  	[sflag:s20] =	ssyncadd.s32 $0xFFFFE000  }
0x41: {  	[spmem:s3] =	stream.indirect.scatter.add.f32 [tilespmem:s19], [sflag:$0x1], $0x10, s21, s23, $0xb8;
	[tilespmem:$0x32A8] =	vst v63  }
0x42: {  	s29 =	sadd.s32 $0x1000, s29;
	_ =	swait.ge [sflag:s20], $0x800  }
0x43: {  	s30 =	sshrl.u32 s29, $0x3;
	[sflag:s20] =	ssyncset.done $0x0  }
.LBB2_6:
0x44: {  	s28 =	sadd.s32 s6, s30;
	[sflag:s20] =	ssyncadd.s32 @p3 $0xFFFFF800  }
0x45: {  	[tilespmem:s21], [sflag:$0x1] =	stream.linear.gather [hbm4b:s28+s4], $0x80, $0x38;
	[tilespmem:$0x32A8] =	vst v63  }
0x46: {  	s26 =	sadd.s32 @p3 $0x8000, s26;
	s28 =	smov.u32 s16  }
0x47: {  	_ =	swait.ge [sflag:s20], $0x80;
	s28 =	smov.u32 @p3 s26  }
0x48: {  	[sflag:s20] =	ssyncset.done $0x0;
	s26 =	sand.u32 $0x1FFFFC00, s28  }
0x49: {  	[sflag:s20] =	ssyncadd.s32 $0xFFFFFF80;
	s26 =	sadd.s32 s5, s26  }
0x4a: {  	[tilespmem:s22], [sflag:$0x1] =	stream.linear.gather [hbm4b:s26+s4], $0x2000, $0x38;
	[tilespmem:$0x32A8] =	vst v63  }
0x4b: {  	_ =	swait.ge [sflag:s20], $0x2000  }
0x4c: {  	[sflag:s20] =	ssyncset.done $0x0  }
0x4d: {  	[sflag:s20] =	ssyncadd.s32 $0xFFFFE000  }
0x4e: {  	[spmem:s2] =	stream.indirect.scatter.add.f32 [tilespmem:s22], [sflag:$0x1], $0x40, s21, s23, $0xb8;
	[tilespmem:$0x32A8] =	vst v63  }
0x4f: {  	_ =	swait.ge [sflag:s20], $0x2000  }
0x50: {  	[sflag:s20] =	ssyncset.done $0x0  }
0x51: {  	[sflag:s20] =	ssyncadd.s32 $0xFFFFE000  }
0x52: {  	[spmem:s3] =	stream.indirect.scatter.add.f32 [tilespmem:s19], [sflag:$0x1], $0x10, s21, s23, $0xb8;
	[tilespmem:$0x32A8] =	vst v63  }
0x53: {  	_ =	swait.ge [sflag:s20], $0x800  }
0x54: {  	[sflag:s20] =	ssyncset.done $0x0  }
0x55: {  	[sflag:s20] =	ssyncadd.s32 $0xFFFFF800  }
0x56: {  	s26 =	sshrl.u32 @!p2 s2, $0x3;
	[bflag:$0x0] =	sbarrier.arrive $0xFFFF  }
0x57: {  	[hbm:s9], [sflag:s24] =	dma.local @!p2 [spmem:s26], $0x1040  }
0x58: {  	s26 =	simm.s32 @!p2 $0x1  }
0x59: {  	_ =	swait.ge @!p2 [sflag:s26], $0x1040  }
0x5a: {  	[sflag:s26] =	ssyncset.done @!p2 $0x0  }
0x5b: {  	s28 =	sshrl.u32 @!p2 s3, $0x3;
	[sflag:s26] =	ssyncadd.s32 @!p2 $0xFFFFEFC0  }
0x5c: {  	[hbm:s10], [sflag:s24] =	dma.local @!p2 [spmem:s28], $0x410  }
0x5d: {  	_ =	swait.ge @!p2 [sflag:s26], $0x410  }
0x5e: {  	[sflag:s26] =	ssyncset.done @!p2 $0x0  }
0x5f: {  	s28 =	simm.s32 @p0 $0x1C01;
	[sflag:s26] =	ssyncadd.s32 @!p2 $0xFFFFFBF0;
	s26 =	sshrl.u32 @p0 s2, $0x3  }
0x60: {  	[hbm:s11], [sflag:s28] =	dma.local @p0 [spmem:s26], $0x1040  }
0x61: {  	s26 =	simm.s32 @p0 $0x1  }
0x62: {  	_ =	swait.ge @p0 [sflag:s26], $0x1040  }
0x63: {  	s25 =	sadd.s32 $0x1, s25;
	[sflag:s26] =	ssyncset.done @p0 $0x0  }
0x64: {  	s29 =	sshrl.u32 @p0 s3, $0x3;
	p3 =	sne.s32 s25, s13;
	[sflag:s26] =	ssyncadd.s32 @p0 $0xFFFFEFC0  }
0x65: {  	[hbm:s12], [sflag:s28] =	dma.local @p0 [spmem:s29], $0x410  }
.Ltmp3:
0x66: {  	_ = 	snop;
	(pc) =	sbr.rel @p3 .LBB2_1-.Ltmp3, $4  }
.Ltmp4:
0x67: {  	_ = 	snop;
	(pc) =	sbr.rel @!p3 .LBB2_7-.Ltmp4, $4  }
0x68: {  	_ =	swait.ge @p0 [sflag:s26], $0x410  }
0x69: {  	[sflag:s26] =	ssyncset.done @p0 $0x0  }
0x6a: {  	[sflag:s26] =	ssyncadd.s32 @p0 $0xFFFFFBF0  }
0x6b: {  	_ = 	snop  }
.LBB2_2:
.Ltmp5:
0x6c: {  	(pc) =	sbr.rel .LBB2_6-.Ltmp5, $2  }
0x6d: {  	_ =	sdelay $0x2  }
0x6e: {  	s26 =	smov.u32 s16  }
.LBB2_4:
.Ltmp6:
0x6f: {  	(pc) =	sbr.rel .LBB2_6-.Ltmp6, $2  }
0x70: {  	_ =	sdelay $0x2  }
0x71: {  	s26 =	smov.u32 s16  }
.LBB2_7:
0x72: {  	_ =	sfence.sel $0x180000  }
0x73: {  	[bflag:$0x0] =	sbarrier.arrive $0xFFFF  }
0x74: {  	_ =	strace $0x90000056  }
0x75: {  	s0 =	sadd.s32 @!p1 $0x100000, s0;
	[bflag:$0x2] =	sbarrier.arrive $0xFFFF  }
0x76: {  	[sflag:s0] =	ssyncadd.tile.s32 @!p1 $0x1;
	_ =	shalt  }
.Lfunc_end2:
_tile_overlayer_lowered:
.L_overlay_start_2:
0x77: {  	(tag) =	ssettag $0x2  }
0x78: {  	s0 =	rddreg [dreg:$0x0];
	s2 =	stileid.u32  }
0x79: {  	s1 =	rddreg [dreg:$0x1];
	p0 =	sne.s32 s2, $0x0  }
0x7a: {  	s3 =	rddreg [dreg:$0x2];
	[bflag:$0x3] =	sbarrier.arrive $0xFFFF;
	s2 =	simm.s32 @!p0 $0x1C01  }
0x7b: {  	[timem:s3], [sflag:s2] =	dma.local @!p0 [hbm:s0], s1  }
0x7c: {  	s0 =	simm.s32 @!p0 $0x1  }
0x7d: {  	_ =	swait.ge @!p0 [sflag:s0], s1  }
0x7e: {  	s1 =	ssub.s32 @!p0 $0x0, s1;
	[sflag:s0] =	ssyncset.done @!p0 $0x0  }
0x7f: {  	[sflag:s0] =	ssyncadd.s32 @!p0 s1  }
0x80: {  	[bflag:$0x3] =	sbarrier.arrive $0xFFFF  }
0x81: {  	_ =	shalt  }

</sc_bundles>
